<compile_context>
chip_gen: v7x
topology: tpu7x:2x2x1
jax: 0.10.2.dev20260603
libtpu: 0.0.44.dev20260713+nightly
codegen_flags: <defaults>
</compile_context>

<pallas_src>
import jax
import jax.numpy as jnp
from jax import lax
from jax.experimental import pallas as pl
from jax.experimental.pallas import tpu as pltpu
from jax.experimental.pallas import tpu_sc as plsc

_B = 64
_D = 256
_S = 513
_COLS = _S * _D
_L = 16
_NQ = 4
_QW = 32768
_CC = 2048
_NCH = _QW // _CC
_TAIL0 = _NQ * _QW


def _sc_body(x_hbm, n_hbm, v_hbm, y_hbm, out_hbm,
             xb0, nb0, vb0, xb1, nb1, vb1, xt, nt, vt, yv, acc, sem0, sem1):
    cid = lax.axis_index("c")
    sid = lax.axis_index("s")
    wid = sid * 2 + cid
    r = wid // _NQ
    q = wid % _NQ
    r0 = r * 8
    qbase = q * _QW

    five = jnp.full((_L,), 5.0, jnp.float32)
    half = jnp.full((_L,), 0.5, jnp.float32)
    one = jnp.full((_L,), 1.0, jnp.float32)
    zero = jnp.full((_L,), 0.0, jnp.float32)

    pltpu.sync_copy(y_hbm.at[pl.ds(r0, 8)], yv)

    @pl.loop(0, 8)
    def _(i):
        @pl.loop(0, _D, step=_L)
        def _(do):
            acc[i, pl.ds(do, _L)] = zero

    bufs = ((xb0, nb0, vb0, sem0), (xb1, nb1, vb1, sem1))

    def start(ch, bufset):
        xb, nb, vb, sem = bufset
        c0 = qbase + ch * _CC
        pltpu.async_copy(x_hbm.at[pl.ds(r0, 8), pl.ds(c0, _CC)], xb, sem)
        pltpu.async_copy(n_hbm.at[pl.ds(r0, 8), pl.ds(c0, _CC)], nb, sem)
        pltpu.async_copy(v_hbm.at[pl.ds(r0, 8), pl.ds(c0, _CC)], vb, sem)

    def drain(ch, bufset):
        xb, nb, vb, sem = bufset
        c0 = qbase + ch * _CC
        pltpu.make_async_copy(x_hbm.at[pl.ds(r0, 8), pl.ds(c0, _CC)], xb, sem).wait()
        pltpu.make_async_copy(n_hbm.at[pl.ds(r0, 8), pl.ds(c0, _CC)], nb, sem).wait()
        pltpu.make_async_copy(v_hbm.at[pl.ds(r0, 8), pl.ds(c0, _CC)], vb, sem).wait()

    def compute(bufset):
        xb, nb, vb, _ = bufset

        @pl.loop(0, _D, step=_L)
        def _(do):
            accs = [acc[i, pl.ds(do, _L)] for i in range(8)]
            yjs = [yv[i, pl.ds(do, _L)] for i in range(8)]
            for rep in range(_CC // _D):
                o = rep * _D + do
                for i in range(8):
                    xv = xb[i, pl.ds(o, _L)]
                    nv = nb[i, pl.ds(o, _L)]
                    vv = vb[i, pl.ds(o, _L)]
                    xm = jnp.where(nv < half, xv, five)
                    val = (xm - yjs[i]) * vv
                    accs[i] = accs[i] + jnp.where(val <= zero, one, zero)
            for i in range(8):
                acc[i, pl.ds(do, _L)] = accs[i]

    start(0, bufs[0])

    @pl.loop(0, _NCH, step=2)
    def _(ch):
        drain(ch, bufs[0])
        start(ch + 1, bufs[1])
        compute(bufs[0])
        drain(ch + 1, bufs[1])

        @pl.when(ch + 2 < _NCH)
        def _():
            start(ch + 2, bufs[0])

        compute(bufs[1])

    @pl.when(q == _NQ - 1)
    def _():
        pltpu.sync_copy(x_hbm.at[pl.ds(r0, 8), pl.ds(_TAIL0, _D)], xt)
        pltpu.sync_copy(n_hbm.at[pl.ds(r0, 8), pl.ds(_TAIL0, _D)], nt)
        pltpu.sync_copy(v_hbm.at[pl.ds(r0, 8), pl.ds(_TAIL0, _D)], vt)

        @pl.loop(0, 8)
        def _(i):
            @pl.loop(0, _D, step=_L)
            def _(do):
                yj = yv[i, pl.ds(do, _L)]
                xv = xt[i, pl.ds(do, _L)]
                nv = nt[i, pl.ds(do, _L)]
                vv = vt[i, pl.ds(do, _L)]
                xm = jnp.where(nv < half, xv, five)
                val = (xm - yj) * vv
                ind = jnp.where(val <= zero, one, zero)
                acc[i, pl.ds(do, _L)] = acc[i, pl.ds(do, _L)] + ind

    pltpu.sync_copy(acc, out_hbm.at[q, pl.ds(r0, 8)])


def _tc_finish(p_ref, v_ref, o_ref):
    counts = p_ref[...].sum(axis=0)
    t1 = jnp.sum((counts < 0.5).astype(jnp.float32), axis=1)
    tk = jnp.sum((counts < 4.5).astype(jnp.float32), axis=1)
    dn = jnp.sum(v_ref[...], axis=1)
    o_ref[0, :] = t1
    o_ref[1, :] = tk
    o_ref[2, :] = dn


def kernel(x, y, negs, valid):
    mesh = plsc.VectorSubcoreMesh(core_axis_name="c", subcore_axis_name="s")
    partials = pl.kernel(
        _sc_body,
        out_type=jax.ShapeDtypeStruct((_NQ, _B, _D), jnp.float32),
        mesh=mesh,
        scratch_types=[
            pltpu.VMEM((8, _CC), jnp.float32),
            pltpu.VMEM((8, _CC), jnp.float32),
            pltpu.VMEM((8, _CC), jnp.float32),
            pltpu.VMEM((8, _CC), jnp.float32),
            pltpu.VMEM((8, _CC), jnp.float32),
            pltpu.VMEM((8, _CC), jnp.float32),
            pltpu.VMEM((8, _D), jnp.float32),
            pltpu.VMEM((8, _D), jnp.float32),
            pltpu.VMEM((8, _D), jnp.float32),
            pltpu.VMEM((8, _D), jnp.float32),
            pltpu.VMEM((8, _D), jnp.float32),
            pltpu.SemaphoreType.DMA,
            pltpu.SemaphoreType.DMA,
        ],
    )(x, negs, valid, y)

    sums = pl.pallas_call(
        _tc_finish,
        out_shape=jax.ShapeDtypeStruct((3, _B), jnp.float32),
        in_specs=[
            pl.BlockSpec((_NQ, _B, _D), lambda: (0, 0, 0)),
            pl.BlockSpec((_B, _D), lambda: (0, 0)),
        ],
        out_specs=pl.BlockSpec((3, _B), lambda: (0, 0)),
    )(partials, valid[:, :_D])

    top1 = sums[0] / sums[2]
    topk = sums[1] / sums[2]
    return (top1.mean(), topk.mean())

# --- scband reference (transcript-rebuilt; emitter-appended) ---
"""Pipeline reference for scband-stats-73607149518935 (READ-ONLY COPY).

The authoritative reference and input builder live on the scoring server;
editing this copy changes nothing except your own understanding.
"""

import jax, jax.numpy as jnp
import numpy as np

NUM_SAMPLES = 513
TOPK = 5

def setup_inputs(seed: int = 0):
    key = jax.random.key(seed)
    k1, k2, k3, k4 = jax.random.split(key, 4)
    B, D = 64, 256
    x = jax.random.normal(k1, (B, NUM_SAMPLES * D), dtype=jnp.float32)
    y = jax.random.normal(k2, (B, D), dtype=jnp.float32)
    negs = jax.random.uniform(k3, (B, NUM_SAMPLES * D), dtype=jnp.float32)
    valid = jax.random.uniform(k4, (B, NUM_SAMPLES * D), dtype=jnp.float32)
    return {"x": x, "y": y, "negs": negs, "valid": valid}

def reference(x, y, negs, valid):
    B = x.shape[0]
    xr = x.reshape(B, NUM_SAMPLES, -1)
    v = valid.reshape(B, NUM_SAMPLES, -1)
    n = (negs < 0.5).astype(jnp.float32).reshape(B, NUM_SAMPLES, -1)
    xm = xr * n + 5.0 * (1.0 - n)
    vals = (xm - y[:, None, :]) * v
    # torch.topk(..., largest=False, dim=1) -> k smallest along sample axis, ascending order
    neg_t = -jnp.swapaxes(vals, 1, 2)  # [B, D, NUM_SAMPLES]
    topv, _ = jax.lax.top_k(neg_t, TOPK)  # largest of negated == smallest, descending -> ascending after negate
    stats = jnp.swapaxes(-topv, 1, 2)  # [B, TOPK, D], ascending along axis 1
    denom = v[:, 0, :].sum(axis=1)
    top1 = (stats[:, 0, :] > 0).astype(jnp.float32).sum(axis=1) / denom
    topk = (stats[:, -1, :] > 0).astype(jnp.float32).sum(axis=1) / denom
    return (top1.mean(), topk.mean())

if __name__ == "__main__":
    import jax
    _d = setup_inputs()
    print(jax.jit(kernel)(*tuple(_d.values())))

</pallas_src>

<mosaic_0001>
#map = affine_map<(d0, d1) -> (0, 0)>
#map1 = affine_map<(d0, d1) -> (0, 0, 0)>
module attributes {stable_mosaic.version = 14 : i64} {
  func.func @_sc_body(%arg0: i32, %arg1: i32, %arg2: memref<64x131328xf32, #tpu.memory_space<hbm>>, %arg3: memref<64x131328xf32, #tpu.memory_space<hbm>>, %arg4: memref<64x131328xf32, #tpu.memory_space<hbm>>, %arg5: memref<64x256xf32, #tpu.memory_space<hbm>>, %arg6: memref<4x64x256xf32, #tpu.memory_space<hbm>>, %arg7: memref<8x2048xf32, #tpu.memory_space<vmem>>, %arg8: memref<8x2048xf32, #tpu.memory_space<vmem>>, %arg9: memref<8x2048xf32, #tpu.memory_space<vmem>>, %arg10: memref<8x2048xf32, #tpu.memory_space<vmem>>, %arg11: memref<8x2048xf32, #tpu.memory_space<vmem>>, %arg12: memref<8x2048xf32, #tpu.memory_space<vmem>>, %arg13: memref<8x256xf32, #tpu.memory_space<vmem>>, %arg14: memref<8x256xf32, #tpu.memory_space<vmem>>, %arg15: memref<8x256xf32, #tpu.memory_space<vmem>>, %arg16: memref<8x256xf32, #tpu.memory_space<vmem>>, %arg17: memref<8x256xf32, #tpu.memory_space<vmem>>, %arg18: memref<!tpu.dma_semaphore, #tpu.memory_space<semaphore_mem>>, %arg19: memref<!tpu.dma_semaphore, #tpu.memory_space<semaphore_mem>>) attributes {dimension_semantics = [#tpu.dimension_semantics<core_parallel>, #tpu.dimension_semantics<subcore_parallel>], iteration_bounds = array<i64: 2, 16>, scalar_prefetch = 0 : i64, scratch_operands = 13 : i64, tpu.core_type = #tpu.core_type<sc_vector_subcore>, window_params = [{transform_indices = #map}, {transform_indices = #map}, {transform_indices = #map}, {transform_indices = #map}, {transform_indices = #map1}]} {
    %mul3A = arith.constant 2 : i32
    %mul3A_0 = arith.muli %arg1, %mul3A : i32
    %add3A = arith.addi %mul3A_0, %arg0 : i32
    %jit3A = arith.constant 4 : i32
    %div3A = arith.divsi %add3A, %jit3A : i32
    %sign3A = arith.constant 0 : i32
    %sign3A_1 = arith.cmpi sgt, %add3A, %sign3A : i32
    %sign3A_2 = arith.extui %sign3A_1 : i1 to i32
    %sign3A_3 = arith.constant 0 : i32
    %sign3A_4 = arith.cmpi slt, %add3A, %sign3A_3 : i32
    %sign3A_5 = arith.extui %sign3A_4 : i1 to i32
    %sign3A_6 = arith.subi %sign3A_2, %sign3A_5 : i32
    %sign3A_7 = arith.constant 0 : i32
    %sign3A_8 = arith.cmpi sgt, %jit3A, %sign3A_7 : i32
    %sign3A_9 = arith.extui %sign3A_8 : i1 to i32
    %sign3A_10 = arith.constant 0 : i32
    %sign3A_11 = arith.cmpi slt, %jit3A, %sign3A_10 : i32
    %sign3A_12 = arith.extui %sign3A_11 : i1 to i32
    %sign3A_13 = arith.subi %sign3A_9, %sign3A_12 : i32
    %ne3A = arith.cmpi ne, %sign3A_6, %sign3A_13 : i32
    %rem3A = arith.remsi %add3A, %jit3A : i32
    %ne3A_14 = arith.constant 0 : i32
    %ne3A_15 = arith.cmpi ne, %rem3A, %ne3A_14 : i32
    %and3A = arith.andi %ne3A, %ne3A_15 : i1
    %sub3A = arith.constant 1 : i32
    %sub3A_16 = arith.subi %div3A, %sub3A : i32
    %select_n3A = arith.select %and3A, %sub3A_16, %div3A : i32
    %jit3A_17 = arith.constant 4 : i32
    %eq3A = arith.constant 0 : i32
    %eq3A_18 = arith.cmpi eq, %jit3A_17, %eq3A : i32
    %jit3A_19 = arith.constant 1 : i32
    %select_n3A_20 = arith.select %eq3A_18, %jit3A_19, %jit3A_17 : i32
    %rem3A_21 = arith.remsi %add3A, %select_n3A_20 : i32
    %ne3A_22 = arith.constant 0 : i32
    %ne3A_23 = arith.cmpi ne, %rem3A_21, %ne3A_22 : i32
    %lt3A = arith.constant 0 : i32
    %lt3A_24 = arith.cmpi slt, %rem3A_21, %lt3A : i32
    %lt3A_25 = arith.constant 0 : i32
    %lt3A_26 = arith.cmpi slt, %select_n3A_20, %lt3A_25 : i32
    %ne3A_27 = arith.xori %lt3A_24, %lt3A_26 : i1
    %and3A_28 = arith.andi %ne3A_27, %ne3A_23 : i1
    %add3A_29 = arith.addi %rem3A_21, %select_n3A_20 : i32
    %select_n3A_30 = arith.select %and3A_28, %add3A_29, %rem3A_21 : i32
    %mul3A_31 = arith.constant 8 : i32
    %mul3A_32 = arith.muli %select_n3A, %mul3A_31 : i32
    %mul3A_33 = arith.constant 32768 : i32
    %mul3A_34 = arith.muli %select_n3A_30, %mul3A_33 : i32
    %broadcast_in_dim3A = arith.constant 5.000000e+00 : f32
    %broadcast_in_dim3A_35 = vector.broadcast %broadcast_in_dim3A : f32 to vector<16xf32>
    %broadcast_in_dim3A_36 = arith.constant 5.000000e-01 : f32
    %broadcast_in_dim3A_37 = vector.broadcast %broadcast_in_dim3A_36 : f32 to vector<16xf32>
    %broadcast_in_dim3A_38 = arith.constant 1.000000e+00 : f32
    %broadcast_in_dim3A_39 = vector.broadcast %broadcast_in_dim3A_38 : f32 to vector<16xf32>
    %broadcast_in_dim3A_40 = arith.constant 0.000000e+00 : f32
    %broadcast_in_dim3A_41 = vector.broadcast %broadcast_in_dim3A_40 : f32 to vector<16xf32>
    "tpu.region"() ({
      %run_scoped3A = tpu.sem_alloc : memref<!tpu.dma_semaphore, #tpu.memory_space<semaphore_mem>>
      %dma_start3A_61 = arith.constant 0 : i32
      %dma_start3A_62 = tpu.memref_slice %arg5[%mul3A_32, %dma_start3A_61] : memref<64x256xf32, #tpu.memory_space<hbm>> -> memref<8x256xf32, #tpu.memory_space<hbm>>
      %dma_start3A_63 = arith.constant 0 : i32
      %dma_start3A_64 = tpu.memref_slice %arg5[%mul3A_32, %dma_start3A_63] : memref<64x256xf32, #tpu.memory_space<hbm>> -> memref<8x256xf32, #tpu.memory_space<hbm>>
      tpu.enqueue_dma source(%dma_start3A_64 : memref<8x256xf32, #tpu.memory_space<hbm>>) target(%arg16 : memref<8x256xf32, #tpu.memory_space<vmem>>) target_semaphore(%run_scoped3A : memref<!tpu.dma_semaphore, #tpu.memory_space<semaphore_mem>>)
      %dma_wait3A = arith.constant 0 : i32
      %dma_wait3A_65 = tpu.memref_slice %arg5[%mul3A_32, %dma_wait3A] : memref<64x256xf32, #tpu.memory_space<hbm>> -> memref<8x256xf32, #tpu.memory_space<hbm>>
      %dma_wait3A_66 = arith.constant 0 : i32
      %dma_wait3A_67 = tpu.memref_slice %arg5[%mul3A_32, %dma_wait3A_66] : memref<64x256xf32, #tpu.memory_space<hbm>> -> memref<8x256xf32, #tpu.memory_space<hbm>>
      tpu.wait_dma2 semaphore(%run_scoped3A : memref<!tpu.dma_semaphore, #tpu.memory_space<semaphore_mem>>) src(%dma_wait3A_67 : memref<8x256xf32, #tpu.memory_space<hbm>>) dst(%arg16 : memref<8x256xf32, #tpu.memory_space<vmem>>)
      tpu.yield
    }) : () -> ()
    %scan3A = arith.constant 0 : i32
    %scan3A_42 = arith.constant 8 : i32
    %scan3A_43 = arith.addi %scan3A, %scan3A_42 : i32
    %scan3A_44 = arith.constant 1 : i32
    scf.for %scan3A_61 = %scan3A to %scan3A_43 step %scan3A_44  : i32 {
      %mul3A_62 = arith.constant 1 : i32
      %mul3A_63 = arith.muli %scan3A_61, %mul3A_62 : i32
      %add3A_64 = arith.constant 0 : i32
      %add3A_65 = arith.addi %add3A_64, %mul3A_63 : i32
      %scan3A_66 = arith.constant 0 : i32
      %scan3A_67 = arith.constant 16 : i32
      %scan3A_68 = arith.addi %scan3A_66, %scan3A_67 : i32
      %scan3A_69 = arith.constant 1 : i32
      scf.for %scan3A_71 = %scan3A_66 to %scan3A_68 step %scan3A_69  : i32 {
        %mul3A_72 = arith.constant 16 : i32
        %mul3A_73 = arith.muli %scan3A_71, %mul3A_72 : i32
        %add3A_74 = arith.constant 0 : i32
        %add3A_75 = arith.addi %add3A_74, %mul3A_73 : i32
        %swap3A = arith.index_cast %add3A_65 : i32 to index
        %swap3A_76 = arith.index_cast %add3A_75 : i32 to index
        %swap3A_77 = tpu.vector_load %arg17[%swap3A, %swap3A_76] {strides = array<i32>} : memref<8x256xf32, #tpu.memory_space<vmem>>, vector<1x16xf32>,
        %swap3A_78 = vector.shape_cast %swap3A_77 : vector<1x16xf32> to vector<16xf32>
        %swap3A_79 = vector.shape_cast %broadcast_in_dim3A_41 : vector<16xf32> to vector<1x16xf32>
        tpu.vector_store %arg17[%swap3A, %swap3A_76], %swap3A_79 {strides = array<i32>} : memref<8x256xf32, #tpu.memory_space<vmem>>, vector<1x16xf32>,
      }
      %scan3A_70 = arith.constant 16 : i32
    }
    %scan3A_45 = arith.constant 8 : i32
    %add3A_46 = arith.constant 0 : i32
    %add3A_47 = arith.addi %mul3A_34, %add3A_46 : i32
    %dma_start3A = tpu.memref_slice %arg2[%mul3A_32, %add3A_47] : memref<64x131328xf32, #tpu.memory_space<hbm>> -> memref<8x2048xf32, #tpu.memory_space<hbm>>
    %dma_start3A_48 = tpu.memref_slice %arg2[%mul3A_32, %add3A_47] : memref<64x131328xf32, #tpu.memory_space<hbm>> -> memref<8x2048xf32, #tpu.memory_space<hbm>>
    tpu.enqueue_dma source(%dma_start3A_48 : memref<8x2048xf32, #tpu.memory_space<hbm>>) target(%arg7 : memref<8x2048xf32, #tpu.memory_space<vmem>>) target_semaphore(%arg18 : memref<!tpu.dma_semaphore, #tpu.memory_space<semaphore_mem>>)
    %dma_start3A_49 = tpu.memref_slice %arg3[%mul3A_32, %add3A_47] : memref<64x131328xf32, #tpu.memory_space<hbm>> -> memref<8x2048xf32, #tpu.memory_space<hbm>>
    %dma_start3A_50 = tpu.memref_slice %arg3[%mul3A_32, %add3A_47] : memref<64x131328xf32, #tpu.memory_space<hbm>> -> memref<8x2048xf32, #tpu.memory_space<hbm>>
    tpu.enqueue_dma source(%dma_start3A_50 : memref<8x2048xf32, #tpu.memory_space<hbm>>) target(%arg8 : memref<8x2048xf32, #tpu.memory_space<vmem>>) target_semaphore(%arg18 : memref<!tpu.dma_semaphore, #tpu.memory_space<semaphore_mem>>)
    %dma_start3A_51 = tpu.memref_slice %arg4[%mul3A_32, %add3A_47] : memref<64x131328xf32, #tpu.memory_space<hbm>> -> memref<8x2048xf32, #tpu.memory_space<hbm>>
    %dma_start3A_52 = tpu.memref_slice %arg4[%mul3A_32, %add3A_47] : memref<64x131328xf32, #tpu.memory_space<hbm>> -> memref<8x2048xf32, #tpu.memory_space<hbm>>
    tpu.enqueue_dma source(%dma_start3A_52 : memref<8x2048xf32, #tpu.memory_space<hbm>>) target(%arg9 : memref<8x2048xf32, #tpu.memory_space<vmem>>) target_semaphore(%arg18 : memref<!tpu.dma_semaphore, #tpu.memory_space<semaphore_mem>>)
    %scan3A_53 = arith.constant 0 : i32
    %scan3A_54 = arith.constant 8 : i32
    %scan3A_55 = arith.addi %scan3A_53, %scan3A_54 : i32
    %scan3A_56 = arith.constant 1 : i32
    scf.for %scan3A_61 = %scan3A_53 to %scan3A_55 step %scan3A_56  : i32 {
      %mul3A_62 = arith.constant 2 : i32
      %mul3A_63 = arith.muli %scan3A_61, %mul3A_62 : i32
      %add3A_64 = arith.constant 0 : i32
      %add3A_65 = arith.addi %add3A_64, %mul3A_63 : i32
      %mul3A_66 = arith.constant 2048 : i32
      %mul3A_67 = arith.muli %add3A_65, %mul3A_66 : i32
      %add3A_68 = arith.addi %mul3A_34, %mul3A_67 : i32
      %dma_wait3A = tpu.memref_slice %arg2[%mul3A_32, %add3A_68] : memref<64x131328xf32, #tpu.memory_space<hbm>> -> memref<8x2048xf32, #tpu.memory_space<hbm>>
      %dma_wait3A_69 = tpu.memref_slice %arg2[%mul3A_32, %add3A_68] : memref<64x131328xf32, #tpu.memory_space<hbm>> -> memref<8x2048xf32, #tpu.memory_space<hbm>>
      tpu.wait_dma2 semaphore(%arg18 : memref<!tpu.dma_semaphore, #tpu.memory_space<semaphore_mem>>) src(%dma_wait3A_69 : memref<8x2048xf32, #tpu.memory_space<hbm>>) dst(%arg7 : memref<8x2048xf32, #tpu.memory_space<vmem>>)
      %dma_wait3A_70 = tpu.memref_slice %arg3[%mul3A_32, %add3A_68] : memref<64x131328xf32, #tpu.memory_space<hbm>> -> memref<8x2048xf32, #tpu.memory_space<hbm>>
      %dma_wait3A_71 = tpu.memref_slice %arg3[%mul3A_32, %add3A_68] : memref<64x131328xf32, #tpu.memory_space<hbm>> -> memref<8x2048xf32, #tpu.memory_space<hbm>>
      tpu.wait_dma2 semaphore(%arg18 : memref<!tpu.dma_semaphore, #tpu.memory_space<semaphore_mem>>) src(%dma_wait3A_71 : memref<8x2048xf32, #tpu.memory_space<hbm>>) dst(%arg8 : memref<8x2048xf32, #tpu.memory_space<vmem>>)
      %dma_wait3A_72 = tpu.memref_slice %arg4[%mul3A_32, %add3A_68] : memref<64x131328xf32, #tpu.memory_space<hbm>> -> memref<8x2048xf32, #tpu.memory_space<hbm>>
      %dma_wait3A_73 = tpu.memref_slice %arg4[%mul3A_32, %add3A_68] : memref<64x131328xf32, #tpu.memory_space<hbm>> -> memref<8x2048xf32, #tpu.memory_space<hbm>>
      tpu.wait_dma2 semaphore(%arg18 : memref<!tpu.dma_semaphore, #tpu.memory_space<semaphore_mem>>) src(%dma_wait3A_73 : memref<8x2048xf32, #tpu.memory_space<hbm>>) dst(%arg9 : memref<8x2048xf32, #tpu.memory_space<vmem>>)
      %add3A_74 = arith.constant 1 : i32
      %add3A_75 = arith.addi %add3A_65, %add3A_74 : i32
      %mul3A_76 = arith.constant 2048 : i32
      %mul3A_77 = arith.muli %add3A_75, %mul3A_76 : i32
      %add3A_78 = arith.addi %mul3A_34, %mul3A_77 : i32
      %dma_start3A_79 = tpu.memref_slice %arg2[%mul3A_32, %add3A_78] : memref<64x131328xf32, #tpu.memory_space<hbm>> -> memref<8x2048xf32, #tpu.memory_space<hbm>>
      %dma_start3A_80 = tpu.memref_slice %arg2[%mul3A_32, %add3A_78] : memref<64x131328xf32, #tpu.memory_space<hbm>> -> memref<8x2048xf32, #tpu.memory_space<hbm>>
      tpu.enqueue_dma source(%dma_start3A_80 : memref<8x2048xf32, #tpu.memory_space<hbm>>) target(%arg10 : memref<8x2048xf32, #tpu.memory_space<vmem>>) target_semaphore(%arg19 : memref<!tpu.dma_semaphore, #tpu.memory_space<semaphore_mem>>)
      %dma_start3A_81 = tpu.memref_slice %arg3[%mul3A_32, %add3A_78] : memref<64x131328xf32, #tpu.memory_space<hbm>> -> memref<8x2048xf32, #tpu.memory_space<hbm>>
      %dma_start3A_82 = tpu.memref_slice %arg3[%mul3A_32, %add3A_78] : memref<64x131328xf32, #tpu.memory_space<hbm>> -> memref<8x2048xf32, #tpu.memory_space<hbm>>
      tpu.enqueue_dma source(%dma_start3A_82 : memref<8x2048xf32, #tpu.memory_space<hbm>>) target(%arg11 : memref<8x2048xf32, #tpu.memory_space<vmem>>) target_semaphore(%arg19 : memref<!tpu.dma_semaphore, #tpu.memory_space<semaphore_mem>>)
      %dma_start3A_83 = tpu.memref_slice %arg4[%mul3A_32, %add3A_78] : memref<64x131328xf32, #tpu.memory_space<hbm>> -> memref<8x2048xf32, #tpu.memory_space<hbm>>
      %dma_start3A_84 = tpu.memref_slice %arg4[%mul3A_32, %add3A_78] : memref<64x131328xf32, #tpu.memory_space<hbm>> -> memref<8x2048xf32, #tpu.memory_space<hbm>>
      tpu.enqueue_dma source(%dma_start3A_84 : memref<8x2048xf32, #tpu.memory_space<hbm>>) target(%arg12 : memref<8x2048xf32, #tpu.memory_space<vmem>>) target_semaphore(%arg19 : memref<!tpu.dma_semaphore, #tpu.memory_space<semaphore_mem>>)
      %scan3A_85 = arith.constant 0 : i32
      %scan3A_86 = arith.constant 16 : i32
      %scan3A_87 = arith.addi %scan3A_85, %scan3A_86 : i32
      %scan3A_88 = arith.constant 1 : i32
      scf.for %scan3A_113 = %scan3A_85 to %scan3A_87 step %scan3A_88  : i32 {
        %mul3A_114 = arith.constant 16 : i32
        %mul3A_115 = arith.muli %scan3A_113, %mul3A_114 : i32
        %add3A_116 = arith.constant 0 : i32
        %add3A_117 = arith.addi %add3A_116, %mul3A_115 : i32
        %get3A = arith.constant 0 : i32
        %get3A_118 = arith.index_cast %get3A : i32 to index
        %get3A_119 = arith.index_cast %add3A_117 : i32 to index
        %get3A_120 = tpu.vector_load %arg17[%get3A_118, %get3A_119] {strides = array<i32>} : memref<8x256xf32, #tpu.memory_space<vmem>>, vector<1x16xf32>,
        %get3A_121 = vector.shape_cast %get3A_120 : vector<1x16xf32> to vector<16xf32>
        %get3A_122 = arith.constant 1 : i32
        %get3A_123 = arith.index_cast %get3A_122 : i32 to index
        %get3A_124 = arith.index_cast %add3A_117 : i32 to index
        %get3A_125 = tpu.vector_load %arg17[%get3A_123, %get3A_124] {strides = array<i32>} : memref<8x256xf32, #tpu.memory_space<vmem>>, vector<1x16xf32>,
        %get3A_126 = vector.shape_cast %get3A_125 : vector<1x16xf32> to vector<16xf32>
        %get3A_127 = arith.constant 2 : i32
        %get3A_128 = arith.index_cast %get3A_127 : i32 to index
        %get3A_129 = arith.index_cast %add3A_117 : i32 to index
        %get3A_130 = tpu.vector_load %arg17[%get3A_128, %get3A_129] {strides = array<i32>} : memref<8x256xf32, #tpu.memory_space<vmem>>, vector<1x16xf32>,
        %get3A_131 = vector.shape_cast %get3A_130 : vector<1x16xf32> to vector<16xf32>
        %get3A_132 = arith.constant 3 : i32
        %get3A_133 = arith.index_cast %get3A_132 : i32 to index
        %get3A_134 = arith.index_cast %add3A_117 : i32 to index
        %get3A_135 = tpu.vector_load %arg17[%get3A_133, %get3A_134] {strides = array<i32>} : memref<8x256xf32, #tpu.memory_space<vmem>>, vector<1x16xf32>,
        %get3A_136 = vector.shape_cast %get3A_135 : vector<1x16xf32> to vector<16xf32>
        %get3A_137 = arith.constant 4 : i32
        %get3A_138 = arith.index_cast %get3A_137 : i32 to index
        %get3A_139 = arith.index_cast %add3A_117 : i32 to index
        %get3A_140 = tpu.vector_load %arg17[%get3A_138, %get3A_139] {strides = array<i32>} : memref<8x256xf32, #tpu.memory_space<vmem>>, vector<1x16xf32>,
        %get3A_141 = vector.shape_cast %get3A_140 : vector<1x16xf32> to vector<16xf32>
        %get3A_142 = arith.constant 5 : i32
        %get3A_143 = arith.index_cast %get3A_142 : i32 to index
        %get3A_144 = arith.index_cast %add3A_117 : i32 to index
        %get3A_145 = tpu.vector_load %arg17[%get3A_143, %get3A_144] {strides = array<i32>} : memref<8x256xf32, #tpu.memory_space<vmem>>, vector<1x16xf32>,
        %get3A_146 = vector.shape_cast %get3A_145 : vector<1x16xf32> to vector<16xf32>
        %get3A_147 = arith.constant 6 : i32
        %get3A_148 = arith.index_cast %get3A_147 : i32 to index
        %get3A_149 = arith.index_cast %add3A_117 : i32 to index
        %get3A_150 = tpu.vector_load %arg17[%get3A_148, %get3A_149] {strides = array<i32>} : memref<8x256xf32, #tpu.memory_space<vmem>>, vector<1x16xf32>,
        %get3A_151 = vector.shape_cast %get3A_150 : vector<1x16xf32> to vector<16xf32>
        %get3A_152 = arith.constant 7 : i32
        %get3A_153 = arith.index_cast %get3A_152 : i32 to index
        %get3A_154 = arith.index_cast %add3A_117 : i32 to index
        %get3A_155 = tpu.vector_load %arg17[%get3A_153, %get3A_154] {strides = array<i32>} : memref<8x256xf32, #tpu.memory_space<vmem>>, vector<1x16xf32>,
        %get3A_156 = vector.shape_cast %get3A_155 : vector<1x16xf32> to vector<16xf32>
        %get3A_157 = arith.constant 0 : i32
        %get3A_158 = arith.index_cast %get3A_157 : i32 to index
        %get3A_159 = arith.index_cast %add3A_117 : i32 to index
        %get3A_160 = tpu.vector_load %arg16[%get3A_158, %get3A_159] {strides = array<i32>} : memref<8x256xf32, #tpu.memory_space<vmem>>, vector<1x16xf32>,
        %get3A_161 = vector.shape_cast %get3A_160 : vector<1x16xf32> to vector<16xf32>
        %get3A_162 = arith.constant 1 : i32
        %get3A_163 = arith.index_cast %get3A_162 : i32 to index
        %get3A_164 = arith.index_cast %add3A_117 : i32 to index
        %get3A_165 = tpu.vector_load %arg16[%get3A_163, %get3A_164] {strides = array<i32>} : memref<8x256xf32, #tpu.memory_space<vmem>>, vector<1x16xf32>,
        %get3A_166 = vector.shape_cast %get3A_165 : vector<1x16xf32> to vector<16xf32>
        %get3A_167 = arith.constant 2 : i32
        %get3A_168 = arith.index_cast %get3A_167 : i32 to index
        %get3A_169 = arith.index_cast %add3A_117 : i32 to index
        %get3A_170 = tpu.vector_load %arg16[%get3A_168, %get3A_169] {strides = array<i32>} : memref<8x256xf32, #tpu.memory_space<vmem>>, vector<1x16xf32>,
        %get3A_171 = vector.shape_cast %get3A_170 : vector<1x16xf32> to vector<16xf32>
        %get3A_172 = arith.constant 3 : i32
        %get3A_173 = arith.index_cast %get3A_172 : i32 to index
        %get3A_174 = arith.index_cast %add3A_117 : i32 to index
        %get3A_175 = tpu.vector_load %arg16[%get3A_173, %get3A_174] {strides = array<i32>} : memref<8x256xf32, #tpu.memory_space<vmem>>, vector<1x16xf32>,
        %get3A_176 = vector.shape_cast %get3A_175 : vector<1x16xf32> to vector<16xf32>
        %get3A_177 = arith.constant 4 : i32
        %get3A_178 = arith.index_cast %get3A_177 : i32 to index
        %get3A_179 = arith.index_cast %add3A_117 : i32 to index
        %get3A_180 = tpu.vector_load %arg16[%get3A_178, %get3A_179] {strides = array<i32>} : memref<8x256xf32, #tpu.memory_space<vmem>>, vector<1x16xf32>,
        %get3A_181 = vector.shape_cast %get3A_180 : vector<1x16xf32> to vector<16xf32>
        %get3A_182 = arith.constant 5 : i32
        %get3A_183 = arith.index_cast %get3A_182 : i32 to index
        %get3A_184 = arith.index_cast %add3A_117 : i32 to index
        %get3A_185 = tpu.vector_load %arg16[%get3A_183, %get3A_184] {strides = array<i32>} : memref<8x256xf32, #tpu.memory_space<vmem>>, vector<1x16xf32>,
        %get3A_186 = vector.shape_cast %get3A_185 : vector<1x16xf32> to vector<16xf32>
        %get3A_187 = arith.constant 6 : i32
        %get3A_188 = arith.index_cast %get3A_187 : i32 to index
        %get3A_189 = arith.index_cast %add3A_117 : i32 to index
        %get3A_190 = tpu.vector_load %arg16[%get3A_188, %get3A_189] {strides = array<i32>} : memref<8x256xf32, #tpu.memory_space<vmem>>, vector<1x16xf32>,
        %get3A_191 = vector.shape_cast %get3A_190 : vector<1x16xf32> to vector<16xf32>
        %get3A_192 = arith.constant 7 : i32
        %get3A_193 = arith.index_cast %get3A_192 : i32 to index
        %get3A_194 = arith.index_cast %add3A_117 : i32 to index
        %get3A_195 = tpu.vector_load %arg16[%get3A_193, %get3A_194] {strides = array<i32>} : memref<8x256xf32, #tpu.memory_space<vmem>>, vector<1x16xf32>,
        %get3A_196 = vector.shape_cast %get3A_195 : vector<1x16xf32> to vector<16xf32>
        %add3A_197 = arith.constant 0 : i32
        %add3A_198 = arith.addi %add3A_197, %add3A_117 : i32
        %get3A_199 = arith.constant 0 : i32
        %get3A_200 = arith.index_cast %get3A_199 : i32 to index
        %get3A_201 = arith.index_cast %add3A_198 : i32 to index
        %get3A_202 = tpu.vector_load %arg7[%get3A_200, %get3A_201] {strides = array<i32>} : memref<8x2048xf32, #tpu.memory_space<vmem>>, vector<1x16xf32>,
        %get3A_203 = vector.shape_cast %get3A_202 : vector<1x16xf32> to vector<16xf32>
        %get3A_204 = arith.constant 0 : i32
        %get3A_205 = arith.index_cast %get3A_204 : i32 to index
        %get3A_206 = arith.index_cast %add3A_198 : i32 to index
        %get3A_207 = tpu.vector_load %arg8[%get3A_205, %get3A_206] {strides = array<i32>} : memref<8x2048xf32, #tpu.memory_space<vmem>>, vector<1x16xf32>,
        %get3A_208 = vector.shape_cast %get3A_207 : vector<1x16xf32> to vector<16xf32>
        %get3A_209 = arith.constant 0 : i32
        %get3A_210 = arith.index_cast %get3A_209 : i32 to index
        %get3A_211 = arith.index_cast %add3A_198 : i32 to index
        %get3A_212 = tpu.vector_load %arg9[%get3A_210, %get3A_211] {strides = array<i32>} : memref<8x2048xf32, #tpu.memory_space<vmem>>, vector<1x16xf32>,
        %get3A_213 = vector.shape_cast %get3A_212 : vector<1x16xf32> to vector<16xf32>
        %lt3A_214 = arith.cmpf olt, %get3A_208, %broadcast_in_dim3A_37 : vector<16xf32>
        %select_n3A_215 = arith.select %lt3A_214, %get3A_203, %broadcast_in_dim3A_35 : vector<16xi1>, vector<16xf32>
        %sub3A_216 = arith.subf %select_n3A_215, %get3A_161 : vector<16xf32>
        %mul3A_217 = arith.mulf %sub3A_216, %get3A_213 : vector<16xf32>
        %le3A = arith.cmpf ole, %mul3A_217, %broadcast_in_dim3A_41 : vector<16xf32>
        %select_n3A_218 = arith.select %le3A, %broadcast_in_dim3A_39, %broadcast_in_dim3A_41 : vector<16xi1>, vector<16xf32>
        %add3A_219 = arith.addf %get3A_121, %select_n3A_218 : vector<16xf32>
        %get3A_220 = arith.constant 1 : i32
        %get3A_221 = arith.index_cast %get3A_220 : i32 to index
        %get3A_222 = arith.index_cast %add3A_198 : i32 to index
        %get3A_223 = tpu.vector_load %arg7[%get3A_221, %get3A_222] {strides = array<i32>} : memref<8x2048xf32, #tpu.memory_space<vmem>>, vector<1x16xf32>,
        %get3A_224 = vector.shape_cast %get3A_223 : vector<1x16xf32> to vector<16xf32>
        %get3A_225 = arith.constant 1 : i32
        %get3A_226 = arith.index_cast %get3A_225 : i32 to index
        %get3A_227 = arith.index_cast %add3A_198 : i32 to index
        %get3A_228 = tpu.vector_load %arg8[%get3A_226, %get3A_227] {strides = array<i32>} : memref<8x2048xf32, #tpu.memory_space<vmem>>, vector<1x16xf32>,
        %get3A_229 = vector.shape_cast %get3A_228 : vector<1x16xf32> to vector<16xf32>
        %get3A_230 = arith.constant 1 : i32
        %get3A_231 = arith.index_cast %get3A_230 : i32 to index
        %get3A_232 = arith.index_cast %add3A_198 : i32 to index
        %get3A_233 = tpu.vector_load %arg9[%get3A_231, %get3A_232] {strides = array<i32>} : memref<8x2048xf32, #tpu.memory_space<vmem>>, vector<1x16xf32>,
        %get3A_234 = vector.shape_cast %get3A_233 : vector<1x16xf32> to vector<16xf32>
        %lt3A_235 = arith.cmpf olt, %get3A_229, %broadcast_in_dim3A_37 : vector<16xf32>
        %select_n3A_236 = arith.select %lt3A_235, %get3A_224, %broadcast_in_dim3A_35 : vector<16xi1>, vector<16xf32>
        %sub3A_237 = arith.subf %select_n3A_236, %get3A_166 : vector<16xf32>
        %mul3A_238 = arith.mulf %sub3A_237, %get3A_234 : vector<16xf32>
        %le3A_239 = arith.cmpf ole, %mul3A_238, %broadcast_in_dim3A_41 : vector<16xf32>
        %select_n3A_240 = arith.select %le3A_239, %broadcast_in_dim3A_39, %broadcast_in_dim3A_41 : vector<16xi1>, vector<16xf32>
        %add3A_241 = arith.addf %get3A_126, %select_n3A_240 : vector<16xf32>
        %get3A_242 = arith.constant 2 : i32
        %get3A_243 = arith.index_cast %get3A_242 : i32 to index
        %get3A_244 = arith.index_cast %add3A_198 : i32 to index
        %get3A_245 = tpu.vector_load %arg7[%get3A_243, %get3A_244] {strides = array<i32>} : memref<8x2048xf32, #tpu.memory_space<vmem>>, vector<1x16xf32>,
        %get3A_246 = vector.shape_cast %get3A_245 : vector<1x16xf32> to vector<16xf32>
        %get3A_247 = arith.constant 2 : i32
        %get3A_248 = arith.index_cast %get3A_247 : i32 to index
        %get3A_249 = arith.index_cast %add3A_198 : i32 to index
        %get3A_250 = tpu.vector_load %arg8[%get3A_248, %get3A_249] {strides = array<i32>} : memref<8x2048xf32, #tpu.memory_space<vmem>>, vector<1x16xf32>,
        %get3A_251 = vector.shape_cast %get3A_250 : vector<1x16xf32> to vector<16xf32>
        %get3A_252 = arith.constant 2 : i32
        %get3A_253 = arith.index_cast %get3A_252 : i32 to index
        %get3A_254 = arith.index_cast %add3A_198 : i32 to index
        %get3A_255 = tpu.vector_load %arg9[%get3A_253, %get3A_254] {strides = array<i32>} : memref<8x2048xf32, #tpu.memory_space<vmem>>, vector<1x16xf32>,
        %get3A_256 = vector.shape_cast %get3A_255 : vector<1x16xf32> to vector<16xf32>
        %lt3A_257 = arith.cmpf olt, %get3A_251, %broadcast_in_dim3A_37 : vector<16xf32>
        %select_n3A_258 = arith.select %lt3A_257, %get3A_246, %broadcast_in_dim3A_35 : vector<16xi1>, vector<16xf32>
        %sub3A_259 = arith.subf %select_n3A_258, %get3A_171 : vector<16xf32>
        %mul3A_260 = arith.mulf %sub3A_259, %get3A_256 : vector<16xf32>
        %le3A_261 = arith.cmpf ole, %mul3A_260, %broadcast_in_dim3A_41 : vector<16xf32>
        %select_n3A_262 = arith.select %le3A_261, %broadcast_in_dim3A_39, %broadcast_in_dim3A_41 : vector<16xi1>, vector<16xf32>
        %add3A_263 = arith.addf %get3A_131, %select_n3A_262 : vector<16xf32>
        %get3A_264 = arith.constant 3 : i32
        %get3A_265 = arith.index_cast %get3A_264 : i32 to index
        %get3A_266 = arith.index_cast %add3A_198 : i32 to index
        %get3A_267 = tpu.vector_load %arg7[%get3A_265, %get3A_266] {strides = array<i32>} : memref<8x2048xf32, #tpu.memory_space<vmem>>, vector<1x16xf32>,
        %get3A_268 = vector.shape_cast %get3A_267 : vector<1x16xf32> to vector<16xf32>
        %get3A_269 = arith.constant 3 : i32
        %get3A_270 = arith.index_cast %get3A_269 : i32 to index
        %get3A_271 = arith.index_cast %add3A_198 : i32 to index
        %get3A_272 = tpu.vector_load %arg8[%get3A_270, %get3A_271] {strides = array<i32>} : memref<8x2048xf32, #tpu.memory_space<vmem>>, vector<1x16xf32>,
        %get3A_273 = vector.shape_cast %get3A_272 : vector<1x16xf32> to vector<16xf32>
        %get3A_274 = arith.constant 3 : i32
        %get3A_275 = arith.index_cast %get3A_274 : i32 to index
        %get3A_276 = arith.index_cast %add3A_198 : i32 to index
        %get3A_277 = tpu.vector_load %arg9[%get3A_275, %get3A_276] {strides = array<i32>} : memref<8x2048xf32, #tpu.memory_space<vmem>>, vector<1x16xf32>,
        %get3A_278 = vector.shape_cast %get3A_277 : vector<1x16xf32> to vector<16xf32>
        %lt3A_279 = arith.cmpf olt, %get3A_273, %broadcast_in_dim3A_37 : vector<16xf32>
        %select_n3A_280 = arith.select %lt3A_279, %get3A_268, %broadcast_in_dim3A_35 : vector<16xi1>, vector<16xf32>
        %sub3A_281 = arith.subf %select_n3A_280, %get3A_176 : vector<16xf32>
        %mul3A_282 = arith.mulf %sub3A_281, %get3A_278 : vector<16xf32>
        %le3A_283 = arith.cmpf ole, %mul3A_282, %broadcast_in_dim3A_41 : vector<16xf32>
        %select_n3A_284 = arith.select %le3A_283, %broadcast_in_dim3A_39, %broadcast_in_dim3A_41 : vector<16xi1>, vector<16xf32>
        %add3A_285 = arith.addf %get3A_136, %select_n3A_284 : vector<16xf32>
        %get3A_286 = arith.constant 4 : i32
        %get3A_287 = arith.index_cast %get3A_286 : i32 to index
        %get3A_288 = arith.index_cast %add3A_198 : i32 to index
        %get3A_289 = tpu.vector_load %arg7[%get3A_287, %get3A_288] {strides = array<i32>} : memref<8x2048xf32, #tpu.memory_space<vmem>>, vector<1x16xf32>,
        %get3A_290 = vector.shape_cast %get3A_289 : vector<1x16xf32> to vector<16xf32>
        %get3A_291 = arith.constant 4 : i32
        %get3A_292 = arith.index_cast %get3A_291 : i32 to index
        %get3A_293 = arith.index_cast %add3A_198 : i32 to index
        %get3A_294 = tpu.vector_load %arg8[%get3A_292, %get3A_293] {strides = array<i32>} : memref<8x2048xf32, #tpu.memory_space<vmem>>, vector<1x16xf32>,
        %get3A_295 = vector.shape_cast %get3A_294 : vector<1x16xf32> to vector<16xf32>
        %get3A_296 = arith.constant 4 : i32
        %get3A_297 = arith.index_cast %get3A_296 : i32 to index
        %get3A_298 = arith.index_cast %add3A_198 : i32 to index
        %get3A_299 = tpu.vector_load %arg9[%get3A_297, %get3A_298] {strides = array<i32>} : memref<8x2048xf32, #tpu.memory_space<vmem>>, vector<1x16xf32>,
        %get3A_300 = vector.shape_cast %get3A_299 : vector<1x16xf32> to vector<16xf32>
        %lt3A_301 = arith.cmpf olt, %get3A_295, %broadcast_in_dim3A_37 : vector<16xf32>
        %select_n3A_302 = arith.select %lt3A_301, %get3A_290, %broadcast_in_dim3A_35 : vector<16xi1>, vector<16xf32>
        %sub3A_303 = arith.subf %select_n3A_302, %get3A_181 : vector<16xf32>
        %mul3A_304 = arith.mulf %sub3A_303, %get3A_300 : vector<16xf32>
        %le3A_305 = arith.cmpf ole, %mul3A_304, %broadcast_in_dim3A_41 : vector<16xf32>
        %select_n3A_306 = arith.select %le3A_305, %broadcast_in_dim3A_39, %broadcast_in_dim3A_41 : vector<16xi1>, vector<16xf32>
        %add3A_307 = arith.addf %get3A_141, %select_n3A_306 : vector<16xf32>
        %get3A_308 = arith.constant 5 : i32
        %get3A_309 = arith.index_cast %get3A_308 : i32 to index
        %get3A_310 = arith.index_cast %add3A_198 : i32 to index
        %get3A_311 = tpu.vector_load %arg7[%get3A_309, %get3A_310] {strides = array<i32>} : memref<8x2048xf32, #tpu.memory_space<vmem>>, vector<1x16xf32>,
        %get3A_312 = vector.shape_cast %get3A_311 : vector<1x16xf32> to vector<16xf32>
        %get3A_313 = arith.constant 5 : i32
        %get3A_314 = arith.index_cast %get3A_313 : i32 to index
        %get3A_315 = arith.index_cast %add3A_198 : i32 to index
        %get3A_316 = tpu.vector_load %arg8[%get3A_314, %get3A_315] {strides = array<i32>} : memref<8x2048xf32, #tpu.memory_space<vmem>>, vector<1x16xf32>,
        %get3A_317 = vector.shape_cast %get3A_316 : vector<1x16xf32> to vector<16xf32>
        %get3A_318 = arith.constant 5 : i32
        %get3A_319 = arith.index_cast %get3A_318 : i32 to index
        %get3A_320 = arith.index_cast %add3A_198 : i32 to index
        %get3A_321 = tpu.vector_load %arg9[%get3A_319, %get3A_320] {strides = array<i32>} : memref<8x2048xf32, #tpu.memory_space<vmem>>, vector<1x16xf32>,
        %get3A_322 = vector.shape_cast %get3A_321 : vector<1x16xf32> to vector<16xf32>
        %lt3A_323 = arith.cmpf olt, %get3A_317, %broadcast_in_dim3A_37 : vector<16xf32>
        %select_n3A_324 = arith.select %lt3A_323, %get3A_312, %broadcast_in_dim3A_35 : vector<16xi1>, vector<16xf32>
        %sub3A_325 = arith.subf %select_n3A_324, %get3A_186 : vector<16xf32>
        %mul3A_326 = arith.mulf %sub3A_325, %get3A_322 : vector<16xf32>
        %le3A_327 = arith.cmpf ole, %mul3A_326, %broadcast_in_dim3A_41 : vector<16xf32>
        %select_n3A_328 = arith.select %le3A_327, %broadcast_in_dim3A_39, %broadcast_in_dim3A_41 : vector<16xi1>, vector<16xf32>
        %add3A_329 = arith.addf %get3A_146, %select_n3A_328 : vector<16xf32>
        %get3A_330 = arith.constant 6 : i32
        %get3A_331 = arith.index_cast %get3A_330 : i32 to index
        %get3A_332 = arith.index_cast %add3A_198 : i32 to index
        %get3A_333 = tpu.vector_load %arg7[%get3A_331, %get3A_332] {strides = array<i32>} : memref<8x2048xf32, #tpu.memory_space<vmem>>, vector<1x16xf32>,
        %get3A_334 = vector.shape_cast %get3A_333 : vector<1x16xf32> to vector<16xf32>
        %get3A_335 = arith.constant 6 : i32
        %get3A_336 = arith.index_cast %get3A_335 : i32 to index
        %get3A_337 = arith.index_cast %add3A_198 : i32 to index
        %get3A_338 = tpu.vector_load %arg8[%get3A_336, %get3A_337] {strides = array<i32>} : memref<8x2048xf32, #tpu.memory_space<vmem>>, vector<1x16xf32>,
        %get3A_339 = vector.shape_cast %get3A_338 : vector<1x16xf32> to vector<16xf32>
        %get3A_340 = arith.constant 6 : i32
        %get3A_341 = arith.index_cast %get3A_340 : i32 to index
        %get3A_342 = arith.index_cast %add3A_198 : i32 to index
        %get3A_343 = tpu.vector_load %arg9[%get3A_341, %get3A_342] {strides = array<i32>} : memref<8x2048xf32, #tpu.memory_space<vmem>>, vector<1x16xf32>,
        %get3A_344 = vector.shape_cast %get3A_343 : vector<1x16xf32> to vector<16xf32>
        %lt3A_345 = arith.cmpf olt, %get3A_339, %broadcast_in_dim3A_37 : vector<16xf32>
        %select_n3A_346 = arith.select %lt3A_345, %get3A_334, %broadcast_in_dim3A_35 : vector<16xi1>, vector<16xf32>
        %sub3A_347 = arith.subf %select_n3A_346, %get3A_191 : vector<16xf32>
        %mul3A_348 = arith.mulf %sub3A_347, %get3A_344 : vector<16xf32>
        %le3A_349 = arith.cmpf ole, %mul3A_348, %broadcast_in_dim3A_41 : vector<16xf32>
        %select_n3A_350 = arith.select %le3A_349, %broadcast_in_dim3A_39, %broadcast_in_dim3A_41 : vector<16xi1>, vector<16xf32>
        %add3A_351 = arith.addf %get3A_151, %select_n3A_350 : vector<16xf32>
        %get3A_352 = arith.constant 7 : i32
        %get3A_353 = arith.index_cast %get3A_352 : i32 to index
        %get3A_354 = arith.index_cast %add3A_198 : i32 to index
        %get3A_355 = tpu.vector_load %arg7[%get3A_353, %get3A_354] {strides = array<i32>} : memref<8x2048xf32, #tpu.memory_space<vmem>>, vector<1x16xf32>,
        %get3A_356 = vector.shape_cast %get3A_355 : vector<1x16xf32> to vector<16xf32>
        %get3A_357 = arith.constant 7 : i32
        %get3A_358 = arith.index_cast %get3A_357 : i32 to index
        %get3A_359 = arith.index_cast %add3A_198 : i32 to index
        %get3A_360 = tpu.vector_load %arg8[%get3A_358, %get3A_359] {strides = array<i32>} : memref<8x2048xf32, #tpu.memory_space<vmem>>, vector<1x16xf32>,
        %get3A_361 = vector.shape_cast %get3A_360 : vector<1x16xf32> to vector<16xf32>
        %get3A_362 = arith.constant 7 : i32
        %get3A_363 = arith.index_cast %get3A_362 : i32 to index
        %get3A_364 = arith.index_cast %add3A_198 : i32 to index
        %get3A_365 = tpu.vector_load %arg9[%get3A_363, %get3A_364] {strides = array<i32>} : memref<8x2048xf32, #tpu.memory_space<vmem>>, vector<1x16xf32>,
        %get3A_366 = vector.shape_cast %get3A_365 : vector<1x16xf32> to vector<16xf32>
        %lt3A_367 = arith.cmpf olt, %get3A_361, %broadcast_in_dim3A_37 : vector<16xf32>
        %select_n3A_368 = arith.select %lt3A_367, %get3A_356, %broadcast_in_dim3A_35 : vector<16xi1>, vector<16xf32>
        %sub3A_369 = arith.subf %select_n3A_368, %get3A_196 : vector<16xf32>
        %mul3A_370 = arith.mulf %sub3A_369, %get3A_366 : vector<16xf32>
        %le3A_371 = arith.cmpf ole, %mul3A_370, %broadcast_in_dim3A_41 : vector<16xf32>
        %select_n3A_372 = arith.select %le3A_371, %broadcast_in_dim3A_39, %broadcast_in_dim3A_41 : vector<16xi1>, vector<16xf32>
        %add3A_373 = arith.addf %get3A_156, %select_n3A_372 : vector<16xf32>
        %add3A_374 = arith.constant 256 : i32
        %add3A_375 = arith.addi %add3A_374, %add3A_117 : i32
        %get3A_376 = arith.constant 0 : i32
        %get3A_377 = arith.index_cast %get3A_376 : i32 to index
        %get3A_378 = arith.index_cast %add3A_375 : i32 to index
        %get3A_379 = tpu.vector_load %arg7[%get3A_377, %get3A_378] {strides = array<i32>} : memref<8x2048xf32, #tpu.memory_space<vmem>>, vector<1x16xf32>,
        %get3A_380 = vector.shape_cast %get3A_379 : vector<1x16xf32> to vector<16xf32>
        %get3A_381 = arith.constant 0 : i32
        %get3A_382 = arith.index_cast %get3A_381 : i32 to index
        %get3A_383 = arith.index_cast %add3A_375 : i32 to index
        %get3A_384 = tpu.vector_load %arg8[%get3A_382, %get3A_383] {strides = array<i32>} : memref<8x2048xf32, #tpu.memory_space<vmem>>, vector<1x16xf32>,
        %get3A_385 = vector.shape_cast %get3A_384 : vector<1x16xf32> to vector<16xf32>
        %get3A_386 = arith.constant 0 : i32
        %get3A_387 = arith.index_cast %get3A_386 : i32 to index
        %get3A_388 = arith.index_cast %add3A_375 : i32 to index
        %get3A_389 = tpu.vector_load %arg9[%get3A_387, %get3A_388] {strides = array<i32>} : memref<8x2048xf32, #tpu.memory_space<vmem>>, vector<1x16xf32>,
        %get3A_390 = vector.shape_cast %get3A_389 : vector<1x16xf32> to vector<16xf32>
        %lt3A_391 = arith.cmpf olt, %get3A_385, %broadcast_in_dim3A_37 : vector<16xf32>
        %select_n3A_392 = arith.select %lt3A_391, %get3A_380, %broadcast_in_dim3A_35 : vector<16xi1>, vector<16xf32>
        %sub3A_393 = arith.subf %select_n3A_392, %get3A_161 : vector<16xf32>
        %mul3A_394 = arith.mulf %sub3A_393, %get3A_390 : vector<16xf32>
        %le3A_395 = arith.cmpf ole, %mul3A_394, %broadcast_in_dim3A_41 : vector<16xf32>
        %select_n3A_396 = arith.select %le3A_395, %broadcast_in_dim3A_39, %broadcast_in_dim3A_41 : vector<16xi1>, vector<16xf32>
        %add3A_397 = arith.addf %add3A_219, %select_n3A_396 : vector<16xf32>
        %get3A_398 = arith.constant 1 : i32
        %get3A_399 = arith.index_cast %get3A_398 : i32 to index
        %get3A_400 = arith.index_cast %add3A_375 : i32 to index
        %get3A_401 = tpu.vector_load %arg7[%get3A_399, %get3A_400] {strides = array<i32>} : memref<8x2048xf32, #tpu.memory_space<vmem>>, vector<1x16xf32>,
        %get3A_402 = vector.shape_cast %get3A_401 : vector<1x16xf32> to vector<16xf32>
        %get3A_403 = arith.constant 1 : i32
        %get3A_404 = arith.index_cast %get3A_403 : i32 to index
        %get3A_405 = arith.index_cast %add3A_375 : i32 to index
        %get3A_406 = tpu.vector_load %arg8[%get3A_404, %get3A_405] {strides = array<i32>} : memref<8x2048xf32, #tpu.memory_space<vmem>>, vector<1x16xf32>,
        %get3A_407 = vector.shape_cast %get3A_406 : vector<1x16xf32> to vector<16xf32>
        %get3A_408 = arith.constant 1 : i32
        %get3A_409 = arith.index_cast %get3A_408 : i32 to index
        %get3A_410 = arith.index_cast %add3A_375 : i32 to index
        %get3A_411 = tpu.vector_load %arg9[%get3A_409, %get3A_410] {strides = array<i32>} : memref<8x2048xf32, #tpu.memory_space<vmem>>, vector<1x16xf32>,
        %get3A_412 = vector.shape_cast %get3A_411 : vector<1x16xf32> to vector<16xf32>
        %lt3A_413 = arith.cmpf olt, %get3A_407, %broadcast_in_dim3A_37 : vector<16xf32>
        %select_n3A_414 = arith.select %lt3A_413, %get3A_402, %broadcast_in_dim3A_35 : vector<16xi1>, vector<16xf32>
        %sub3A_415 = arith.subf %select_n3A_414, %get3A_166 : vector<16xf32>
        %mul3A_416 = arith.mulf %sub3A_415, %get3A_412 : vector<16xf32>
        %le3A_417 = arith.cmpf ole, %mul3A_416, %broadcast_in_dim3A_41 : vector<16xf32>
        %select_n3A_418 = arith.select %le3A_417, %broadcast_in_dim3A_39, %broadcast_in_dim3A_41 : vector<16xi1>, vector<16xf32>
        %add3A_419 = arith.addf %add3A_241, %select_n3A_418 : vector<16xf32>
        %get3A_420 = arith.constant 2 : i32
        %get3A_421 = arith.index_cast %get3A_420 : i32 to index
        %get3A_422 = arith.index_cast %add3A_375 : i32 to index
        %get3A_423 = tpu.vector_load %arg7[%get3A_421, %get3A_422] {strides = array<i32>} : memref<8x2048xf32, #tpu.memory_space<vmem>>, vector<1x16xf32>,
        %get3A_424 = vector.shape_cast %get3A_423 : vector<1x16xf32> to vector<16xf32>
        %get3A_425 = arith.constant 2 : i32
        %get3A_426 = arith.index_cast %get3A_425 : i32 to index
        %get3A_427 = arith.index_cast %add3A_375 : i32 to index
        %get3A_428 = tpu.vector_load %arg8[%get3A_426, %get3A_427] {strides = array<i32>} : memref<8x2048xf32, #tpu.memory_space<vmem>>, vector<1x16xf32>,
        %get3A_429 = vector.shape_cast %get3A_428 : vector<1x16xf32> to vector<16xf32>
        %get3A_430 = arith.constant 2 : i32
        %get3A_431 = arith.index_cast %get3A_430 : i32 to index
        %get3A_432 = arith.index_cast %add3A_375 : i32 to index
        %get3A_433 = tpu.vector_load %arg9[%get3A_431, %get3A_432] {strides = array<i32>} : memref<8x2048xf32, #tpu.memory_space<vmem>>, vector<1x16xf32>,
        %get3A_434 = vector.shape_cast %get3A_433 : vector<1x16xf32> to vector<16xf32>
        %lt3A_435 = arith.cmpf olt, %get3A_429, %broadcast_in_dim3A_37 : vector<16xf32>
        %select_n3A_436 = arith.select %lt3A_435, %get3A_424, %broadcast_in_dim3A_35 : vector<16xi1>, vector<16xf32>
        %sub3A_437 = arith.subf %select_n3A_436, %get3A_171 : vector<16xf32>
        %mul3A_438 = arith.mulf %sub3A_437, %get3A_434 : vector<16xf32>
        %le3A_439 = arith.cmpf ole, %mul3A_438, %broadcast_in_dim3A_41 : vector<16xf32>
        %select_n3A_440 = arith.select %le3A_439, %broadcast_in_dim3A_39, %broadcast_in_dim3A_41 : vector<16xi1>, vector<16xf32>
        %add3A_441 = arith.addf %add3A_263, %select_n3A_440 : vector<16xf32>
        %get3A_442 = arith.constant 3 : i32
        %get3A_443 = arith.index_cast %get3A_442 : i32 to index
        %get3A_444 = arith.index_cast %add3A_375 : i32 to index
        %get3A_445 = tpu.vector_load %arg7[%get3A_443, %get3A_444] {strides = array<i32>} : memref<8x2048xf32, #tpu.memory_space<vmem>>, vector<1x16xf32>,
        %get3A_446 = vector.shape_cast %get3A_445 : vector<1x16xf32> to vector<16xf32>
        %get3A_447 = arith.constant 3 : i32
        %get3A_448 = arith.index_cast %get3A_447 : i32 to index
        %get3A_449 = arith.index_cast %add3A_375 : i32 to index
        %get3A_450 = tpu.vector_load %arg8[%get3A_448, %get3A_449] {strides = array<i32>} : memref<8x2048xf32, #tpu.memory_space<vmem>>, vector<1x16xf32>,
        %get3A_451 = vector.shape_cast %get3A_450 : vector<1x16xf32> to vector<16xf32>
        %get3A_452 = arith.constant 3 : i32
        %get3A_453 = arith.index_cast %get3A_452 : i32 to index
        %get3A_454 = arith.index_cast %add3A_375 : i32 to index
        %get3A_455 = tpu.vector_load %arg9[%get3A_453, %get3A_454] {strides = array<i32>} : memref<8x2048xf32, #tpu.memory_space<vmem>>, vector<1x16xf32>,
        %get3A_456 = vector.shape_cast %get3A_455 : vector<1x16xf32> to vector<16xf32>
        %lt3A_457 = arith.cmpf olt, %get3A_451, %broadcast_in_dim3A_37 : vector<16xf32>
        %select_n3A_458 = arith.select %lt3A_457, %get3A_446, %broadcast_in_dim3A_35 : vector<16xi1>, vector<16xf32>
        %sub3A_459 = arith.subf %select_n3A_458, %get3A_176 : vector<16xf32>
        %mul3A_460 = arith.mulf %sub3A_459, %get3A_456 : vector<16xf32>
        %le3A_461 = arith.cmpf ole, %mul3A_460, %broadcast_in_dim3A_41 : vector<16xf32>
        %select_n3A_462 = arith.select %le3A_461, %broadcast_in_dim3A_39, %broadcast_in_dim3A_41 : vector<16xi1>, vector<16xf32>
        %add3A_463 = arith.addf %add3A_285, %select_n3A_462 : vector<16xf32>
        %get3A_464 = arith.constant 4 : i32
        %get3A_465 = arith.index_cast %get3A_464 : i32 to index
        %get3A_466 = arith.index_cast %add3A_375 : i32 to index
        %get3A_467 = tpu.vector_load %arg7[%get3A_465, %get3A_466] {strides = array<i32>} : memref<8x2048xf32, #tpu.memory_space<vmem>>, vector<1x16xf32>,
        %get3A_468 = vector.shape_cast %get3A_467 : vector<1x16xf32> to vector<16xf32>
        %get3A_469 = arith.constant 4 : i32
        %get3A_470 = arith.index_cast %get3A_469 : i32 to index
        %get3A_471 = arith.index_cast %add3A_375 : i32 to index
        %get3A_472 = tpu.vector_load %arg8[%get3A_470, %get3A_471] {strides = array<i32>} : memref<8x2048xf32, #tpu.memory_space<vmem>>, vector<1x16xf32>,
        %get3A_473 = vector.shape_cast %get3A_472 : vector<1x16xf32> to vector<16xf32>
        %get3A_474 = arith.constant 4 : i32
        %get3A_475 = arith.index_cast %get3A_474 : i32 to index
        %get3A_476 = arith.index_cast %add3A_375 : i32 to index
        %get3A_477 = tpu.vector_load %arg9[%get3A_475, %get3A_476] {strides = array<i32>} : memref<8x2048xf32, #tpu.memory_space<vmem>>, vector<1x16xf32>,
        %get3A_478 = vector.shape_cast %get3A_477 : vector<1x16xf32> to vector<16xf32>
        %lt3A_479 = arith.cmpf olt, %get3A_473, %broadcast_in_dim3A_37 : vector<16xf32>
        %select_n3A_480 = arith.select %lt3A_479, %get3A_468, %broadcast_in_dim3A_35 : vector<16xi1>, vector<16xf32>
        %sub3A_481 = arith.subf %select_n3A_480, %get3A_181 : vector<16xf32>
        %mul3A_482 = arith.mulf %sub3A_481, %get3A_478 : vector<16xf32>
        %le3A_483 = arith.cmpf ole, %mul3A_482, %broadcast_in_dim3A_41 : vector<16xf32>
        %select_n3A_484 = arith.select %le3A_483, %broadcast_in_dim3A_39, %broadcast_in_dim3A_41 : vector<16xi1>, vector<16xf32>
        %add3A_485 = arith.addf %add3A_307, %select_n3A_484 : vector<16xf32>
        %get3A_486 = arith.constant 5 : i32
        %get3A_487 = arith.index_cast %get3A_486 : i32 to index
        %get3A_488 = arith.index_cast %add3A_375 : i32 to index
        %get3A_489 = tpu.vector_load %arg7[%get3A_487, %get3A_488] {strides = array<i32>} : memref<8x2048xf32, #tpu.memory_space<vmem>>, vector<1x16xf32>,
        %get3A_490 = vector.shape_cast %get3A_489 : vector<1x16xf32> to vector<16xf32>
        %get3A_491 = arith.constant 5 : i32
        %get3A_492 = arith.index_cast %get3A_491 : i32 to index
        %get3A_493 = arith.index_cast %add3A_375 : i32 to index
        %get3A_494 = tpu.vector_load %arg8[%get3A_492, %get3A_493] {strides = array<i32>} : memref<8x2048xf32, #tpu.memory_space<vmem>>, vector<1x16xf32>,
        %get3A_495 = vector.shape_cast %get3A_494 : vector<1x16xf32> to vector<16xf32>
        %get3A_496 = arith.constant 5 : i32
        %get3A_497 = arith.index_cast %get3A_496 : i32 to index
        %get3A_498 = arith.index_cast %add3A_375 : i32 to index
        %get3A_499 = tpu.vector_load %arg9[%get3A_497, %get3A_498] {strides = array<i32>} : memref<8x2048xf32, #tpu.memory_space<vmem>>, vector<1x16xf32>,
        %get3A_500 = vector.shape_cast %get3A_499 : vector<1x16xf32> to vector<16xf32>
        %lt3A_501 = arith.cmpf olt, %get3A_495, %broadcast_in_dim3A_37 : vector<16xf32>
        %select_n3A_502 = arith.select %lt3A_501, %get3A_490, %broadcast_in_dim3A_35 : vector<16xi1>, vector<16xf32>
        %sub3A_503 = arith.subf %select_n3A_502, %get3A_186 : vector<16xf32>
        %mul3A_504 = arith.mulf %sub3A_503, %get3A_500 : vector<16xf32>
        %le3A_505 = arith.cmpf ole, %mul3A_504, %broadcast_in_dim3A_41 : vector<16xf32>
        %select_n3A_506 = arith.select %le3A_505, %broadcast_in_dim3A_39, %broadcast_in_dim3A_41 : vector<16xi1>, vector<16xf32>
        %add3A_507 = arith.addf %add3A_329, %select_n3A_506 : vector<16xf32>
        %get3A_508 = arith.constant 6 : i32
        %get3A_509 = arith.index_cast %get3A_508 : i32 to index
        %get3A_510 = arith.index_cast %add3A_375 : i32 to index
        %get3A_511 = tpu.vector_load %arg7[%get3A_509, %get3A_510] {strides = array<i32>} : memref<8x2048xf32, #tpu.memory_space<vmem>>, vector<1x16xf32>,
        %get3A_512 = vector.shape_cast %get3A_511 : vector<1x16xf32> to vector<16xf32>
        %get3A_513 = arith.constant 6 : i32
        %get3A_514 = arith.index_cast %get3A_513 : i32 to index
        %get3A_515 = arith.index_cast %add3A_375 : i32 to index
        %get3A_516 = tpu.vector_load %arg8[%get3A_514, %get3A_515] {strides = array<i32>} : memref<8x2048xf32, #tpu.memory_space<vmem>>, vector<1x16xf32>,
        %get3A_517 = vector.shape_cast %get3A_516 : vector<1x16xf32> to vector<16xf32>
        %get3A_518 = arith.constant 6 : i32
        %get3A_519 = arith.index_cast %get3A_518 : i32 to index
        %get3A_520 = arith.index_cast %add3A_375 : i32 to index
        %get3A_521 = tpu.vector_load %arg9[%get3A_519, %get3A_520] {strides = array<i32>} : memref<8x2048xf32, #tpu.memory_space<vmem>>, vector<1x16xf32>,
        %get3A_522 = vector.shape_cast %get3A_521 : vector<1x16xf32> to vector<16xf32>
        %lt3A_523 = arith.cmpf olt, %get3A_517, %broadcast_in_dim3A_37 : vector<16xf32>
        %select_n3A_524 = arith.select %lt3A_523, %get3A_512, %broadcast_in_dim3A_35 : vector<16xi1>, vector<16xf32>
        %sub3A_525 = arith.subf %select_n3A_524, %get3A_191 : vector<16xf32>
        %mul3A_526 = arith.mulf %sub3A_525, %get3A_522 : vector<16xf32>
        %le3A_527 = arith.cmpf ole, %mul3A_526, %broadcast_in_dim3A_41 : vector<16xf32>
        %select_n3A_528 = arith.select %le3A_527, %broadcast_in_dim3A_39, %broadcast_in_dim3A_41 : vector<16xi1>, vector<16xf32>
        %add3A_529 = arith.addf %add3A_351, %select_n3A_528 : vector<16xf32>
        %get3A_530 = arith.constant 7 : i32
        %get3A_531 = arith.index_cast %get3A_530 : i32 to index
        %get3A_532 = arith.index_cast %add3A_375 : i32 to index
        %get3A_533 = tpu.vector_load %arg7[%get3A_531, %get3A_532] {strides = array<i32>} : memref<8x2048xf32, #tpu.memory_space<vmem>>, vector<1x16xf32>,
        %get3A_534 = vector.shape_cast %get3A_533 : vector<1x16xf32> to vector<16xf32>
        %get3A_535 = arith.constant 7 : i32
        %get3A_536 = arith.index_cast %get3A_535 : i32 to index
        %get3A_537 = arith.index_cast %add3A_375 : i32 to index
        %get3A_538 = tpu.vector_load %arg8[%get3A_536, %get3A_537] {strides = array<i32>} : memref<8x2048xf32, #tpu.memory_space<vmem>>, vector<1x16xf32>,
        %get3A_539 = vector.shape_cast %get3A_538 : vector<1x16xf32> to vector<16xf32>
        %get3A_540 = arith.constant 7 : i32
        %get3A_541 = arith.index_cast %get3A_540 : i32 to index
        %get3A_542 = arith.index_cast %add3A_375 : i32 to index
        %get3A_543 = tpu.vector_load %arg9[%get3A_541, %get3A_542] {strides = array<i32>} : memref<8x2048xf32, #tpu.memory_space<vmem>>, vector<1x16xf32>,
        %get3A_544 = vector.shape_cast %get3A_543 : vector<1x16xf32> to vector<16xf32>
        %lt3A_545 = arith.cmpf olt, %get3A_539, %broadcast_in_dim3A_37 : vector<16xf32>
        %select_n3A_546 = arith.select %lt3A_545, %get3A_534, %broadcast_in_dim3A_35 : vector<16xi1>, vector<16xf32>
        %sub3A_547 = arith.subf %select_n3A_546, %get3A_196 : vector<16xf32>
        %mul3A_548 = arith.mulf %sub3A_547, %get3A_544 : vector<16xf32>
        %le3A_549 = arith.cmpf ole, %mul3A_548, %broadcast_in_dim3A_41 : vector<16xf32>
        %select_n3A_550 = arith.select %le3A_549, %broadcast_in_dim3A_39, %broadcast_in_dim3A_41 : vector<16xi1>, vector<16xf32>
        %add3A_551 = arith.addf %add3A_373, %select_n3A_550 : vector<16xf32>
        %add3A_552 = arith.constant 512 : i32
        %add3A_553 = arith.addi %add3A_552, %add3A_117 : i32
        %get3A_554 = arith.constant 0 : i32
        %get3A_555 = arith.index_cast %get3A_554 : i32 to index
        %get3A_556 = arith.index_cast %add3A_553 : i32 to index
        %get3A_557 = tpu.vector_load %arg7[%get3A_555, %get3A_556] {strides = array<i32>} : memref<8x2048xf32, #tpu.memory_space<vmem>>, vector<1x16xf32>,
        %get3A_558 = vector.shape_cast %get3A_557 : vector<1x16xf32> to vector<16xf32>
        %get3A_559 = arith.constant 0 : i32
        %get3A_560 = arith.index_cast %get3A_559 : i32 to index
        %get3A_561 = arith.index_cast %add3A_553 : i32 to index
        %get3A_562 = tpu.vector_load %arg8[%get3A_560, %get3A_561] {strides = array<i32>} : memref<8x2048xf32, #tpu.memory_space<vmem>>, vector<1x16xf32>,
        %get3A_563 = vector.shape_cast %get3A_562 : vector<1x16xf32> to vector<16xf32>
        %get3A_564 = arith.constant 0 : i32
        %get3A_565 = arith.index_cast %get3A_564 : i32 to index
        %get3A_566 = arith.index_cast %add3A_553 : i32 to index
        %get3A_567 = tpu.vector_load %arg9[%get3A_565, %get3A_566] {strides = array<i32>} : memref<8x2048xf32, #tpu.memory_space<vmem>>, vector<1x16xf32>,
        %get3A_568 = vector.shape_cast %get3A_567 : vector<1x16xf32> to vector<16xf32>
        %lt3A_569 = arith.cmpf olt, %get3A_563, %broadcast_in_dim3A_37 : vector<16xf32>
        %select_n3A_570 = arith.select %lt3A_569, %get3A_558, %broadcast_in_dim3A_35 : vector<16xi1>, vector<16xf32>
        %sub3A_571 = arith.subf %select_n3A_570, %get3A_161 : vector<16xf32>
        %mul3A_572 = arith.mulf %sub3A_571, %get3A_568 : vector<16xf32>
        %le3A_573 = arith.cmpf ole, %mul3A_572, %broadcast_in_dim3A_41 : vector<16xf32>
        %select_n3A_574 = arith.select %le3A_573, %broadcast_in_dim3A_39, %broadcast_in_dim3A_41 : vector<16xi1>, vector<16xf32>
        %add3A_575 = arith.addf %add3A_397, %select_n3A_574 : vector<16xf32>
        %get3A_576 = arith.constant 1 : i32
        %get3A_577 = arith.index_cast %get3A_576 : i32 to index
        %get3A_578 = arith.index_cast %add3A_553 : i32 to index
        %get3A_579 = tpu.vector_load %arg7[%get3A_577, %get3A_578] {strides = array<i32>} : memref<8x2048xf32, #tpu.memory_space<vmem>>, vector<1x16xf32>,
        %get3A_580 = vector.shape_cast %get3A_579 : vector<1x16xf32> to vector<16xf32>
        %get3A_581 = arith.constant 1 : i32
        %get3A_582 = arith.index_cast %get3A_581 : i32 to index
        %get3A_583 = arith.index_cast %add3A_553 : i32 to index
        %get3A_584 = tpu.vector_load %arg8[%get3A_582, %get3A_583] {strides = array<i32>} : memref<8x2048xf32, #tpu.memory_space<vmem>>, vector<1x16xf32>,
        %get3A_585 = vector.shape_cast %get3A_584 : vector<1x16xf32> to vector<16xf32>
        %get3A_586 = arith.constant 1 : i32
        %get3A_587 = arith.index_cast %get3A_586 : i32 to index
        %get3A_588 = arith.index_cast %add3A_553 : i32 to index
        %get3A_589 = tpu.vector_load %arg9[%get3A_587, %get3A_588] {strides = array<i32>} : memref<8x2048xf32, #tpu.memory_space<vmem>>, vector<1x16xf32>,
        %get3A_590 = vector.shape_cast %get3A_589 : vector<1x16xf32> to vector<16xf32>
        %lt3A_591 = arith.cmpf olt, %get3A_585, %broadcast_in_dim3A_37 : vector<16xf32>
        %select_n3A_592 = arith.select %lt3A_591, %get3A_580, %broadcast_in_dim3A_35 : vector<16xi1>, vector<16xf32>
        %sub3A_593 = arith.subf %select_n3A_592, %get3A_166 : vector<16xf32>
        %mul3A_594 = arith.mulf %sub3A_593, %get3A_590 : vector<16xf32>
        %le3A_595 = arith.cmpf ole, %mul3A_594, %broadcast_in_dim3A_41 : vector<16xf32>
        %select_n3A_596 = arith.select %le3A_595, %broadcast_in_dim3A_39, %broadcast_in_dim3A_41 : vector<16xi1>, vector<16xf32>
        %add3A_597 = arith.addf %add3A_419, %select_n3A_596 : vector<16xf32>
        %get3A_598 = arith.constant 2 : i32
        %get3A_599 = arith.index_cast %get3A_598 : i32 to index
        %get3A_600 = arith.index_cast %add3A_553 : i32 to index
        %get3A_601 = tpu.vector_load %arg7[%get3A_599, %get3A_600] {strides = array<i32>} : memref<8x2048xf32, #tpu.memory_space<vmem>>, vector<1x16xf32>,
        %get3A_602 = vector.shape_cast %get3A_601 : vector<1x16xf32> to vector<16xf32>
        %get3A_603 = arith.constant 2 : i32
        %get3A_604 = arith.index_cast %get3A_603 : i32 to index
        %get3A_605 = arith.index_cast %add3A_553 : i32 to index
        %get3A_606 = tpu.vector_load %arg8[%get3A_604, %get3A_605] {strides = array<i32>} : memref<8x2048xf32, #tpu.memory_space<vmem>>, vector<1x16xf32>,
        %get3A_607 = vector.shape_cast %get3A_606 : vector<1x16xf32> to vector<16xf32>
        %get3A_608 = arith.constant 2 : i32
        %get3A_609 = arith.index_cast %get3A_608 : i32 to index
        %get3A_610 = arith.index_cast %add3A_553 : i32 to index
        %get3A_611 = tpu.vector_load %arg9[%get3A_609, %get3A_610] {strides = array<i32>} : memref<8x2048xf32, #tpu.memory_space<vmem>>, vector<1x16xf32>,
        %get3A_612 = vector.shape_cast %get3A_611 : vector<1x16xf32> to vector<16xf32>
        %lt3A_613 = arith.cmpf olt, %get3A_607, %broadcast_in_dim3A_37 : vector<16xf32>
        %select_n3A_614 = arith.select %lt3A_613, %get3A_602, %broadcast_in_dim3A_35 : vector<16xi1>, vector<16xf32>
        %sub3A_615 = arith.subf %select_n3A_614, %get3A_171 : vector<16xf32>
        %mul3A_616 = arith.mulf %sub3A_615, %get3A_612 : vector<16xf32>
        %le3A_617 = arith.cmpf ole, %mul3A_616, %broadcast_in_dim3A_41 : vector<16xf32>
        %select_n3A_618 = arith.select %le3A_617, %broadcast_in_dim3A_39, %broadcast_in_dim3A_41 : vector<16xi1>, vector<16xf32>
        %add3A_619 = arith.addf %add3A_441, %select_n3A_618 : vector<16xf32>
        %get3A_620 = arith.constant 3 : i32
        %get3A_621 = arith.index_cast %get3A_620 : i32 to index
        %get3A_622 = arith.index_cast %add3A_553 : i32 to index
        %get3A_623 = tpu.vector_load %arg7[%get3A_621, %get3A_622] {strides = array<i32>} : memref<8x2048xf32, #tpu.memory_space<vmem>>, vector<1x16xf32>,
        %get3A_624 = vector.shape_cast %get3A_623 : vector<1x16xf32> to vector<16xf32>
        %get3A_625 = arith.constant 3 : i32
        %get3A_626 = arith.index_cast %get3A_625 : i32 to index
        %get3A_627 = arith.index_cast %add3A_553 : i32 to index
        %get3A_628 = tpu.vector_load %arg8[%get3A_626, %get3A_627] {strides = array<i32>} : memref<8x2048xf32, #tpu.memory_space<vmem>>, vector<1x16xf32>,
        %get3A_629 = vector.shape_cast %get3A_628 : vector<1x16xf32> to vector<16xf32>
        %get3A_630 = arith.constant 3 : i32
        %get3A_631 = arith.index_cast %get3A_630 : i32 to index
        %get3A_632 = arith.index_cast %add3A_553 : i32 to index
        %get3A_633 = tpu.vector_load %arg9[%get3A_631, %get3A_632] {strides = array<i32>} : memref<8x2048xf32, #tpu.memory_space<vmem>>, vector<1x16xf32>,
        %get3A_634 = vector.shape_cast %get3A_633 : vector<1x16xf32> to vector<16xf32>
        %lt3A_635 = arith.cmpf olt, %get3A_629, %broadcast_in_dim3A_37 : vector<16xf32>
        %select_n3A_636 = arith.select %lt3A_635, %get3A_624, %broadcast_in_dim3A_35 : vector<16xi1>, vector<16xf32>
        %sub3A_637 = arith.subf %select_n3A_636, %get3A_176 : vector<16xf32>
        %mul3A_638 = arith.mulf %sub3A_637, %get3A_634 : vector<16xf32>
        %le3A_639 = arith.cmpf ole, %mul3A_638, %broadcast_in_dim3A_41 : vector<16xf32>
        %select_n3A_640 = arith.select %le3A_639, %broadcast_in_dim3A_39, %broadcast_in_dim3A_41 : vector<16xi1>, vector<16xf32>
        %add3A_641 = arith.addf %add3A_463, %select_n3A_640 : vector<16xf32>
        %get3A_642 = arith.constant 4 : i32
        %get3A_643 = arith.index_cast %get3A_642 : i32 to index
        %get3A_644 = arith.index_cast %add3A_553 : i32 to index
        %get3A_645 = tpu.vector_load %arg7[%get3A_643, %get3A_644] {strides = array<i32>} : memref<8x2048xf32, #tpu.memory_space<vmem>>, vector<1x16xf32>,
        %get3A_646 = vector.shape_cast %get3A_645 : vector<1x16xf32> to vector<16xf32>
        %get3A_647 = arith.constant 4 : i32
        %get3A_648 = arith.index_cast %get3A_647 : i32 to index
        %get3A_649 = arith.index_cast %add3A_553 : i32 to index
        %get3A_650 = tpu.vector_load %arg8[%get3A_648, %get3A_649] {strides = array<i32>} : memref<8x2048xf32, #tpu.memory_space<vmem>>, vector<1x16xf32>,
        %get3A_651 = vector.shape_cast %get3A_650 : vector<1x16xf32> to vector<16xf32>
        %get3A_652 = arith.constant 4 : i32
        %get3A_653 = arith.index_cast %get3A_652 : i32 to index
        %get3A_654 = arith.index_cast %add3A_553 : i32 to index
        %get3A_655 = tpu.vector_load %arg9[%get3A_653, %get3A_654] {strides = array<i32>} : memref<8x2048xf32, #tpu.memory_space<vmem>>, vector<1x16xf32>,
        %get3A_656 = vector.shape_cast %get3A_655 : vector<1x16xf32> to vector<16xf32>
        %lt3A_657 = arith.cmpf olt, %get3A_651, %broadcast_in_dim3A_37 : vector<16xf32>
        %select_n3A_658 = arith.select %lt3A_657, %get3A_646, %broadcast_in_dim3A_35 : vector<16xi1>, vector<16xf32>
        %sub3A_659 = arith.subf %select_n3A_658, %get3A_181 : vector<16xf32>
        %mul3A_660 = arith.mulf %sub3A_659, %get3A_656 : vector<16xf32>
        %le3A_661 = arith.cmpf ole, %mul3A_660, %broadcast_in_dim3A_41 : vector<16xf32>
        %select_n3A_662 = arith.select %le3A_661, %broadcast_in_dim3A_39, %broadcast_in_dim3A_41 : vector<16xi1>, vector<16xf32>
        %add3A_663 = arith.addf %add3A_485, %select_n3A_662 : vector<16xf32>
        %get3A_664 = arith.constant 5 : i32
        %get3A_665 = arith.index_cast %get3A_664 : i32 to index
        %get3A_666 = arith.index_cast %add3A_553 : i32 to index
        %get3A_667 = tpu.vector_load %arg7[%get3A_665, %get3A_666] {strides = array<i32>} : memref<8x2048xf32, #tpu.memory_space<vmem>>, vector<1x16xf32>,
        %get3A_668 = vector.shape_cast %get3A_667 : vector<1x16xf32> to vector<16xf32>
        %get3A_669 = arith.constant 5 : i32
        %get3A_670 = arith.index_cast %get3A_669 : i32 to index
        %get3A_671 = arith.index_cast %add3A_553 : i32 to index
        %get3A_672 = tpu.vector_load %arg8[%get3A_670, %get3A_671] {strides = array<i32>} : memref<8x2048xf32, #tpu.memory_space<vmem>>, vector<1x16xf32>,
        %get3A_673 = vector.shape_cast %get3A_672 : vector<1x16xf32> to vector<16xf32>
        %get3A_674 = arith.constant 5 : i32
        %get3A_675 = arith.index_cast %get3A_674 : i32 to index
        %get3A_676 = arith.index_cast %add3A_553 : i32 to index
        %get3A_677 = tpu.vector_load %arg9[%get3A_675, %get3A_676] {strides = array<i32>} : memref<8x2048xf32, #tpu.memory_space<vmem>>, vector<1x16xf32>,
        %get3A_678 = vector.shape_cast %get3A_677 : vector<1x16xf32> to vector<16xf32>
        %lt3A_679 = arith.cmpf olt, %get3A_673, %broadcast_in_dim3A_37 : vector<16xf32>
        %select_n3A_680 = arith.select %lt3A_679, %get3A_668, %broadcast_in_dim3A_35 : vector<16xi1>, vector<16xf32>
        %sub3A_681 = arith.subf %select_n3A_680, %get3A_186 : vector<16xf32>
        %mul3A_682 = arith.mulf %sub3A_681, %get3A_678 : vector<16xf32>
        %le3A_683 = arith.cmpf ole, %mul3A_682, %broadcast_in_dim3A_41 : vector<16xf32>
        %select_n3A_684 = arith.select %le3A_683, %broadcast_in_dim3A_39, %broadcast_in_dim3A_41 : vector<16xi1>, vector<16xf32>
        %add3A_685 = arith.addf %add3A_507, %select_n3A_684 : vector<16xf32>
        %get3A_686 = arith.constant 6 : i32
        %get3A_687 = arith.index_cast %get3A_686 : i32 to index
        %get3A_688 = arith.index_cast %add3A_553 : i32 to index
        %get3A_689 = tpu.vector_load %arg7[%get3A_687, %get3A_688] {strides = array<i32>} : memref<8x2048xf32, #tpu.memory_space<vmem>>, vector<1x16xf32>,
        %get3A_690 = vector.shape_cast %get3A_689 : vector<1x16xf32> to vector<16xf32>
        %get3A_691 = arith.constant 6 : i32
        %get3A_692 = arith.index_cast %get3A_691 : i32 to index
        %get3A_693 = arith.index_cast %add3A_553 : i32 to index
        %get3A_694 = tpu.vector_load %arg8[%get3A_692, %get3A_693] {strides = array<i32>} : memref<8x2048xf32, #tpu.memory_space<vmem>>, vector<1x16xf32>,
        %get3A_695 = vector.shape_cast %get3A_694 : vector<1x16xf32> to vector<16xf32>
        %get3A_696 = arith.constant 6 : i32
        %get3A_697 = arith.index_cast %get3A_696 : i32 to index
        %get3A_698 = arith.index_cast %add3A_553 : i32 to index
        %get3A_699 = tpu.vector_load %arg9[%get3A_697, %get3A_698] {strides = array<i32>} : memref<8x2048xf32, #tpu.memory_space<vmem>>, vector<1x16xf32>,
        %get3A_700 = vector.shape_cast %get3A_699 : vector<1x16xf32> to vector<16xf32>
        %lt3A_701 = arith.cmpf olt, %get3A_695, %broadcast_in_dim3A_37 : vector<16xf32>
        %select_n3A_702 = arith.select %lt3A_701, %get3A_690, %broadcast_in_dim3A_35 : vector<16xi1>, vector<16xf32>
        %sub3A_703 = arith.subf %select_n3A_702, %get3A_191 : vector<16xf32>
        %mul3A_704 = arith.mulf %sub3A_703, %get3A_700 : vector<16xf32>
        %le3A_705 = arith.cmpf ole, %mul3A_704, %broadcast_in_dim3A_41 : vector<16xf32>
        %select_n3A_706 = arith.select %le3A_705, %broadcast_in_dim3A_39, %broadcast_in_dim3A_41 : vector<16xi1>, vector<16xf32>
        %add3A_707 = arith.addf %add3A_529, %select_n3A_706 : vector<16xf32>
        %get3A_708 = arith.constant 7 : i32
        %get3A_709 = arith.index_cast %get3A_708 : i32 to index
        %get3A_710 = arith.index_cast %add3A_553 : i32 to index
        %get3A_711 = tpu.vector_load %arg7[%get3A_709, %get3A_710] {strides = array<i32>} : memref<8x2048xf32, #tpu.memory_space<vmem>>, vector<1x16xf32>,
        %get3A_712 = vector.shape_cast %get3A_711 : vector<1x16xf32> to vector<16xf32>
        %get3A_713 = arith.constant 7 : i32
        %get3A_714 = arith.index_cast %get3A_713 : i32 to index
        %get3A_715 = arith.index_cast %add3A_553 : i32 to index
        %get3A_716 = tpu.vector_load %arg8[%get3A_714, %get3A_715] {strides = array<i32>} : memref<8x2048xf32, #tpu.memory_space<vmem>>, vector<1x16xf32>,
        %get3A_717 = vector.shape_cast %get3A_716 : vector<1x16xf32> to vector<16xf32>
        %get3A_718 = arith.constant 7 : i32
        %get3A_719 = arith.index_cast %get3A_718 : i32 to index
        %get3A_720 = arith.index_cast %add3A_553 : i32 to index
        %get3A_721 = tpu.vector_load %arg9[%get3A_719, %get3A_720] {strides = array<i32>} : memref<8x2048xf32, #tpu.memory_space<vmem>>, vector<1x16xf32>,
        %get3A_722 = vector.shape_cast %get3A_721 : vector<1x16xf32> to vector<16xf32>
        %lt3A_723 = arith.cmpf olt, %get3A_717, %broadcast_in_dim3A_37 : vector<16xf32>
        %select_n3A_724 = arith.select %lt3A_723, %get3A_712, %broadcast_in_dim3A_35 : vector<16xi1>, vector<16xf32>
        %sub3A_725 = arith.subf %select_n3A_724, %get3A_196 : vector<16xf32>
        %mul3A_726 = arith.mulf %sub3A_725, %get3A_722 : vector<16xf32>
        %le3A_727 = arith.cmpf ole, %mul3A_726, %broadcast_in_dim3A_41 : vector<16xf32>
        %select_n3A_728 = arith.select %le3A_727, %broadcast_in_dim3A_39, %broadcast_in_dim3A_41 : vector<16xi1>, vector<16xf32>
        %add3A_729 = arith.addf %add3A_551, %select_n3A_728 : vector<16xf32>
        %add3A_730 = arith.constant 768 : i32
        %add3A_731 = arith.addi %add3A_730, %add3A_117 : i32
        %get3A_732 = arith.constant 0 : i32
        %get3A_733 = arith.index_cast %get3A_732 : i32 to index
        %get3A_734 = arith.index_cast %add3A_731 : i32 to index
        %get3A_735 = tpu.vector_load %arg7[%get3A_733, %get3A_734] {strides = array<i32>} : memref<8x2048xf32, #tpu.memory_space<vmem>>, vector<1x16xf32>,
        %get3A_736 = vector.shape_cast %get3A_735 : vector<1x16xf32> to vector<16xf32>
        %get3A_737 = arith.constant 0 : i32
        %get3A_738 = arith.index_cast %get3A_737 : i32 to index
        %get3A_739 = arith.index_cast %add3A_731 : i32 to index
        %get3A_740 = tpu.vector_load %arg8[%get3A_738, %get3A_739] {strides = array<i32>} : memref<8x2048xf32, #tpu.memory_space<vmem>>, vector<1x16xf32>,
        %get3A_741 = vector.shape_cast %get3A_740 : vector<1x16xf32> to vector<16xf32>
        %get3A_742 = arith.constant 0 : i32
        %get3A_743 = arith.index_cast %get3A_742 : i32 to index
        %get3A_744 = arith.index_cast %add3A_731 : i32 to index
        %get3A_745 = tpu.vector_load %arg9[%get3A_743, %get3A_744] {strides = array<i32>} : memref<8x2048xf32, #tpu.memory_space<vmem>>, vector<1x16xf32>,
        %get3A_746 = vector.shape_cast %get3A_745 : vector<1x16xf32> to vector<16xf32>
        %lt3A_747 = arith.cmpf olt, %get3A_741, %broadcast_in_dim3A_37 : vector<16xf32>
        %select_n3A_748 = arith.select %lt3A_747, %get3A_736, %broadcast_in_dim3A_35 : vector<16xi1>, vector<16xf32>
        %sub3A_749 = arith.subf %select_n3A_748, %get3A_161 : vector<16xf32>
        %mul3A_750 = arith.mulf %sub3A_749, %get3A_746 : vector<16xf32>
        %le3A_751 = arith.cmpf ole, %mul3A_750, %broadcast_in_dim3A_41 : vector<16xf32>
        %select_n3A_752 = arith.select %le3A_751, %broadcast_in_dim3A_39, %broadcast_in_dim3A_41 : vector<16xi1>, vector<16xf32>
        %add3A_753 = arith.addf %add3A_575, %select_n3A_752 : vector<16xf32>
        %get3A_754 = arith.constant 1 : i32
        %get3A_755 = arith.index_cast %get3A_754 : i32 to index
        %get3A_756 = arith.index_cast %add3A_731 : i32 to index
        %get3A_757 = tpu.vector_load %arg7[%get3A_755, %get3A_756] {strides = array<i32>} : memref<8x2048xf32, #tpu.memory_space<vmem>>, vector<1x16xf32>,
        %get3A_758 = vector.shape_cast %get3A_757 : vector<1x16xf32> to vector<16xf32>
        %get3A_759 = arith.constant 1 : i32
        %get3A_760 = arith.index_cast %get3A_759 : i32 to index
        %get3A_761 = arith.index_cast %add3A_731 : i32 to index
        %get3A_762 = tpu.vector_load %arg8[%get3A_760, %get3A_761] {strides = array<i32>} : memref<8x2048xf32, #tpu.memory_space<vmem>>, vector<1x16xf32>,
        %get3A_763 = vector.shape_cast %get3A_762 : vector<1x16xf32> to vector<16xf32>
        %get3A_764 = arith.constant 1 : i32
        %get3A_765 = arith.index_cast %get3A_764 : i32 to index
        %get3A_766 = arith.index_cast %add3A_731 : i32 to index
        %get3A_767 = tpu.vector_load %arg9[%get3A_765, %get3A_766] {strides = array<i32>} : memref<8x2048xf32, #tpu.memory_space<vmem>>, vector<1x16xf32>,
        %get3A_768 = vector.shape_cast %get3A_767 : vector<1x16xf32> to vector<16xf32>
        %lt3A_769 = arith.cmpf olt, %get3A_763, %broadcast_in_dim3A_37 : vector<16xf32>
        %select_n3A_770 = arith.select %lt3A_769, %get3A_758, %broadcast_in_dim3A_35 : vector<16xi1>, vector<16xf32>
        %sub3A_771 = arith.subf %select_n3A_770, %get3A_166 : vector<16xf32>
        %mul3A_772 = arith.mulf %sub3A_771, %get3A_768 : vector<16xf32>
        %le3A_773 = arith.cmpf ole, %mul3A_772, %broadcast_in_dim3A_41 : vector<16xf32>
        %select_n3A_774 = arith.select %le3A_773, %broadcast_in_dim3A_39, %broadcast_in_dim3A_41 : vector<16xi1>, vector<16xf32>
        %add3A_775 = arith.addf %add3A_597, %select_n3A_774 : vector<16xf32>
        %get3A_776 = arith.constant 2 : i32
        %get3A_777 = arith.index_cast %get3A_776 : i32 to index
        %get3A_778 = arith.index_cast %add3A_731 : i32 to index
        %get3A_779 = tpu.vector_load %arg7[%get3A_777, %get3A_778] {strides = array<i32>} : memref<8x2048xf32, #tpu.memory_space<vmem>>, vector<1x16xf32>,
        %get3A_780 = vector.shape_cast %get3A_779 : vector<1x16xf32> to vector<16xf32>
        %get3A_781 = arith.constant 2 : i32
        %get3A_782 = arith.index_cast %get3A_781 : i32 to index
        %get3A_783 = arith.index_cast %add3A_731 : i32 to index
        %get3A_784 = tpu.vector_load %arg8[%get3A_782, %get3A_783] {strides = array<i32>} : memref<8x2048xf32, #tpu.memory_space<vmem>>, vector<1x16xf32>,
        %get3A_785 = vector.shape_cast %get3A_784 : vector<1x16xf32> to vector<16xf32>
        %get3A_786 = arith.constant 2 : i32
        %get3A_787 = arith.index_cast %get3A_786 : i32 to index
        %get3A_788 = arith.index_cast %add3A_731 : i32 to index
        %get3A_789 = tpu.vector_load %arg9[%get3A_787, %get3A_788] {strides = array<i32>} : memref<8x2048xf32, #tpu.memory_space<vmem>>, vector<1x16xf32>,
        %get3A_790 = vector.shape_cast %get3A_789 : vector<1x16xf32> to vector<16xf32>
        %lt3A_791 = arith.cmpf olt, %get3A_785, %broadcast_in_dim3A_37 : vector<16xf32>
        %select_n3A_792 = arith.select %lt3A_791, %get3A_780, %broadcast_in_dim3A_35 : vector<16xi1>, vector<16xf32>
        %sub3A_793 = arith.subf %select_n3A_792, %get3A_171 : vector<16xf32>
        %mul3A_794 = arith.mulf %sub3A_793, %get3A_790 : vector<16xf32>
        %le3A_795 = arith.cmpf ole, %mul3A_794, %broadcast_in_dim3A_41 : vector<16xf32>
        %select_n3A_796 = arith.select %le3A_795, %broadcast_in_dim3A_39, %broadcast_in_dim3A_41 : vector<16xi1>, vector<16xf32>
        %add3A_797 = arith.addf %add3A_619, %select_n3A_796 : vector<16xf32>
        %get3A_798 = arith.constant 3 : i32
        %get3A_799 = arith.index_cast %get3A_798 : i32 to index
        %get3A_800 = arith.index_cast %add3A_731 : i32 to index
        %get3A_801 = tpu.vector_load %arg7[%get3A_799, %get3A_800] {strides = array<i32>} : memref<8x2048xf32, #tpu.memory_space<vmem>>, vector<1x16xf32>,
        %get3A_802 = vector.shape_cast %get3A_801 : vector<1x16xf32> to vector<16xf32>
        %get3A_803 = arith.constant 3 : i32
        %get3A_804 = arith.index_cast %get3A_803 : i32 to index
        %get3A_805 = arith.index_cast %add3A_731 : i32 to index
        %get3A_806 = tpu.vector_load %arg8[%get3A_804, %get3A_805] {strides = array<i32>} : memref<8x2048xf32, #tpu.memory_space<vmem>>, vector<1x16xf32>,
        %get3A_807 = vector.shape_cast %get3A_806 : vector<1x16xf32> to vector<16xf32>
        %get3A_808 = arith.constant 3 : i32
        %get3A_809 = arith.index_cast %get3A_808 : i32 to index
        %get3A_810 = arith.index_cast %add3A_731 : i32 to index
        %get3A_811 = tpu.vector_load %arg9[%get3A_809, %get3A_810] {strides = array<i32>} : memref<8x2048xf32, #tpu.memory_space<vmem>>, vector<1x16xf32>,
        %get3A_812 = vector.shape_cast %get3A_811 : vector<1x16xf32> to vector<16xf32>
        %lt3A_813 = arith.cmpf olt, %get3A_807, %broadcast_in_dim3A_37 : vector<16xf32>
        %select_n3A_814 = arith.select %lt3A_813, %get3A_802, %broadcast_in_dim3A_35 : vector<16xi1>, vector<16xf32>
        %sub3A_815 = arith.subf %select_n3A_814, %get3A_176 : vector<16xf32>
        %mul3A_816 = arith.mulf %sub3A_815, %get3A_812 : vector<16xf32>
        %le3A_817 = arith.cmpf ole, %mul3A_816, %broadcast_in_dim3A_41 : vector<16xf32>
        %select_n3A_818 = arith.select %le3A_817, %broadcast_in_dim3A_39, %broadcast_in_dim3A_41 : vector<16xi1>, vector<16xf32>
        %add3A_819 = arith.addf %add3A_641, %select_n3A_818 : vector<16xf32>
        %get3A_820 = arith.constant 4 : i32
        %get3A_821 = arith.index_cast %get3A_820 : i32 to index
        %get3A_822 = arith.index_cast %add3A_731 : i32 to index
        %get3A_823 = tpu.vector_load %arg7[%get3A_821, %get3A_822] {strides = array<i32>} : memref<8x2048xf32, #tpu.memory_space<vmem>>, vector<1x16xf32>,
        %get3A_824 = vector.shape_cast %get3A_823 : vector<1x16xf32> to vector<16xf32>
        %get3A_825 = arith.constant 4 : i32
        %get3A_826 = arith.index_cast %get3A_825 : i32 to index
        %get3A_827 = arith.index_cast %add3A_731 : i32 to index
        %get3A_828 = tpu.vector_load %arg8[%get3A_826, %get3A_827] {strides = array<i32>} : memref<8x2048xf32, #tpu.memory_space<vmem>>, vector<1x16xf32>,
        %get3A_829 = vector.shape_cast %get3A_828 : vector<1x16xf32> to vector<16xf32>
        %get3A_830 = arith.constant 4 : i32
        %get3A_831 = arith.index_cast %get3A_830 : i32 to index
        %get3A_832 = arith.index_cast %add3A_731 : i32 to index
        %get3A_833 = tpu.vector_load %arg9[%get3A_831, %get3A_832] {strides = array<i32>} : memref<8x2048xf32, #tpu.memory_space<vmem>>, vector<1x16xf32>,
        %get3A_834 = vector.shape_cast %get3A_833 : vector<1x16xf32> to vector<16xf32>
        %lt3A_835 = arith.cmpf olt, %get3A_829, %broadcast_in_dim3A_37 : vector<16xf32>
        %select_n3A_836 = arith.select %lt3A_835, %get3A_824, %broadcast_in_dim3A_35 : vector<16xi1>, vector<16xf32>
        %sub3A_837 = arith.subf %select_n3A_836, %get3A_181 : vector<16xf32>
        %mul3A_838 = arith.mulf %sub3A_837, %get3A_834 : vector<16xf32>
        %le3A_839 = arith.cmpf ole, %mul3A_838, %broadcast_in_dim3A_41 : vector<16xf32>
        %select_n3A_840 = arith.select %le3A_839, %broadcast_in_dim3A_39, %broadcast_in_dim3A_41 : vector<16xi1>, vector<16xf32>
        %add3A_841 = arith.addf %add3A_663, %select_n3A_840 : vector<16xf32>
        %get3A_842 = arith.constant 5 : i32
        %get3A_843 = arith.index_cast %get3A_842 : i32 to index
        %get3A_844 = arith.index_cast %add3A_731 : i32 to index
        %get3A_845 = tpu.vector_load %arg7[%get3A_843, %get3A_844] {strides = array<i32>} : memref<8x2048xf32, #tpu.memory_space<vmem>>, vector<1x16xf32>,
        %get3A_846 = vector.shape_cast %get3A_845 : vector<1x16xf32> to vector<16xf32>
        %get3A_847 = arith.constant 5 : i32
        %get3A_848 = arith.index_cast %get3A_847 : i32 to index
        %get3A_849 = arith.index_cast %add3A_731 : i32 to index
        %get3A_850 = tpu.vector_load %arg8[%get3A_848, %get3A_849] {strides = array<i32>} : memref<8x2048xf32, #tpu.memory_space<vmem>>, vector<1x16xf32>,
        %get3A_851 = vector.shape_cast %get3A_850 : vector<1x16xf32> to vector<16xf32>
        %get3A_852 = arith.constant 5 : i32
        %get3A_853 = arith.index_cast %get3A_852 : i32 to index
        %get3A_854 = arith.index_cast %add3A_731 : i32 to index
        %get3A_855 = tpu.vector_load %arg9[%get3A_853, %get3A_854] {strides = array<i32>} : memref<8x2048xf32, #tpu.memory_space<vmem>>, vector<1x16xf32>,
        %get3A_856 = vector.shape_cast %get3A_855 : vector<1x16xf32> to vector<16xf32>
        %lt3A_857 = arith.cmpf olt, %get3A_851, %broadcast_in_dim3A_37 : vector<16xf32>
        %select_n3A_858 = arith.select %lt3A_857, %get3A_846, %broadcast_in_dim3A_35 : vector<16xi1>, vector<16xf32>
        %sub3A_859 = arith.subf %select_n3A_858, %get3A_186 : vector<16xf32>
        %mul3A_860 = arith.mulf %sub3A_859, %get3A_856 : vector<16xf32>
        %le3A_861 = arith.cmpf ole, %mul3A_860, %broadcast_in_dim3A_41 : vector<16xf32>
        %select_n3A_862 = arith.select %le3A_861, %broadcast_in_dim3A_39, %broadcast_in_dim3A_41 : vector<16xi1>, vector<16xf32>
        %add3A_863 = arith.addf %add3A_685, %select_n3A_862 : vector<16xf32>
        %get3A_864 = arith.constant 6 : i32
        %get3A_865 = arith.index_cast %get3A_864 : i32 to index
        %get3A_866 = arith.index_cast %add3A_731 : i32 to index
        %get3A_867 = tpu.vector_load %arg7[%get3A_865, %get3A_866] {strides = array<i32>} : memref<8x2048xf32, #tpu.memory_space<vmem>>, vector<1x16xf32>,
        %get3A_868 = vector.shape_cast %get3A_867 : vector<1x16xf32> to vector<16xf32>
        %get3A_869 = arith.constant 6 : i32
        %get3A_870 = arith.index_cast %get3A_869 : i32 to index
        %get3A_871 = arith.index_cast %add3A_731 : i32 to index
        %get3A_872 = tpu.vector_load %arg8[%get3A_870, %get3A_871] {strides = array<i32>} : memref<8x2048xf32, #tpu.memory_space<vmem>>, vector<1x16xf32>,
        %get3A_873 = vector.shape_cast %get3A_872 : vector<1x16xf32> to vector<16xf32>
        %get3A_874 = arith.constant 6 : i32
        %get3A_875 = arith.index_cast %get3A_874 : i32 to index
        %get3A_876 = arith.index_cast %add3A_731 : i32 to index
        %get3A_877 = tpu.vector_load %arg9[%get3A_875, %get3A_876] {strides = array<i32>} : memref<8x2048xf32, #tpu.memory_space<vmem>>, vector<1x16xf32>,
        %get3A_878 = vector.shape_cast %get3A_877 : vector<1x16xf32> to vector<16xf32>
        %lt3A_879 = arith.cmpf olt, %get3A_873, %broadcast_in_dim3A_37 : vector<16xf32>
        %select_n3A_880 = arith.select %lt3A_879, %get3A_868, %broadcast_in_dim3A_35 : vector<16xi1>, vector<16xf32>
        %sub3A_881 = arith.subf %select_n3A_880, %get3A_191 : vector<16xf32>
        %mul3A_882 = arith.mulf %sub3A_881, %get3A_878 : vector<16xf32>
        %le3A_883 = arith.cmpf ole, %mul3A_882, %broadcast_in_dim3A_41 : vector<16xf32>
        %select_n3A_884 = arith.select %le3A_883, %broadcast_in_dim3A_39, %broadcast_in_dim3A_41 : vector<16xi1>, vector<16xf32>
        %add3A_885 = arith.addf %add3A_707, %select_n3A_884 : vector<16xf32>
        %get3A_886 = arith.constant 7 : i32
        %get3A_887 = arith.index_cast %get3A_886 : i32 to index
        %get3A_888 = arith.index_cast %add3A_731 : i32 to index
        %get3A_889 = tpu.vector_load %arg7[%get3A_887, %get3A_888] {strides = array<i32>} : memref<8x2048xf32, #tpu.memory_space<vmem>>, vector<1x16xf32>,
        %get3A_890 = vector.shape_cast %get3A_889 : vector<1x16xf32> to vector<16xf32>
        %get3A_891 = arith.constant 7 : i32
        %get3A_892 = arith.index_cast %get3A_891 : i32 to index
        %get3A_893 = arith.index_cast %add3A_731 : i32 to index
        %get3A_894 = tpu.vector_load %arg8[%get3A_892, %get3A_893] {strides = array<i32>} : memref<8x2048xf32, #tpu.memory_space<vmem>>, vector<1x16xf32>,
        %get3A_895 = vector.shape_cast %get3A_894 : vector<1x16xf32> to vector<16xf32>
        %get3A_896 = arith.constant 7 : i32
        %get3A_897 = arith.index_cast %get3A_896 : i32 to index
        %get3A_898 = arith.index_cast %add3A_731 : i32 to index
        %get3A_899 = tpu.vector_load %arg9[%get3A_897, %get3A_898] {strides = array<i32>} : memref<8x2048xf32, #tpu.memory_space<vmem>>, vector<1x16xf32>,
        %get3A_900 = vector.shape_cast %get3A_899 : vector<1x16xf32> to vector<16xf32>
        %lt3A_901 = arith.cmpf olt, %get3A_895, %broadcast_in_dim3A_37 : vector<16xf32>
        %select_n3A_902 = arith.select %lt3A_901, %get3A_890, %broadcast_in_dim3A_35 : vector<16xi1>, vector<16xf32>
        %sub3A_903 = arith.subf %select_n3A_902, %get3A_196 : vector<16xf32>
        %mul3A_904 = arith.mulf %sub3A_903, %get3A_900 : vector<16xf32>
        %le3A_905 = arith.cmpf ole, %mul3A_904, %broadcast_in_dim3A_41 : vector<16xf32>
        %select_n3A_906 = arith.select %le3A_905, %broadcast_in_dim3A_39, %broadcast_in_dim3A_41 : vector<16xi1>, vector<16xf32>
        %add3A_907 = arith.addf %add3A_729, %select_n3A_906 : vector<16xf32>
        %add3A_908 = arith.constant 1024 : i32
        %add3A_909 = arith.addi %add3A_908, %add3A_117 : i32
        %get3A_910 = arith.constant 0 : i32
        %get3A_911 = arith.index_cast %get3A_910 : i32 to index
        %get3A_912 = arith.index_cast %add3A_909 : i32 to index
        %get3A_913 = tpu.vector_load %arg7[%get3A_911, %get3A_912] {strides = array<i32>} : memref<8x2048xf32, #tpu.memory_space<vmem>>, vector<1x16xf32>,
        %get3A_914 = vector.shape_cast %get3A_913 : vector<1x16xf32> to vector<16xf32>
        %get3A_915 = arith.constant 0 : i32
        %get3A_916 = arith.index_cast %get3A_915 : i32 to index
        %get3A_917 = arith.index_cast %add3A_909 : i32 to index
        %get3A_918 = tpu.vector_load %arg8[%get3A_916, %get3A_917] {strides = array<i32>} : memref<8x2048xf32, #tpu.memory_space<vmem>>, vector<1x16xf32>,
        %get3A_919 = vector.shape_cast %get3A_918 : vector<1x16xf32> to vector<16xf32>
        %get3A_920 = arith.constant 0 : i32
        %get3A_921 = arith.index_cast %get3A_920 : i32 to index
        %get3A_922 = arith.index_cast %add3A_909 : i32 to index
        %get3A_923 = tpu.vector_load %arg9[%get3A_921, %get3A_922] {strides = array<i32>} : memref<8x2048xf32, #tpu.memory_space<vmem>>, vector<1x16xf32>,
        %get3A_924 = vector.shape_cast %get3A_923 : vector<1x16xf32> to vector<16xf32>
        %lt3A_925 = arith.cmpf olt, %get3A_919, %broadcast_in_dim3A_37 : vector<16xf32>
        %select_n3A_926 = arith.select %lt3A_925, %get3A_914, %broadcast_in_dim3A_35 : vector<16xi1>, vector<16xf32>
        %sub3A_927 = arith.subf %select_n3A_926, %get3A_161 : vector<16xf32>
        %mul3A_928 = arith.mulf %sub3A_927, %get3A_924 : vector<16xf32>
        %le3A_929 = arith.cmpf ole, %mul3A_928, %broadcast_in_dim3A_41 : vector<16xf32>
        %select_n3A_930 = arith.select %le3A_929, %broadcast_in_dim3A_39, %broadcast_in_dim3A_41 : vector<16xi1>, vector<16xf32>
        %add3A_931 = arith.addf %add3A_753, %select_n3A_930 : vector<16xf32>
        %get3A_932 = arith.constant 1 : i32
        %get3A_933 = arith.index_cast %get3A_932 : i32 to index
        %get3A_934 = arith.index_cast %add3A_909 : i32 to index
        %get3A_935 = tpu.vector_load %arg7[%get3A_933, %get3A_934] {strides = array<i32>} : memref<8x2048xf32, #tpu.memory_space<vmem>>, vector<1x16xf32>,
        %get3A_936 = vector.shape_cast %get3A_935 : vector<1x16xf32> to vector<16xf32>
        %get3A_937 = arith.constant 1 : i32
        %get3A_938 = arith.index_cast %get3A_937 : i32 to index
        %get3A_939 = arith.index_cast %add3A_909 : i32 to index
        %get3A_940 = tpu.vector_load %arg8[%get3A_938, %get3A_939] {strides = array<i32>} : memref<8x2048xf32, #tpu.memory_space<vmem>>, vector<1x16xf32>,
        %get3A_941 = vector.shape_cast %get3A_940 : vector<1x16xf32> to vector<16xf32>
        %get3A_942 = arith.constant 1 : i32
        %get3A_943 = arith.index_cast %get3A_942 : i32 to index
        %get3A_944 = arith.index_cast %add3A_909 : i32 to index
        %get3A_945 = tpu.vector_load %arg9[%get3A_943, %get3A_944] {strides = array<i32>} : memref<8x2048xf32, #tpu.memory_space<vmem>>, vector<1x16xf32>,
        %get3A_946 = vector.shape_cast %get3A_945 : vector<1x16xf32> to vector<16xf32>
        %lt3A_947 = arith.cmpf olt, %get3A_941, %broadcast_in_dim3A_37 : vector<16xf32>
        %select_n3A_948 = arith.select %lt3A_947, %get3A_936, %broadcast_in_dim3A_35 : vector<16xi1>, vector<16xf32>
        %sub3A_949 = arith.subf %select_n3A_948, %get3A_166 : vector<16xf32>
        %mul3A_950 = arith.mulf %sub3A_949, %get3A_946 : vector<16xf32>
        %le3A_951 = arith.cmpf ole, %mul3A_950, %broadcast_in_dim3A_41 : vector<16xf32>
        %select_n3A_952 = arith.select %le3A_951, %broadcast_in_dim3A_39, %broadcast_in_dim3A_41 : vector<16xi1>, vector<16xf32>
        %add3A_953 = arith.addf %add3A_775, %select_n3A_952 : vector<16xf32>
        %get3A_954 = arith.constant 2 : i32
        %get3A_955 = arith.index_cast %get3A_954 : i32 to index
        %get3A_956 = arith.index_cast %add3A_909 : i32 to index
        %get3A_957 = tpu.vector_load %arg7[%get3A_955, %get3A_956] {strides = array<i32>} : memref<8x2048xf32, #tpu.memory_space<vmem>>, vector<1x16xf32>,
        %get3A_958 = vector.shape_cast %get3A_957 : vector<1x16xf32> to vector<16xf32>
        %get3A_959 = arith.constant 2 : i32
        %get3A_960 = arith.index_cast %get3A_959 : i32 to index
        %get3A_961 = arith.index_cast %add3A_909 : i32 to index
        %get3A_962 = tpu.vector_load %arg8[%get3A_960, %get3A_961] {strides = array<i32>} : memref<8x2048xf32, #tpu.memory_space<vmem>>, vector<1x16xf32>,
        %get3A_963 = vector.shape_cast %get3A_962 : vector<1x16xf32> to vector<16xf32>
        %get3A_964 = arith.constant 2 : i32
        %get3A_965 = arith.index_cast %get3A_964 : i32 to index
        %get3A_966 = arith.index_cast %add3A_909 : i32 to index
        %get3A_967 = tpu.vector_load %arg9[%get3A_965, %get3A_966] {strides = array<i32>} : memref<8x2048xf32, #tpu.memory_space<vmem>>, vector<1x16xf32>,
        %get3A_968 = vector.shape_cast %get3A_967 : vector<1x16xf32> to vector<16xf32>
        %lt3A_969 = arith.cmpf olt, %get3A_963, %broadcast_in_dim3A_37 : vector<16xf32>
        %select_n3A_970 = arith.select %lt3A_969, %get3A_958, %broadcast_in_dim3A_35 : vector<16xi1>, vector<16xf32>
        %sub3A_971 = arith.subf %select_n3A_970, %get3A_171 : vector<16xf32>
        %mul3A_972 = arith.mulf %sub3A_971, %get3A_968 : vector<16xf32>
        %le3A_973 = arith.cmpf ole, %mul3A_972, %broadcast_in_dim3A_41 : vector<16xf32>
        %select_n3A_974 = arith.select %le3A_973, %broadcast_in_dim3A_39, %broadcast_in_dim3A_41 : vector<16xi1>, vector<16xf32>
        %add3A_975 = arith.addf %add3A_797, %select_n3A_974 : vector<16xf32>
        %get3A_976 = arith.constant 3 : i32
        %get3A_977 = arith.index_cast %get3A_976 : i32 to index
        %get3A_978 = arith.index_cast %add3A_909 : i32 to index
        %get3A_979 = tpu.vector_load %arg7[%get3A_977, %get3A_978] {strides = array<i32>} : memref<8x2048xf32, #tpu.memory_space<vmem>>, vector<1x16xf32>,
        %get3A_980 = vector.shape_cast %get3A_979 : vector<1x16xf32> to vector<16xf32>
        %get3A_981 = arith.constant 3 : i32
        %get3A_982 = arith.index_cast %get3A_981 : i32 to index
        %get3A_983 = arith.index_cast %add3A_909 : i32 to index
        %get3A_984 = tpu.vector_load %arg8[%get3A_982, %get3A_983] {strides = array<i32>} : memref<8x2048xf32, #tpu.memory_space<vmem>>, vector<1x16xf32>,
        %get3A_985 = vector.shape_cast %get3A_984 : vector<1x16xf32> to vector<16xf32>
        %get3A_986 = arith.constant 3 : i32
        %get3A_987 = arith.index_cast %get3A_986 : i32 to index
        %get3A_988 = arith.index_cast %add3A_909 : i32 to index
        %get3A_989 = tpu.vector_load %arg9[%get3A_987, %get3A_988] {strides = array<i32>} : memref<8x2048xf32, #tpu.memory_space<vmem>>, vector<1x16xf32>,
        %get3A_990 = vector.shape_cast %get3A_989 : vector<1x16xf32> to vector<16xf32>
        %lt3A_991 = arith.cmpf olt, %get3A_985, %broadcast_in_dim3A_37 : vector<16xf32>
        %select_n3A_992 = arith.select %lt3A_991, %get3A_980, %broadcast_in_dim3A_35 : vector<16xi1>, vector<16xf32>
        %sub3A_993 = arith.subf %select_n3A_992, %get3A_176 : vector<16xf32>
        %mul3A_994 = arith.mulf %sub3A_993, %get3A_990 : vector<16xf32>
        %le3A_995 = arith.cmpf ole, %mul3A_994, %broadcast_in_dim3A_41 : vector<16xf32>
        %select_n3A_996 = arith.select %le3A_995, %broadcast_in_dim3A_39, %broadcast_in_dim3A_41 : vector<16xi1>, vector<16xf32>
        %add3A_997 = arith.addf %add3A_819, %select_n3A_996 : vector<16xf32>
        %get3A_998 = arith.constant 4 : i32
        %get3A_999 = arith.index_cast %get3A_998 : i32 to index
        %get3A_1000 = arith.index_cast %add3A_909 : i32 to index
        %get3A_1001 = tpu.vector_load %arg7[%get3A_999, %get3A_1000] {strides = array<i32>} : memref<8x2048xf32, #tpu.memory_space<vmem>>, vector<1x16xf32>,
        %get3A_1002 = vector.shape_cast %get3A_1001 : vector<1x16xf32> to vector<16xf32>
        %get3A_1003 = arith.constant 4 : i32
        %get3A_1004 = arith.index_cast %get3A_1003 : i32 to index
        %get3A_1005 = arith.index_cast %add3A_909 : i32 to index
        %get3A_1006 = tpu.vector_load %arg8[%get3A_1004, %get3A_1005] {strides = array<i32>} : memref<8x2048xf32, #tpu.memory_space<vmem>>, vector<1x16xf32>,
        %get3A_1007 = vector.shape_cast %get3A_1006 : vector<1x16xf32> to vector<16xf32>
        %get3A_1008 = arith.constant 4 : i32
        %get3A_1009 = arith.index_cast %get3A_1008 : i32 to index
        %get3A_1010 = arith.index_cast %add3A_909 : i32 to index
        %get3A_1011 = tpu.vector_load %arg9[%get3A_1009, %get3A_1010] {strides = array<i32>} : memref<8x2048xf32, #tpu.memory_space<vmem>>, vector<1x16xf32>,
        %get3A_1012 = vector.shape_cast %get3A_1011 : vector<1x16xf32> to vector<16xf32>
        %lt3A_1013 = arith.cmpf olt, %get3A_1007, %broadcast_in_dim3A_37 : vector<16xf32>
        %select_n3A_1014 = arith.select %lt3A_1013, %get3A_1002, %broadcast_in_dim3A_35 : vector<16xi1>, vector<16xf32>
        %sub3A_1015 = arith.subf %select_n3A_1014, %get3A_181 : vector<16xf32>
        %mul3A_1016 = arith.mulf %sub3A_1015, %get3A_1012 : vector<16xf32>
        %le3A_1017 = arith.cmpf ole, %mul3A_1016, %broadcast_in_dim3A_41 : vector<16xf32>
        %select_n3A_1018 = arith.select %le3A_1017, %broadcast_in_dim3A_39, %broadcast_in_dim3A_41 : vector<16xi1>, vector<16xf32>
        %add3A_1019 = arith.addf %add3A_841, %select_n3A_1018 : vector<16xf32>
        %get3A_1020 = arith.constant 5 : i32
        %get3A_1021 = arith.index_cast %get3A_1020 : i32 to index
        %get3A_1022 = arith.index_cast %add3A_909 : i32 to index
        %get3A_1023 = tpu.vector_load %arg7[%get3A_1021, %get3A_1022] {strides = array<i32>} : memref<8x2048xf32, #tpu.memory_space<vmem>>, vector<1x16xf32>,
        %get3A_1024 = vector.shape_cast %get3A_1023 : vector<1x16xf32> to vector<16xf32>
        %get3A_1025 = arith.constant 5 : i32
        %get3A_1026 = arith.index_cast %get3A_1025 : i32 to index
        %get3A_1027 = arith.index_cast %add3A_909 : i32 to index
        %get3A_1028 = tpu.vector_load %arg8[%get3A_1026, %get3A_1027] {strides = array<i32>} : memref<8x2048xf32, #tpu.memory_space<vmem>>, vector<1x16xf32>,
        %get3A_1029 = vector.shape_cast %get3A_1028 : vector<1x16xf32> to vector<16xf32>
        %get3A_1030 = arith.constant 5 : i32
        %get3A_1031 = arith.index_cast %get3A_1030 : i32 to index
        %get3A_1032 = arith.index_cast %add3A_909 : i32 to index
        %get3A_1033 = tpu.vector_load %arg9[%get3A_1031, %get3A_1032] {strides = array<i32>} : memref<8x2048xf32, #tpu.memory_space<vmem>>, vector<1x16xf32>,
        %get3A_1034 = vector.shape_cast %get3A_1033 : vector<1x16xf32> to vector<16xf32>
        %lt3A_1035 = arith.cmpf olt, %get3A_1029, %broadcast_in_dim3A_37 : vector<16xf32>
        %select_n3A_1036 = arith.select %lt3A_1035, %get3A_1024, %broadcast_in_dim3A_35 : vector<16xi1>, vector<16xf32>
        %sub3A_1037 = arith.subf %select_n3A_1036, %get3A_186 : vector<16xf32>
        %mul3A_1038 = arith.mulf %sub3A_1037, %get3A_1034 : vector<16xf32>
        %le3A_1039 = arith.cmpf ole, %mul3A_1038, %broadcast_in_dim3A_41 : vector<16xf32>
        %select_n3A_1040 = arith.select %le3A_1039, %broadcast_in_dim3A_39, %broadcast_in_dim3A_41 : vector<16xi1>, vector<16xf32>
        %add3A_1041 = arith.addf %add3A_863, %select_n3A_1040 : vector<16xf32>
        %get3A_1042 = arith.constant 6 : i32
        %get3A_1043 = arith.index_cast %get3A_1042 : i32 to index
        %get3A_1044 = arith.index_cast %add3A_909 : i32 to index
        %get3A_1045 = tpu.vector_load %arg7[%get3A_1043, %get3A_1044] {strides = array<i32>} : memref<8x2048xf32, #tpu.memory_space<vmem>>, vector<1x16xf32>,
        %get3A_1046 = vector.shape_cast %get3A_1045 : vector<1x16xf32> to vector<16xf32>
        %get3A_1047 = arith.constant 6 : i32
        %get3A_1048 = arith.index_cast %get3A_1047 : i32 to index
        %get3A_1049 = arith.index_cast %add3A_909 : i32 to index
        %get3A_1050 = tpu.vector_load %arg8[%get3A_1048, %get3A_1049] {strides = array<i32>} : memref<8x2048xf32, #tpu.memory_space<vmem>>, vector<1x16xf32>,
        %get3A_1051 = vector.shape_cast %get3A_1050 : vector<1x16xf32> to vector<16xf32>
        %get3A_1052 = arith.constant 6 : i32
        %get3A_1053 = arith.index_cast %get3A_1052 : i32 to index
        %get3A_1054 = arith.index_cast %add3A_909 : i32 to index
        %get3A_1055 = tpu.vector_load %arg9[%get3A_1053, %get3A_1054] {strides = array<i32>} : memref<8x2048xf32, #tpu.memory_space<vmem>>, vector<1x16xf32>,
        %get3A_1056 = vector.shape_cast %get3A_1055 : vector<1x16xf32> to vector<16xf32>
        %lt3A_1057 = arith.cmpf olt, %get3A_1051, %broadcast_in_dim3A_37 : vector<16xf32>
        %select_n3A_1058 = arith.select %lt3A_1057, %get3A_1046, %broadcast_in_dim3A_35 : vector<16xi1>, vector<16xf32>
        %sub3A_1059 = arith.subf %select_n3A_1058, %get3A_191 : vector<16xf32>
        %mul3A_1060 = arith.mulf %sub3A_1059, %get3A_1056 : vector<16xf32>
        %le3A_1061 = arith.cmpf ole, %mul3A_1060, %broadcast_in_dim3A_41 : vector<16xf32>
        %select_n3A_1062 = arith.select %le3A_1061, %broadcast_in_dim3A_39, %broadcast_in_dim3A_41 : vector<16xi1>, vector<16xf32>
        %add3A_1063 = arith.addf %add3A_885, %select_n3A_1062 : vector<16xf32>
        %get3A_1064 = arith.constant 7 : i32
        %get3A_1065 = arith.index_cast %get3A_1064 : i32 to index
        %get3A_1066 = arith.index_cast %add3A_909 : i32 to index
        %get3A_1067 = tpu.vector_load %arg7[%get3A_1065, %get3A_1066] {strides = array<i32>} : memref<8x2048xf32, #tpu.memory_space<vmem>>, vector<1x16xf32>,
        %get3A_1068 = vector.shape_cast %get3A_1067 : vector<1x16xf32> to vector<16xf32>
        %get3A_1069 = arith.constant 7 : i32
        %get3A_1070 = arith.index_cast %get3A_1069 : i32 to index
        %get3A_1071 = arith.index_cast %add3A_909 : i32 to index
        %get3A_1072 = tpu.vector_load %arg8[%get3A_1070, %get3A_1071] {strides = array<i32>} : memref<8x2048xf32, #tpu.memory_space<vmem>>, vector<1x16xf32>,
        %get3A_1073 = vector.shape_cast %get3A_1072 : vector<1x16xf32> to vector<16xf32>
        %get3A_1074 = arith.constant 7 : i32
        %get3A_1075 = arith.index_cast %get3A_1074 : i32 to index
        %get3A_1076 = arith.index_cast %add3A_909 : i32 to index
        %get3A_1077 = tpu.vector_load %arg9[%get3A_1075, %get3A_1076] {strides = array<i32>} : memref<8x2048xf32, #tpu.memory_space<vmem>>, vector<1x16xf32>,
        %get3A_1078 = vector.shape_cast %get3A_1077 : vector<1x16xf32> to vector<16xf32>
        %lt3A_1079 = arith.cmpf olt, %get3A_1073, %broadcast_in_dim3A_37 : vector<16xf32>
        %select_n3A_1080 = arith.select %lt3A_1079, %get3A_1068, %broadcast_in_dim3A_35 : vector<16xi1>, vector<16xf32>
        %sub3A_1081 = arith.subf %select_n3A_1080, %get3A_196 : vector<16xf32>
        %mul3A_1082 = arith.mulf %sub3A_1081, %get3A_1078 : vector<16xf32>
        %le3A_1083 = arith.cmpf ole, %mul3A_1082, %broadcast_in_dim3A_41 : vector<16xf32>
        %select_n3A_1084 = arith.select %le3A_1083, %broadcast_in_dim3A_39, %broadcast_in_dim3A_41 : vector<16xi1>, vector<16xf32>
        %add3A_1085 = arith.addf %add3A_907, %select_n3A_1084 : vector<16xf32>
        %add3A_1086 = arith.constant 1280 : i32
        %add3A_1087 = arith.addi %add3A_1086, %add3A_117 : i32
        %get3A_1088 = arith.constant 0 : i32
        %get3A_1089 = arith.index_cast %get3A_1088 : i32 to index
        %get3A_1090 = arith.index_cast %add3A_1087 : i32 to index
        %get3A_1091 = tpu.vector_load %arg7[%get3A_1089, %get3A_1090] {strides = array<i32>} : memref<8x2048xf32, #tpu.memory_space<vmem>>, vector<1x16xf32>,
        %get3A_1092 = vector.shape_cast %get3A_1091 : vector<1x16xf32> to vector<16xf32>
        %get3A_1093 = arith.constant 0 : i32
        %get3A_1094 = arith.index_cast %get3A_1093 : i32 to index
        %get3A_1095 = arith.index_cast %add3A_1087 : i32 to index
        %get3A_1096 = tpu.vector_load %arg8[%get3A_1094, %get3A_1095] {strides = array<i32>} : memref<8x2048xf32, #tpu.memory_space<vmem>>, vector<1x16xf32>,
        %get3A_1097 = vector.shape_cast %get3A_1096 : vector<1x16xf32> to vector<16xf32>
        %get3A_1098 = arith.constant 0 : i32
        %get3A_1099 = arith.index_cast %get3A_1098 : i32 to index
        %get3A_1100 = arith.index_cast %add3A_1087 : i32 to index
        %get3A_1101 = tpu.vector_load %arg9[%get3A_1099, %get3A_1100] {strides = array<i32>} : memref<8x2048xf32, #tpu.memory_space<vmem>>, vector<1x16xf32>,
        %get3A_1102 = vector.shape_cast %get3A_1101 : vector<1x16xf32> to vector<16xf32>
        %lt3A_1103 = arith.cmpf olt, %get3A_1097, %broadcast_in_dim3A_37 : vector<16xf32>
        %select_n3A_1104 = arith.select %lt3A_1103, %get3A_1092, %broadcast_in_dim3A_35 : vector<16xi1>, vector<16xf32>
        %sub3A_1105 = arith.subf %select_n3A_1104, %get3A_161 : vector<16xf32>
        %mul3A_1106 = arith.mulf %sub3A_1105, %get3A_1102 : vector<16xf32>
        %le3A_1107 = arith.cmpf ole, %mul3A_1106, %broadcast_in_dim3A_41 : vector<16xf32>
        %select_n3A_1108 = arith.select %le3A_1107, %broadcast_in_dim3A_39, %broadcast_in_dim3A_41 : vector<16xi1>, vector<16xf32>
        %add3A_1109 = arith.addf %add3A_931, %select_n3A_1108 : vector<16xf32>
        %get3A_1110 = arith.constant 1 : i32
        %get3A_1111 = arith.index_cast %get3A_1110 : i32 to index
        %get3A_1112 = arith.index_cast %add3A_1087 : i32 to index
        %get3A_1113 = tpu.vector_load %arg7[%get3A_1111, %get3A_1112] {strides = array<i32>} : memref<8x2048xf32, #tpu.memory_space<vmem>>, vector<1x16xf32>,
        %get3A_1114 = vector.shape_cast %get3A_1113 : vector<1x16xf32> to vector<16xf32>
        %get3A_1115 = arith.constant 1 : i32
        %get3A_1116 = arith.index_cast %get3A_1115 : i32 to index
        %get3A_1117 = arith.index_cast %add3A_1087 : i32 to index
        %get3A_1118 = tpu.vector_load %arg8[%get3A_1116, %get3A_1117] {strides = array<i32>} : memref<8x2048xf32, #tpu.memory_space<vmem>>, vector<1x16xf32>,
        %get3A_1119 = vector.shape_cast %get3A_1118 : vector<1x16xf32> to vector<16xf32>
        %get3A_1120 = arith.constant 1 : i32
        %get3A_1121 = arith.index_cast %get3A_1120 : i32 to index
        %get3A_1122 = arith.index_cast %add3A_1087 : i32 to index
        %get3A_1123 = tpu.vector_load %arg9[%get3A_1121, %get3A_1122] {strides = array<i32>} : memref<8x2048xf32, #tpu.memory_space<vmem>>, vector<1x16xf32>,
        %get3A_1124 = vector.shape_cast %get3A_1123 : vector<1x16xf32> to vector<16xf32>
        %lt3A_1125 = arith.cmpf olt, %get3A_1119, %broadcast_in_dim3A_37 : vector<16xf32>
        %select_n3A_1126 = arith.select %lt3A_1125, %get3A_1114, %broadcast_in_dim3A_35 : vector<16xi1>, vector<16xf32>
        %sub3A_1127 = arith.subf %select_n3A_1126, %get3A_166 : vector<16xf32>
        %mul3A_1128 = arith.mulf %sub3A_1127, %get3A_1124 : vector<16xf32>
        %le3A_1129 = arith.cmpf ole, %mul3A_1128, %broadcast_in_dim3A_41 : vector<16xf32>
        %select_n3A_1130 = arith.select %le3A_1129, %broadcast_in_dim3A_39, %broadcast_in_dim3A_41 : vector<16xi1>, vector<16xf32>
        %add3A_1131 = arith.addf %add3A_953, %select_n3A_1130 : vector<16xf32>
        %get3A_1132 = arith.constant 2 : i32
        %get3A_1133 = arith.index_cast %get3A_1132 : i32 to index
        %get3A_1134 = arith.index_cast %add3A_1087 : i32 to index
        %get3A_1135 = tpu.vector_load %arg7[%get3A_1133, %get3A_1134] {strides = array<i32>} : memref<8x2048xf32, #tpu.memory_space<vmem>>, vector<1x16xf32>,
        %get3A_1136 = vector.shape_cast %get3A_1135 : vector<1x16xf32> to vector<16xf32>
        %get3A_1137 = arith.constant 2 : i32
        %get3A_1138 = arith.index_cast %get3A_1137 : i32 to index
        %get3A_1139 = arith.index_cast %add3A_1087 : i32 to index
        %get3A_1140 = tpu.vector_load %arg8[%get3A_1138, %get3A_1139] {strides = array<i32>} : memref<8x2048xf32, #tpu.memory_space<vmem>>, vector<1x16xf32>,
        %get3A_1141 = vector.shape_cast %get3A_1140 : vector<1x16xf32> to vector<16xf32>
        %get3A_1142 = arith.constant 2 : i32
        %get3A_1143 = arith.index_cast %get3A_1142 : i32 to index
        %get3A_1144 = arith.index_cast %add3A_1087 : i32 to index
        %get3A_1145 = tpu.vector_load %arg9[%get3A_1143, %get3A_1144] {strides = array<i32>} : memref<8x2048xf32, #tpu.memory_space<vmem>>, vector<1x16xf32>,
        %get3A_1146 = vector.shape_cast %get3A_1145 : vector<1x16xf32> to vector<16xf32>
        %lt3A_1147 = arith.cmpf olt, %get3A_1141, %broadcast_in_dim3A_37 : vector<16xf32>
        %select_n3A_1148 = arith.select %lt3A_1147, %get3A_1136, %broadcast_in_dim3A_35 : vector<16xi1>, vector<16xf32>
        %sub3A_1149 = arith.subf %select_n3A_1148, %get3A_171 : vector<16xf32>
        %mul3A_1150 = arith.mulf %sub3A_1149, %get3A_1146 : vector<16xf32>
        %le3A_1151 = arith.cmpf ole, %mul3A_1150, %broadcast_in_dim3A_41 : vector<16xf32>
        %select_n3A_1152 = arith.select %le3A_1151, %broadcast_in_dim3A_39, %broadcast_in_dim3A_41 : vector<16xi1>, vector<16xf32>
        %add3A_1153 = arith.addf %add3A_975, %select_n3A_1152 : vector<16xf32>
        %get3A_1154 = arith.constant 3 : i32
        %get3A_1155 = arith.index_cast %get3A_1154 : i32 to index
        %get3A_1156 = arith.index_cast %add3A_1087 : i32 to index
        %get3A_1157 = tpu.vector_load %arg7[%get3A_1155, %get3A_1156] {strides = array<i32>} : memref<8x2048xf32, #tpu.memory_space<vmem>>, vector<1x16xf32>,
        %get3A_1158 = vector.shape_cast %get3A_1157 : vector<1x16xf32> to vector<16xf32>
        %get3A_1159 = arith.constant 3 : i32
        %get3A_1160 = arith.index_cast %get3A_1159 : i32 to index
        %get3A_1161 = arith.index_cast %add3A_1087 : i32 to index
        %get3A_1162 = tpu.vector_load %arg8[%get3A_1160, %get3A_1161] {strides = array<i32>} : memref<8x2048xf32, #tpu.memory_space<vmem>>, vector<1x16xf32>,
        %get3A_1163 = vector.shape_cast %get3A_1162 : vector<1x16xf32> to vector<16xf32>
        %get3A_1164 = arith.constant 3 : i32
        %get3A_1165 = arith.index_cast %get3A_1164 : i32 to index
        %get3A_1166 = arith.index_cast %add3A_1087 : i32 to index
        %get3A_1167 = tpu.vector_load %arg9[%get3A_1165, %get3A_1166] {strides = array<i32>} : memref<8x2048xf32, #tpu.memory_space<vmem>>, vector<1x16xf32>,
        %get3A_1168 = vector.shape_cast %get3A_1167 : vector<1x16xf32> to vector<16xf32>
        %lt3A_1169 = arith.cmpf olt, %get3A_1163, %broadcast_in_dim3A_37 : vector<16xf32>
        %select_n3A_1170 = arith.select %lt3A_1169, %get3A_1158, %broadcast_in_dim3A_35 : vector<16xi1>, vector<16xf32>
        %sub3A_1171 = arith.subf %select_n3A_1170, %get3A_176 : vector<16xf32>
        %mul3A_1172 = arith.mulf %sub3A_1171, %get3A_1168 : vector<16xf32>
        %le3A_1173 = arith.cmpf ole, %mul3A_1172, %broadcast_in_dim3A_41 : vector<16xf32>
        %select_n3A_1174 = arith.select %le3A_1173, %broadcast_in_dim3A_39, %broadcast_in_dim3A_41 : vector<16xi1>, vector<16xf32>
        %add3A_1175 = arith.addf %add3A_997, %select_n3A_1174 : vector<16xf32>
        %get3A_1176 = arith.constant 4 : i32
        %get3A_1177 = arith.index_cast %get3A_1176 : i32 to index
        %get3A_1178 = arith.index_cast %add3A_1087 : i32 to index
        %get3A_1179 = tpu.vector_load %arg7[%get3A_1177, %get3A_1178] {strides = array<i32>} : memref<8x2048xf32, #tpu.memory_space<vmem>>, vector<1x16xf32>,
        %get3A_1180 = vector.shape_cast %get3A_1179 : vector<1x16xf32> to vector<16xf32>
        %get3A_1181 = arith.constant 4 : i32
        %get3A_1182 = arith.index_cast %get3A_1181 : i32 to index
        %get3A_1183 = arith.index_cast %add3A_1087 : i32 to index
        %get3A_1184 = tpu.vector_load %arg8[%get3A_1182, %get3A_1183] {strides = array<i32>} : memref<8x2048xf32, #tpu.memory_space<vmem>>, vector<1x16xf32>,
        %get3A_1185 = vector.shape_cast %get3A_1184 : vector<1x16xf32> to vector<16xf32>
        %get3A_1186 = arith.constant 4 : i32
        %get3A_1187 = arith.index_cast %get3A_1186 : i32 to index
        %get3A_1188 = arith.index_cast %add3A_1087 : i32 to index
        %get3A_1189 = tpu.vector_load %arg9[%get3A_1187, %get3A_1188] {strides = array<i32>} : memref<8x2048xf32, #tpu.memory_space<vmem>>, vector<1x16xf32>,
        %get3A_1190 = vector.shape_cast %get3A_1189 : vector<1x16xf32> to vector<16xf32>
        %lt3A_1191 = arith.cmpf olt, %get3A_1185, %broadcast_in_dim3A_37 : vector<16xf32>
        %select_n3A_1192 = arith.select %lt3A_1191, %get3A_1180, %broadcast_in_dim3A_35 : vector<16xi1>, vector<16xf32>
        %sub3A_1193 = arith.subf %select_n3A_1192, %get3A_181 : vector<16xf32>
        %mul3A_1194 = arith.mulf %sub3A_1193, %get3A_1190 : vector<16xf32>
        %le3A_1195 = arith.cmpf ole, %mul3A_1194, %broadcast_in_dim3A_41 : vector<16xf32>
        %select_n3A_1196 = arith.select %le3A_1195, %broadcast_in_dim3A_39, %broadcast_in_dim3A_41 : vector<16xi1>, vector<16xf32>
        %add3A_1197 = arith.addf %add3A_1019, %select_n3A_1196 : vector<16xf32>
        %get3A_1198 = arith.constant 5 : i32
        %get3A_1199 = arith.index_cast %get3A_1198 : i32 to index
        %get3A_1200 = arith.index_cast %add3A_1087 : i32 to index
        %get3A_1201 = tpu.vector_load %arg7[%get3A_1199, %get3A_1200] {strides = array<i32>} : memref<8x2048xf32, #tpu.memory_space<vmem>>, vector<1x16xf32>,
        %get3A_1202 = vector.shape_cast %get3A_1201 : vector<1x16xf32> to vector<16xf32>
        %get3A_1203 = arith.constant 5 : i32
        %get3A_1204 = arith.index_cast %get3A_1203 : i32 to index
        %get3A_1205 = arith.index_cast %add3A_1087 : i32 to index
        %get3A_1206 = tpu.vector_load %arg8[%get3A_1204, %get3A_1205] {strides = array<i32>} : memref<8x2048xf32, #tpu.memory_space<vmem>>, vector<1x16xf32>,
        %get3A_1207 = vector.shape_cast %get3A_1206 : vector<1x16xf32> to vector<16xf32>
        %get3A_1208 = arith.constant 5 : i32
        %get3A_1209 = arith.index_cast %get3A_1208 : i32 to index
        %get3A_1210 = arith.index_cast %add3A_1087 : i32 to index
        %get3A_1211 = tpu.vector_load %arg9[%get3A_1209, %get3A_1210] {strides = array<i32>} : memref<8x2048xf32, #tpu.memory_space<vmem>>, vector<1x16xf32>,
        %get3A_1212 = vector.shape_cast %get3A_1211 : vector<1x16xf32> to vector<16xf32>
        %lt3A_1213 = arith.cmpf olt, %get3A_1207, %broadcast_in_dim3A_37 : vector<16xf32>
        %select_n3A_1214 = arith.select %lt3A_1213, %get3A_1202, %broadcast_in_dim3A_35 : vector<16xi1>, vector<16xf32>
        %sub3A_1215 = arith.subf %select_n3A_1214, %get3A_186 : vector<16xf32>
        %mul3A_1216 = arith.mulf %sub3A_1215, %get3A_1212 : vector<16xf32>
        %le3A_1217 = arith.cmpf ole, %mul3A_1216, %broadcast_in_dim3A_41 : vector<16xf32>
        %select_n3A_1218 = arith.select %le3A_1217, %broadcast_in_dim3A_39, %broadcast_in_dim3A_41 : vector<16xi1>, vector<16xf32>
        %add3A_1219 = arith.addf %add3A_1041, %select_n3A_1218 : vector<16xf32>
        %get3A_1220 = arith.constant 6 : i32
        %get3A_1221 = arith.index_cast %get3A_1220 : i32 to index
        %get3A_1222 = arith.index_cast %add3A_1087 : i32 to index
        %get3A_1223 = tpu.vector_load %arg7[%get3A_1221, %get3A_1222] {strides = array<i32>} : memref<8x2048xf32, #tpu.memory_space<vmem>>, vector<1x16xf32>,
        %get3A_1224 = vector.shape_cast %get3A_1223 : vector<1x16xf32> to vector<16xf32>
        %get3A_1225 = arith.constant 6 : i32
        %get3A_1226 = arith.index_cast %get3A_1225 : i32 to index
        %get3A_1227 = arith.index_cast %add3A_1087 : i32 to index
        %get3A_1228 = tpu.vector_load %arg8[%get3A_1226, %get3A_1227] {strides = array<i32>} : memref<8x2048xf32, #tpu.memory_space<vmem>>, vector<1x16xf32>,
        %get3A_1229 = vector.shape_cast %get3A_1228 : vector<1x16xf32> to vector<16xf32>
        %get3A_1230 = arith.constant 6 : i32
        %get3A_1231 = arith.index_cast %get3A_1230 : i32 to index
        %get3A_1232 = arith.index_cast %add3A_1087 : i32 to index
        %get3A_1233 = tpu.vector_load %arg9[%get3A_1231, %get3A_1232] {strides = array<i32>} : memref<8x2048xf32, #tpu.memory_space<vmem>>, vector<1x16xf32>,
        %get3A_1234 = vector.shape_cast %get3A_1233 : vector<1x16xf32> to vector<16xf32>
        %lt3A_1235 = arith.cmpf olt, %get3A_1229, %broadcast_in_dim3A_37 : vector<16xf32>
        %select_n3A_1236 = arith.select %lt3A_1235, %get3A_1224, %broadcast_in_dim3A_35 : vector<16xi1>, vector<16xf32>
        %sub3A_1237 = arith.subf %select_n3A_1236, %get3A_191 : vector<16xf32>
        %mul3A_1238 = arith.mulf %sub3A_1237, %get3A_1234 : vector<16xf32>
        %le3A_1239 = arith.cmpf ole, %mul3A_1238, %broadcast_in_dim3A_41 : vector<16xf32>
        %select_n3A_1240 = arith.select %le3A_1239, %broadcast_in_dim3A_39, %broadcast_in_dim3A_41 : vector<16xi1>, vector<16xf32>
        %add3A_1241 = arith.addf %add3A_1063, %select_n3A_1240 : vector<16xf32>
        %get3A_1242 = arith.constant 7 : i32
        %get3A_1243 = arith.index_cast %get3A_1242 : i32 to index
        %get3A_1244 = arith.index_cast %add3A_1087 : i32 to index
        %get3A_1245 = tpu.vector_load %arg7[%get3A_1243, %get3A_1244] {strides = array<i32>} : memref<8x2048xf32, #tpu.memory_space<vmem>>, vector<1x16xf32>,
        %get3A_1246 = vector.shape_cast %get3A_1245 : vector<1x16xf32> to vector<16xf32>
        %get3A_1247 = arith.constant 7 : i32
        %get3A_1248 = arith.index_cast %get3A_1247 : i32 to index
        %get3A_1249 = arith.index_cast %add3A_1087 : i32 to index
        %get3A_1250 = tpu.vector_load %arg8[%get3A_1248, %get3A_1249] {strides = array<i32>} : memref<8x2048xf32, #tpu.memory_space<vmem>>, vector<1x16xf32>,
        %get3A_1251 = vector.shape_cast %get3A_1250 : vector<1x16xf32> to vector<16xf32>
        %get3A_1252 = arith.constant 7 : i32
        %get3A_1253 = arith.index_cast %get3A_1252 : i32 to index
        %get3A_1254 = arith.index_cast %add3A_1087 : i32 to index
        %get3A_1255 = tpu.vector_load %arg9[%get3A_1253, %get3A_1254] {strides = array<i32>} : memref<8x2048xf32, #tpu.memory_space<vmem>>, vector<1x16xf32>,
        %get3A_1256 = vector.shape_cast %get3A_1255 : vector<1x16xf32> to vector<16xf32>
        %lt3A_1257 = arith.cmpf olt, %get3A_1251, %broadcast_in_dim3A_37 : vector<16xf32>
        %select_n3A_1258 = arith.select %lt3A_1257, %get3A_1246, %broadcast_in_dim3A_35 : vector<16xi1>, vector<16xf32>
        %sub3A_1259 = arith.subf %select_n3A_1258, %get3A_196 : vector<16xf32>
        %mul3A_1260 = arith.mulf %sub3A_1259, %get3A_1256 : vector<16xf32>
        %le3A_1261 = arith.cmpf ole, %mul3A_1260, %broadcast_in_dim3A_41 : vector<16xf32>
        %select_n3A_1262 = arith.select %le3A_1261, %broadcast_in_dim3A_39, %broadcast_in_dim3A_41 : vector<16xi1>, vector<16xf32>
        %add3A_1263 = arith.addf %add3A_1085, %select_n3A_1262 : vector<16xf32>
        %add3A_1264 = arith.constant 1536 : i32
        %add3A_1265 = arith.addi %add3A_1264, %add3A_117 : i32
        %get3A_1266 = arith.constant 0 : i32
        %get3A_1267 = arith.index_cast %get3A_1266 : i32 to index
        %get3A_1268 = arith.index_cast %add3A_1265 : i32 to index
        %get3A_1269 = tpu.vector_load %arg7[%get3A_1267, %get3A_1268] {strides = array<i32>} : memref<8x2048xf32, #tpu.memory_space<vmem>>, vector<1x16xf32>,
        %get3A_1270 = vector.shape_cast %get3A_1269 : vector<1x16xf32> to vector<16xf32>
        %get3A_1271 = arith.constant 0 : i32
        %get3A_1272 = arith.index_cast %get3A_1271 : i32 to index
        %get3A_1273 = arith.index_cast %add3A_1265 : i32 to index
        %get3A_1274 = tpu.vector_load %arg8[%get3A_1272, %get3A_1273] {strides = array<i32>} : memref<8x2048xf32, #tpu.memory_space<vmem>>, vector<1x16xf32>,
        %get3A_1275 = vector.shape_cast %get3A_1274 : vector<1x16xf32> to vector<16xf32>
        %get3A_1276 = arith.constant 0 : i32
        %get3A_1277 = arith.index_cast %get3A_1276 : i32 to index
        %get3A_1278 = arith.index_cast %add3A_1265 : i32 to index
        %get3A_1279 = tpu.vector_load %arg9[%get3A_1277, %get3A_1278] {strides = array<i32>} : memref<8x2048xf32, #tpu.memory_space<vmem>>, vector<1x16xf32>,
        %get3A_1280 = vector.shape_cast %get3A_1279 : vector<1x16xf32> to vector<16xf32>
        %lt3A_1281 = arith.cmpf olt, %get3A_1275, %broadcast_in_dim3A_37 : vector<16xf32>
        %select_n3A_1282 = arith.select %lt3A_1281, %get3A_1270, %broadcast_in_dim3A_35 : vector<16xi1>, vector<16xf32>
        %sub3A_1283 = arith.subf %select_n3A_1282, %get3A_161 : vector<16xf32>
        %mul3A_1284 = arith.mulf %sub3A_1283, %get3A_1280 : vector<16xf32>
        %le3A_1285 = arith.cmpf ole, %mul3A_1284, %broadcast_in_dim3A_41 : vector<16xf32>
        %select_n3A_1286 = arith.select %le3A_1285, %broadcast_in_dim3A_39, %broadcast_in_dim3A_41 : vector<16xi1>, vector<16xf32>
        %add3A_1287 = arith.addf %add3A_1109, %select_n3A_1286 : vector<16xf32>
        %get3A_1288 = arith.constant 1 : i32
        %get3A_1289 = arith.index_cast %get3A_1288 : i32 to index
        %get3A_1290 = arith.index_cast %add3A_1265 : i32 to index
        %get3A_1291 = tpu.vector_load %arg7[%get3A_1289, %get3A_1290] {strides = array<i32>} : memref<8x2048xf32, #tpu.memory_space<vmem>>, vector<1x16xf32>,
        %get3A_1292 = vector.shape_cast %get3A_1291 : vector<1x16xf32> to vector<16xf32>
        %get3A_1293 = arith.constant 1 : i32
        %get3A_1294 = arith.index_cast %get3A_1293 : i32 to index
        %get3A_1295 = arith.index_cast %add3A_1265 : i32 to index
        %get3A_1296 = tpu.vector_load %arg8[%get3A_1294, %get3A_1295] {strides = array<i32>} : memref<8x2048xf32, #tpu.memory_space<vmem>>, vector<1x16xf32>,
        %get3A_1297 = vector.shape_cast %get3A_1296 : vector<1x16xf32> to vector<16xf32>
        %get3A_1298 = arith.constant 1 : i32
        %get3A_1299 = arith.index_cast %get3A_1298 : i32 to index
        %get3A_1300 = arith.index_cast %add3A_1265 : i32 to index
        %get3A_1301 = tpu.vector_load %arg9[%get3A_1299, %get3A_1300] {strides = array<i32>} : memref<8x2048xf32, #tpu.memory_space<vmem>>, vector<1x16xf32>,
        %get3A_1302 = vector.shape_cast %get3A_1301 : vector<1x16xf32> to vector<16xf32>
        %lt3A_1303 = arith.cmpf olt, %get3A_1297, %broadcast_in_dim3A_37 : vector<16xf32>
        %select_n3A_1304 = arith.select %lt3A_1303, %get3A_1292, %broadcast_in_dim3A_35 : vector<16xi1>, vector<16xf32>
        %sub3A_1305 = arith.subf %select_n3A_1304, %get3A_166 : vector<16xf32>
        %mul3A_1306 = arith.mulf %sub3A_1305, %get3A_1302 : vector<16xf32>
        %le3A_1307 = arith.cmpf ole, %mul3A_1306, %broadcast_in_dim3A_41 : vector<16xf32>
        %select_n3A_1308 = arith.select %le3A_1307, %broadcast_in_dim3A_39, %broadcast_in_dim3A_41 : vector<16xi1>, vector<16xf32>
        %add3A_1309 = arith.addf %add3A_1131, %select_n3A_1308 : vector<16xf32>
        %get3A_1310 = arith.constant 2 : i32
        %get3A_1311 = arith.index_cast %get3A_1310 : i32 to index
        %get3A_1312 = arith.index_cast %add3A_1265 : i32 to index
        %get3A_1313 = tpu.vector_load %arg7[%get3A_1311, %get3A_1312] {strides = array<i32>} : memref<8x2048xf32, #tpu.memory_space<vmem>>, vector<1x16xf32>,
        %get3A_1314 = vector.shape_cast %get3A_1313 : vector<1x16xf32> to vector<16xf32>
        %get3A_1315 = arith.constant 2 : i32
        %get3A_1316 = arith.index_cast %get3A_1315 : i32 to index
        %get3A_1317 = arith.index_cast %add3A_1265 : i32 to index
        %get3A_1318 = tpu.vector_load %arg8[%get3A_1316, %get3A_1317] {strides = array<i32>} : memref<8x2048xf32, #tpu.memory_space<vmem>>, vector<1x16xf32>,
        %get3A_1319 = vector.shape_cast %get3A_1318 : vector<1x16xf32> to vector<16xf32>
        %get3A_1320 = arith.constant 2 : i32
        %get3A_1321 = arith.index_cast %get3A_1320 : i32 to index
        %get3A_1322 = arith.index_cast %add3A_1265 : i32 to index
        %get3A_1323 = tpu.vector_load %arg9[%get3A_1321, %get3A_1322] {strides = array<i32>} : memref<8x2048xf32, #tpu.memory_space<vmem>>, vector<1x16xf32>,
        %get3A_1324 = vector.shape_cast %get3A_1323 : vector<1x16xf32> to vector<16xf32>
        %lt3A_1325 = arith.cmpf olt, %get3A_1319, %broadcast_in_dim3A_37 : vector<16xf32>
        %select_n3A_1326 = arith.select %lt3A_1325, %get3A_1314, %broadcast_in_dim3A_35 : vector<16xi1>, vector<16xf32>
        %sub3A_1327 = arith.subf %select_n3A_1326, %get3A_171 : vector<16xf32>
        %mul3A_1328 = arith.mulf %sub3A_1327, %get3A_1324 : vector<16xf32>
        %le3A_1329 = arith.cmpf ole, %mul3A_1328, %broadcast_in_dim3A_41 : vector<16xf32>
        %select_n3A_1330 = arith.select %le3A_1329, %broadcast_in_dim3A_39, %broadcast_in_dim3A_41 : vector<16xi1>, vector<16xf32>
        %add3A_1331 = arith.addf %add3A_1153, %select_n3A_1330 : vector<16xf32>
        %get3A_1332 = arith.constant 3 : i32
        %get3A_1333 = arith.index_cast %get3A_1332 : i32 to index
        %get3A_1334 = arith.index_cast %add3A_1265 : i32 to index
        %get3A_1335 = tpu.vector_load %arg7[%get3A_1333, %get3A_1334] {strides = array<i32>} : memref<8x2048xf32, #tpu.memory_space<vmem>>, vector<1x16xf32>,
        %get3A_1336 = vector.shape_cast %get3A_1335 : vector<1x16xf32> to vector<16xf32>
        %get3A_1337 = arith.constant 3 : i32
        %get3A_1338 = arith.index_cast %get3A_1337 : i32 to index
        %get3A_1339 = arith.index_cast %add3A_1265 : i32 to index
        %get3A_1340 = tpu.vector_load %arg8[%get3A_1338, %get3A_1339] {strides = array<i32>} : memref<8x2048xf32, #tpu.memory_space<vmem>>, vector<1x16xf32>,
        %get3A_1341 = vector.shape_cast %get3A_1340 : vector<1x16xf32> to vector<16xf32>
        %get3A_1342 = arith.constant 3 : i32
        %get3A_1343 = arith.index_cast %get3A_1342 : i32 to index
        %get3A_1344 = arith.index_cast %add3A_1265 : i32 to index
        %get3A_1345 = tpu.vector_load %arg9[%get3A_1343, %get3A_1344] {strides = array<i32>} : memref<8x2048xf32, #tpu.memory_space<vmem>>, vector<1x16xf32>,
        %get3A_1346 = vector.shape_cast %get3A_1345 : vector<1x16xf32> to vector<16xf32>
        %lt3A_1347 = arith.cmpf olt, %get3A_1341, %broadcast_in_dim3A_37 : vector<16xf32>
        %select_n3A_1348 = arith.select %lt3A_1347, %get3A_1336, %broadcast_in_dim3A_35 : vector<16xi1>, vector<16xf32>
        %sub3A_1349 = arith.subf %select_n3A_1348, %get3A_176 : vector<16xf32>
        %mul3A_1350 = arith.mulf %sub3A_1349, %get3A_1346 : vector<16xf32>
        %le3A_1351 = arith.cmpf ole, %mul3A_1350, %broadcast_in_dim3A_41 : vector<16xf32>
        %select_n3A_1352 = arith.select %le3A_1351, %broadcast_in_dim3A_39, %broadcast_in_dim3A_41 : vector<16xi1>, vector<16xf32>
        %add3A_1353 = arith.addf %add3A_1175, %select_n3A_1352 : vector<16xf32>
        %get3A_1354 = arith.constant 4 : i32
        %get3A_1355 = arith.index_cast %get3A_1354 : i32 to index
        %get3A_1356 = arith.index_cast %add3A_1265 : i32 to index
        %get3A_1357 = tpu.vector_load %arg7[%get3A_1355, %get3A_1356] {strides = array<i32>} : memref<8x2048xf32, #tpu.memory_space<vmem>>, vector<1x16xf32>,
        %get3A_1358 = vector.shape_cast %get3A_1357 : vector<1x16xf32> to vector<16xf32>
        %get3A_1359 = arith.constant 4 : i32
        %get3A_1360 = arith.index_cast %get3A_1359 : i32 to index
        %get3A_1361 = arith.index_cast %add3A_1265 : i32 to index
        %get3A_1362 = tpu.vector_load %arg8[%get3A_1360, %get3A_1361] {strides = array<i32>} : memref<8x2048xf32, #tpu.memory_space<vmem>>, vector<1x16xf32>,
        %get3A_1363 = vector.shape_cast %get3A_1362 : vector<1x16xf32> to vector<16xf32>
        %get3A_1364 = arith.constant 4 : i32
        %get3A_1365 = arith.index_cast %get3A_1364 : i32 to index
        %get3A_1366 = arith.index_cast %add3A_1265 : i32 to index
        %get3A_1367 = tpu.vector_load %arg9[%get3A_1365, %get3A_1366] {strides = array<i32>} : memref<8x2048xf32, #tpu.memory_space<vmem>>, vector<1x16xf32>,
        %get3A_1368 = vector.shape_cast %get3A_1367 : vector<1x16xf32> to vector<16xf32>
        %lt3A_1369 = arith.cmpf olt, %get3A_1363, %broadcast_in_dim3A_37 : vector<16xf32>
        %select_n3A_1370 = arith.select %lt3A_1369, %get3A_1358, %broadcast_in_dim3A_35 : vector<16xi1>, vector<16xf32>
        %sub3A_1371 = arith.subf %select_n3A_1370, %get3A_181 : vector<16xf32>
        %mul3A_1372 = arith.mulf %sub3A_1371, %get3A_1368 : vector<16xf32>
        %le3A_1373 = arith.cmpf ole, %mul3A_1372, %broadcast_in_dim3A_41 : vector<16xf32>
        %select_n3A_1374 = arith.select %le3A_1373, %broadcast_in_dim3A_39, %broadcast_in_dim3A_41 : vector<16xi1>, vector<16xf32>
        %add3A_1375 = arith.addf %add3A_1197, %select_n3A_1374 : vector<16xf32>
        %get3A_1376 = arith.constant 5 : i32
        %get3A_1377 = arith.index_cast %get3A_1376 : i32 to index
        %get3A_1378 = arith.index_cast %add3A_1265 : i32 to index
        %get3A_1379 = tpu.vector_load %arg7[%get3A_1377, %get3A_1378] {strides = array<i32>} : memref<8x2048xf32, #tpu.memory_space<vmem>>, vector<1x16xf32>,
        %get3A_1380 = vector.shape_cast %get3A_1379 : vector<1x16xf32> to vector<16xf32>
        %get3A_1381 = arith.constant 5 : i32
        %get3A_1382 = arith.index_cast %get3A_1381 : i32 to index
        %get3A_1383 = arith.index_cast %add3A_1265 : i32 to index
        %get3A_1384 = tpu.vector_load %arg8[%get3A_1382, %get3A_1383] {strides = array<i32>} : memref<8x2048xf32, #tpu.memory_space<vmem>>, vector<1x16xf32>,
        %get3A_1385 = vector.shape_cast %get3A_1384 : vector<1x16xf32> to vector<16xf32>
        %get3A_1386 = arith.constant 5 : i32
        %get3A_1387 = arith.index_cast %get3A_1386 : i32 to index
        %get3A_1388 = arith.index_cast %add3A_1265 : i32 to index
        %get3A_1389 = tpu.vector_load %arg9[%get3A_1387, %get3A_1388] {strides = array<i32>} : memref<8x2048xf32, #tpu.memory_space<vmem>>, vector<1x16xf32>,
        %get3A_1390 = vector.shape_cast %get3A_1389 : vector<1x16xf32> to vector<16xf32>
        %lt3A_1391 = arith.cmpf olt, %get3A_1385, %broadcast_in_dim3A_37 : vector<16xf32>
        %select_n3A_1392 = arith.select %lt3A_1391, %get3A_1380, %broadcast_in_dim3A_35 : vector<16xi1>, vector<16xf32>
        %sub3A_1393 = arith.subf %select_n3A_1392, %get3A_186 : vector<16xf32>
        %mul3A_1394 = arith.mulf %sub3A_1393, %get3A_1390 : vector<16xf32>
        %le3A_1395 = arith.cmpf ole, %mul3A_1394, %broadcast_in_dim3A_41 : vector<16xf32>
        %select_n3A_1396 = arith.select %le3A_1395, %broadcast_in_dim3A_39, %broadcast_in_dim3A_41 : vector<16xi1>, vector<16xf32>
        %add3A_1397 = arith.addf %add3A_1219, %select_n3A_1396 : vector<16xf32>
        %get3A_1398 = arith.constant 6 : i32
        %get3A_1399 = arith.index_cast %get3A_1398 : i32 to index
        %get3A_1400 = arith.index_cast %add3A_1265 : i32 to index
        %get3A_1401 = tpu.vector_load %arg7[%get3A_1399, %get3A_1400] {strides = array<i32>} : memref<8x2048xf32, #tpu.memory_space<vmem>>, vector<1x16xf32>,
        %get3A_1402 = vector.shape_cast %get3A_1401 : vector<1x16xf32> to vector<16xf32>
        %get3A_1403 = arith.constant 6 : i32
        %get3A_1404 = arith.index_cast %get3A_1403 : i32 to index
        %get3A_1405 = arith.index_cast %add3A_1265 : i32 to index
        %get3A_1406 = tpu.vector_load %arg8[%get3A_1404, %get3A_1405] {strides = array<i32>} : memref<8x2048xf32, #tpu.memory_space<vmem>>, vector<1x16xf32>,
        %get3A_1407 = vector.shape_cast %get3A_1406 : vector<1x16xf32> to vector<16xf32>
        %get3A_1408 = arith.constant 6 : i32
        %get3A_1409 = arith.index_cast %get3A_1408 : i32 to index
        %get3A_1410 = arith.index_cast %add3A_1265 : i32 to index
        %get3A_1411 = tpu.vector_load %arg9[%get3A_1409, %get3A_1410] {strides = array<i32>} : memref<8x2048xf32, #tpu.memory_space<vmem>>, vector<1x16xf32>,
        %get3A_1412 = vector.shape_cast %get3A_1411 : vector<1x16xf32> to vector<16xf32>
        %lt3A_1413 = arith.cmpf olt, %get3A_1407, %broadcast_in_dim3A_37 : vector<16xf32>
        %select_n3A_1414 = arith.select %lt3A_1413, %get3A_1402, %broadcast_in_dim3A_35 : vector<16xi1>, vector<16xf32>
        %sub3A_1415 = arith.subf %select_n3A_1414, %get3A_191 : vector<16xf32>
        %mul3A_1416 = arith.mulf %sub3A_1415, %get3A_1412 : vector<16xf32>
        %le3A_1417 = arith.cmpf ole, %mul3A_1416, %broadcast_in_dim3A_41 : vector<16xf32>
        %select_n3A_1418 = arith.select %le3A_1417, %broadcast_in_dim3A_39, %broadcast_in_dim3A_41 : vector<16xi1>, vector<16xf32>
        %add3A_1419 = arith.addf %add3A_1241, %select_n3A_1418 : vector<16xf32>
        %get3A_1420 = arith.constant 7 : i32
        %get3A_1421 = arith.index_cast %get3A_1420 : i32 to index
        %get3A_1422 = arith.index_cast %add3A_1265 : i32 to index
        %get3A_1423 = tpu.vector_load %arg7[%get3A_1421, %get3A_1422] {strides = array<i32>} : memref<8x2048xf32, #tpu.memory_space<vmem>>, vector<1x16xf32>,
        %get3A_1424 = vector.shape_cast %get3A_1423 : vector<1x16xf32> to vector<16xf32>
        %get3A_1425 = arith.constant 7 : i32
        %get3A_1426 = arith.index_cast %get3A_1425 : i32 to index
        %get3A_1427 = arith.index_cast %add3A_1265 : i32 to index
        %get3A_1428 = tpu.vector_load %arg8[%get3A_1426, %get3A_1427] {strides = array<i32>} : memref<8x2048xf32, #tpu.memory_space<vmem>>, vector<1x16xf32>,
        %get3A_1429 = vector.shape_cast %get3A_1428 : vector<1x16xf32> to vector<16xf32>
        %get3A_1430 = arith.constant 7 : i32
        %get3A_1431 = arith.index_cast %get3A_1430 : i32 to index
        %get3A_1432 = arith.index_cast %add3A_1265 : i32 to index
        %get3A_1433 = tpu.vector_load %arg9[%get3A_1431, %get3A_1432] {strides = array<i32>} : memref<8x2048xf32, #tpu.memory_space<vmem>>, vector<1x16xf32>,
        %get3A_1434 = vector.shape_cast %get3A_1433 : vector<1x16xf32> to vector<16xf32>
        %lt3A_1435 = arith.cmpf olt, %get3A_1429, %broadcast_in_dim3A_37 : vector<16xf32>
        %select_n3A_1436 = arith.select %lt3A_1435, %get3A_1424, %broadcast_in_dim3A_35 : vector<16xi1>, vector<16xf32>
        %sub3A_1437 = arith.subf %select_n3A_1436, %get3A_196 : vector<16xf32>
        %mul3A_1438 = arith.mulf %sub3A_1437, %get3A_1434 : vector<16xf32>
        %le3A_1439 = arith.cmpf ole, %mul3A_1438, %broadcast_in_dim3A_41 : vector<16xf32>
        %select_n3A_1440 = arith.select %le3A_1439, %broadcast_in_dim3A_39, %broadcast_in_dim3A_41 : vector<16xi1>, vector<16xf32>
        %add3A_1441 = arith.addf %add3A_1263, %select_n3A_1440 : vector<16xf32>
        %add3A_1442 = arith.constant 1792 : i32
        %add3A_1443 = arith.addi %add3A_1442, %add3A_117 : i32
        %get3A_1444 = arith.constant 0 : i32
        %get3A_1445 = arith.index_cast %get3A_1444 : i32 to index
        %get3A_1446 = arith.index_cast %add3A_1443 : i32 to index
        %get3A_1447 = tpu.vector_load %arg7[%get3A_1445, %get3A_1446] {strides = array<i32>} : memref<8x2048xf32, #tpu.memory_space<vmem>>, vector<1x16xf32>,
        %get3A_1448 = vector.shape_cast %get3A_1447 : vector<1x16xf32> to vector<16xf32>
        %get3A_1449 = arith.constant 0 : i32
        %get3A_1450 = arith.index_cast %get3A_1449 : i32 to index
        %get3A_1451 = arith.index_cast %add3A_1443 : i32 to index
        %get3A_1452 = tpu.vector_load %arg8[%get3A_1450, %get3A_1451] {strides = array<i32>} : memref<8x2048xf32, #tpu.memory_space<vmem>>, vector<1x16xf32>,
        %get3A_1453 = vector.shape_cast %get3A_1452 : vector<1x16xf32> to vector<16xf32>
        %get3A_1454 = arith.constant 0 : i32
        %get3A_1455 = arith.index_cast %get3A_1454 : i32 to index
        %get3A_1456 = arith.index_cast %add3A_1443 : i32 to index
        %get3A_1457 = tpu.vector_load %arg9[%get3A_1455, %get3A_1456] {strides = array<i32>} : memref<8x2048xf32, #tpu.memory_space<vmem>>, vector<1x16xf32>,
        %get3A_1458 = vector.shape_cast %get3A_1457 : vector<1x16xf32> to vector<16xf32>
        %lt3A_1459 = arith.cmpf olt, %get3A_1453, %broadcast_in_dim3A_37 : vector<16xf32>
        %select_n3A_1460 = arith.select %lt3A_1459, %get3A_1448, %broadcast_in_dim3A_35 : vector<16xi1>, vector<16xf32>
        %sub3A_1461 = arith.subf %select_n3A_1460, %get3A_161 : vector<16xf32>
        %mul3A_1462 = arith.mulf %sub3A_1461, %get3A_1458 : vector<16xf32>
        %le3A_1463 = arith.cmpf ole, %mul3A_1462, %broadcast_in_dim3A_41 : vector<16xf32>
        %select_n3A_1464 = arith.select %le3A_1463, %broadcast_in_dim3A_39, %broadcast_in_dim3A_41 : vector<16xi1>, vector<16xf32>
        %add3A_1465 = arith.addf %add3A_1287, %select_n3A_1464 : vector<16xf32>
        %get3A_1466 = arith.constant 1 : i32
        %get3A_1467 = arith.index_cast %get3A_1466 : i32 to index
        %get3A_1468 = arith.index_cast %add3A_1443 : i32 to index
        %get3A_1469 = tpu.vector_load %arg7[%get3A_1467, %get3A_1468] {strides = array<i32>} : memref<8x2048xf32, #tpu.memory_space<vmem>>, vector<1x16xf32>,
        %get3A_1470 = vector.shape_cast %get3A_1469 : vector<1x16xf32> to vector<16xf32>
        %get3A_1471 = arith.constant 1 : i32
        %get3A_1472 = arith.index_cast %get3A_1471 : i32 to index
        %get3A_1473 = arith.index_cast %add3A_1443 : i32 to index
        %get3A_1474 = tpu.vector_load %arg8[%get3A_1472, %get3A_1473] {strides = array<i32>} : memref<8x2048xf32, #tpu.memory_space<vmem>>, vector<1x16xf32>,
        %get3A_1475 = vector.shape_cast %get3A_1474 : vector<1x16xf32> to vector<16xf32>
        %get3A_1476 = arith.constant 1 : i32
        %get3A_1477 = arith.index_cast %get3A_1476 : i32 to index
        %get3A_1478 = arith.index_cast %add3A_1443 : i32 to index
        %get3A_1479 = tpu.vector_load %arg9[%get3A_1477, %get3A_1478] {strides = array<i32>} : memref<8x2048xf32, #tpu.memory_space<vmem>>, vector<1x16xf32>,
        %get3A_1480 = vector.shape_cast %get3A_1479 : vector<1x16xf32> to vector<16xf32>
        %lt3A_1481 = arith.cmpf olt, %get3A_1475, %broadcast_in_dim3A_37 : vector<16xf32>
        %select_n3A_1482 = arith.select %lt3A_1481, %get3A_1470, %broadcast_in_dim3A_35 : vector<16xi1>, vector<16xf32>
        %sub3A_1483 = arith.subf %select_n3A_1482, %get3A_166 : vector<16xf32>
        %mul3A_1484 = arith.mulf %sub3A_1483, %get3A_1480 : vector<16xf32>
        %le3A_1485 = arith.cmpf ole, %mul3A_1484, %broadcast_in_dim3A_41 : vector<16xf32>
        %select_n3A_1486 = arith.select %le3A_1485, %broadcast_in_dim3A_39, %broadcast_in_dim3A_41 : vector<16xi1>, vector<16xf32>
        %add3A_1487 = arith.addf %add3A_1309, %select_n3A_1486 : vector<16xf32>
        %get3A_1488 = arith.constant 2 : i32
        %get3A_1489 = arith.index_cast %get3A_1488 : i32 to index
        %get3A_1490 = arith.index_cast %add3A_1443 : i32 to index
        %get3A_1491 = tpu.vector_load %arg7[%get3A_1489, %get3A_1490] {strides = array<i32>} : memref<8x2048xf32, #tpu.memory_space<vmem>>, vector<1x16xf32>,
        %get3A_1492 = vector.shape_cast %get3A_1491 : vector<1x16xf32> to vector<16xf32>
        %get3A_1493 = arith.constant 2 : i32
        %get3A_1494 = arith.index_cast %get3A_1493 : i32 to index
        %get3A_1495 = arith.index_cast %add3A_1443 : i32 to index
        %get3A_1496 = tpu.vector_load %arg8[%get3A_1494, %get3A_1495] {strides = array<i32>} : memref<8x2048xf32, #tpu.memory_space<vmem>>, vector<1x16xf32>,
        %get3A_1497 = vector.shape_cast %get3A_1496 : vector<1x16xf32> to vector<16xf32>
        %get3A_1498 = arith.constant 2 : i32
        %get3A_1499 = arith.index_cast %get3A_1498 : i32 to index
        %get3A_1500 = arith.index_cast %add3A_1443 : i32 to index
        %get3A_1501 = tpu.vector_load %arg9[%get3A_1499, %get3A_1500] {strides = array<i32>} : memref<8x2048xf32, #tpu.memory_space<vmem>>, vector<1x16xf32>,
        %get3A_1502 = vector.shape_cast %get3A_1501 : vector<1x16xf32> to vector<16xf32>
        %lt3A_1503 = arith.cmpf olt, %get3A_1497, %broadcast_in_dim3A_37 : vector<16xf32>
        %select_n3A_1504 = arith.select %lt3A_1503, %get3A_1492, %broadcast_in_dim3A_35 : vector<16xi1>, vector<16xf32>
        %sub3A_1505 = arith.subf %select_n3A_1504, %get3A_171 : vector<16xf32>
        %mul3A_1506 = arith.mulf %sub3A_1505, %get3A_1502 : vector<16xf32>
        %le3A_1507 = arith.cmpf ole, %mul3A_1506, %broadcast_in_dim3A_41 : vector<16xf32>
        %select_n3A_1508 = arith.select %le3A_1507, %broadcast_in_dim3A_39, %broadcast_in_dim3A_41 : vector<16xi1>, vector<16xf32>
        %add3A_1509 = arith.addf %add3A_1331, %select_n3A_1508 : vector<16xf32>
        %get3A_1510 = arith.constant 3 : i32
        %get3A_1511 = arith.index_cast %get3A_1510 : i32 to index
        %get3A_1512 = arith.index_cast %add3A_1443 : i32 to index
        %get3A_1513 = tpu.vector_load %arg7[%get3A_1511, %get3A_1512] {strides = array<i32>} : memref<8x2048xf32, #tpu.memory_space<vmem>>, vector<1x16xf32>,
        %get3A_1514 = vector.shape_cast %get3A_1513 : vector<1x16xf32> to vector<16xf32>
        %get3A_1515 = arith.constant 3 : i32
        %get3A_1516 = arith.index_cast %get3A_1515 : i32 to index
        %get3A_1517 = arith.index_cast %add3A_1443 : i32 to index
        %get3A_1518 = tpu.vector_load %arg8[%get3A_1516, %get3A_1517] {strides = array<i32>} : memref<8x2048xf32, #tpu.memory_space<vmem>>, vector<1x16xf32>,
        %get3A_1519 = vector.shape_cast %get3A_1518 : vector<1x16xf32> to vector<16xf32>
        %get3A_1520 = arith.constant 3 : i32
        %get3A_1521 = arith.index_cast %get3A_1520 : i32 to index
        %get3A_1522 = arith.index_cast %add3A_1443 : i32 to index
        %get3A_1523 = tpu.vector_load %arg9[%get3A_1521, %get3A_1522] {strides = array<i32>} : memref<8x2048xf32, #tpu.memory_space<vmem>>, vector<1x16xf32>,
        %get3A_1524 = vector.shape_cast %get3A_1523 : vector<1x16xf32> to vector<16xf32>
        %lt3A_1525 = arith.cmpf olt, %get3A_1519, %broadcast_in_dim3A_37 : vector<16xf32>
        %select_n3A_1526 = arith.select %lt3A_1525, %get3A_1514, %broadcast_in_dim3A_35 : vector<16xi1>, vector<16xf32>
        %sub3A_1527 = arith.subf %select_n3A_1526, %get3A_176 : vector<16xf32>
        %mul3A_1528 = arith.mulf %sub3A_1527, %get3A_1524 : vector<16xf32>
        %le3A_1529 = arith.cmpf ole, %mul3A_1528, %broadcast_in_dim3A_41 : vector<16xf32>
        %select_n3A_1530 = arith.select %le3A_1529, %broadcast_in_dim3A_39, %broadcast_in_dim3A_41 : vector<16xi1>, vector<16xf32>
        %add3A_1531 = arith.addf %add3A_1353, %select_n3A_1530 : vector<16xf32>
        %get3A_1532 = arith.constant 4 : i32
        %get3A_1533 = arith.index_cast %get3A_1532 : i32 to index
        %get3A_1534 = arith.index_cast %add3A_1443 : i32 to index
        %get3A_1535 = tpu.vector_load %arg7[%get3A_1533, %get3A_1534] {strides = array<i32>} : memref<8x2048xf32, #tpu.memory_space<vmem>>, vector<1x16xf32>,
        %get3A_1536 = vector.shape_cast %get3A_1535 : vector<1x16xf32> to vector<16xf32>
        %get3A_1537 = arith.constant 4 : i32
        %get3A_1538 = arith.index_cast %get3A_1537 : i32 to index
        %get3A_1539 = arith.index_cast %add3A_1443 : i32 to index
        %get3A_1540 = tpu.vector_load %arg8[%get3A_1538, %get3A_1539] {strides = array<i32>} : memref<8x2048xf32, #tpu.memory_space<vmem>>, vector<1x16xf32>,
        %get3A_1541 = vector.shape_cast %get3A_1540 : vector<1x16xf32> to vector<16xf32>
        %get3A_1542 = arith.constant 4 : i32
        %get3A_1543 = arith.index_cast %get3A_1542 : i32 to index
        %get3A_1544 = arith.index_cast %add3A_1443 : i32 to index
        %get3A_1545 = tpu.vector_load %arg9[%get3A_1543, %get3A_1544] {strides = array<i32>} : memref<8x2048xf32, #tpu.memory_space<vmem>>, vector<1x16xf32>,
        %get3A_1546 = vector.shape_cast %get3A_1545 : vector<1x16xf32> to vector<16xf32>
        %lt3A_1547 = arith.cmpf olt, %get3A_1541, %broadcast_in_dim3A_37 : vector<16xf32>
        %select_n3A_1548 = arith.select %lt3A_1547, %get3A_1536, %broadcast_in_dim3A_35 : vector<16xi1>, vector<16xf32>
        %sub3A_1549 = arith.subf %select_n3A_1548, %get3A_181 : vector<16xf32>
        %mul3A_1550 = arith.mulf %sub3A_1549, %get3A_1546 : vector<16xf32>
        %le3A_1551 = arith.cmpf ole, %mul3A_1550, %broadcast_in_dim3A_41 : vector<16xf32>
        %select_n3A_1552 = arith.select %le3A_1551, %broadcast_in_dim3A_39, %broadcast_in_dim3A_41 : vector<16xi1>, vector<16xf32>
        %add3A_1553 = arith.addf %add3A_1375, %select_n3A_1552 : vector<16xf32>
        %get3A_1554 = arith.constant 5 : i32
        %get3A_1555 = arith.index_cast %get3A_1554 : i32 to index
        %get3A_1556 = arith.index_cast %add3A_1443 : i32 to index
        %get3A_1557 = tpu.vector_load %arg7[%get3A_1555, %get3A_1556] {strides = array<i32>} : memref<8x2048xf32, #tpu.memory_space<vmem>>, vector<1x16xf32>,
        %get3A_1558 = vector.shape_cast %get3A_1557 : vector<1x16xf32> to vector<16xf32>
        %get3A_1559 = arith.constant 5 : i32
        %get3A_1560 = arith.index_cast %get3A_1559 : i32 to index
        %get3A_1561 = arith.index_cast %add3A_1443 : i32 to index
        %get3A_1562 = tpu.vector_load %arg8[%get3A_1560, %get3A_1561] {strides = array<i32>} : memref<8x2048xf32, #tpu.memory_space<vmem>>, vector<1x16xf32>,
        %get3A_1563 = vector.shape_cast %get3A_1562 : vector<1x16xf32> to vector<16xf32>
        %get3A_1564 = arith.constant 5 : i32
        %get3A_1565 = arith.index_cast %get3A_1564 : i32 to index
        %get3A_1566 = arith.index_cast %add3A_1443 : i32 to index
        %get3A_1567 = tpu.vector_load %arg9[%get3A_1565, %get3A_1566] {strides = array<i32>} : memref<8x2048xf32, #tpu.memory_space<vmem>>, vector<1x16xf32>,
        %get3A_1568 = vector.shape_cast %get3A_1567 : vector<1x16xf32> to vector<16xf32>
        %lt3A_1569 = arith.cmpf olt, %get3A_1563, %broadcast_in_dim3A_37 : vector<16xf32>
        %select_n3A_1570 = arith.select %lt3A_1569, %get3A_1558, %broadcast_in_dim3A_35 : vector<16xi1>, vector<16xf32>
        %sub3A_1571 = arith.subf %select_n3A_1570, %get3A_186 : vector<16xf32>
        %mul3A_1572 = arith.mulf %sub3A_1571, %get3A_1568 : vector<16xf32>
        %le3A_1573 = arith.cmpf ole, %mul3A_1572, %broadcast_in_dim3A_41 : vector<16xf32>
        %select_n3A_1574 = arith.select %le3A_1573, %broadcast_in_dim3A_39, %broadcast_in_dim3A_41 : vector<16xi1>, vector<16xf32>
        %add3A_1575 = arith.addf %add3A_1397, %select_n3A_1574 : vector<16xf32>
        %get3A_1576 = arith.constant 6 : i32
        %get3A_1577 = arith.index_cast %get3A_1576 : i32 to index
        %get3A_1578 = arith.index_cast %add3A_1443 : i32 to index
        %get3A_1579 = tpu.vector_load %arg7[%get3A_1577, %get3A_1578] {strides = array<i32>} : memref<8x2048xf32, #tpu.memory_space<vmem>>, vector<1x16xf32>,
        %get3A_1580 = vector.shape_cast %get3A_1579 : vector<1x16xf32> to vector<16xf32>
        %get3A_1581 = arith.constant 6 : i32
        %get3A_1582 = arith.index_cast %get3A_1581 : i32 to index
        %get3A_1583 = arith.index_cast %add3A_1443 : i32 to index
        %get3A_1584 = tpu.vector_load %arg8[%get3A_1582, %get3A_1583] {strides = array<i32>} : memref<8x2048xf32, #tpu.memory_space<vmem>>, vector<1x16xf32>,
        %get3A_1585 = vector.shape_cast %get3A_1584 : vector<1x16xf32> to vector<16xf32>
        %get3A_1586 = arith.constant 6 : i32
        %get3A_1587 = arith.index_cast %get3A_1586 : i32 to index
        %get3A_1588 = arith.index_cast %add3A_1443 : i32 to index
        %get3A_1589 = tpu.vector_load %arg9[%get3A_1587, %get3A_1588] {strides = array<i32>} : memref<8x2048xf32, #tpu.memory_space<vmem>>, vector<1x16xf32>,
        %get3A_1590 = vector.shape_cast %get3A_1589 : vector<1x16xf32> to vector<16xf32>
        %lt3A_1591 = arith.cmpf olt, %get3A_1585, %broadcast_in_dim3A_37 : vector<16xf32>
        %select_n3A_1592 = arith.select %lt3A_1591, %get3A_1580, %broadcast_in_dim3A_35 : vector<16xi1>, vector<16xf32>
        %sub3A_1593 = arith.subf %select_n3A_1592, %get3A_191 : vector<16xf32>
        %mul3A_1594 = arith.mulf %sub3A_1593, %get3A_1590 : vector<16xf32>
        %le3A_1595 = arith.cmpf ole, %mul3A_1594, %broadcast_in_dim3A_41 : vector<16xf32>
        %select_n3A_1596 = arith.select %le3A_1595, %broadcast_in_dim3A_39, %broadcast_in_dim3A_41 : vector<16xi1>, vector<16xf32>
        %add3A_1597 = arith.addf %add3A_1419, %select_n3A_1596 : vector<16xf32>
        %get3A_1598 = arith.constant 7 : i32
        %get3A_1599 = arith.index_cast %get3A_1598 : i32 to index
        %get3A_1600 = arith.index_cast %add3A_1443 : i32 to index
        %get3A_1601 = tpu.vector_load %arg7[%get3A_1599, %get3A_1600] {strides = array<i32>} : memref<8x2048xf32, #tpu.memory_space<vmem>>, vector<1x16xf32>,
        %get3A_1602 = vector.shape_cast %get3A_1601 : vector<1x16xf32> to vector<16xf32>
        %get3A_1603 = arith.constant 7 : i32
        %get3A_1604 = arith.index_cast %get3A_1603 : i32 to index
        %get3A_1605 = arith.index_cast %add3A_1443 : i32 to index
        %get3A_1606 = tpu.vector_load %arg8[%get3A_1604, %get3A_1605] {strides = array<i32>} : memref<8x2048xf32, #tpu.memory_space<vmem>>, vector<1x16xf32>,
        %get3A_1607 = vector.shape_cast %get3A_1606 : vector<1x16xf32> to vector<16xf32>
        %get3A_1608 = arith.constant 7 : i32
        %get3A_1609 = arith.index_cast %get3A_1608 : i32 to index
        %get3A_1610 = arith.index_cast %add3A_1443 : i32 to index
        %get3A_1611 = tpu.vector_load %arg9[%get3A_1609, %get3A_1610] {strides = array<i32>} : memref<8x2048xf32, #tpu.memory_space<vmem>>, vector<1x16xf32>,
        %get3A_1612 = vector.shape_cast %get3A_1611 : vector<1x16xf32> to vector<16xf32>
        %lt3A_1613 = arith.cmpf olt, %get3A_1607, %broadcast_in_dim3A_37 : vector<16xf32>
        %select_n3A_1614 = arith.select %lt3A_1613, %get3A_1602, %broadcast_in_dim3A_35 : vector<16xi1>, vector<16xf32>
        %sub3A_1615 = arith.subf %select_n3A_1614, %get3A_196 : vector<16xf32>
        %mul3A_1616 = arith.mulf %sub3A_1615, %get3A_1612 : vector<16xf32>
        %le3A_1617 = arith.cmpf ole, %mul3A_1616, %broadcast_in_dim3A_41 : vector<16xf32>
        %select_n3A_1618 = arith.select %le3A_1617, %broadcast_in_dim3A_39, %broadcast_in_dim3A_41 : vector<16xi1>, vector<16xf32>
        %add3A_1619 = arith.addf %add3A_1441, %select_n3A_1618 : vector<16xf32>
        %swap3A = arith.constant 0 : i32
        %swap3A_1620 = arith.index_cast %swap3A : i32 to index
        %swap3A_1621 = arith.index_cast %add3A_117 : i32 to index
        %swap3A_1622 = tpu.vector_load %arg17[%swap3A_1620, %swap3A_1621] {strides = array<i32>} : memref<8x256xf32, #tpu.memory_space<vmem>>, vector<1x16xf32>,
        %swap3A_1623 = vector.shape_cast %swap3A_1622 : vector<1x16xf32> to vector<16xf32>
        %swap3A_1624 = vector.shape_cast %add3A_1465 : vector<16xf32> to vector<1x16xf32>
        tpu.vector_store %arg17[%swap3A_1620, %swap3A_1621], %swap3A_1624 {strides = array<i32>} : memref<8x256xf32, #tpu.memory_space<vmem>>, vector<1x16xf32>,
        %swap3A_1625 = arith.constant 1 : i32
        %swap3A_1626 = arith.index_cast %swap3A_1625 : i32 to index
        %swap3A_1627 = arith.index_cast %add3A_117 : i32 to index
        %swap3A_1628 = tpu.vector_load %arg17[%swap3A_1626, %swap3A_1627] {strides = array<i32>} : memref<8x256xf32, #tpu.memory_space<vmem>>, vector<1x16xf32>,
        %swap3A_1629 = vector.shape_cast %swap3A_1628 : vector<1x16xf32> to vector<16xf32>
        %swap3A_1630 = vector.shape_cast %add3A_1487 : vector<16xf32> to vector<1x16xf32>
        tpu.vector_store %arg17[%swap3A_1626, %swap3A_1627], %swap3A_1630 {strides = array<i32>} : memref<8x256xf32, #tpu.memory_space<vmem>>, vector<1x16xf32>,
        %swap3A_1631 = arith.constant 2 : i32
        %swap3A_1632 = arith.index_cast %swap3A_1631 : i32 to index
        %swap3A_1633 = arith.index_cast %add3A_117 : i32 to index
        %swap3A_1634 = tpu.vector_load %arg17[%swap3A_1632, %swap3A_1633] {strides = array<i32>} : memref<8x256xf32, #tpu.memory_space<vmem>>, vector<1x16xf32>,
        %swap3A_1635 = vector.shape_cast %swap3A_1634 : vector<1x16xf32> to vector<16xf32>
        %swap3A_1636 = vector.shape_cast %add3A_1509 : vector<16xf32> to vector<1x16xf32>
        tpu.vector_store %arg17[%swap3A_1632, %swap3A_1633], %swap3A_1636 {strides = array<i32>} : memref<8x256xf32, #tpu.memory_space<vmem>>, vector<1x16xf32>,
        %swap3A_1637 = arith.constant 3 : i32
        %swap3A_1638 = arith.index_cast %swap3A_1637 : i32 to index
        %swap3A_1639 = arith.index_cast %add3A_117 : i32 to index
        %swap3A_1640 = tpu.vector_load %arg17[%swap3A_1638, %swap3A_1639] {strides = array<i32>} : memref<8x256xf32, #tpu.memory_space<vmem>>, vector<1x16xf32>,
        %swap3A_1641 = vector.shape_cast %swap3A_1640 : vector<1x16xf32> to vector<16xf32>
        %swap3A_1642 = vector.shape_cast %add3A_1531 : vector<16xf32> to vector<1x16xf32>
        tpu.vector_store %arg17[%swap3A_1638, %swap3A_1639], %swap3A_1642 {strides = array<i32>} : memref<8x256xf32, #tpu.memory_space<vmem>>, vector<1x16xf32>,
        %swap3A_1643 = arith.constant 4 : i32
        %swap3A_1644 = arith.index_cast %swap3A_1643 : i32 to index
        %swap3A_1645 = arith.index_cast %add3A_117 : i32 to index
        %swap3A_1646 = tpu.vector_load %arg17[%swap3A_1644, %swap3A_1645] {strides = array<i32>} : memref<8x256xf32, #tpu.memory_space<vmem>>, vector<1x16xf32>,
        %swap3A_1647 = vector.shape_cast %swap3A_1646 : vector<1x16xf32> to vector<16xf32>
        %swap3A_1648 = vector.shape_cast %add3A_1553 : vector<16xf32> to vector<1x16xf32>
        tpu.vector_store %arg17[%swap3A_1644, %swap3A_1645], %swap3A_1648 {strides = array<i32>} : memref<8x256xf32, #tpu.memory_space<vmem>>, vector<1x16xf32>,
        %swap3A_1649 = arith.constant 5 : i32
        %swap3A_1650 = arith.index_cast %swap3A_1649 : i32 to index
        %swap3A_1651 = arith.index_cast %add3A_117 : i32 to index
        %swap3A_1652 = tpu.vector_load %arg17[%swap3A_1650, %swap3A_1651] {strides = array<i32>} : memref<8x256xf32, #tpu.memory_space<vmem>>, vector<1x16xf32>,
        %swap3A_1653 = vector.shape_cast %swap3A_1652 : vector<1x16xf32> to vector<16xf32>
        %swap3A_1654 = vector.shape_cast %add3A_1575 : vector<16xf32> to vector<1x16xf32>
        tpu.vector_store %arg17[%swap3A_1650, %swap3A_1651], %swap3A_1654 {strides = array<i32>} : memref<8x256xf32, #tpu.memory_space<vmem>>, vector<1x16xf32>,
        %swap3A_1655 = arith.constant 6 : i32
        %swap3A_1656 = arith.index_cast %swap3A_1655 : i32 to index
        %swap3A_1657 = arith.index_cast %add3A_117 : i32 to index
        %swap3A_1658 = tpu.vector_load %arg17[%swap3A_1656, %swap3A_1657] {strides = array<i32>} : memref<8x256xf32, #tpu.memory_space<vmem>>, vector<1x16xf32>,
        %swap3A_1659 = vector.shape_cast %swap3A_1658 : vector<1x16xf32> to vector<16xf32>
        %swap3A_1660 = vector.shape_cast %add3A_1597 : vector<16xf32> to vector<1x16xf32>
        tpu.vector_store %arg17[%swap3A_1656, %swap3A_1657], %swap3A_1660 {strides = array<i32>} : memref<8x256xf32, #tpu.memory_space<vmem>>, vector<1x16xf32>,
        %swap3A_1661 = arith.constant 7 : i32
        %swap3A_1662 = arith.index_cast %swap3A_1661 : i32 to index
        %swap3A_1663 = arith.index_cast %add3A_117 : i32 to index
        %swap3A_1664 = tpu.vector_load %arg17[%swap3A_1662, %swap3A_1663] {strides = array<i32>} : memref<8x256xf32, #tpu.memory_space<vmem>>, vector<1x16xf32>,
        %swap3A_1665 = vector.shape_cast %swap3A_1664 : vector<1x16xf32> to vector<16xf32>
        %swap3A_1666 = vector.shape_cast %add3A_1619 : vector<16xf32> to vector<1x16xf32>
        tpu.vector_store %arg17[%swap3A_1662, %swap3A_1663], %swap3A_1666 {strides = array<i32>} : memref<8x256xf32, #tpu.memory_space<vmem>>, vector<1x16xf32>,
      }
      %scan3A_89 = arith.constant 16 : i32
      %add3A_90 = arith.constant 1 : i32
      %add3A_91 = arith.addi %add3A_65, %add3A_90 : i32
      %mul3A_92 = arith.constant 2048 : i32
      %mul3A_93 = arith.muli %add3A_91, %mul3A_92 : i32
      %add3A_94 = arith.addi %mul3A_34, %mul3A_93 : i32
      %dma_wait3A_95 = tpu.memref_slice %arg2[%mul3A_32, %add3A_94] : memref<64x131328xf32, #tpu.memory_space<hbm>> -> memref<8x2048xf32, #tpu.memory_space<hbm>>
      %dma_wait3A_96 = tpu.memref_slice %arg2[%mul3A_32, %add3A_94] : memref<64x131328xf32, #tpu.memory_space<hbm>> -> memref<8x2048xf32, #tpu.memory_space<hbm>>
      tpu.wait_dma2 semaphore(%arg19 : memref<!tpu.dma_semaphore, #tpu.memory_space<semaphore_mem>>) src(%dma_wait3A_96 : memref<8x2048xf32, #tpu.memory_space<hbm>>) dst(%arg10 : memref<8x2048xf32, #tpu.memory_space<vmem>>)
      %dma_wait3A_97 = tpu.memref_slice %arg3[%mul3A_32, %add3A_94] : memref<64x131328xf32, #tpu.memory_space<hbm>> -> memref<8x2048xf32, #tpu.memory_space<hbm>>
      %dma_wait3A_98 = tpu.memref_slice %arg3[%mul3A_32, %add3A_94] : memref<64x131328xf32, #tpu.memory_space<hbm>> -> memref<8x2048xf32, #tpu.memory_space<hbm>>
      tpu.wait_dma2 semaphore(%arg19 : memref<!tpu.dma_semaphore, #tpu.memory_space<semaphore_mem>>) src(%dma_wait3A_98 : memref<8x2048xf32, #tpu.memory_space<hbm>>) dst(%arg11 : memref<8x2048xf32, #tpu.memory_space<vmem>>)
      %dma_wait3A_99 = tpu.memref_slice %arg4[%mul3A_32, %add3A_94] : memref<64x131328xf32, #tpu.memory_space<hbm>> -> memref<8x2048xf32, #tpu.memory_space<hbm>>
      %dma_wait3A_100 = tpu.memref_slice %arg4[%mul3A_32, %add3A_94] : memref<64x131328xf32, #tpu.memory_space<hbm>> -> memref<8x2048xf32, #tpu.memory_space<hbm>>
      tpu.wait_dma2 semaphore(%arg19 : memref<!tpu.dma_semaphore, #tpu.memory_space<semaphore_mem>>) src(%dma_wait3A_100 : memref<8x2048xf32, #tpu.memory_space<hbm>>) dst(%arg12 : memref<8x2048xf32, #tpu.memory_space<vmem>>)
      %add3A_101 = arith.constant 2 : i32
      %add3A_102 = arith.addi %add3A_65, %add3A_101 : i32
      %lt3A_103 = arith.constant 16 : i32
      %lt3A_104 = arith.cmpi slt, %add3A_102, %lt3A_103 : i32
      %convert_element_type3A_105 = arith.extui %lt3A_104 : i1 to i32
      %cond3A_106 = arith.constant 0 : i32
      %cond3A_107 = arith.cmpi ne, %convert_element_type3A_105, %cond3A_106 : i32
      scf.if %cond3A_107 {
        %add3A_113 = arith.constant 2 : i32
        %add3A_114 = arith.addi %add3A_65, %add3A_113 : i32
        %mul3A_115 = arith.constant 2048 : i32
        %mul3A_116 = arith.muli %add3A_114, %mul3A_115 : i32
        %add3A_117 = arith.addi %mul3A_34, %mul3A_116 : i32
        %dma_start3A_118 = tpu.memref_slice %arg2[%mul3A_32, %add3A_117] : memref<64x131328xf32, #tpu.memory_space<hbm>> -> memref<8x2048xf32, #tpu.memory_space<hbm>>
        %dma_start3A_119 = tpu.memref_slice %arg2[%mul3A_32, %add3A_117] : memref<64x131328xf32, #tpu.memory_space<hbm>> -> memref<8x2048xf32, #tpu.memory_space<hbm>>
        tpu.enqueue_dma source(%dma_start3A_119 : memref<8x2048xf32, #tpu.memory_space<hbm>>) target(%arg7 : memref<8x2048xf32, #tpu.memory_space<vmem>>) target_semaphore(%arg18 : memref<!tpu.dma_semaphore, #tpu.memory_space<semaphore_mem>>)
        %dma_start3A_120 = tpu.memref_slice %arg3[%mul3A_32, %add3A_117] : memref<64x131328xf32, #tpu.memory_space<hbm>> -> memref<8x2048xf32, #tpu.memory_space<hbm>>
        %dma_start3A_121 = tpu.memref_slice %arg3[%mul3A_32, %add3A_117] : memref<64x131328xf32, #tpu.memory_space<hbm>> -> memref<8x2048xf32, #tpu.memory_space<hbm>>
        tpu.enqueue_dma source(%dma_start3A_121 : memref<8x2048xf32, #tpu.memory_space<hbm>>) target(%arg8 : memref<8x2048xf32, #tpu.memory_space<vmem>>) target_semaphore(%arg18 : memref<!tpu.dma_semaphore, #tpu.memory_space<semaphore_mem>>)
        %dma_start3A_122 = tpu.memref_slice %arg4[%mul3A_32, %add3A_117] : memref<64x131328xf32, #tpu.memory_space<hbm>> -> memref<8x2048xf32, #tpu.memory_space<hbm>>
        %dma_start3A_123 = tpu.memref_slice %arg4[%mul3A_32, %add3A_117] : memref<64x131328xf32, #tpu.memory_space<hbm>> -> memref<8x2048xf32, #tpu.memory_space<hbm>>
        tpu.enqueue_dma source(%dma_start3A_123 : memref<8x2048xf32, #tpu.memory_space<hbm>>) target(%arg9 : memref<8x2048xf32, #tpu.memory_space<vmem>>) target_semaphore(%arg18 : memref<!tpu.dma_semaphore, #tpu.memory_space<semaphore_mem>>)
      } else {
      }
      %scan3A_108 = arith.constant 0 : i32
      %scan3A_109 = arith.constant 16 : i32
      %scan3A_110 = arith.addi %scan3A_108, %scan3A_109 : i32
      %scan3A_111 = arith.constant 1 : i32
      scf.for %scan3A_113 = %scan3A_108 to %scan3A_110 step %scan3A_111  : i32 {
        %mul3A_114 = arith.constant 16 : i32
        %mul3A_115 = arith.muli %scan3A_113, %mul3A_114 : i32
        %add3A_116 = arith.constant 0 : i32
        %add3A_117 = arith.addi %add3A_116, %mul3A_115 : i32
        %get3A = arith.constant 0 : i32
        %get3A_118 = arith.index_cast %get3A : i32 to index
        %get3A_119 = arith.index_cast %add3A_117 : i32 to index
        %get3A_120 = tpu.vector_load %arg17[%get3A_118, %get3A_119] {strides = array<i32>} : memref<8x256xf32, #tpu.memory_space<vmem>>, vector<1x16xf32>,
        %get3A_121 = vector.shape_cast %get3A_120 : vector<1x16xf32> to vector<16xf32>
        %get3A_122 = arith.constant 1 : i32
        %get3A_123 = arith.index_cast %get3A_122 : i32 to index
        %get3A_124 = arith.index_cast %add3A_117 : i32 to index
        %get3A_125 = tpu.vector_load %arg17[%get3A_123, %get3A_124] {strides = array<i32>} : memref<8x256xf32, #tpu.memory_space<vmem>>, vector<1x16xf32>,
        %get3A_126 = vector.shape_cast %get3A_125 : vector<1x16xf32> to vector<16xf32>
        %get3A_127 = arith.constant 2 : i32
        %get3A_128 = arith.index_cast %get3A_127 : i32 to index
        %get3A_129 = arith.index_cast %add3A_117 : i32 to index
        %get3A_130 = tpu.vector_load %arg17[%get3A_128, %get3A_129] {strides = array<i32>} : memref<8x256xf32, #tpu.memory_space<vmem>>, vector<1x16xf32>,
        %get3A_131 = vector.shape_cast %get3A_130 : vector<1x16xf32> to vector<16xf32>
        %get3A_132 = arith.constant 3 : i32
        %get3A_133 = arith.index_cast %get3A_132 : i32 to index
        %get3A_134 = arith.index_cast %add3A_117 : i32 to index
        %get3A_135 = tpu.vector_load %arg17[%get3A_133, %get3A_134] {strides = array<i32>} : memref<8x256xf32, #tpu.memory_space<vmem>>, vector<1x16xf32>,
        %get3A_136 = vector.shape_cast %get3A_135 : vector<1x16xf32> to vector<16xf32>
        %get3A_137 = arith.constant 4 : i32
        %get3A_138 = arith.index_cast %get3A_137 : i32 to index
        %get3A_139 = arith.index_cast %add3A_117 : i32 to index
        %get3A_140 = tpu.vector_load %arg17[%get3A_138, %get3A_139] {strides = array<i32>} : memref<8x256xf32, #tpu.memory_space<vmem>>, vector<1x16xf32>,
        %get3A_141 = vector.shape_cast %get3A_140 : vector<1x16xf32> to vector<16xf32>
        %get3A_142 = arith.constant 5 : i32
        %get3A_143 = arith.index_cast %get3A_142 : i32 to index
        %get3A_144 = arith.index_cast %add3A_117 : i32 to index
        %get3A_145 = tpu.vector_load %arg17[%get3A_143, %get3A_144] {strides = array<i32>} : memref<8x256xf32, #tpu.memory_space<vmem>>, vector<1x16xf32>,
        %get3A_146 = vector.shape_cast %get3A_145 : vector<1x16xf32> to vector<16xf32>
        %get3A_147 = arith.constant 6 : i32
        %get3A_148 = arith.index_cast %get3A_147 : i32 to index
        %get3A_149 = arith.index_cast %add3A_117 : i32 to index
        %get3A_150 = tpu.vector_load %arg17[%get3A_148, %get3A_149] {strides = array<i32>} : memref<8x256xf32, #tpu.memory_space<vmem>>, vector<1x16xf32>,
        %get3A_151 = vector.shape_cast %get3A_150 : vector<1x16xf32> to vector<16xf32>
        %get3A_152 = arith.constant 7 : i32
        %get3A_153 = arith.index_cast %get3A_152 : i32 to index
        %get3A_154 = arith.index_cast %add3A_117 : i32 to index
        %get3A_155 = tpu.vector_load %arg17[%get3A_153, %get3A_154] {strides = array<i32>} : memref<8x256xf32, #tpu.memory_space<vmem>>, vector<1x16xf32>,
        %get3A_156 = vector.shape_cast %get3A_155 : vector<1x16xf32> to vector<16xf32>
        %get3A_157 = arith.constant 0 : i32
        %get3A_158 = arith.index_cast %get3A_157 : i32 to index
        %get3A_159 = arith.index_cast %add3A_117 : i32 to index
        %get3A_160 = tpu.vector_load %arg16[%get3A_158, %get3A_159] {strides = array<i32>} : memref<8x256xf32, #tpu.memory_space<vmem>>, vector<1x16xf32>,
        %get3A_161 = vector.shape_cast %get3A_160 : vector<1x16xf32> to vector<16xf32>
        %get3A_162 = arith.constant 1 : i32
        %get3A_163 = arith.index_cast %get3A_162 : i32 to index
        %get3A_164 = arith.index_cast %add3A_117 : i32 to index
        %get3A_165 = tpu.vector_load %arg16[%get3A_163, %get3A_164] {strides = array<i32>} : memref<8x256xf32, #tpu.memory_space<vmem>>, vector<1x16xf32>,
        %get3A_166 = vector.shape_cast %get3A_165 : vector<1x16xf32> to vector<16xf32>
        %get3A_167 = arith.constant 2 : i32
        %get3A_168 = arith.index_cast %get3A_167 : i32 to index
        %get3A_169 = arith.index_cast %add3A_117 : i32 to index
        %get3A_170 = tpu.vector_load %arg16[%get3A_168, %get3A_169] {strides = array<i32>} : memref<8x256xf32, #tpu.memory_space<vmem>>, vector<1x16xf32>,
        %get3A_171 = vector.shape_cast %get3A_170 : vector<1x16xf32> to vector<16xf32>
        %get3A_172 = arith.constant 3 : i32
        %get3A_173 = arith.index_cast %get3A_172 : i32 to index
        %get3A_174 = arith.index_cast %add3A_117 : i32 to index
        %get3A_175 = tpu.vector_load %arg16[%get3A_173, %get3A_174] {strides = array<i32>} : memref<8x256xf32, #tpu.memory_space<vmem>>, vector<1x16xf32>,
        %get3A_176 = vector.shape_cast %get3A_175 : vector<1x16xf32> to vector<16xf32>
        %get3A_177 = arith.constant 4 : i32
        %get3A_178 = arith.index_cast %get3A_177 : i32 to index
        %get3A_179 = arith.index_cast %add3A_117 : i32 to index
        %get3A_180 = tpu.vector_load %arg16[%get3A_178, %get3A_179] {strides = array<i32>} : memref<8x256xf32, #tpu.memory_space<vmem>>, vector<1x16xf32>,
        %get3A_181 = vector.shape_cast %get3A_180 : vector<1x16xf32> to vector<16xf32>
        %get3A_182 = arith.constant 5 : i32
        %get3A_183 = arith.index_cast %get3A_182 : i32 to index
        %get3A_184 = arith.index_cast %add3A_117 : i32 to index
        %get3A_185 = tpu.vector_load %arg16[%get3A_183, %get3A_184] {strides = array<i32>} : memref<8x256xf32, #tpu.memory_space<vmem>>, vector<1x16xf32>,
        %get3A_186 = vector.shape_cast %get3A_185 : vector<1x16xf32> to vector<16xf32>
        %get3A_187 = arith.constant 6 : i32
        %get3A_188 = arith.index_cast %get3A_187 : i32 to index
        %get3A_189 = arith.index_cast %add3A_117 : i32 to index
        %get3A_190 = tpu.vector_load %arg16[%get3A_188, %get3A_189] {strides = array<i32>} : memref<8x256xf32, #tpu.memory_space<vmem>>, vector<1x16xf32>,
        %get3A_191 = vector.shape_cast %get3A_190 : vector<1x16xf32> to vector<16xf32>
        %get3A_192 = arith.constant 7 : i32
        %get3A_193 = arith.index_cast %get3A_192 : i32 to index
        %get3A_194 = arith.index_cast %add3A_117 : i32 to index
        %get3A_195 = tpu.vector_load %arg16[%get3A_193, %get3A_194] {strides = array<i32>} : memref<8x256xf32, #tpu.memory_space<vmem>>, vector<1x16xf32>,
        %get3A_196 = vector.shape_cast %get3A_195 : vector<1x16xf32> to vector<16xf32>
        %add3A_197 = arith.constant 0 : i32
        %add3A_198 = arith.addi %add3A_197, %add3A_117 : i32
        %get3A_199 = arith.constant 0 : i32
        %get3A_200 = arith.index_cast %get3A_199 : i32 to index
        %get3A_201 = arith.index_cast %add3A_198 : i32 to index
        %get3A_202 = tpu.vector_load %arg10[%get3A_200, %get3A_201] {strides = array<i32>} : memref<8x2048xf32, #tpu.memory_space<vmem>>, vector<1x16xf32>,
        %get3A_203 = vector.shape_cast %get3A_202 : vector<1x16xf32> to vector<16xf32>
        %get3A_204 = arith.constant 0 : i32
        %get3A_205 = arith.index_cast %get3A_204 : i32 to index
        %get3A_206 = arith.index_cast %add3A_198 : i32 to index
        %get3A_207 = tpu.vector_load %arg11[%get3A_205, %get3A_206] {strides = array<i32>} : memref<8x2048xf32, #tpu.memory_space<vmem>>, vector<1x16xf32>,
        %get3A_208 = vector.shape_cast %get3A_207 : vector<1x16xf32> to vector<16xf32>
        %get3A_209 = arith.constant 0 : i32
        %get3A_210 = arith.index_cast %get3A_209 : i32 to index
        %get3A_211 = arith.index_cast %add3A_198 : i32 to index
        %get3A_212 = tpu.vector_load %arg12[%get3A_210, %get3A_211] {strides = array<i32>} : memref<8x2048xf32, #tpu.memory_space<vmem>>, vector<1x16xf32>,
        %get3A_213 = vector.shape_cast %get3A_212 : vector<1x16xf32> to vector<16xf32>
        %lt3A_214 = arith.cmpf olt, %get3A_208, %broadcast_in_dim3A_37 : vector<16xf32>
        %select_n3A_215 = arith.select %lt3A_214, %get3A_203, %broadcast_in_dim3A_35 : vector<16xi1>, vector<16xf32>
        %sub3A_216 = arith.subf %select_n3A_215, %get3A_161 : vector<16xf32>
        %mul3A_217 = arith.mulf %sub3A_216, %get3A_213 : vector<16xf32>
        %le3A = arith.cmpf ole, %mul3A_217, %broadcast_in_dim3A_41 : vector<16xf32>
        %select_n3A_218 = arith.select %le3A, %broadcast_in_dim3A_39, %broadcast_in_dim3A_41 : vector<16xi1>, vector<16xf32>
        %add3A_219 = arith.addf %get3A_121, %select_n3A_218 : vector<16xf32>
        %get3A_220 = arith.constant 1 : i32
        %get3A_221 = arith.index_cast %get3A_220 : i32 to index
        %get3A_222 = arith.index_cast %add3A_198 : i32 to index
        %get3A_223 = tpu.vector_load %arg10[%get3A_221, %get3A_222] {strides = array<i32>} : memref<8x2048xf32, #tpu.memory_space<vmem>>, vector<1x16xf32>,
        %get3A_224 = vector.shape_cast %get3A_223 : vector<1x16xf32> to vector<16xf32>
        %get3A_225 = arith.constant 1 : i32
        %get3A_226 = arith.index_cast %get3A_225 : i32 to index
        %get3A_227 = arith.index_cast %add3A_198 : i32 to index
        %get3A_228 = tpu.vector_load %arg11[%get3A_226, %get3A_227] {strides = array<i32>} : memref<8x2048xf32, #tpu.memory_space<vmem>>, vector<1x16xf32>,
        %get3A_229 = vector.shape_cast %get3A_228 : vector<1x16xf32> to vector<16xf32>
        %get3A_230 = arith.constant 1 : i32
        %get3A_231 = arith.index_cast %get3A_230 : i32 to index
        %get3A_232 = arith.index_cast %add3A_198 : i32 to index
        %get3A_233 = tpu.vector_load %arg12[%get3A_231, %get3A_232] {strides = array<i32>} : memref<8x2048xf32, #tpu.memory_space<vmem>>, vector<1x16xf32>,
        %get3A_234 = vector.shape_cast %get3A_233 : vector<1x16xf32> to vector<16xf32>
        %lt3A_235 = arith.cmpf olt, %get3A_229, %broadcast_in_dim3A_37 : vector<16xf32>
        %select_n3A_236 = arith.select %lt3A_235, %get3A_224, %broadcast_in_dim3A_35 : vector<16xi1>, vector<16xf32>
        %sub3A_237 = arith.subf %select_n3A_236, %get3A_166 : vector<16xf32>
        %mul3A_238 = arith.mulf %sub3A_237, %get3A_234 : vector<16xf32>
        %le3A_239 = arith.cmpf ole, %mul3A_238, %broadcast_in_dim3A_41 : vector<16xf32>
        %select_n3A_240 = arith.select %le3A_239, %broadcast_in_dim3A_39, %broadcast_in_dim3A_41 : vector<16xi1>, vector<16xf32>
        %add3A_241 = arith.addf %get3A_126, %select_n3A_240 : vector<16xf32>
        %get3A_242 = arith.constant 2 : i32
        %get3A_243 = arith.index_cast %get3A_242 : i32 to index
        %get3A_244 = arith.index_cast %add3A_198 : i32 to index
        %get3A_245 = tpu.vector_load %arg10[%get3A_243, %get3A_244] {strides = array<i32>} : memref<8x2048xf32, #tpu.memory_space<vmem>>, vector<1x16xf32>,
        %get3A_246 = vector.shape_cast %get3A_245 : vector<1x16xf32> to vector<16xf32>
        %get3A_247 = arith.constant 2 : i32
        %get3A_248 = arith.index_cast %get3A_247 : i32 to index
        %get3A_249 = arith.index_cast %add3A_198 : i32 to index
        %get3A_250 = tpu.vector_load %arg11[%get3A_248, %get3A_249] {strides = array<i32>} : memref<8x2048xf32, #tpu.memory_space<vmem>>, vector<1x16xf32>,
        %get3A_251 = vector.shape_cast %get3A_250 : vector<1x16xf32> to vector<16xf32>
        %get3A_252 = arith.constant 2 : i32
        %get3A_253 = arith.index_cast %get3A_252 : i32 to index
        %get3A_254 = arith.index_cast %add3A_198 : i32 to index
        %get3A_255 = tpu.vector_load %arg12[%get3A_253, %get3A_254] {strides = array<i32>} : memref<8x2048xf32, #tpu.memory_space<vmem>>, vector<1x16xf32>,
        %get3A_256 = vector.shape_cast %get3A_255 : vector<1x16xf32> to vector<16xf32>
        %lt3A_257 = arith.cmpf olt, %get3A_251, %broadcast_in_dim3A_37 : vector<16xf32>
        %select_n3A_258 = arith.select %lt3A_257, %get3A_246, %broadcast_in_dim3A_35 : vector<16xi1>, vector<16xf32>
        %sub3A_259 = arith.subf %select_n3A_258, %get3A_171 : vector<16xf32>
        %mul3A_260 = arith.mulf %sub3A_259, %get3A_256 : vector<16xf32>
        %le3A_261 = arith.cmpf ole, %mul3A_260, %broadcast_in_dim3A_41 : vector<16xf32>
        %select_n3A_262 = arith.select %le3A_261, %broadcast_in_dim3A_39, %broadcast_in_dim3A_41 : vector<16xi1>, vector<16xf32>
        %add3A_263 = arith.addf %get3A_131, %select_n3A_262 : vector<16xf32>
        %get3A_264 = arith.constant 3 : i32
        %get3A_265 = arith.index_cast %get3A_264 : i32 to index
        %get3A_266 = arith.index_cast %add3A_198 : i32 to index
        %get3A_267 = tpu.vector_load %arg10[%get3A_265, %get3A_266] {strides = array<i32>} : memref<8x2048xf32, #tpu.memory_space<vmem>>, vector<1x16xf32>,
        %get3A_268 = vector.shape_cast %get3A_267 : vector<1x16xf32> to vector<16xf32>
        %get3A_269 = arith.constant 3 : i32
        %get3A_270 = arith.index_cast %get3A_269 : i32 to index
        %get3A_271 = arith.index_cast %add3A_198 : i32 to index
        %get3A_272 = tpu.vector_load %arg11[%get3A_270, %get3A_271] {strides = array<i32>} : memref<8x2048xf32, #tpu.memory_space<vmem>>, vector<1x16xf32>,
        %get3A_273 = vector.shape_cast %get3A_272 : vector<1x16xf32> to vector<16xf32>
        %get3A_274 = arith.constant 3 : i32
        %get3A_275 = arith.index_cast %get3A_274 : i32 to index
        %get3A_276 = arith.index_cast %add3A_198 : i32 to index
        %get3A_277 = tpu.vector_load %arg12[%get3A_275, %get3A_276] {strides = array<i32>} : memref<8x2048xf32, #tpu.memory_space<vmem>>, vector<1x16xf32>,
        %get3A_278 = vector.shape_cast %get3A_277 : vector<1x16xf32> to vector<16xf32>
        %lt3A_279 = arith.cmpf olt, %get3A_273, %broadcast_in_dim3A_37 : vector<16xf32>
        %select_n3A_280 = arith.select %lt3A_279, %get3A_268, %broadcast_in_dim3A_35 : vector<16xi1>, vector<16xf32>
        %sub3A_281 = arith.subf %select_n3A_280, %get3A_176 : vector<16xf32>
        %mul3A_282 = arith.mulf %sub3A_281, %get3A_278 : vector<16xf32>
        %le3A_283 = arith.cmpf ole, %mul3A_282, %broadcast_in_dim3A_41 : vector<16xf32>
        %select_n3A_284 = arith.select %le3A_283, %broadcast_in_dim3A_39, %broadcast_in_dim3A_41 : vector<16xi1>, vector<16xf32>
        %add3A_285 = arith.addf %get3A_136, %select_n3A_284 : vector<16xf32>
        %get3A_286 = arith.constant 4 : i32
        %get3A_287 = arith.index_cast %get3A_286 : i32 to index
        %get3A_288 = arith.index_cast %add3A_198 : i32 to index
        %get3A_289 = tpu.vector_load %arg10[%get3A_287, %get3A_288] {strides = array<i32>} : memref<8x2048xf32, #tpu.memory_space<vmem>>, vector<1x16xf32>,
        %get3A_290 = vector.shape_cast %get3A_289 : vector<1x16xf32> to vector<16xf32>
        %get3A_291 = arith.constant 4 : i32
        %get3A_292 = arith.index_cast %get3A_291 : i32 to index
        %get3A_293 = arith.index_cast %add3A_198 : i32 to index
        %get3A_294 = tpu.vector_load %arg11[%get3A_292, %get3A_293] {strides = array<i32>} : memref<8x2048xf32, #tpu.memory_space<vmem>>, vector<1x16xf32>,
        %get3A_295 = vector.shape_cast %get3A_294 : vector<1x16xf32> to vector<16xf32>
        %get3A_296 = arith.constant 4 : i32
        %get3A_297 = arith.index_cast %get3A_296 : i32 to index
        %get3A_298 = arith.index_cast %add3A_198 : i32 to index
        %get3A_299 = tpu.vector_load %arg12[%get3A_297, %get3A_298] {strides = array<i32>} : memref<8x2048xf32, #tpu.memory_space<vmem>>, vector<1x16xf32>,
        %get3A_300 = vector.shape_cast %get3A_299 : vector<1x16xf32> to vector<16xf32>
        %lt3A_301 = arith.cmpf olt, %get3A_295, %broadcast_in_dim3A_37 : vector<16xf32>
        %select_n3A_302 = arith.select %lt3A_301, %get3A_290, %broadcast_in_dim3A_35 : vector<16xi1>, vector<16xf32>
        %sub3A_303 = arith.subf %select_n3A_302, %get3A_181 : vector<16xf32>
        %mul3A_304 = arith.mulf %sub3A_303, %get3A_300 : vector<16xf32>
        %le3A_305 = arith.cmpf ole, %mul3A_304, %broadcast_in_dim3A_41 : vector<16xf32>
        %select_n3A_306 = arith.select %le3A_305, %broadcast_in_dim3A_39, %broadcast_in_dim3A_41 : vector<16xi1>, vector<16xf32>
        %add3A_307 = arith.addf %get3A_141, %select_n3A_306 : vector<16xf32>
        %get3A_308 = arith.constant 5 : i32
        %get3A_309 = arith.index_cast %get3A_308 : i32 to index
        %get3A_310 = arith.index_cast %add3A_198 : i32 to index
        %get3A_311 = tpu.vector_load %arg10[%get3A_309, %get3A_310] {strides = array<i32>} : memref<8x2048xf32, #tpu.memory_space<vmem>>, vector<1x16xf32>,
        %get3A_312 = vector.shape_cast %get3A_311 : vector<1x16xf32> to vector<16xf32>
        %get3A_313 = arith.constant 5 : i32
        %get3A_314 = arith.index_cast %get3A_313 : i32 to index
        %get3A_315 = arith.index_cast %add3A_198 : i32 to index
        %get3A_316 = tpu.vector_load %arg11[%get3A_314, %get3A_315] {strides = array<i32>} : memref<8x2048xf32, #tpu.memory_space<vmem>>, vector<1x16xf32>,
        %get3A_317 = vector.shape_cast %get3A_316 : vector<1x16xf32> to vector<16xf32>
        %get3A_318 = arith.constant 5 : i32
        %get3A_319 = arith.index_cast %get3A_318 : i32 to index
        %get3A_320 = arith.index_cast %add3A_198 : i32 to index
        %get3A_321 = tpu.vector_load %arg12[%get3A_319, %get3A_320] {strides = array<i32>} : memref<8x2048xf32, #tpu.memory_space<vmem>>, vector<1x16xf32>,
        %get3A_322 = vector.shape_cast %get3A_321 : vector<1x16xf32> to vector<16xf32>
        %lt3A_323 = arith.cmpf olt, %get3A_317, %broadcast_in_dim3A_37 : vector<16xf32>
        %select_n3A_324 = arith.select %lt3A_323, %get3A_312, %broadcast_in_dim3A_35 : vector<16xi1>, vector<16xf32>
        %sub3A_325 = arith.subf %select_n3A_324, %get3A_186 : vector<16xf32>
        %mul3A_326 = arith.mulf %sub3A_325, %get3A_322 : vector<16xf32>
        %le3A_327 = arith.cmpf ole, %mul3A_326, %broadcast_in_dim3A_41 : vector<16xf32>
        %select_n3A_328 = arith.select %le3A_327, %broadcast_in_dim3A_39, %broadcast_in_dim3A_41 : vector<16xi1>, vector<16xf32>
        %add3A_329 = arith.addf %get3A_146, %select_n3A_328 : vector<16xf32>
        %get3A_330 = arith.constant 6 : i32
        %get3A_331 = arith.index_cast %get3A_330 : i32 to index
        %get3A_332 = arith.index_cast %add3A_198 : i32 to index
        %get3A_333 = tpu.vector_load %arg10[%get3A_331, %get3A_332] {strides = array<i32>} : memref<8x2048xf32, #tpu.memory_space<vmem>>, vector<1x16xf32>,
        %get3A_334 = vector.shape_cast %get3A_333 : vector<1x16xf32> to vector<16xf32>
        %get3A_335 = arith.constant 6 : i32
        %get3A_336 = arith.index_cast %get3A_335 : i32 to index
        %get3A_337 = arith.index_cast %add3A_198 : i32 to index
        %get3A_338 = tpu.vector_load %arg11[%get3A_336, %get3A_337] {strides = array<i32>} : memref<8x2048xf32, #tpu.memory_space<vmem>>, vector<1x16xf32>,
        %get3A_339 = vector.shape_cast %get3A_338 : vector<1x16xf32> to vector<16xf32>
        %get3A_340 = arith.constant 6 : i32
        %get3A_341 = arith.index_cast %get3A_340 : i32 to index
        %get3A_342 = arith.index_cast %add3A_198 : i32 to index
        %get3A_343 = tpu.vector_load %arg12[%get3A_341, %get3A_342] {strides = array<i32>} : memref<8x2048xf32, #tpu.memory_space<vmem>>, vector<1x16xf32>,
        %get3A_344 = vector.shape_cast %get3A_343 : vector<1x16xf32> to vector<16xf32>
        %lt3A_345 = arith.cmpf olt, %get3A_339, %broadcast_in_dim3A_37 : vector<16xf32>
        %select_n3A_346 = arith.select %lt3A_345, %get3A_334, %broadcast_in_dim3A_35 : vector<16xi1>, vector<16xf32>
        %sub3A_347 = arith.subf %select_n3A_346, %get3A_191 : vector<16xf32>
        %mul3A_348 = arith.mulf %sub3A_347, %get3A_344 : vector<16xf32>
        %le3A_349 = arith.cmpf ole, %mul3A_348, %broadcast_in_dim3A_41 : vector<16xf32>
        %select_n3A_350 = arith.select %le3A_349, %broadcast_in_dim3A_39, %broadcast_in_dim3A_41 : vector<16xi1>, vector<16xf32>
        %add3A_351 = arith.addf %get3A_151, %select_n3A_350 : vector<16xf32>
        %get3A_352 = arith.constant 7 : i32
        %get3A_353 = arith.index_cast %get3A_352 : i32 to index
        %get3A_354 = arith.index_cast %add3A_198 : i32 to index
        %get3A_355 = tpu.vector_load %arg10[%get3A_353, %get3A_354] {strides = array<i32>} : memref<8x2048xf32, #tpu.memory_space<vmem>>, vector<1x16xf32>,
        %get3A_356 = vector.shape_cast %get3A_355 : vector<1x16xf32> to vector<16xf32>
        %get3A_357 = arith.constant 7 : i32
        %get3A_358 = arith.index_cast %get3A_357 : i32 to index
        %get3A_359 = arith.index_cast %add3A_198 : i32 to index
        %get3A_360 = tpu.vector_load %arg11[%get3A_358, %get3A_359] {strides = array<i32>} : memref<8x2048xf32, #tpu.memory_space<vmem>>, vector<1x16xf32>,
        %get3A_361 = vector.shape_cast %get3A_360 : vector<1x16xf32> to vector<16xf32>
        %get3A_362 = arith.constant 7 : i32
        %get3A_363 = arith.index_cast %get3A_362 : i32 to index
        %get3A_364 = arith.index_cast %add3A_198 : i32 to index
        %get3A_365 = tpu.vector_load %arg12[%get3A_363, %get3A_364] {strides = array<i32>} : memref<8x2048xf32, #tpu.memory_space<vmem>>, vector<1x16xf32>,
        %get3A_366 = vector.shape_cast %get3A_365 : vector<1x16xf32> to vector<16xf32>
        %lt3A_367 = arith.cmpf olt, %get3A_361, %broadcast_in_dim3A_37 : vector<16xf32>
        %select_n3A_368 = arith.select %lt3A_367, %get3A_356, %broadcast_in_dim3A_35 : vector<16xi1>, vector<16xf32>
        %sub3A_369 = arith.subf %select_n3A_368, %get3A_196 : vector<16xf32>
        %mul3A_370 = arith.mulf %sub3A_369, %get3A_366 : vector<16xf32>
        %le3A_371 = arith.cmpf ole, %mul3A_370, %broadcast_in_dim3A_41 : vector<16xf32>
        %select_n3A_372 = arith.select %le3A_371, %broadcast_in_dim3A_39, %broadcast_in_dim3A_41 : vector<16xi1>, vector<16xf32>
        %add3A_373 = arith.addf %get3A_156, %select_n3A_372 : vector<16xf32>
        %add3A_374 = arith.constant 256 : i32
        %add3A_375 = arith.addi %add3A_374, %add3A_117 : i32
        %get3A_376 = arith.constant 0 : i32
        %get3A_377 = arith.index_cast %get3A_376 : i32 to index
        %get3A_378 = arith.index_cast %add3A_375 : i32 to index
        %get3A_379 = tpu.vector_load %arg10[%get3A_377, %get3A_378] {strides = array<i32>} : memref<8x2048xf32, #tpu.memory_space<vmem>>, vector<1x16xf32>,
        %get3A_380 = vector.shape_cast %get3A_379 : vector<1x16xf32> to vector<16xf32>
        %get3A_381 = arith.constant 0 : i32
        %get3A_382 = arith.index_cast %get3A_381 : i32 to index
        %get3A_383 = arith.index_cast %add3A_375 : i32 to index
        %get3A_384 = tpu.vector_load %arg11[%get3A_382, %get3A_383] {strides = array<i32>} : memref<8x2048xf32, #tpu.memory_space<vmem>>, vector<1x16xf32>,
        %get3A_385 = vector.shape_cast %get3A_384 : vector<1x16xf32> to vector<16xf32>
        %get3A_386 = arith.constant 0 : i32
        %get3A_387 = arith.index_cast %get3A_386 : i32 to index
        %get3A_388 = arith.index_cast %add3A_375 : i32 to index
        %get3A_389 = tpu.vector_load %arg12[%get3A_387, %get3A_388] {strides = array<i32>} : memref<8x2048xf32, #tpu.memory_space<vmem>>, vector<1x16xf32>,
        %get3A_390 = vector.shape_cast %get3A_389 : vector<1x16xf32> to vector<16xf32>
        %lt3A_391 = arith.cmpf olt, %get3A_385, %broadcast_in_dim3A_37 : vector<16xf32>
        %select_n3A_392 = arith.select %lt3A_391, %get3A_380, %broadcast_in_dim3A_35 : vector<16xi1>, vector<16xf32>
        %sub3A_393 = arith.subf %select_n3A_392, %get3A_161 : vector<16xf32>
        %mul3A_394 = arith.mulf %sub3A_393, %get3A_390 : vector<16xf32>
        %le3A_395 = arith.cmpf ole, %mul3A_394, %broadcast_in_dim3A_41 : vector<16xf32>
        %select_n3A_396 = arith.select %le3A_395, %broadcast_in_dim3A_39, %broadcast_in_dim3A_41 : vector<16xi1>, vector<16xf32>
        %add3A_397 = arith.addf %add3A_219, %select_n3A_396 : vector<16xf32>
        %get3A_398 = arith.constant 1 : i32
        %get3A_399 = arith.index_cast %get3A_398 : i32 to index
        %get3A_400 = arith.index_cast %add3A_375 : i32 to index
        %get3A_401 = tpu.vector_load %arg10[%get3A_399, %get3A_400] {strides = array<i32>} : memref<8x2048xf32, #tpu.memory_space<vmem>>, vector<1x16xf32>,
        %get3A_402 = vector.shape_cast %get3A_401 : vector<1x16xf32> to vector<16xf32>
        %get3A_403 = arith.constant 1 : i32
        %get3A_404 = arith.index_cast %get3A_403 : i32 to index
        %get3A_405 = arith.index_cast %add3A_375 : i32 to index
        %get3A_406 = tpu.vector_load %arg11[%get3A_404, %get3A_405] {strides = array<i32>} : memref<8x2048xf32, #tpu.memory_space<vmem>>, vector<1x16xf32>,
        %get3A_407 = vector.shape_cast %get3A_406 : vector<1x16xf32> to vector<16xf32>
        %get3A_408 = arith.constant 1 : i32
        %get3A_409 = arith.index_cast %get3A_408 : i32 to index
        %get3A_410 = arith.index_cast %add3A_375 : i32 to index
        %get3A_411 = tpu.vector_load %arg12[%get3A_409, %get3A_410] {strides = array<i32>} : memref<8x2048xf32, #tpu.memory_space<vmem>>, vector<1x16xf32>,
        %get3A_412 = vector.shape_cast %get3A_411 : vector<1x16xf32> to vector<16xf32>
        %lt3A_413 = arith.cmpf olt, %get3A_407, %broadcast_in_dim3A_37 : vector<16xf32>
        %select_n3A_414 = arith.select %lt3A_413, %get3A_402, %broadcast_in_dim3A_35 : vector<16xi1>, vector<16xf32>
        %sub3A_415 = arith.subf %select_n3A_414, %get3A_166 : vector<16xf32>
        %mul3A_416 = arith.mulf %sub3A_415, %get3A_412 : vector<16xf32>
        %le3A_417 = arith.cmpf ole, %mul3A_416, %broadcast_in_dim3A_41 : vector<16xf32>
        %select_n3A_418 = arith.select %le3A_417, %broadcast_in_dim3A_39, %broadcast_in_dim3A_41 : vector<16xi1>, vector<16xf32>
        %add3A_419 = arith.addf %add3A_241, %select_n3A_418 : vector<16xf32>
        %get3A_420 = arith.constant 2 : i32
        %get3A_421 = arith.index_cast %get3A_420 : i32 to index
        %get3A_422 = arith.index_cast %add3A_375 : i32 to index
        %get3A_423 = tpu.vector_load %arg10[%get3A_421, %get3A_422] {strides = array<i32>} : memref<8x2048xf32, #tpu.memory_space<vmem>>, vector<1x16xf32>,
        %get3A_424 = vector.shape_cast %get3A_423 : vector<1x16xf32> to vector<16xf32>
        %get3A_425 = arith.constant 2 : i32
        %get3A_426 = arith.index_cast %get3A_425 : i32 to index
        %get3A_427 = arith.index_cast %add3A_375 : i32 to index
        %get3A_428 = tpu.vector_load %arg11[%get3A_426, %get3A_427] {strides = array<i32>} : memref<8x2048xf32, #tpu.memory_space<vmem>>, vector<1x16xf32>,
        %get3A_429 = vector.shape_cast %get3A_428 : vector<1x16xf32> to vector<16xf32>
        %get3A_430 = arith.constant 2 : i32
        %get3A_431 = arith.index_cast %get3A_430 : i32 to index
        %get3A_432 = arith.index_cast %add3A_375 : i32 to index
        %get3A_433 = tpu.vector_load %arg12[%get3A_431, %get3A_432] {strides = array<i32>} : memref<8x2048xf32, #tpu.memory_space<vmem>>, vector<1x16xf32>,
        %get3A_434 = vector.shape_cast %get3A_433 : vector<1x16xf32> to vector<16xf32>
        %lt3A_435 = arith.cmpf olt, %get3A_429, %broadcast_in_dim3A_37 : vector<16xf32>
        %select_n3A_436 = arith.select %lt3A_435, %get3A_424, %broadcast_in_dim3A_35 : vector<16xi1>, vector<16xf32>
        %sub3A_437 = arith.subf %select_n3A_436, %get3A_171 : vector<16xf32>
        %mul3A_438 = arith.mulf %sub3A_437, %get3A_434 : vector<16xf32>
        %le3A_439 = arith.cmpf ole, %mul3A_438, %broadcast_in_dim3A_41 : vector<16xf32>
        %select_n3A_440 = arith.select %le3A_439, %broadcast_in_dim3A_39, %broadcast_in_dim3A_41 : vector<16xi1>, vector<16xf32>
        %add3A_441 = arith.addf %add3A_263, %select_n3A_440 : vector<16xf32>
        %get3A_442 = arith.constant 3 : i32
        %get3A_443 = arith.index_cast %get3A_442 : i32 to index
        %get3A_444 = arith.index_cast %add3A_375 : i32 to index
        %get3A_445 = tpu.vector_load %arg10[%get3A_443, %get3A_444] {strides = array<i32>} : memref<8x2048xf32, #tpu.memory_space<vmem>>, vector<1x16xf32>,
        %get3A_446 = vector.shape_cast %get3A_445 : vector<1x16xf32> to vector<16xf32>
        %get3A_447 = arith.constant 3 : i32
        %get3A_448 = arith.index_cast %get3A_447 : i32 to index
        %get3A_449 = arith.index_cast %add3A_375 : i32 to index
        %get3A_450 = tpu.vector_load %arg11[%get3A_448, %get3A_449] {strides = array<i32>} : memref<8x2048xf32, #tpu.memory_space<vmem>>, vector<1x16xf32>,
        %get3A_451 = vector.shape_cast %get3A_450 : vector<1x16xf32> to vector<16xf32>
        %get3A_452 = arith.constant 3 : i32
        %get3A_453 = arith.index_cast %get3A_452 : i32 to index
        %get3A_454 = arith.index_cast %add3A_375 : i32 to index
        %get3A_455 = tpu.vector_load %arg12[%get3A_453, %get3A_454] {strides = array<i32>} : memref<8x2048xf32, #tpu.memory_space<vmem>>, vector<1x16xf32>,
        %get3A_456 = vector.shape_cast %get3A_455 : vector<1x16xf32> to vector<16xf32>
        %lt3A_457 = arith.cmpf olt, %get3A_451, %broadcast_in_dim3A_37 : vector<16xf32>
        %select_n3A_458 = arith.select %lt3A_457, %get3A_446, %broadcast_in_dim3A_35 : vector<16xi1>, vector<16xf32>
        %sub3A_459 = arith.subf %select_n3A_458, %get3A_176 : vector<16xf32>
        %mul3A_460 = arith.mulf %sub3A_459, %get3A_456 : vector<16xf32>
        %le3A_461 = arith.cmpf ole, %mul3A_460, %broadcast_in_dim3A_41 : vector<16xf32>
        %select_n3A_462 = arith.select %le3A_461, %broadcast_in_dim3A_39, %broadcast_in_dim3A_41 : vector<16xi1>, vector<16xf32>
        %add3A_463 = arith.addf %add3A_285, %select_n3A_462 : vector<16xf32>
        %get3A_464 = arith.constant 4 : i32
        %get3A_465 = arith.index_cast %get3A_464 : i32 to index
        %get3A_466 = arith.index_cast %add3A_375 : i32 to index
        %get3A_467 = tpu.vector_load %arg10[%get3A_465, %get3A_466] {strides = array<i32>} : memref<8x2048xf32, #tpu.memory_space<vmem>>, vector<1x16xf32>,
        %get3A_468 = vector.shape_cast %get3A_467 : vector<1x16xf32> to vector<16xf32>
        %get3A_469 = arith.constant 4 : i32
        %get3A_470 = arith.index_cast %get3A_469 : i32 to index
        %get3A_471 = arith.index_cast %add3A_375 : i32 to index
        %get3A_472 = tpu.vector_load %arg11[%get3A_470, %get3A_471] {strides = array<i32>} : memref<8x2048xf32, #tpu.memory_space<vmem>>, vector<1x16xf32>,
        %get3A_473 = vector.shape_cast %get3A_472 : vector<1x16xf32> to vector<16xf32>
        %get3A_474 = arith.constant 4 : i32
        %get3A_475 = arith.index_cast %get3A_474 : i32 to index
        %get3A_476 = arith.index_cast %add3A_375 : i32 to index
        %get3A_477 = tpu.vector_load %arg12[%get3A_475, %get3A_476] {strides = array<i32>} : memref<8x2048xf32, #tpu.memory_space<vmem>>, vector<1x16xf32>,
        %get3A_478 = vector.shape_cast %get3A_477 : vector<1x16xf32> to vector<16xf32>
        %lt3A_479 = arith.cmpf olt, %get3A_473, %broadcast_in_dim3A_37 : vector<16xf32>
        %select_n3A_480 = arith.select %lt3A_479, %get3A_468, %broadcast_in_dim3A_35 : vector<16xi1>, vector<16xf32>
        %sub3A_481 = arith.subf %select_n3A_480, %get3A_181 : vector<16xf32>
        %mul3A_482 = arith.mulf %sub3A_481, %get3A_478 : vector<16xf32>
        %le3A_483 = arith.cmpf ole, %mul3A_482, %broadcast_in_dim3A_41 : vector<16xf32>
        %select_n3A_484 = arith.select %le3A_483, %broadcast_in_dim3A_39, %broadcast_in_dim3A_41 : vector<16xi1>, vector<16xf32>
        %add3A_485 = arith.addf %add3A_307, %select_n3A_484 : vector<16xf32>
        %get3A_486 = arith.constant 5 : i32
        %get3A_487 = arith.index_cast %get3A_486 : i32 to index
        %get3A_488 = arith.index_cast %add3A_375 : i32 to index
        %get3A_489 = tpu.vector_load %arg10[%get3A_487, %get3A_488] {strides = array<i32>} : memref<8x2048xf32, #tpu.memory_space<vmem>>, vector<1x16xf32>,
        %get3A_490 = vector.shape_cast %get3A_489 : vector<1x16xf32> to vector<16xf32>
        %get3A_491 = arith.constant 5 : i32
        %get3A_492 = arith.index_cast %get3A_491 : i32 to index
        %get3A_493 = arith.index_cast %add3A_375 : i32 to index
        %get3A_494 = tpu.vector_load %arg11[%get3A_492, %get3A_493] {strides = array<i32>} : memref<8x2048xf32, #tpu.memory_space<vmem>>, vector<1x16xf32>,
        %get3A_495 = vector.shape_cast %get3A_494 : vector<1x16xf32> to vector<16xf32>
        %get3A_496 = arith.constant 5 : i32
        %get3A_497 = arith.index_cast %get3A_496 : i32 to index
        %get3A_498 = arith.index_cast %add3A_375 : i32 to index
        %get3A_499 = tpu.vector_load %arg12[%get3A_497, %get3A_498] {strides = array<i32>} : memref<8x2048xf32, #tpu.memory_space<vmem>>, vector<1x16xf32>,
        %get3A_500 = vector.shape_cast %get3A_499 : vector<1x16xf32> to vector<16xf32>
        %lt3A_501 = arith.cmpf olt, %get3A_495, %broadcast_in_dim3A_37 : vector<16xf32>
        %select_n3A_502 = arith.select %lt3A_501, %get3A_490, %broadcast_in_dim3A_35 : vector<16xi1>, vector<16xf32>
        %sub3A_503 = arith.subf %select_n3A_502, %get3A_186 : vector<16xf32>
        %mul3A_504 = arith.mulf %sub3A_503, %get3A_500 : vector<16xf32>
        %le3A_505 = arith.cmpf ole, %mul3A_504, %broadcast_in_dim3A_41 : vector<16xf32>
        %select_n3A_506 = arith.select %le3A_505, %broadcast_in_dim3A_39, %broadcast_in_dim3A_41 : vector<16xi1>, vector<16xf32>
        %add3A_507 = arith.addf %add3A_329, %select_n3A_506 : vector<16xf32>
        %get3A_508 = arith.constant 6 : i32
        %get3A_509 = arith.index_cast %get3A_508 : i32 to index
        %get3A_510 = arith.index_cast %add3A_375 : i32 to index
        %get3A_511 = tpu.vector_load %arg10[%get3A_509, %get3A_510] {strides = array<i32>} : memref<8x2048xf32, #tpu.memory_space<vmem>>, vector<1x16xf32>,
        %get3A_512 = vector.shape_cast %get3A_511 : vector<1x16xf32> to vector<16xf32>
        %get3A_513 = arith.constant 6 : i32
        %get3A_514 = arith.index_cast %get3A_513 : i32 to index
        %get3A_515 = arith.index_cast %add3A_375 : i32 to index
        %get3A_516 = tpu.vector_load %arg11[%get3A_514, %get3A_515] {strides = array<i32>} : memref<8x2048xf32, #tpu.memory_space<vmem>>, vector<1x16xf32>,
        %get3A_517 = vector.shape_cast %get3A_516 : vector<1x16xf32> to vector<16xf32>
        %get3A_518 = arith.constant 6 : i32
        %get3A_519 = arith.index_cast %get3A_518 : i32 to index
        %get3A_520 = arith.index_cast %add3A_375 : i32 to index
        %get3A_521 = tpu.vector_load %arg12[%get3A_519, %get3A_520] {strides = array<i32>} : memref<8x2048xf32, #tpu.memory_space<vmem>>, vector<1x16xf32>,
        %get3A_522 = vector.shape_cast %get3A_521 : vector<1x16xf32> to vector<16xf32>
        %lt3A_523 = arith.cmpf olt, %get3A_517, %broadcast_in_dim3A_37 : vector<16xf32>
        %select_n3A_524 = arith.select %lt3A_523, %get3A_512, %broadcast_in_dim3A_35 : vector<16xi1>, vector<16xf32>
        %sub3A_525 = arith.subf %select_n3A_524, %get3A_191 : vector<16xf32>
        %mul3A_526 = arith.mulf %sub3A_525, %get3A_522 : vector<16xf32>
        %le3A_527 = arith.cmpf ole, %mul3A_526, %broadcast_in_dim3A_41 : vector<16xf32>
        %select_n3A_528 = arith.select %le3A_527, %broadcast_in_dim3A_39, %broadcast_in_dim3A_41 : vector<16xi1>, vector<16xf32>
        %add3A_529 = arith.addf %add3A_351, %select_n3A_528 : vector<16xf32>
        %get3A_530 = arith.constant 7 : i32
        %get3A_531 = arith.index_cast %get3A_530 : i32 to index
        %get3A_532 = arith.index_cast %add3A_375 : i32 to index
        %get3A_533 = tpu.vector_load %arg10[%get3A_531, %get3A_532] {strides = array<i32>} : memref<8x2048xf32, #tpu.memory_space<vmem>>, vector<1x16xf32>,
        %get3A_534 = vector.shape_cast %get3A_533 : vector<1x16xf32> to vector<16xf32>
        %get3A_535 = arith.constant 7 : i32
        %get3A_536 = arith.index_cast %get3A_535 : i32 to index
        %get3A_537 = arith.index_cast %add3A_375 : i32 to index
        %get3A_538 = tpu.vector_load %arg11[%get3A_536, %get3A_537] {strides = array<i32>} : memref<8x2048xf32, #tpu.memory_space<vmem>>, vector<1x16xf32>,
        %get3A_539 = vector.shape_cast %get3A_538 : vector<1x16xf32> to vector<16xf32>
        %get3A_540 = arith.constant 7 : i32
        %get3A_541 = arith.index_cast %get3A_540 : i32 to index
        %get3A_542 = arith.index_cast %add3A_375 : i32 to index
        %get3A_543 = tpu.vector_load %arg12[%get3A_541, %get3A_542] {strides = array<i32>} : memref<8x2048xf32, #tpu.memory_space<vmem>>, vector<1x16xf32>,
        %get3A_544 = vector.shape_cast %get3A_543 : vector<1x16xf32> to vector<16xf32>
        %lt3A_545 = arith.cmpf olt, %get3A_539, %broadcast_in_dim3A_37 : vector<16xf32>
        %select_n3A_546 = arith.select %lt3A_545, %get3A_534, %broadcast_in_dim3A_35 : vector<16xi1>, vector<16xf32>
        %sub3A_547 = arith.subf %select_n3A_546, %get3A_196 : vector<16xf32>
        %mul3A_548 = arith.mulf %sub3A_547, %get3A_544 : vector<16xf32>
        %le3A_549 = arith.cmpf ole, %mul3A_548, %broadcast_in_dim3A_41 : vector<16xf32>
        %select_n3A_550 = arith.select %le3A_549, %broadcast_in_dim3A_39, %broadcast_in_dim3A_41 : vector<16xi1>, vector<16xf32>
        %add3A_551 = arith.addf %add3A_373, %select_n3A_550 : vector<16xf32>
        %add3A_552 = arith.constant 512 : i32
        %add3A_553 = arith.addi %add3A_552, %add3A_117 : i32
        %get3A_554 = arith.constant 0 : i32
        %get3A_555 = arith.index_cast %get3A_554 : i32 to index
        %get3A_556 = arith.index_cast %add3A_553 : i32 to index
        %get3A_557 = tpu.vector_load %arg10[%get3A_555, %get3A_556] {strides = array<i32>} : memref<8x2048xf32, #tpu.memory_space<vmem>>, vector<1x16xf32>,
        %get3A_558 = vector.shape_cast %get3A_557 : vector<1x16xf32> to vector<16xf32>
        %get3A_559 = arith.constant 0 : i32
        %get3A_560 = arith.index_cast %get3A_559 : i32 to index
        %get3A_561 = arith.index_cast %add3A_553 : i32 to index
        %get3A_562 = tpu.vector_load %arg11[%get3A_560, %get3A_561] {strides = array<i32>} : memref<8x2048xf32, #tpu.memory_space<vmem>>, vector<1x16xf32>,
        %get3A_563 = vector.shape_cast %get3A_562 : vector<1x16xf32> to vector<16xf32>
        %get3A_564 = arith.constant 0 : i32
        %get3A_565 = arith.index_cast %get3A_564 : i32 to index
        %get3A_566 = arith.index_cast %add3A_553 : i32 to index
        %get3A_567 = tpu.vector_load %arg12[%get3A_565, %get3A_566] {strides = array<i32>} : memref<8x2048xf32, #tpu.memory_space<vmem>>, vector<1x16xf32>,
        %get3A_568 = vector.shape_cast %get3A_567 : vector<1x16xf32> to vector<16xf32>
        %lt3A_569 = arith.cmpf olt, %get3A_563, %broadcast_in_dim3A_37 : vector<16xf32>
        %select_n3A_570 = arith.select %lt3A_569, %get3A_558, %broadcast_in_dim3A_35 : vector<16xi1>, vector<16xf32>
        %sub3A_571 = arith.subf %select_n3A_570, %get3A_161 : vector<16xf32>
        %mul3A_572 = arith.mulf %sub3A_571, %get3A_568 : vector<16xf32>
        %le3A_573 = arith.cmpf ole, %mul3A_572, %broadcast_in_dim3A_41 : vector<16xf32>
        %select_n3A_574 = arith.select %le3A_573, %broadcast_in_dim3A_39, %broadcast_in_dim3A_41 : vector<16xi1>, vector<16xf32>
        %add3A_575 = arith.addf %add3A_397, %select_n3A_574 : vector<16xf32>
        %get3A_576 = arith.constant 1 : i32
        %get3A_577 = arith.index_cast %get3A_576 : i32 to index
        %get3A_578 = arith.index_cast %add3A_553 : i32 to index
        %get3A_579 = tpu.vector_load %arg10[%get3A_577, %get3A_578] {strides = array<i32>} : memref<8x2048xf32, #tpu.memory_space<vmem>>, vector<1x16xf32>,
        %get3A_580 = vector.shape_cast %get3A_579 : vector<1x16xf32> to vector<16xf32>
        %get3A_581 = arith.constant 1 : i32
        %get3A_582 = arith.index_cast %get3A_581 : i32 to index
        %get3A_583 = arith.index_cast %add3A_553 : i32 to index
        %get3A_584 = tpu.vector_load %arg11[%get3A_582, %get3A_583] {strides = array<i32>} : memref<8x2048xf32, #tpu.memory_space<vmem>>, vector<1x16xf32>,
        %get3A_585 = vector.shape_cast %get3A_584 : vector<1x16xf32> to vector<16xf32>
        %get3A_586 = arith.constant 1 : i32
        %get3A_587 = arith.index_cast %get3A_586 : i32 to index
        %get3A_588 = arith.index_cast %add3A_553 : i32 to index
        %get3A_589 = tpu.vector_load %arg12[%get3A_587, %get3A_588] {strides = array<i32>} : memref<8x2048xf32, #tpu.memory_space<vmem>>, vector<1x16xf32>,
        %get3A_590 = vector.shape_cast %get3A_589 : vector<1x16xf32> to vector<16xf32>
        %lt3A_591 = arith.cmpf olt, %get3A_585, %broadcast_in_dim3A_37 : vector<16xf32>
        %select_n3A_592 = arith.select %lt3A_591, %get3A_580, %broadcast_in_dim3A_35 : vector<16xi1>, vector<16xf32>
        %sub3A_593 = arith.subf %select_n3A_592, %get3A_166 : vector<16xf32>
        %mul3A_594 = arith.mulf %sub3A_593, %get3A_590 : vector<16xf32>
        %le3A_595 = arith.cmpf ole, %mul3A_594, %broadcast_in_dim3A_41 : vector<16xf32>
        %select_n3A_596 = arith.select %le3A_595, %broadcast_in_dim3A_39, %broadcast_in_dim3A_41 : vector<16xi1>, vector<16xf32>
        %add3A_597 = arith.addf %add3A_419, %select_n3A_596 : vector<16xf32>
        %get3A_598 = arith.constant 2 : i32
        %get3A_599 = arith.index_cast %get3A_598 : i32 to index
        %get3A_600 = arith.index_cast %add3A_553 : i32 to index
        %get3A_601 = tpu.vector_load %arg10[%get3A_599, %get3A_600] {strides = array<i32>} : memref<8x2048xf32, #tpu.memory_space<vmem>>, vector<1x16xf32>,
        %get3A_602 = vector.shape_cast %get3A_601 : vector<1x16xf32> to vector<16xf32>
        %get3A_603 = arith.constant 2 : i32
        %get3A_604 = arith.index_cast %get3A_603 : i32 to index
        %get3A_605 = arith.index_cast %add3A_553 : i32 to index
        %get3A_606 = tpu.vector_load %arg11[%get3A_604, %get3A_605] {strides = array<i32>} : memref<8x2048xf32, #tpu.memory_space<vmem>>, vector<1x16xf32>,
        %get3A_607 = vector.shape_cast %get3A_606 : vector<1x16xf32> to vector<16xf32>
        %get3A_608 = arith.constant 2 : i32
        %get3A_609 = arith.index_cast %get3A_608 : i32 to index
        %get3A_610 = arith.index_cast %add3A_553 : i32 to index
        %get3A_611 = tpu.vector_load %arg12[%get3A_609, %get3A_610] {strides = array<i32>} : memref<8x2048xf32, #tpu.memory_space<vmem>>, vector<1x16xf32>,
        %get3A_612 = vector.shape_cast %get3A_611 : vector<1x16xf32> to vector<16xf32>
        %lt3A_613 = arith.cmpf olt, %get3A_607, %broadcast_in_dim3A_37 : vector<16xf32>
        %select_n3A_614 = arith.select %lt3A_613, %get3A_602, %broadcast_in_dim3A_35 : vector<16xi1>, vector<16xf32>
        %sub3A_615 = arith.subf %select_n3A_614, %get3A_171 : vector<16xf32>
        %mul3A_616 = arith.mulf %sub3A_615, %get3A_612 : vector<16xf32>
        %le3A_617 = arith.cmpf ole, %mul3A_616, %broadcast_in_dim3A_41 : vector<16xf32>
        %select_n3A_618 = arith.select %le3A_617, %broadcast_in_dim3A_39, %broadcast_in_dim3A_41 : vector<16xi1>, vector<16xf32>
        %add3A_619 = arith.addf %add3A_441, %select_n3A_618 : vector<16xf32>
        %get3A_620 = arith.constant 3 : i32
        %get3A_621 = arith.index_cast %get3A_620 : i32 to index
        %get3A_622 = arith.index_cast %add3A_553 : i32 to index
        %get3A_623 = tpu.vector_load %arg10[%get3A_621, %get3A_622] {strides = array<i32>} : memref<8x2048xf32, #tpu.memory_space<vmem>>, vector<1x16xf32>,
        %get3A_624 = vector.shape_cast %get3A_623 : vector<1x16xf32> to vector<16xf32>
        %get3A_625 = arith.constant 3 : i32
        %get3A_626 = arith.index_cast %get3A_625 : i32 to index
        %get3A_627 = arith.index_cast %add3A_553 : i32 to index
        %get3A_628 = tpu.vector_load %arg11[%get3A_626, %get3A_627] {strides = array<i32>} : memref<8x2048xf32, #tpu.memory_space<vmem>>, vector<1x16xf32>,
        %get3A_629 = vector.shape_cast %get3A_628 : vector<1x16xf32> to vector<16xf32>
        %get3A_630 = arith.constant 3 : i32
        %get3A_631 = arith.index_cast %get3A_630 : i32 to index
        %get3A_632 = arith.index_cast %add3A_553 : i32 to index
        %get3A_633 = tpu.vector_load %arg12[%get3A_631, %get3A_632] {strides = array<i32>} : memref<8x2048xf32, #tpu.memory_space<vmem>>, vector<1x16xf32>,
        %get3A_634 = vector.shape_cast %get3A_633 : vector<1x16xf32> to vector<16xf32>
        %lt3A_635 = arith.cmpf olt, %get3A_629, %broadcast_in_dim3A_37 : vector<16xf32>
        %select_n3A_636 = arith.select %lt3A_635, %get3A_624, %broadcast_in_dim3A_35 : vector<16xi1>, vector<16xf32>
        %sub3A_637 = arith.subf %select_n3A_636, %get3A_176 : vector<16xf32>
        %mul3A_638 = arith.mulf %sub3A_637, %get3A_634 : vector<16xf32>
        %le3A_639 = arith.cmpf ole, %mul3A_638, %broadcast_in_dim3A_41 : vector<16xf32>
        %select_n3A_640 = arith.select %le3A_639, %broadcast_in_dim3A_39, %broadcast_in_dim3A_41 : vector<16xi1>, vector<16xf32>
        %add3A_641 = arith.addf %add3A_463, %select_n3A_640 : vector<16xf32>
        %get3A_642 = arith.constant 4 : i32
        %get3A_643 = arith.index_cast %get3A_642 : i32 to index
        %get3A_644 = arith.index_cast %add3A_553 : i32 to index
        %get3A_645 = tpu.vector_load %arg10[%get3A_643, %get3A_644] {strides = array<i32>} : memref<8x2048xf32, #tpu.memory_space<vmem>>, vector<1x16xf32>,
        %get3A_646 = vector.shape_cast %get3A_645 : vector<1x16xf32> to vector<16xf32>
        %get3A_647 = arith.constant 4 : i32
        %get3A_648 = arith.index_cast %get3A_647 : i32 to index
        %get3A_649 = arith.index_cast %add3A_553 : i32 to index
        %get3A_650 = tpu.vector_load %arg11[%get3A_648, %get3A_649] {strides = array<i32>} : memref<8x2048xf32, #tpu.memory_space<vmem>>, vector<1x16xf32>,
        %get3A_651 = vector.shape_cast %get3A_650 : vector<1x16xf32> to vector<16xf32>
        %get3A_652 = arith.constant 4 : i32
        %get3A_653 = arith.index_cast %get3A_652 : i32 to index
        %get3A_654 = arith.index_cast %add3A_553 : i32 to index
        %get3A_655 = tpu.vector_load %arg12[%get3A_653, %get3A_654] {strides = array<i32>} : memref<8x2048xf32, #tpu.memory_space<vmem>>, vector<1x16xf32>,
        %get3A_656 = vector.shape_cast %get3A_655 : vector<1x16xf32> to vector<16xf32>
        %lt3A_657 = arith.cmpf olt, %get3A_651, %broadcast_in_dim3A_37 : vector<16xf32>
        %select_n3A_658 = arith.select %lt3A_657, %get3A_646, %broadcast_in_dim3A_35 : vector<16xi1>, vector<16xf32>
        %sub3A_659 = arith.subf %select_n3A_658, %get3A_181 : vector<16xf32>
        %mul3A_660 = arith.mulf %sub3A_659, %get3A_656 : vector<16xf32>
        %le3A_661 = arith.cmpf ole, %mul3A_660, %broadcast_in_dim3A_41 : vector<16xf32>
        %select_n3A_662 = arith.select %le3A_661, %broadcast_in_dim3A_39, %broadcast_in_dim3A_41 : vector<16xi1>, vector<16xf32>
        %add3A_663 = arith.addf %add3A_485, %select_n3A_662 : vector<16xf32>
        %get3A_664 = arith.constant 5 : i32
        %get3A_665 = arith.index_cast %get3A_664 : i32 to index
        %get3A_666 = arith.index_cast %add3A_553 : i32 to index
        %get3A_667 = tpu.vector_load %arg10[%get3A_665, %get3A_666] {strides = array<i32>} : memref<8x2048xf32, #tpu.memory_space<vmem>>, vector<1x16xf32>,
        %get3A_668 = vector.shape_cast %get3A_667 : vector<1x16xf32> to vector<16xf32>
        %get3A_669 = arith.constant 5 : i32
        %get3A_670 = arith.index_cast %get3A_669 : i32 to index
        %get3A_671 = arith.index_cast %add3A_553 : i32 to index
        %get3A_672 = tpu.vector_load %arg11[%get3A_670, %get3A_671] {strides = array<i32>} : memref<8x2048xf32, #tpu.memory_space<vmem>>, vector<1x16xf32>,
        %get3A_673 = vector.shape_cast %get3A_672 : vector<1x16xf32> to vector<16xf32>
        %get3A_674 = arith.constant 5 : i32
        %get3A_675 = arith.index_cast %get3A_674 : i32 to index
        %get3A_676 = arith.index_cast %add3A_553 : i32 to index
        %get3A_677 = tpu.vector_load %arg12[%get3A_675, %get3A_676] {strides = array<i32>} : memref<8x2048xf32, #tpu.memory_space<vmem>>, vector<1x16xf32>,
        %get3A_678 = vector.shape_cast %get3A_677 : vector<1x16xf32> to vector<16xf32>
        %lt3A_679 = arith.cmpf olt, %get3A_673, %broadcast_in_dim3A_37 : vector<16xf32>
        %select_n3A_680 = arith.select %lt3A_679, %get3A_668, %broadcast_in_dim3A_35 : vector<16xi1>, vector<16xf32>
        %sub3A_681 = arith.subf %select_n3A_680, %get3A_186 : vector<16xf32>
        %mul3A_682 = arith.mulf %sub3A_681, %get3A_678 : vector<16xf32>
        %le3A_683 = arith.cmpf ole, %mul3A_682, %broadcast_in_dim3A_41 : vector<16xf32>
        %select_n3A_684 = arith.select %le3A_683, %broadcast_in_dim3A_39, %broadcast_in_dim3A_41 : vector<16xi1>, vector<16xf32>
        %add3A_685 = arith.addf %add3A_507, %select_n3A_684 : vector<16xf32>
        %get3A_686 = arith.constant 6 : i32
        %get3A_687 = arith.index_cast %get3A_686 : i32 to index
        %get3A_688 = arith.index_cast %add3A_553 : i32 to index
        %get3A_689 = tpu.vector_load %arg10[%get3A_687, %get3A_688] {strides = array<i32>} : memref<8x2048xf32, #tpu.memory_space<vmem>>, vector<1x16xf32>,
        %get3A_690 = vector.shape_cast %get3A_689 : vector<1x16xf32> to vector<16xf32>
        %get3A_691 = arith.constant 6 : i32
        %get3A_692 = arith.index_cast %get3A_691 : i32 to index
        %get3A_693 = arith.index_cast %add3A_553 : i32 to index
        %get3A_694 = tpu.vector_load %arg11[%get3A_692, %get3A_693] {strides = array<i32>} : memref<8x2048xf32, #tpu.memory_space<vmem>>, vector<1x16xf32>,
        %get3A_695 = vector.shape_cast %get3A_694 : vector<1x16xf32> to vector<16xf32>
        %get3A_696 = arith.constant 6 : i32
        %get3A_697 = arith.index_cast %get3A_696 : i32 to index
        %get3A_698 = arith.index_cast %add3A_553 : i32 to index
        %get3A_699 = tpu.vector_load %arg12[%get3A_697, %get3A_698] {strides = array<i32>} : memref<8x2048xf32, #tpu.memory_space<vmem>>, vector<1x16xf32>,
        %get3A_700 = vector.shape_cast %get3A_699 : vector<1x16xf32> to vector<16xf32>
        %lt3A_701 = arith.cmpf olt, %get3A_695, %broadcast_in_dim3A_37 : vector<16xf32>
        %select_n3A_702 = arith.select %lt3A_701, %get3A_690, %broadcast_in_dim3A_35 : vector<16xi1>, vector<16xf32>
        %sub3A_703 = arith.subf %select_n3A_702, %get3A_191 : vector<16xf32>
        %mul3A_704 = arith.mulf %sub3A_703, %get3A_700 : vector<16xf32>
        %le3A_705 = arith.cmpf ole, %mul3A_704, %broadcast_in_dim3A_41 : vector<16xf32>
        %select_n3A_706 = arith.select %le3A_705, %broadcast_in_dim3A_39, %broadcast_in_dim3A_41 : vector<16xi1>, vector<16xf32>
        %add3A_707 = arith.addf %add3A_529, %select_n3A_706 : vector<16xf32>
        %get3A_708 = arith.constant 7 : i32
        %get3A_709 = arith.index_cast %get3A_708 : i32 to index
        %get3A_710 = arith.index_cast %add3A_553 : i32 to index
        %get3A_711 = tpu.vector_load %arg10[%get3A_709, %get3A_710] {strides = array<i32>} : memref<8x2048xf32, #tpu.memory_space<vmem>>, vector<1x16xf32>,
        %get3A_712 = vector.shape_cast %get3A_711 : vector<1x16xf32> to vector<16xf32>
        %get3A_713 = arith.constant 7 : i32
        %get3A_714 = arith.index_cast %get3A_713 : i32 to index
        %get3A_715 = arith.index_cast %add3A_553 : i32 to index
        %get3A_716 = tpu.vector_load %arg11[%get3A_714, %get3A_715] {strides = array<i32>} : memref<8x2048xf32, #tpu.memory_space<vmem>>, vector<1x16xf32>,
        %get3A_717 = vector.shape_cast %get3A_716 : vector<1x16xf32> to vector<16xf32>
        %get3A_718 = arith.constant 7 : i32
        %get3A_719 = arith.index_cast %get3A_718 : i32 to index
        %get3A_720 = arith.index_cast %add3A_553 : i32 to index
        %get3A_721 = tpu.vector_load %arg12[%get3A_719, %get3A_720] {strides = array<i32>} : memref<8x2048xf32, #tpu.memory_space<vmem>>, vector<1x16xf32>,
        %get3A_722 = vector.shape_cast %get3A_721 : vector<1x16xf32> to vector<16xf32>
        %lt3A_723 = arith.cmpf olt, %get3A_717, %broadcast_in_dim3A_37 : vector<16xf32>
        %select_n3A_724 = arith.select %lt3A_723, %get3A_712, %broadcast_in_dim3A_35 : vector<16xi1>, vector<16xf32>
        %sub3A_725 = arith.subf %select_n3A_724, %get3A_196 : vector<16xf32>
        %mul3A_726 = arith.mulf %sub3A_725, %get3A_722 : vector<16xf32>
        %le3A_727 = arith.cmpf ole, %mul3A_726, %broadcast_in_dim3A_41 : vector<16xf32>
        %select_n3A_728 = arith.select %le3A_727, %broadcast_in_dim3A_39, %broadcast_in_dim3A_41 : vector<16xi1>, vector<16xf32>
        %add3A_729 = arith.addf %add3A_551, %select_n3A_728 : vector<16xf32>
        %add3A_730 = arith.constant 768 : i32
        %add3A_731 = arith.addi %add3A_730, %add3A_117 : i32
        %get3A_732 = arith.constant 0 : i32
        %get3A_733 = arith.index_cast %get3A_732 : i32 to index
        %get3A_734 = arith.index_cast %add3A_731 : i32 to index
        %get3A_735 = tpu.vector_load %arg10[%get3A_733, %get3A_734] {strides = array<i32>} : memref<8x2048xf32, #tpu.memory_space<vmem>>, vector<1x16xf32>,
        %get3A_736 = vector.shape_cast %get3A_735 : vector<1x16xf32> to vector<16xf32>
        %get3A_737 = arith.constant 0 : i32
        %get3A_738 = arith.index_cast %get3A_737 : i32 to index
        %get3A_739 = arith.index_cast %add3A_731 : i32 to index
        %get3A_740 = tpu.vector_load %arg11[%get3A_738, %get3A_739] {strides = array<i32>} : memref<8x2048xf32, #tpu.memory_space<vmem>>, vector<1x16xf32>,
        %get3A_741 = vector.shape_cast %get3A_740 : vector<1x16xf32> to vector<16xf32>
        %get3A_742 = arith.constant 0 : i32
        %get3A_743 = arith.index_cast %get3A_742 : i32 to index
        %get3A_744 = arith.index_cast %add3A_731 : i32 to index
        %get3A_745 = tpu.vector_load %arg12[%get3A_743, %get3A_744] {strides = array<i32>} : memref<8x2048xf32, #tpu.memory_space<vmem>>, vector<1x16xf32>,
        %get3A_746 = vector.shape_cast %get3A_745 : vector<1x16xf32> to vector<16xf32>
        %lt3A_747 = arith.cmpf olt, %get3A_741, %broadcast_in_dim3A_37 : vector<16xf32>
        %select_n3A_748 = arith.select %lt3A_747, %get3A_736, %broadcast_in_dim3A_35 : vector<16xi1>, vector<16xf32>
        %sub3A_749 = arith.subf %select_n3A_748, %get3A_161 : vector<16xf32>
        %mul3A_750 = arith.mulf %sub3A_749, %get3A_746 : vector<16xf32>
        %le3A_751 = arith.cmpf ole, %mul3A_750, %broadcast_in_dim3A_41 : vector<16xf32>
        %select_n3A_752 = arith.select %le3A_751, %broadcast_in_dim3A_39, %broadcast_in_dim3A_41 : vector<16xi1>, vector<16xf32>
        %add3A_753 = arith.addf %add3A_575, %select_n3A_752 : vector<16xf32>
        %get3A_754 = arith.constant 1 : i32
        %get3A_755 = arith.index_cast %get3A_754 : i32 to index
        %get3A_756 = arith.index_cast %add3A_731 : i32 to index
        %get3A_757 = tpu.vector_load %arg10[%get3A_755, %get3A_756] {strides = array<i32>} : memref<8x2048xf32, #tpu.memory_space<vmem>>, vector<1x16xf32>,
        %get3A_758 = vector.shape_cast %get3A_757 : vector<1x16xf32> to vector<16xf32>
        %get3A_759 = arith.constant 1 : i32
        %get3A_760 = arith.index_cast %get3A_759 : i32 to index
        %get3A_761 = arith.index_cast %add3A_731 : i32 to index
        %get3A_762 = tpu.vector_load %arg11[%get3A_760, %get3A_761] {strides = array<i32>} : memref<8x2048xf32, #tpu.memory_space<vmem>>, vector<1x16xf32>,
        %get3A_763 = vector.shape_cast %get3A_762 : vector<1x16xf32> to vector<16xf32>
        %get3A_764 = arith.constant 1 : i32
        %get3A_765 = arith.index_cast %get3A_764 : i32 to index
        %get3A_766 = arith.index_cast %add3A_731 : i32 to index
        %get3A_767 = tpu.vector_load %arg12[%get3A_765, %get3A_766] {strides = array<i32>} : memref<8x2048xf32, #tpu.memory_space<vmem>>, vector<1x16xf32>,
        %get3A_768 = vector.shape_cast %get3A_767 : vector<1x16xf32> to vector<16xf32>
        %lt3A_769 = arith.cmpf olt, %get3A_763, %broadcast_in_dim3A_37 : vector<16xf32>
        %select_n3A_770 = arith.select %lt3A_769, %get3A_758, %broadcast_in_dim3A_35 : vector<16xi1>, vector<16xf32>
        %sub3A_771 = arith.subf %select_n3A_770, %get3A_166 : vector<16xf32>
        %mul3A_772 = arith.mulf %sub3A_771, %get3A_768 : vector<16xf32>
        %le3A_773 = arith.cmpf ole, %mul3A_772, %broadcast_in_dim3A_41 : vector<16xf32>
        %select_n3A_774 = arith.select %le3A_773, %broadcast_in_dim3A_39, %broadcast_in_dim3A_41 : vector<16xi1>, vector<16xf32>
        %add3A_775 = arith.addf %add3A_597, %select_n3A_774 : vector<16xf32>
        %get3A_776 = arith.constant 2 : i32
        %get3A_777 = arith.index_cast %get3A_776 : i32 to index
        %get3A_778 = arith.index_cast %add3A_731 : i32 to index
        %get3A_779 = tpu.vector_load %arg10[%get3A_777, %get3A_778] {strides = array<i32>} : memref<8x2048xf32, #tpu.memory_space<vmem>>, vector<1x16xf32>,
        %get3A_780 = vector.shape_cast %get3A_779 : vector<1x16xf32> to vector<16xf32>
        %get3A_781 = arith.constant 2 : i32
        %get3A_782 = arith.index_cast %get3A_781 : i32 to index
        %get3A_783 = arith.index_cast %add3A_731 : i32 to index
        %get3A_784 = tpu.vector_load %arg11[%get3A_782, %get3A_783] {strides = array<i32>} : memref<8x2048xf32, #tpu.memory_space<vmem>>, vector<1x16xf32>,
        %get3A_785 = vector.shape_cast %get3A_784 : vector<1x16xf32> to vector<16xf32>
        %get3A_786 = arith.constant 2 : i32
        %get3A_787 = arith.index_cast %get3A_786 : i32 to index
        %get3A_788 = arith.index_cast %add3A_731 : i32 to index
        %get3A_789 = tpu.vector_load %arg12[%get3A_787, %get3A_788] {strides = array<i32>} : memref<8x2048xf32, #tpu.memory_space<vmem>>, vector<1x16xf32>,
        %get3A_790 = vector.shape_cast %get3A_789 : vector<1x16xf32> to vector<16xf32>
        %lt3A_791 = arith.cmpf olt, %get3A_785, %broadcast_in_dim3A_37 : vector<16xf32>
        %select_n3A_792 = arith.select %lt3A_791, %get3A_780, %broadcast_in_dim3A_35 : vector<16xi1>, vector<16xf32>
        %sub3A_793 = arith.subf %select_n3A_792, %get3A_171 : vector<16xf32>
        %mul3A_794 = arith.mulf %sub3A_793, %get3A_790 : vector<16xf32>
        %le3A_795 = arith.cmpf ole, %mul3A_794, %broadcast_in_dim3A_41 : vector<16xf32>
        %select_n3A_796 = arith.select %le3A_795, %broadcast_in_dim3A_39, %broadcast_in_dim3A_41 : vector<16xi1>, vector<16xf32>
        %add3A_797 = arith.addf %add3A_619, %select_n3A_796 : vector<16xf32>
        %get3A_798 = arith.constant 3 : i32
        %get3A_799 = arith.index_cast %get3A_798 : i32 to index
        %get3A_800 = arith.index_cast %add3A_731 : i32 to index
        %get3A_801 = tpu.vector_load %arg10[%get3A_799, %get3A_800] {strides = array<i32>} : memref<8x2048xf32, #tpu.memory_space<vmem>>, vector<1x16xf32>,
        %get3A_802 = vector.shape_cast %get3A_801 : vector<1x16xf32> to vector<16xf32>
        %get3A_803 = arith.constant 3 : i32
        %get3A_804 = arith.index_cast %get3A_803 : i32 to index
        %get3A_805 = arith.index_cast %add3A_731 : i32 to index
        %get3A_806 = tpu.vector_load %arg11[%get3A_804, %get3A_805] {strides = array<i32>} : memref<8x2048xf32, #tpu.memory_space<vmem>>, vector<1x16xf32>,
        %get3A_807 = vector.shape_cast %get3A_806 : vector<1x16xf32> to vector<16xf32>
        %get3A_808 = arith.constant 3 : i32
        %get3A_809 = arith.index_cast %get3A_808 : i32 to index
        %get3A_810 = arith.index_cast %add3A_731 : i32 to index
        %get3A_811 = tpu.vector_load %arg12[%get3A_809, %get3A_810] {strides = array<i32>} : memref<8x2048xf32, #tpu.memory_space<vmem>>, vector<1x16xf32>,
        %get3A_812 = vector.shape_cast %get3A_811 : vector<1x16xf32> to vector<16xf32>
        %lt3A_813 = arith.cmpf olt, %get3A_807, %broadcast_in_dim3A_37 : vector<16xf32>
        %select_n3A_814 = arith.select %lt3A_813, %get3A_802, %broadcast_in_dim3A_35 : vector<16xi1>, vector<16xf32>
        %sub3A_815 = arith.subf %select_n3A_814, %get3A_176 : vector<16xf32>
        %mul3A_816 = arith.mulf %sub3A_815, %get3A_812 : vector<16xf32>
        %le3A_817 = arith.cmpf ole, %mul3A_816, %broadcast_in_dim3A_41 : vector<16xf32>
        %select_n3A_818 = arith.select %le3A_817, %broadcast_in_dim3A_39, %broadcast_in_dim3A_41 : vector<16xi1>, vector<16xf32>
        %add3A_819 = arith.addf %add3A_641, %select_n3A_818 : vector<16xf32>
        %get3A_820 = arith.constant 4 : i32
        %get3A_821 = arith.index_cast %get3A_820 : i32 to index
        %get3A_822 = arith.index_cast %add3A_731 : i32 to index
        %get3A_823 = tpu.vector_load %arg10[%get3A_821, %get3A_822] {strides = array<i32>} : memref<8x2048xf32, #tpu.memory_space<vmem>>, vector<1x16xf32>,
        %get3A_824 = vector.shape_cast %get3A_823 : vector<1x16xf32> to vector<16xf32>
        %get3A_825 = arith.constant 4 : i32
        %get3A_826 = arith.index_cast %get3A_825 : i32 to index
        %get3A_827 = arith.index_cast %add3A_731 : i32 to index
        %get3A_828 = tpu.vector_load %arg11[%get3A_826, %get3A_827] {strides = array<i32>} : memref<8x2048xf32, #tpu.memory_space<vmem>>, vector<1x16xf32>,
        %get3A_829 = vector.shape_cast %get3A_828 : vector<1x16xf32> to vector<16xf32>
        %get3A_830 = arith.constant 4 : i32
        %get3A_831 = arith.index_cast %get3A_830 : i32 to index
        %get3A_832 = arith.index_cast %add3A_731 : i32 to index
        %get3A_833 = tpu.vector_load %arg12[%get3A_831, %get3A_832] {strides = array<i32>} : memref<8x2048xf32, #tpu.memory_space<vmem>>, vector<1x16xf32>,
        %get3A_834 = vector.shape_cast %get3A_833 : vector<1x16xf32> to vector<16xf32>
        %lt3A_835 = arith.cmpf olt, %get3A_829, %broadcast_in_dim3A_37 : vector<16xf32>
        %select_n3A_836 = arith.select %lt3A_835, %get3A_824, %broadcast_in_dim3A_35 : vector<16xi1>, vector<16xf32>
        %sub3A_837 = arith.subf %select_n3A_836, %get3A_181 : vector<16xf32>
        %mul3A_838 = arith.mulf %sub3A_837, %get3A_834 : vector<16xf32>
        %le3A_839 = arith.cmpf ole, %mul3A_838, %broadcast_in_dim3A_41 : vector<16xf32>
        %select_n3A_840 = arith.select %le3A_839, %broadcast_in_dim3A_39, %broadcast_in_dim3A_41 : vector<16xi1>, vector<16xf32>
        %add3A_841 = arith.addf %add3A_663, %select_n3A_840 : vector<16xf32>
        %get3A_842 = arith.constant 5 : i32
        %get3A_843 = arith.index_cast %get3A_842 : i32 to index
        %get3A_844 = arith.index_cast %add3A_731 : i32 to index
        %get3A_845 = tpu.vector_load %arg10[%get3A_843, %get3A_844] {strides = array<i32>} : memref<8x2048xf32, #tpu.memory_space<vmem>>, vector<1x16xf32>,
        %get3A_846 = vector.shape_cast %get3A_845 : vector<1x16xf32> to vector<16xf32>
        %get3A_847 = arith.constant 5 : i32
        %get3A_848 = arith.index_cast %get3A_847 : i32 to index
        %get3A_849 = arith.index_cast %add3A_731 : i32 to index
        %get3A_850 = tpu.vector_load %arg11[%get3A_848, %get3A_849] {strides = array<i32>} : memref<8x2048xf32, #tpu.memory_space<vmem>>, vector<1x16xf32>,
        %get3A_851 = vector.shape_cast %get3A_850 : vector<1x16xf32> to vector<16xf32>
        %get3A_852 = arith.constant 5 : i32
        %get3A_853 = arith.index_cast %get3A_852 : i32 to index
        %get3A_854 = arith.index_cast %add3A_731 : i32 to index
        %get3A_855 = tpu.vector_load %arg12[%get3A_853, %get3A_854] {strides = array<i32>} : memref<8x2048xf32, #tpu.memory_space<vmem>>, vector<1x16xf32>,
        %get3A_856 = vector.shape_cast %get3A_855 : vector<1x16xf32> to vector<16xf32>
        %lt3A_857 = arith.cmpf olt, %get3A_851, %broadcast_in_dim3A_37 : vector<16xf32>
        %select_n3A_858 = arith.select %lt3A_857, %get3A_846, %broadcast_in_dim3A_35 : vector<16xi1>, vector<16xf32>
        %sub3A_859 = arith.subf %select_n3A_858, %get3A_186 : vector<16xf32>
        %mul3A_860 = arith.mulf %sub3A_859, %get3A_856 : vector<16xf32>
        %le3A_861 = arith.cmpf ole, %mul3A_860, %broadcast_in_dim3A_41 : vector<16xf32>
        %select_n3A_862 = arith.select %le3A_861, %broadcast_in_dim3A_39, %broadcast_in_dim3A_41 : vector<16xi1>, vector<16xf32>
        %add3A_863 = arith.addf %add3A_685, %select_n3A_862 : vector<16xf32>
        %get3A_864 = arith.constant 6 : i32
        %get3A_865 = arith.index_cast %get3A_864 : i32 to index
        %get3A_866 = arith.index_cast %add3A_731 : i32 to index
        %get3A_867 = tpu.vector_load %arg10[%get3A_865, %get3A_866] {strides = array<i32>} : memref<8x2048xf32, #tpu.memory_space<vmem>>, vector<1x16xf32>,
        %get3A_868 = vector.shape_cast %get3A_867 : vector<1x16xf32> to vector<16xf32>
        %get3A_869 = arith.constant 6 : i32
        %get3A_870 = arith.index_cast %get3A_869 : i32 to index
        %get3A_871 = arith.index_cast %add3A_731 : i32 to index
        %get3A_872 = tpu.vector_load %arg11[%get3A_870, %get3A_871] {strides = array<i32>} : memref<8x2048xf32, #tpu.memory_space<vmem>>, vector<1x16xf32>,
        %get3A_873 = vector.shape_cast %get3A_872 : vector<1x16xf32> to vector<16xf32>
        %get3A_874 = arith.constant 6 : i32
        %get3A_875 = arith.index_cast %get3A_874 : i32 to index
        %get3A_876 = arith.index_cast %add3A_731 : i32 to index
        %get3A_877 = tpu.vector_load %arg12[%get3A_875, %get3A_876] {strides = array<i32>} : memref<8x2048xf32, #tpu.memory_space<vmem>>, vector<1x16xf32>,
        %get3A_878 = vector.shape_cast %get3A_877 : vector<1x16xf32> to vector<16xf32>
        %lt3A_879 = arith.cmpf olt, %get3A_873, %broadcast_in_dim3A_37 : vector<16xf32>
        %select_n3A_880 = arith.select %lt3A_879, %get3A_868, %broadcast_in_dim3A_35 : vector<16xi1>, vector<16xf32>
        %sub3A_881 = arith.subf %select_n3A_880, %get3A_191 : vector<16xf32>
        %mul3A_882 = arith.mulf %sub3A_881, %get3A_878 : vector<16xf32>
        %le3A_883 = arith.cmpf ole, %mul3A_882, %broadcast_in_dim3A_41 : vector<16xf32>
        %select_n3A_884 = arith.select %le3A_883, %broadcast_in_dim3A_39, %broadcast_in_dim3A_41 : vector<16xi1>, vector<16xf32>
        %add3A_885 = arith.addf %add3A_707, %select_n3A_884 : vector<16xf32>
        %get3A_886 = arith.constant 7 : i32
        %get3A_887 = arith.index_cast %get3A_886 : i32 to index
        %get3A_888 = arith.index_cast %add3A_731 : i32 to index
        %get3A_889 = tpu.vector_load %arg10[%get3A_887, %get3A_888] {strides = array<i32>} : memref<8x2048xf32, #tpu.memory_space<vmem>>, vector<1x16xf32>,
        %get3A_890 = vector.shape_cast %get3A_889 : vector<1x16xf32> to vector<16xf32>
        %get3A_891 = arith.constant 7 : i32
        %get3A_892 = arith.index_cast %get3A_891 : i32 to index
        %get3A_893 = arith.index_cast %add3A_731 : i32 to index
        %get3A_894 = tpu.vector_load %arg11[%get3A_892, %get3A_893] {strides = array<i32>} : memref<8x2048xf32, #tpu.memory_space<vmem>>, vector<1x16xf32>,
        %get3A_895 = vector.shape_cast %get3A_894 : vector<1x16xf32> to vector<16xf32>
        %get3A_896 = arith.constant 7 : i32
        %get3A_897 = arith.index_cast %get3A_896 : i32 to index
        %get3A_898 = arith.index_cast %add3A_731 : i32 to index
        %get3A_899 = tpu.vector_load %arg12[%get3A_897, %get3A_898] {strides = array<i32>} : memref<8x2048xf32, #tpu.memory_space<vmem>>, vector<1x16xf32>,
        %get3A_900 = vector.shape_cast %get3A_899 : vector<1x16xf32> to vector<16xf32>
        %lt3A_901 = arith.cmpf olt, %get3A_895, %broadcast_in_dim3A_37 : vector<16xf32>
        %select_n3A_902 = arith.select %lt3A_901, %get3A_890, %broadcast_in_dim3A_35 : vector<16xi1>, vector<16xf32>
        %sub3A_903 = arith.subf %select_n3A_902, %get3A_196 : vector<16xf32>
        %mul3A_904 = arith.mulf %sub3A_903, %get3A_900 : vector<16xf32>
        %le3A_905 = arith.cmpf ole, %mul3A_904, %broadcast_in_dim3A_41 : vector<16xf32>
        %select_n3A_906 = arith.select %le3A_905, %broadcast_in_dim3A_39, %broadcast_in_dim3A_41 : vector<16xi1>, vector<16xf32>
        %add3A_907 = arith.addf %add3A_729, %select_n3A_906 : vector<16xf32>
        %add3A_908 = arith.constant 1024 : i32
        %add3A_909 = arith.addi %add3A_908, %add3A_117 : i32
        %get3A_910 = arith.constant 0 : i32
        %get3A_911 = arith.index_cast %get3A_910 : i32 to index
        %get3A_912 = arith.index_cast %add3A_909 : i32 to index
        %get3A_913 = tpu.vector_load %arg10[%get3A_911, %get3A_912] {strides = array<i32>} : memref<8x2048xf32, #tpu.memory_space<vmem>>, vector<1x16xf32>,
        %get3A_914 = vector.shape_cast %get3A_913 : vector<1x16xf32> to vector<16xf32>
        %get3A_915 = arith.constant 0 : i32
        %get3A_916 = arith.index_cast %get3A_915 : i32 to index
        %get3A_917 = arith.index_cast %add3A_909 : i32 to index
        %get3A_918 = tpu.vector_load %arg11[%get3A_916, %get3A_917] {strides = array<i32>} : memref<8x2048xf32, #tpu.memory_space<vmem>>, vector<1x16xf32>,
        %get3A_919 = vector.shape_cast %get3A_918 : vector<1x16xf32> to vector<16xf32>
        %get3A_920 = arith.constant 0 : i32
        %get3A_921 = arith.index_cast %get3A_920 : i32 to index
        %get3A_922 = arith.index_cast %add3A_909 : i32 to index
        %get3A_923 = tpu.vector_load %arg12[%get3A_921, %get3A_922] {strides = array<i32>} : memref<8x2048xf32, #tpu.memory_space<vmem>>, vector<1x16xf32>,
        %get3A_924 = vector.shape_cast %get3A_923 : vector<1x16xf32> to vector<16xf32>
        %lt3A_925 = arith.cmpf olt, %get3A_919, %broadcast_in_dim3A_37 : vector<16xf32>
        %select_n3A_926 = arith.select %lt3A_925, %get3A_914, %broadcast_in_dim3A_35 : vector<16xi1>, vector<16xf32>
        %sub3A_927 = arith.subf %select_n3A_926, %get3A_161 : vector<16xf32>
        %mul3A_928 = arith.mulf %sub3A_927, %get3A_924 : vector<16xf32>
        %le3A_929 = arith.cmpf ole, %mul3A_928, %broadcast_in_dim3A_41 : vector<16xf32>
        %select_n3A_930 = arith.select %le3A_929, %broadcast_in_dim3A_39, %broadcast_in_dim3A_41 : vector<16xi1>, vector<16xf32>
        %add3A_931 = arith.addf %add3A_753, %select_n3A_930 : vector<16xf32>
        %get3A_932 = arith.constant 1 : i32
        %get3A_933 = arith.index_cast %get3A_932 : i32 to index
        %get3A_934 = arith.index_cast %add3A_909 : i32 to index
        %get3A_935 = tpu.vector_load %arg10[%get3A_933, %get3A_934] {strides = array<i32>} : memref<8x2048xf32, #tpu.memory_space<vmem>>, vector<1x16xf32>,
        %get3A_936 = vector.shape_cast %get3A_935 : vector<1x16xf32> to vector<16xf32>
        %get3A_937 = arith.constant 1 : i32
        %get3A_938 = arith.index_cast %get3A_937 : i32 to index
        %get3A_939 = arith.index_cast %add3A_909 : i32 to index
        %get3A_940 = tpu.vector_load %arg11[%get3A_938, %get3A_939] {strides = array<i32>} : memref<8x2048xf32, #tpu.memory_space<vmem>>, vector<1x16xf32>,
        %get3A_941 = vector.shape_cast %get3A_940 : vector<1x16xf32> to vector<16xf32>
        %get3A_942 = arith.constant 1 : i32
        %get3A_943 = arith.index_cast %get3A_942 : i32 to index
        %get3A_944 = arith.index_cast %add3A_909 : i32 to index
        %get3A_945 = tpu.vector_load %arg12[%get3A_943, %get3A_944] {strides = array<i32>} : memref<8x2048xf32, #tpu.memory_space<vmem>>, vector<1x16xf32>,
        %get3A_946 = vector.shape_cast %get3A_945 : vector<1x16xf32> to vector<16xf32>
        %lt3A_947 = arith.cmpf olt, %get3A_941, %broadcast_in_dim3A_37 : vector<16xf32>
        %select_n3A_948 = arith.select %lt3A_947, %get3A_936, %broadcast_in_dim3A_35 : vector<16xi1>, vector<16xf32>
        %sub3A_949 = arith.subf %select_n3A_948, %get3A_166 : vector<16xf32>
        %mul3A_950 = arith.mulf %sub3A_949, %get3A_946 : vector<16xf32>
        %le3A_951 = arith.cmpf ole, %mul3A_950, %broadcast_in_dim3A_41 : vector<16xf32>
        %select_n3A_952 = arith.select %le3A_951, %broadcast_in_dim3A_39, %broadcast_in_dim3A_41 : vector<16xi1>, vector<16xf32>
        %add3A_953 = arith.addf %add3A_775, %select_n3A_952 : vector<16xf32>
        %get3A_954 = arith.constant 2 : i32
        %get3A_955 = arith.index_cast %get3A_954 : i32 to index
        %get3A_956 = arith.index_cast %add3A_909 : i32 to index
        %get3A_957 = tpu.vector_load %arg10[%get3A_955, %get3A_956] {strides = array<i32>} : memref<8x2048xf32, #tpu.memory_space<vmem>>, vector<1x16xf32>,
        %get3A_958 = vector.shape_cast %get3A_957 : vector<1x16xf32> to vector<16xf32>
        %get3A_959 = arith.constant 2 : i32
        %get3A_960 = arith.index_cast %get3A_959 : i32 to index
        %get3A_961 = arith.index_cast %add3A_909 : i32 to index
        %get3A_962 = tpu.vector_load %arg11[%get3A_960, %get3A_961] {strides = array<i32>} : memref<8x2048xf32, #tpu.memory_space<vmem>>, vector<1x16xf32>,
        %get3A_963 = vector.shape_cast %get3A_962 : vector<1x16xf32> to vector<16xf32>
        %get3A_964 = arith.constant 2 : i32
        %get3A_965 = arith.index_cast %get3A_964 : i32 to index
        %get3A_966 = arith.index_cast %add3A_909 : i32 to index
        %get3A_967 = tpu.vector_load %arg12[%get3A_965, %get3A_966] {strides = array<i32>} : memref<8x2048xf32, #tpu.memory_space<vmem>>, vector<1x16xf32>,
        %get3A_968 = vector.shape_cast %get3A_967 : vector<1x16xf32> to vector<16xf32>
        %lt3A_969 = arith.cmpf olt, %get3A_963, %broadcast_in_dim3A_37 : vector<16xf32>
        %select_n3A_970 = arith.select %lt3A_969, %get3A_958, %broadcast_in_dim3A_35 : vector<16xi1>, vector<16xf32>
        %sub3A_971 = arith.subf %select_n3A_970, %get3A_171 : vector<16xf32>
        %mul3A_972 = arith.mulf %sub3A_971, %get3A_968 : vector<16xf32>
        %le3A_973 = arith.cmpf ole, %mul3A_972, %broadcast_in_dim3A_41 : vector<16xf32>
        %select_n3A_974 = arith.select %le3A_973, %broadcast_in_dim3A_39, %broadcast_in_dim3A_41 : vector<16xi1>, vector<16xf32>
        %add3A_975 = arith.addf %add3A_797, %select_n3A_974 : vector<16xf32>
        %get3A_976 = arith.constant 3 : i32
        %get3A_977 = arith.index_cast %get3A_976 : i32 to index
        %get3A_978 = arith.index_cast %add3A_909 : i32 to index
        %get3A_979 = tpu.vector_load %arg10[%get3A_977, %get3A_978] {strides = array<i32>} : memref<8x2048xf32, #tpu.memory_space<vmem>>, vector<1x16xf32>,
        %get3A_980 = vector.shape_cast %get3A_979 : vector<1x16xf32> to vector<16xf32>
        %get3A_981 = arith.constant 3 : i32
        %get3A_982 = arith.index_cast %get3A_981 : i32 to index
        %get3A_983 = arith.index_cast %add3A_909 : i32 to index
        %get3A_984 = tpu.vector_load %arg11[%get3A_982, %get3A_983] {strides = array<i32>} : memref<8x2048xf32, #tpu.memory_space<vmem>>, vector<1x16xf32>,
        %get3A_985 = vector.shape_cast %get3A_984 : vector<1x16xf32> to vector<16xf32>
        %get3A_986 = arith.constant 3 : i32
        %get3A_987 = arith.index_cast %get3A_986 : i32 to index
        %get3A_988 = arith.index_cast %add3A_909 : i32 to index
        %get3A_989 = tpu.vector_load %arg12[%get3A_987, %get3A_988] {strides = array<i32>} : memref<8x2048xf32, #tpu.memory_space<vmem>>, vector<1x16xf32>,
        %get3A_990 = vector.shape_cast %get3A_989 : vector<1x16xf32> to vector<16xf32>
        %lt3A_991 = arith.cmpf olt, %get3A_985, %broadcast_in_dim3A_37 : vector<16xf32>
        %select_n3A_992 = arith.select %lt3A_991, %get3A_980, %broadcast_in_dim3A_35 : vector<16xi1>, vector<16xf32>
        %sub3A_993 = arith.subf %select_n3A_992, %get3A_176 : vector<16xf32>
        %mul3A_994 = arith.mulf %sub3A_993, %get3A_990 : vector<16xf32>
        %le3A_995 = arith.cmpf ole, %mul3A_994, %broadcast_in_dim3A_41 : vector<16xf32>
        %select_n3A_996 = arith.select %le3A_995, %broadcast_in_dim3A_39, %broadcast_in_dim3A_41 : vector<16xi1>, vector<16xf32>
        %add3A_997 = arith.addf %add3A_819, %select_n3A_996 : vector<16xf32>
        %get3A_998 = arith.constant 4 : i32
        %get3A_999 = arith.index_cast %get3A_998 : i32 to index
        %get3A_1000 = arith.index_cast %add3A_909 : i32 to index
        %get3A_1001 = tpu.vector_load %arg10[%get3A_999, %get3A_1000] {strides = array<i32>} : memref<8x2048xf32, #tpu.memory_space<vmem>>, vector<1x16xf32>,
        %get3A_1002 = vector.shape_cast %get3A_1001 : vector<1x16xf32> to vector<16xf32>
        %get3A_1003 = arith.constant 4 : i32
        %get3A_1004 = arith.index_cast %get3A_1003 : i32 to index
        %get3A_1005 = arith.index_cast %add3A_909 : i32 to index
        %get3A_1006 = tpu.vector_load %arg11[%get3A_1004, %get3A_1005] {strides = array<i32>} : memref<8x2048xf32, #tpu.memory_space<vmem>>, vector<1x16xf32>,
        %get3A_1007 = vector.shape_cast %get3A_1006 : vector<1x16xf32> to vector<16xf32>
        %get3A_1008 = arith.constant 4 : i32
        %get3A_1009 = arith.index_cast %get3A_1008 : i32 to index
        %get3A_1010 = arith.index_cast %add3A_909 : i32 to index
        %get3A_1011 = tpu.vector_load %arg12[%get3A_1009, %get3A_1010] {strides = array<i32>} : memref<8x2048xf32, #tpu.memory_space<vmem>>, vector<1x16xf32>,
        %get3A_1012 = vector.shape_cast %get3A_1011 : vector<1x16xf32> to vector<16xf32>
        %lt3A_1013 = arith.cmpf olt, %get3A_1007, %broadcast_in_dim3A_37 : vector<16xf32>
        %select_n3A_1014 = arith.select %lt3A_1013, %get3A_1002, %broadcast_in_dim3A_35 : vector<16xi1>, vector<16xf32>
        %sub3A_1015 = arith.subf %select_n3A_1014, %get3A_181 : vector<16xf32>
        %mul3A_1016 = arith.mulf %sub3A_1015, %get3A_1012 : vector<16xf32>
        %le3A_1017 = arith.cmpf ole, %mul3A_1016, %broadcast_in_dim3A_41 : vector<16xf32>
        %select_n3A_1018 = arith.select %le3A_1017, %broadcast_in_dim3A_39, %broadcast_in_dim3A_41 : vector<16xi1>, vector<16xf32>
        %add3A_1019 = arith.addf %add3A_841, %select_n3A_1018 : vector<16xf32>
        %get3A_1020 = arith.constant 5 : i32
        %get3A_1021 = arith.index_cast %get3A_1020 : i32 to index
        %get3A_1022 = arith.index_cast %add3A_909 : i32 to index
        %get3A_1023 = tpu.vector_load %arg10[%get3A_1021, %get3A_1022] {strides = array<i32>} : memref<8x2048xf32, #tpu.memory_space<vmem>>, vector<1x16xf32>,
        %get3A_1024 = vector.shape_cast %get3A_1023 : vector<1x16xf32> to vector<16xf32>
        %get3A_1025 = arith.constant 5 : i32
        %get3A_1026 = arith.index_cast %get3A_1025 : i32 to index
        %get3A_1027 = arith.index_cast %add3A_909 : i32 to index
        %get3A_1028 = tpu.vector_load %arg11[%get3A_1026, %get3A_1027] {strides = array<i32>} : memref<8x2048xf32, #tpu.memory_space<vmem>>, vector<1x16xf32>,
        %get3A_1029 = vector.shape_cast %get3A_1028 : vector<1x16xf32> to vector<16xf32>
        %get3A_1030 = arith.constant 5 : i32
        %get3A_1031 = arith.index_cast %get3A_1030 : i32 to index
        %get3A_1032 = arith.index_cast %add3A_909 : i32 to index
        %get3A_1033 = tpu.vector_load %arg12[%get3A_1031, %get3A_1032] {strides = array<i32>} : memref<8x2048xf32, #tpu.memory_space<vmem>>, vector<1x16xf32>,
        %get3A_1034 = vector.shape_cast %get3A_1033 : vector<1x16xf32> to vector<16xf32>
        %lt3A_1035 = arith.cmpf olt, %get3A_1029, %broadcast_in_dim3A_37 : vector<16xf32>
        %select_n3A_1036 = arith.select %lt3A_1035, %get3A_1024, %broadcast_in_dim3A_35 : vector<16xi1>, vector<16xf32>
        %sub3A_1037 = arith.subf %select_n3A_1036, %get3A_186 : vector<16xf32>
        %mul3A_1038 = arith.mulf %sub3A_1037, %get3A_1034 : vector<16xf32>
        %le3A_1039 = arith.cmpf ole, %mul3A_1038, %broadcast_in_dim3A_41 : vector<16xf32>
        %select_n3A_1040 = arith.select %le3A_1039, %broadcast_in_dim3A_39, %broadcast_in_dim3A_41 : vector<16xi1>, vector<16xf32>
        %add3A_1041 = arith.addf %add3A_863, %select_n3A_1040 : vector<16xf32>
        %get3A_1042 = arith.constant 6 : i32
        %get3A_1043 = arith.index_cast %get3A_1042 : i32 to index
        %get3A_1044 = arith.index_cast %add3A_909 : i32 to index
        %get3A_1045 = tpu.vector_load %arg10[%get3A_1043, %get3A_1044] {strides = array<i32>} : memref<8x2048xf32, #tpu.memory_space<vmem>>, vector<1x16xf32>,
        %get3A_1046 = vector.shape_cast %get3A_1045 : vector<1x16xf32> to vector<16xf32>
        %get3A_1047 = arith.constant 6 : i32
        %get3A_1048 = arith.index_cast %get3A_1047 : i32 to index
        %get3A_1049 = arith.index_cast %add3A_909 : i32 to index
        %get3A_1050 = tpu.vector_load %arg11[%get3A_1048, %get3A_1049] {strides = array<i32>} : memref<8x2048xf32, #tpu.memory_space<vmem>>, vector<1x16xf32>,
        %get3A_1051 = vector.shape_cast %get3A_1050 : vector<1x16xf32> to vector<16xf32>
        %get3A_1052 = arith.constant 6 : i32
        %get3A_1053 = arith.index_cast %get3A_1052 : i32 to index
        %get3A_1054 = arith.index_cast %add3A_909 : i32 to index
        %get3A_1055 = tpu.vector_load %arg12[%get3A_1053, %get3A_1054] {strides = array<i32>} : memref<8x2048xf32, #tpu.memory_space<vmem>>, vector<1x16xf32>,
        %get3A_1056 = vector.shape_cast %get3A_1055 : vector<1x16xf32> to vector<16xf32>
        %lt3A_1057 = arith.cmpf olt, %get3A_1051, %broadcast_in_dim3A_37 : vector<16xf32>
        %select_n3A_1058 = arith.select %lt3A_1057, %get3A_1046, %broadcast_in_dim3A_35 : vector<16xi1>, vector<16xf32>
        %sub3A_1059 = arith.subf %select_n3A_1058, %get3A_191 : vector<16xf32>
        %mul3A_1060 = arith.mulf %sub3A_1059, %get3A_1056 : vector<16xf32>
        %le3A_1061 = arith.cmpf ole, %mul3A_1060, %broadcast_in_dim3A_41 : vector<16xf32>
        %select_n3A_1062 = arith.select %le3A_1061, %broadcast_in_dim3A_39, %broadcast_in_dim3A_41 : vector<16xi1>, vector<16xf32>
        %add3A_1063 = arith.addf %add3A_885, %select_n3A_1062 : vector<16xf32>
        %get3A_1064 = arith.constant 7 : i32
        %get3A_1065 = arith.index_cast %get3A_1064 : i32 to index
        %get3A_1066 = arith.index_cast %add3A_909 : i32 to index
        %get3A_1067 = tpu.vector_load %arg10[%get3A_1065, %get3A_1066] {strides = array<i32>} : memref<8x2048xf32, #tpu.memory_space<vmem>>, vector<1x16xf32>,
        %get3A_1068 = vector.shape_cast %get3A_1067 : vector<1x16xf32> to vector<16xf32>
        %get3A_1069 = arith.constant 7 : i32
        %get3A_1070 = arith.index_cast %get3A_1069 : i32 to index
        %get3A_1071 = arith.index_cast %add3A_909 : i32 to index
        %get3A_1072 = tpu.vector_load %arg11[%get3A_1070, %get3A_1071] {strides = array<i32>} : memref<8x2048xf32, #tpu.memory_space<vmem>>, vector<1x16xf32>,
        %get3A_1073 = vector.shape_cast %get3A_1072 : vector<1x16xf32> to vector<16xf32>
        %get3A_1074 = arith.constant 7 : i32
        %get3A_1075 = arith.index_cast %get3A_1074 : i32 to index
        %get3A_1076 = arith.index_cast %add3A_909 : i32 to index
        %get3A_1077 = tpu.vector_load %arg12[%get3A_1075, %get3A_1076] {strides = array<i32>} : memref<8x2048xf32, #tpu.memory_space<vmem>>, vector<1x16xf32>,
        %get3A_1078 = vector.shape_cast %get3A_1077 : vector<1x16xf32> to vector<16xf32>
        %lt3A_1079 = arith.cmpf olt, %get3A_1073, %broadcast_in_dim3A_37 : vector<16xf32>
        %select_n3A_1080 = arith.select %lt3A_1079, %get3A_1068, %broadcast_in_dim3A_35 : vector<16xi1>, vector<16xf32>
        %sub3A_1081 = arith.subf %select_n3A_1080, %get3A_196 : vector<16xf32>
        %mul3A_1082 = arith.mulf %sub3A_1081, %get3A_1078 : vector<16xf32>
        %le3A_1083 = arith.cmpf ole, %mul3A_1082, %broadcast_in_dim3A_41 : vector<16xf32>
        %select_n3A_1084 = arith.select %le3A_1083, %broadcast_in_dim3A_39, %broadcast_in_dim3A_41 : vector<16xi1>, vector<16xf32>
        %add3A_1085 = arith.addf %add3A_907, %select_n3A_1084 : vector<16xf32>
        %add3A_1086 = arith.constant 1280 : i32
        %add3A_1087 = arith.addi %add3A_1086, %add3A_117 : i32
        %get3A_1088 = arith.constant 0 : i32
        %get3A_1089 = arith.index_cast %get3A_1088 : i32 to index
        %get3A_1090 = arith.index_cast %add3A_1087 : i32 to index
        %get3A_1091 = tpu.vector_load %arg10[%get3A_1089, %get3A_1090] {strides = array<i32>} : memref<8x2048xf32, #tpu.memory_space<vmem>>, vector<1x16xf32>,
        %get3A_1092 = vector.shape_cast %get3A_1091 : vector<1x16xf32> to vector<16xf32>
        %get3A_1093 = arith.constant 0 : i32
        %get3A_1094 = arith.index_cast %get3A_1093 : i32 to index
        %get3A_1095 = arith.index_cast %add3A_1087 : i32 to index
        %get3A_1096 = tpu.vector_load %arg11[%get3A_1094, %get3A_1095] {strides = array<i32>} : memref<8x2048xf32, #tpu.memory_space<vmem>>, vector<1x16xf32>,
        %get3A_1097 = vector.shape_cast %get3A_1096 : vector<1x16xf32> to vector<16xf32>
        %get3A_1098 = arith.constant 0 : i32
        %get3A_1099 = arith.index_cast %get3A_1098 : i32 to index
        %get3A_1100 = arith.index_cast %add3A_1087 : i32 to index
        %get3A_1101 = tpu.vector_load %arg12[%get3A_1099, %get3A_1100] {strides = array<i32>} : memref<8x2048xf32, #tpu.memory_space<vmem>>, vector<1x16xf32>,
        %get3A_1102 = vector.shape_cast %get3A_1101 : vector<1x16xf32> to vector<16xf32>
        %lt3A_1103 = arith.cmpf olt, %get3A_1097, %broadcast_in_dim3A_37 : vector<16xf32>
        %select_n3A_1104 = arith.select %lt3A_1103, %get3A_1092, %broadcast_in_dim3A_35 : vector<16xi1>, vector<16xf32>
        %sub3A_1105 = arith.subf %select_n3A_1104, %get3A_161 : vector<16xf32>
        %mul3A_1106 = arith.mulf %sub3A_1105, %get3A_1102 : vector<16xf32>
        %le3A_1107 = arith.cmpf ole, %mul3A_1106, %broadcast_in_dim3A_41 : vector<16xf32>
        %select_n3A_1108 = arith.select %le3A_1107, %broadcast_in_dim3A_39, %broadcast_in_dim3A_41 : vector<16xi1>, vector<16xf32>
        %add3A_1109 = arith.addf %add3A_931, %select_n3A_1108 : vector<16xf32>
        %get3A_1110 = arith.constant 1 : i32
        %get3A_1111 = arith.index_cast %get3A_1110 : i32 to index
        %get3A_1112 = arith.index_cast %add3A_1087 : i32 to index
        %get3A_1113 = tpu.vector_load %arg10[%get3A_1111, %get3A_1112] {strides = array<i32>} : memref<8x2048xf32, #tpu.memory_space<vmem>>, vector<1x16xf32>,
        %get3A_1114 = vector.shape_cast %get3A_1113 : vector<1x16xf32> to vector<16xf32>
        %get3A_1115 = arith.constant 1 : i32
        %get3A_1116 = arith.index_cast %get3A_1115 : i32 to index
        %get3A_1117 = arith.index_cast %add3A_1087 : i32 to index
        %get3A_1118 = tpu.vector_load %arg11[%get3A_1116, %get3A_1117] {strides = array<i32>} : memref<8x2048xf32, #tpu.memory_space<vmem>>, vector<1x16xf32>,
        %get3A_1119 = vector.shape_cast %get3A_1118 : vector<1x16xf32> to vector<16xf32>
        %get3A_1120 = arith.constant 1 : i32
        %get3A_1121 = arith.index_cast %get3A_1120 : i32 to index
        %get3A_1122 = arith.index_cast %add3A_1087 : i32 to index
        %get3A_1123 = tpu.vector_load %arg12[%get3A_1121, %get3A_1122] {strides = array<i32>} : memref<8x2048xf32, #tpu.memory_space<vmem>>, vector<1x16xf32>,
        %get3A_1124 = vector.shape_cast %get3A_1123 : vector<1x16xf32> to vector<16xf32>
        %lt3A_1125 = arith.cmpf olt, %get3A_1119, %broadcast_in_dim3A_37 : vector<16xf32>
        %select_n3A_1126 = arith.select %lt3A_1125, %get3A_1114, %broadcast_in_dim3A_35 : vector<16xi1>, vector<16xf32>
        %sub3A_1127 = arith.subf %select_n3A_1126, %get3A_166 : vector<16xf32>
        %mul3A_1128 = arith.mulf %sub3A_1127, %get3A_1124 : vector<16xf32>
        %le3A_1129 = arith.cmpf ole, %mul3A_1128, %broadcast_in_dim3A_41 : vector<16xf32>
        %select_n3A_1130 = arith.select %le3A_1129, %broadcast_in_dim3A_39, %broadcast_in_dim3A_41 : vector<16xi1>, vector<16xf32>
        %add3A_1131 = arith.addf %add3A_953, %select_n3A_1130 : vector<16xf32>
        %get3A_1132 = arith.constant 2 : i32
        %get3A_1133 = arith.index_cast %get3A_1132 : i32 to index
        %get3A_1134 = arith.index_cast %add3A_1087 : i32 to index
        %get3A_1135 = tpu.vector_load %arg10[%get3A_1133, %get3A_1134] {strides = array<i32>} : memref<8x2048xf32, #tpu.memory_space<vmem>>, vector<1x16xf32>,
        %get3A_1136 = vector.shape_cast %get3A_1135 : vector<1x16xf32> to vector<16xf32>
        %get3A_1137 = arith.constant 2 : i32
        %get3A_1138 = arith.index_cast %get3A_1137 : i32 to index
        %get3A_1139 = arith.index_cast %add3A_1087 : i32 to index
        %get3A_1140 = tpu.vector_load %arg11[%get3A_1138, %get3A_1139] {strides = array<i32>} : memref<8x2048xf32, #tpu.memory_space<vmem>>, vector<1x16xf32>,
        %get3A_1141 = vector.shape_cast %get3A_1140 : vector<1x16xf32> to vector<16xf32>
        %get3A_1142 = arith.constant 2 : i32
        %get3A_1143 = arith.index_cast %get3A_1142 : i32 to index
        %get3A_1144 = arith.index_cast %add3A_1087 : i32 to index
        %get3A_1145 = tpu.vector_load %arg12[%get3A_1143, %get3A_1144] {strides = array<i32>} : memref<8x2048xf32, #tpu.memory_space<vmem>>, vector<1x16xf32>,
        %get3A_1146 = vector.shape_cast %get3A_1145 : vector<1x16xf32> to vector<16xf32>
        %lt3A_1147 = arith.cmpf olt, %get3A_1141, %broadcast_in_dim3A_37 : vector<16xf32>
        %select_n3A_1148 = arith.select %lt3A_1147, %get3A_1136, %broadcast_in_dim3A_35 : vector<16xi1>, vector<16xf32>
        %sub3A_1149 = arith.subf %select_n3A_1148, %get3A_171 : vector<16xf32>
        %mul3A_1150 = arith.mulf %sub3A_1149, %get3A_1146 : vector<16xf32>
        %le3A_1151 = arith.cmpf ole, %mul3A_1150, %broadcast_in_dim3A_41 : vector<16xf32>
        %select_n3A_1152 = arith.select %le3A_1151, %broadcast_in_dim3A_39, %broadcast_in_dim3A_41 : vector<16xi1>, vector<16xf32>
        %add3A_1153 = arith.addf %add3A_975, %select_n3A_1152 : vector<16xf32>
        %get3A_1154 = arith.constant 3 : i32
        %get3A_1155 = arith.index_cast %get3A_1154 : i32 to index
        %get3A_1156 = arith.index_cast %add3A_1087 : i32 to index
        %get3A_1157 = tpu.vector_load %arg10[%get3A_1155, %get3A_1156] {strides = array<i32>} : memref<8x2048xf32, #tpu.memory_space<vmem>>, vector<1x16xf32>,
        %get3A_1158 = vector.shape_cast %get3A_1157 : vector<1x16xf32> to vector<16xf32>
        %get3A_1159 = arith.constant 3 : i32
        %get3A_1160 = arith.index_cast %get3A_1159 : i32 to index
        %get3A_1161 = arith.index_cast %add3A_1087 : i32 to index
        %get3A_1162 = tpu.vector_load %arg11[%get3A_1160, %get3A_1161] {strides = array<i32>} : memref<8x2048xf32, #tpu.memory_space<vmem>>, vector<1x16xf32>,
        %get3A_1163 = vector.shape_cast %get3A_1162 : vector<1x16xf32> to vector<16xf32>
        %get3A_1164 = arith.constant 3 : i32
        %get3A_1165 = arith.index_cast %get3A_1164 : i32 to index
        %get3A_1166 = arith.index_cast %add3A_1087 : i32 to index
        %get3A_1167 = tpu.vector_load %arg12[%get3A_1165, %get3A_1166] {strides = array<i32>} : memref<8x2048xf32, #tpu.memory_space<vmem>>, vector<1x16xf32>,
        %get3A_1168 = vector.shape_cast %get3A_1167 : vector<1x16xf32> to vector<16xf32>
        %lt3A_1169 = arith.cmpf olt, %get3A_1163, %broadcast_in_dim3A_37 : vector<16xf32>
        %select_n3A_1170 = arith.select %lt3A_1169, %get3A_1158, %broadcast_in_dim3A_35 : vector<16xi1>, vector<16xf32>
        %sub3A_1171 = arith.subf %select_n3A_1170, %get3A_176 : vector<16xf32>
        %mul3A_1172 = arith.mulf %sub3A_1171, %get3A_1168 : vector<16xf32>
        %le3A_1173 = arith.cmpf ole, %mul3A_1172, %broadcast_in_dim3A_41 : vector<16xf32>
        %select_n3A_1174 = arith.select %le3A_1173, %broadcast_in_dim3A_39, %broadcast_in_dim3A_41 : vector<16xi1>, vector<16xf32>
        %add3A_1175 = arith.addf %add3A_997, %select_n3A_1174 : vector<16xf32>
        %get3A_1176 = arith.constant 4 : i32
        %get3A_1177 = arith.index_cast %get3A_1176 : i32 to index
        %get3A_1178 = arith.index_cast %add3A_1087 : i32 to index
        %get3A_1179 = tpu.vector_load %arg10[%get3A_1177, %get3A_1178] {strides = array<i32>} : memref<8x2048xf32, #tpu.memory_space<vmem>>, vector<1x16xf32>,
        %get3A_1180 = vector.shape_cast %get3A_1179 : vector<1x16xf32> to vector<16xf32>
        %get3A_1181 = arith.constant 4 : i32
        %get3A_1182 = arith.index_cast %get3A_1181 : i32 to index
        %get3A_1183 = arith.index_cast %add3A_1087 : i32 to index
        %get3A_1184 = tpu.vector_load %arg11[%get3A_1182, %get3A_1183] {strides = array<i32>} : memref<8x2048xf32, #tpu.memory_space<vmem>>, vector<1x16xf32>,
        %get3A_1185 = vector.shape_cast %get3A_1184 : vector<1x16xf32> to vector<16xf32>
        %get3A_1186 = arith.constant 4 : i32
        %get3A_1187 = arith.index_cast %get3A_1186 : i32 to index
        %get3A_1188 = arith.index_cast %add3A_1087 : i32 to index
        %get3A_1189 = tpu.vector_load %arg12[%get3A_1187, %get3A_1188] {strides = array<i32>} : memref<8x2048xf32, #tpu.memory_space<vmem>>, vector<1x16xf32>,
        %get3A_1190 = vector.shape_cast %get3A_1189 : vector<1x16xf32> to vector<16xf32>
        %lt3A_1191 = arith.cmpf olt, %get3A_1185, %broadcast_in_dim3A_37 : vector<16xf32>
        %select_n3A_1192 = arith.select %lt3A_1191, %get3A_1180, %broadcast_in_dim3A_35 : vector<16xi1>, vector<16xf32>
        %sub3A_1193 = arith.subf %select_n3A_1192, %get3A_181 : vector<16xf32>
        %mul3A_1194 = arith.mulf %sub3A_1193, %get3A_1190 : vector<16xf32>
        %le3A_1195 = arith.cmpf ole, %mul3A_1194, %broadcast_in_dim3A_41 : vector<16xf32>
        %select_n3A_1196 = arith.select %le3A_1195, %broadcast_in_dim3A_39, %broadcast_in_dim3A_41 : vector<16xi1>, vector<16xf32>
        %add3A_1197 = arith.addf %add3A_1019, %select_n3A_1196 : vector<16xf32>
        %get3A_1198 = arith.constant 5 : i32
        %get3A_1199 = arith.index_cast %get3A_1198 : i32 to index
        %get3A_1200 = arith.index_cast %add3A_1087 : i32 to index
        %get3A_1201 = tpu.vector_load %arg10[%get3A_1199, %get3A_1200] {strides = array<i32>} : memref<8x2048xf32, #tpu.memory_space<vmem>>, vector<1x16xf32>,
        %get3A_1202 = vector.shape_cast %get3A_1201 : vector<1x16xf32> to vector<16xf32>
        %get3A_1203 = arith.constant 5 : i32
        %get3A_1204 = arith.index_cast %get3A_1203 : i32 to index
        %get3A_1205 = arith.index_cast %add3A_1087 : i32 to index
        %get3A_1206 = tpu.vector_load %arg11[%get3A_1204, %get3A_1205] {strides = array<i32>} : memref<8x2048xf32, #tpu.memory_space<vmem>>, vector<1x16xf32>,
        %get3A_1207 = vector.shape_cast %get3A_1206 : vector<1x16xf32> to vector<16xf32>
        %get3A_1208 = arith.constant 5 : i32
        %get3A_1209 = arith.index_cast %get3A_1208 : i32 to index
        %get3A_1210 = arith.index_cast %add3A_1087 : i32 to index
        %get3A_1211 = tpu.vector_load %arg12[%get3A_1209, %get3A_1210] {strides = array<i32>} : memref<8x2048xf32, #tpu.memory_space<vmem>>, vector<1x16xf32>,
        %get3A_1212 = vector.shape_cast %get3A_1211 : vector<1x16xf32> to vector<16xf32>
        %lt3A_1213 = arith.cmpf olt, %get3A_1207, %broadcast_in_dim3A_37 : vector<16xf32>
        %select_n3A_1214 = arith.select %lt3A_1213, %get3A_1202, %broadcast_in_dim3A_35 : vector<16xi1>, vector<16xf32>
        %sub3A_1215 = arith.subf %select_n3A_1214, %get3A_186 : vector<16xf32>
        %mul3A_1216 = arith.mulf %sub3A_1215, %get3A_1212 : vector<16xf32>
        %le3A_1217 = arith.cmpf ole, %mul3A_1216, %broadcast_in_dim3A_41 : vector<16xf32>
        %select_n3A_1218 = arith.select %le3A_1217, %broadcast_in_dim3A_39, %broadcast_in_dim3A_41 : vector<16xi1>, vector<16xf32>
        %add3A_1219 = arith.addf %add3A_1041, %select_n3A_1218 : vector<16xf32>
        %get3A_1220 = arith.constant 6 : i32
        %get3A_1221 = arith.index_cast %get3A_1220 : i32 to index
        %get3A_1222 = arith.index_cast %add3A_1087 : i32 to index
        %get3A_1223 = tpu.vector_load %arg10[%get3A_1221, %get3A_1222] {strides = array<i32>} : memref<8x2048xf32, #tpu.memory_space<vmem>>, vector<1x16xf32>,
        %get3A_1224 = vector.shape_cast %get3A_1223 : vector<1x16xf32> to vector<16xf32>
        %get3A_1225 = arith.constant 6 : i32
        %get3A_1226 = arith.index_cast %get3A_1225 : i32 to index
        %get3A_1227 = arith.index_cast %add3A_1087 : i32 to index
        %get3A_1228 = tpu.vector_load %arg11[%get3A_1226, %get3A_1227] {strides = array<i32>} : memref<8x2048xf32, #tpu.memory_space<vmem>>, vector<1x16xf32>,
        %get3A_1229 = vector.shape_cast %get3A_1228 : vector<1x16xf32> to vector<16xf32>
        %get3A_1230 = arith.constant 6 : i32
        %get3A_1231 = arith.index_cast %get3A_1230 : i32 to index
        %get3A_1232 = arith.index_cast %add3A_1087 : i32 to index
        %get3A_1233 = tpu.vector_load %arg12[%get3A_1231, %get3A_1232] {strides = array<i32>} : memref<8x2048xf32, #tpu.memory_space<vmem>>, vector<1x16xf32>,
        %get3A_1234 = vector.shape_cast %get3A_1233 : vector<1x16xf32> to vector<16xf32>
        %lt3A_1235 = arith.cmpf olt, %get3A_1229, %broadcast_in_dim3A_37 : vector<16xf32>
        %select_n3A_1236 = arith.select %lt3A_1235, %get3A_1224, %broadcast_in_dim3A_35 : vector<16xi1>, vector<16xf32>
        %sub3A_1237 = arith.subf %select_n3A_1236, %get3A_191 : vector<16xf32>
        %mul3A_1238 = arith.mulf %sub3A_1237, %get3A_1234 : vector<16xf32>
        %le3A_1239 = arith.cmpf ole, %mul3A_1238, %broadcast_in_dim3A_41 : vector<16xf32>
        %select_n3A_1240 = arith.select %le3A_1239, %broadcast_in_dim3A_39, %broadcast_in_dim3A_41 : vector<16xi1>, vector<16xf32>
        %add3A_1241 = arith.addf %add3A_1063, %select_n3A_1240 : vector<16xf32>
        %get3A_1242 = arith.constant 7 : i32
        %get3A_1243 = arith.index_cast %get3A_1242 : i32 to index
        %get3A_1244 = arith.index_cast %add3A_1087 : i32 to index
        %get3A_1245 = tpu.vector_load %arg10[%get3A_1243, %get3A_1244] {strides = array<i32>} : memref<8x2048xf32, #tpu.memory_space<vmem>>, vector<1x16xf32>,
        %get3A_1246 = vector.shape_cast %get3A_1245 : vector<1x16xf32> to vector<16xf32>
        %get3A_1247 = arith.constant 7 : i32
        %get3A_1248 = arith.index_cast %get3A_1247 : i32 to index
        %get3A_1249 = arith.index_cast %add3A_1087 : i32 to index
        %get3A_1250 = tpu.vector_load %arg11[%get3A_1248, %get3A_1249] {strides = array<i32>} : memref<8x2048xf32, #tpu.memory_space<vmem>>, vector<1x16xf32>,
        %get3A_1251 = vector.shape_cast %get3A_1250 : vector<1x16xf32> to vector<16xf32>
        %get3A_1252 = arith.constant 7 : i32
        %get3A_1253 = arith.index_cast %get3A_1252 : i32 to index
        %get3A_1254 = arith.index_cast %add3A_1087 : i32 to index
        %get3A_1255 = tpu.vector_load %arg12[%get3A_1253, %get3A_1254] {strides = array<i32>} : memref<8x2048xf32, #tpu.memory_space<vmem>>, vector<1x16xf32>,
        %get3A_1256 = vector.shape_cast %get3A_1255 : vector<1x16xf32> to vector<16xf32>
        %lt3A_1257 = arith.cmpf olt, %get3A_1251, %broadcast_in_dim3A_37 : vector<16xf32>
        %select_n3A_1258 = arith.select %lt3A_1257, %get3A_1246, %broadcast_in_dim3A_35 : vector<16xi1>, vector<16xf32>
        %sub3A_1259 = arith.subf %select_n3A_1258, %get3A_196 : vector<16xf32>
        %mul3A_1260 = arith.mulf %sub3A_1259, %get3A_1256 : vector<16xf32>
        %le3A_1261 = arith.cmpf ole, %mul3A_1260, %broadcast_in_dim3A_41 : vector<16xf32>
        %select_n3A_1262 = arith.select %le3A_1261, %broadcast_in_dim3A_39, %broadcast_in_dim3A_41 : vector<16xi1>, vector<16xf32>
        %add3A_1263 = arith.addf %add3A_1085, %select_n3A_1262 : vector<16xf32>
        %add3A_1264 = arith.constant 1536 : i32
        %add3A_1265 = arith.addi %add3A_1264, %add3A_117 : i32
        %get3A_1266 = arith.constant 0 : i32
        %get3A_1267 = arith.index_cast %get3A_1266 : i32 to index
        %get3A_1268 = arith.index_cast %add3A_1265 : i32 to index
        %get3A_1269 = tpu.vector_load %arg10[%get3A_1267, %get3A_1268] {strides = array<i32>} : memref<8x2048xf32, #tpu.memory_space<vmem>>, vector<1x16xf32>,
        %get3A_1270 = vector.shape_cast %get3A_1269 : vector<1x16xf32> to vector<16xf32>
        %get3A_1271 = arith.constant 0 : i32
        %get3A_1272 = arith.index_cast %get3A_1271 : i32 to index
        %get3A_1273 = arith.index_cast %add3A_1265 : i32 to index
        %get3A_1274 = tpu.vector_load %arg11[%get3A_1272, %get3A_1273] {strides = array<i32>} : memref<8x2048xf32, #tpu.memory_space<vmem>>, vector<1x16xf32>,
        %get3A_1275 = vector.shape_cast %get3A_1274 : vector<1x16xf32> to vector<16xf32>
        %get3A_1276 = arith.constant 0 : i32
        %get3A_1277 = arith.index_cast %get3A_1276 : i32 to index
        %get3A_1278 = arith.index_cast %add3A_1265 : i32 to index
        %get3A_1279 = tpu.vector_load %arg12[%get3A_1277, %get3A_1278] {strides = array<i32>} : memref<8x2048xf32, #tpu.memory_space<vmem>>, vector<1x16xf32>,
        %get3A_1280 = vector.shape_cast %get3A_1279 : vector<1x16xf32> to vector<16xf32>
        %lt3A_1281 = arith.cmpf olt, %get3A_1275, %broadcast_in_dim3A_37 : vector<16xf32>
        %select_n3A_1282 = arith.select %lt3A_1281, %get3A_1270, %broadcast_in_dim3A_35 : vector<16xi1>, vector<16xf32>
        %sub3A_1283 = arith.subf %select_n3A_1282, %get3A_161 : vector<16xf32>
        %mul3A_1284 = arith.mulf %sub3A_1283, %get3A_1280 : vector<16xf32>
        %le3A_1285 = arith.cmpf ole, %mul3A_1284, %broadcast_in_dim3A_41 : vector<16xf32>
        %select_n3A_1286 = arith.select %le3A_1285, %broadcast_in_dim3A_39, %broadcast_in_dim3A_41 : vector<16xi1>, vector<16xf32>
        %add3A_1287 = arith.addf %add3A_1109, %select_n3A_1286 : vector<16xf32>
        %get3A_1288 = arith.constant 1 : i32
        %get3A_1289 = arith.index_cast %get3A_1288 : i32 to index
        %get3A_1290 = arith.index_cast %add3A_1265 : i32 to index
        %get3A_1291 = tpu.vector_load %arg10[%get3A_1289, %get3A_1290] {strides = array<i32>} : memref<8x2048xf32, #tpu.memory_space<vmem>>, vector<1x16xf32>,
        %get3A_1292 = vector.shape_cast %get3A_1291 : vector<1x16xf32> to vector<16xf32>
        %get3A_1293 = arith.constant 1 : i32
        %get3A_1294 = arith.index_cast %get3A_1293 : i32 to index
        %get3A_1295 = arith.index_cast %add3A_1265 : i32 to index
        %get3A_1296 = tpu.vector_load %arg11[%get3A_1294, %get3A_1295] {strides = array<i32>} : memref<8x2048xf32, #tpu.memory_space<vmem>>, vector<1x16xf32>,
        %get3A_1297 = vector.shape_cast %get3A_1296 : vector<1x16xf32> to vector<16xf32>
        %get3A_1298 = arith.constant 1 : i32
        %get3A_1299 = arith.index_cast %get3A_1298 : i32 to index
        %get3A_1300 = arith.index_cast %add3A_1265 : i32 to index
        %get3A_1301 = tpu.vector_load %arg12[%get3A_1299, %get3A_1300] {strides = array<i32>} : memref<8x2048xf32, #tpu.memory_space<vmem>>, vector<1x16xf32>,
        %get3A_1302 = vector.shape_cast %get3A_1301 : vector<1x16xf32> to vector<16xf32>
        %lt3A_1303 = arith.cmpf olt, %get3A_1297, %broadcast_in_dim3A_37 : vector<16xf32>
        %select_n3A_1304 = arith.select %lt3A_1303, %get3A_1292, %broadcast_in_dim3A_35 : vector<16xi1>, vector<16xf32>
        %sub3A_1305 = arith.subf %select_n3A_1304, %get3A_166 : vector<16xf32>
        %mul3A_1306 = arith.mulf %sub3A_1305, %get3A_1302 : vector<16xf32>
        %le3A_1307 = arith.cmpf ole, %mul3A_1306, %broadcast_in_dim3A_41 : vector<16xf32>
        %select_n3A_1308 = arith.select %le3A_1307, %broadcast_in_dim3A_39, %broadcast_in_dim3A_41 : vector<16xi1>, vector<16xf32>
        %add3A_1309 = arith.addf %add3A_1131, %select_n3A_1308 : vector<16xf32>
        %get3A_1310 = arith.constant 2 : i32
        %get3A_1311 = arith.index_cast %get3A_1310 : i32 to index
        %get3A_1312 = arith.index_cast %add3A_1265 : i32 to index
        %get3A_1313 = tpu.vector_load %arg10[%get3A_1311, %get3A_1312] {strides = array<i32>} : memref<8x2048xf32, #tpu.memory_space<vmem>>, vector<1x16xf32>,
        %get3A_1314 = vector.shape_cast %get3A_1313 : vector<1x16xf32> to vector<16xf32>
        %get3A_1315 = arith.constant 2 : i32
        %get3A_1316 = arith.index_cast %get3A_1315 : i32 to index
        %get3A_1317 = arith.index_cast %add3A_1265 : i32 to index
        %get3A_1318 = tpu.vector_load %arg11[%get3A_1316, %get3A_1317] {strides = array<i32>} : memref<8x2048xf32, #tpu.memory_space<vmem>>, vector<1x16xf32>,
        %get3A_1319 = vector.shape_cast %get3A_1318 : vector<1x16xf32> to vector<16xf32>
        %get3A_1320 = arith.constant 2 : i32
        %get3A_1321 = arith.index_cast %get3A_1320 : i32 to index
        %get3A_1322 = arith.index_cast %add3A_1265 : i32 to index
        %get3A_1323 = tpu.vector_load %arg12[%get3A_1321, %get3A_1322] {strides = array<i32>} : memref<8x2048xf32, #tpu.memory_space<vmem>>, vector<1x16xf32>,
        %get3A_1324 = vector.shape_cast %get3A_1323 : vector<1x16xf32> to vector<16xf32>
        %lt3A_1325 = arith.cmpf olt, %get3A_1319, %broadcast_in_dim3A_37 : vector<16xf32>
        %select_n3A_1326 = arith.select %lt3A_1325, %get3A_1314, %broadcast_in_dim3A_35 : vector<16xi1>, vector<16xf32>
        %sub3A_1327 = arith.subf %select_n3A_1326, %get3A_171 : vector<16xf32>
        %mul3A_1328 = arith.mulf %sub3A_1327, %get3A_1324 : vector<16xf32>
        %le3A_1329 = arith.cmpf ole, %mul3A_1328, %broadcast_in_dim3A_41 : vector<16xf32>
        %select_n3A_1330 = arith.select %le3A_1329, %broadcast_in_dim3A_39, %broadcast_in_dim3A_41 : vector<16xi1>, vector<16xf32>
        %add3A_1331 = arith.addf %add3A_1153, %select_n3A_1330 : vector<16xf32>
        %get3A_1332 = arith.constant 3 : i32
        %get3A_1333 = arith.index_cast %get3A_1332 : i32 to index
        %get3A_1334 = arith.index_cast %add3A_1265 : i32 to index
        %get3A_1335 = tpu.vector_load %arg10[%get3A_1333, %get3A_1334] {strides = array<i32>} : memref<8x2048xf32, #tpu.memory_space<vmem>>, vector<1x16xf32>,
        %get3A_1336 = vector.shape_cast %get3A_1335 : vector<1x16xf32> to vector<16xf32>
        %get3A_1337 = arith.constant 3 : i32
        %get3A_1338 = arith.index_cast %get3A_1337 : i32 to index
        %get3A_1339 = arith.index_cast %add3A_1265 : i32 to index
        %get3A_1340 = tpu.vector_load %arg11[%get3A_1338, %get3A_1339] {strides = array<i32>} : memref<8x2048xf32, #tpu.memory_space<vmem>>, vector<1x16xf32>,
        %get3A_1341 = vector.shape_cast %get3A_1340 : vector<1x16xf32> to vector<16xf32>
        %get3A_1342 = arith.constant 3 : i32
        %get3A_1343 = arith.index_cast %get3A_1342 : i32 to index
        %get3A_1344 = arith.index_cast %add3A_1265 : i32 to index
        %get3A_1345 = tpu.vector_load %arg12[%get3A_1343, %get3A_1344] {strides = array<i32>} : memref<8x2048xf32, #tpu.memory_space<vmem>>, vector<1x16xf32>,
        %get3A_1346 = vector.shape_cast %get3A_1345 : vector<1x16xf32> to vector<16xf32>
        %lt3A_1347 = arith.cmpf olt, %get3A_1341, %broadcast_in_dim3A_37 : vector<16xf32>
        %select_n3A_1348 = arith.select %lt3A_1347, %get3A_1336, %broadcast_in_dim3A_35 : vector<16xi1>, vector<16xf32>
        %sub3A_1349 = arith.subf %select_n3A_1348, %get3A_176 : vector<16xf32>
        %mul3A_1350 = arith.mulf %sub3A_1349, %get3A_1346 : vector<16xf32>
        %le3A_1351 = arith.cmpf ole, %mul3A_1350, %broadcast_in_dim3A_41 : vector<16xf32>
        %select_n3A_1352 = arith.select %le3A_1351, %broadcast_in_dim3A_39, %broadcast_in_dim3A_41 : vector<16xi1>, vector<16xf32>
        %add3A_1353 = arith.addf %add3A_1175, %select_n3A_1352 : vector<16xf32>
        %get3A_1354 = arith.constant 4 : i32
        %get3A_1355 = arith.index_cast %get3A_1354 : i32 to index
        %get3A_1356 = arith.index_cast %add3A_1265 : i32 to index
        %get3A_1357 = tpu.vector_load %arg10[%get3A_1355, %get3A_1356] {strides = array<i32>} : memref<8x2048xf32, #tpu.memory_space<vmem>>, vector<1x16xf32>,
        %get3A_1358 = vector.shape_cast %get3A_1357 : vector<1x16xf32> to vector<16xf32>
        %get3A_1359 = arith.constant 4 : i32
        %get3A_1360 = arith.index_cast %get3A_1359 : i32 to index
        %get3A_1361 = arith.index_cast %add3A_1265 : i32 to index
        %get3A_1362 = tpu.vector_load %arg11[%get3A_1360, %get3A_1361] {strides = array<i32>} : memref<8x2048xf32, #tpu.memory_space<vmem>>, vector<1x16xf32>,
        %get3A_1363 = vector.shape_cast %get3A_1362 : vector<1x16xf32> to vector<16xf32>
        %get3A_1364 = arith.constant 4 : i32
        %get3A_1365 = arith.index_cast %get3A_1364 : i32 to index
        %get3A_1366 = arith.index_cast %add3A_1265 : i32 to index
        %get3A_1367 = tpu.vector_load %arg12[%get3A_1365, %get3A_1366] {strides = array<i32>} : memref<8x2048xf32, #tpu.memory_space<vmem>>, vector<1x16xf32>,
        %get3A_1368 = vector.shape_cast %get3A_1367 : vector<1x16xf32> to vector<16xf32>
        %lt3A_1369 = arith.cmpf olt, %get3A_1363, %broadcast_in_dim3A_37 : vector<16xf32>
        %select_n3A_1370 = arith.select %lt3A_1369, %get3A_1358, %broadcast_in_dim3A_35 : vector<16xi1>, vector<16xf32>
        %sub3A_1371 = arith.subf %select_n3A_1370, %get3A_181 : vector<16xf32>
        %mul3A_1372 = arith.mulf %sub3A_1371, %get3A_1368 : vector<16xf32>
        %le3A_1373 = arith.cmpf ole, %mul3A_1372, %broadcast_in_dim3A_41 : vector<16xf32>
        %select_n3A_1374 = arith.select %le3A_1373, %broadcast_in_dim3A_39, %broadcast_in_dim3A_41 : vector<16xi1>, vector<16xf32>
        %add3A_1375 = arith.addf %add3A_1197, %select_n3A_1374 : vector<16xf32>
        %get3A_1376 = arith.constant 5 : i32
        %get3A_1377 = arith.index_cast %get3A_1376 : i32 to index
        %get3A_1378 = arith.index_cast %add3A_1265 : i32 to index
        %get3A_1379 = tpu.vector_load %arg10[%get3A_1377, %get3A_1378] {strides = array<i32>} : memref<8x2048xf32, #tpu.memory_space<vmem>>, vector<1x16xf32>,
        %get3A_1380 = vector.shape_cast %get3A_1379 : vector<1x16xf32> to vector<16xf32>
        %get3A_1381 = arith.constant 5 : i32
        %get3A_1382 = arith.index_cast %get3A_1381 : i32 to index
        %get3A_1383 = arith.index_cast %add3A_1265 : i32 to index
        %get3A_1384 = tpu.vector_load %arg11[%get3A_1382, %get3A_1383] {strides = array<i32>} : memref<8x2048xf32, #tpu.memory_space<vmem>>, vector<1x16xf32>,
        %get3A_1385 = vector.shape_cast %get3A_1384 : vector<1x16xf32> to vector<16xf32>
        %get3A_1386 = arith.constant 5 : i32
        %get3A_1387 = arith.index_cast %get3A_1386 : i32 to index
        %get3A_1388 = arith.index_cast %add3A_1265 : i32 to index
        %get3A_1389 = tpu.vector_load %arg12[%get3A_1387, %get3A_1388] {strides = array<i32>} : memref<8x2048xf32, #tpu.memory_space<vmem>>, vector<1x16xf32>,
        %get3A_1390 = vector.shape_cast %get3A_1389 : vector<1x16xf32> to vector<16xf32>
        %lt3A_1391 = arith.cmpf olt, %get3A_1385, %broadcast_in_dim3A_37 : vector<16xf32>
        %select_n3A_1392 = arith.select %lt3A_1391, %get3A_1380, %broadcast_in_dim3A_35 : vector<16xi1>, vector<16xf32>
        %sub3A_1393 = arith.subf %select_n3A_1392, %get3A_186 : vector<16xf32>
        %mul3A_1394 = arith.mulf %sub3A_1393, %get3A_1390 : vector<16xf32>
        %le3A_1395 = arith.cmpf ole, %mul3A_1394, %broadcast_in_dim3A_41 : vector<16xf32>
        %select_n3A_1396 = arith.select %le3A_1395, %broadcast_in_dim3A_39, %broadcast_in_dim3A_41 : vector<16xi1>, vector<16xf32>
        %add3A_1397 = arith.addf %add3A_1219, %select_n3A_1396 : vector<16xf32>
        %get3A_1398 = arith.constant 6 : i32
        %get3A_1399 = arith.index_cast %get3A_1398 : i32 to index
        %get3A_1400 = arith.index_cast %add3A_1265 : i32 to index
        %get3A_1401 = tpu.vector_load %arg10[%get3A_1399, %get3A_1400] {strides = array<i32>} : memref<8x2048xf32, #tpu.memory_space<vmem>>, vector<1x16xf32>,
        %get3A_1402 = vector.shape_cast %get3A_1401 : vector<1x16xf32> to vector<16xf32>
        %get3A_1403 = arith.constant 6 : i32
        %get3A_1404 = arith.index_cast %get3A_1403 : i32 to index
        %get3A_1405 = arith.index_cast %add3A_1265 : i32 to index
        %get3A_1406 = tpu.vector_load %arg11[%get3A_1404, %get3A_1405] {strides = array<i32>} : memref<8x2048xf32, #tpu.memory_space<vmem>>, vector<1x16xf32>,
        %get3A_1407 = vector.shape_cast %get3A_1406 : vector<1x16xf32> to vector<16xf32>
        %get3A_1408 = arith.constant 6 : i32
        %get3A_1409 = arith.index_cast %get3A_1408 : i32 to index
        %get3A_1410 = arith.index_cast %add3A_1265 : i32 to index
        %get3A_1411 = tpu.vector_load %arg12[%get3A_1409, %get3A_1410] {strides = array<i32>} : memref<8x2048xf32, #tpu.memory_space<vmem>>, vector<1x16xf32>,
        %get3A_1412 = vector.shape_cast %get3A_1411 : vector<1x16xf32> to vector<16xf32>
        %lt3A_1413 = arith.cmpf olt, %get3A_1407, %broadcast_in_dim3A_37 : vector<16xf32>
        %select_n3A_1414 = arith.select %lt3A_1413, %get3A_1402, %broadcast_in_dim3A_35 : vector<16xi1>, vector<16xf32>
        %sub3A_1415 = arith.subf %select_n3A_1414, %get3A_191 : vector<16xf32>
        %mul3A_1416 = arith.mulf %sub3A_1415, %get3A_1412 : vector<16xf32>
        %le3A_1417 = arith.cmpf ole, %mul3A_1416, %broadcast_in_dim3A_41 : vector<16xf32>
        %select_n3A_1418 = arith.select %le3A_1417, %broadcast_in_dim3A_39, %broadcast_in_dim3A_41 : vector<16xi1>, vector<16xf32>
        %add3A_1419 = arith.addf %add3A_1241, %select_n3A_1418 : vector<16xf32>
        %get3A_1420 = arith.constant 7 : i32
        %get3A_1421 = arith.index_cast %get3A_1420 : i32 to index
        %get3A_1422 = arith.index_cast %add3A_1265 : i32 to index
        %get3A_1423 = tpu.vector_load %arg10[%get3A_1421, %get3A_1422] {strides = array<i32>} : memref<8x2048xf32, #tpu.memory_space<vmem>>, vector<1x16xf32>,
        %get3A_1424 = vector.shape_cast %get3A_1423 : vector<1x16xf32> to vector<16xf32>
        %get3A_1425 = arith.constant 7 : i32
        %get3A_1426 = arith.index_cast %get3A_1425 : i32 to index
        %get3A_1427 = arith.index_cast %add3A_1265 : i32 to index
        %get3A_1428 = tpu.vector_load %arg11[%get3A_1426, %get3A_1427] {strides = array<i32>} : memref<8x2048xf32, #tpu.memory_space<vmem>>, vector<1x16xf32>,
        %get3A_1429 = vector.shape_cast %get3A_1428 : vector<1x16xf32> to vector<16xf32>
        %get3A_1430 = arith.constant 7 : i32
        %get3A_1431 = arith.index_cast %get3A_1430 : i32 to index
        %get3A_1432 = arith.index_cast %add3A_1265 : i32 to index
        %get3A_1433 = tpu.vector_load %arg12[%get3A_1431, %get3A_1432] {strides = array<i32>} : memref<8x2048xf32, #tpu.memory_space<vmem>>, vector<1x16xf32>,
        %get3A_1434 = vector.shape_cast %get3A_1433 : vector<1x16xf32> to vector<16xf32>
        %lt3A_1435 = arith.cmpf olt, %get3A_1429, %broadcast_in_dim3A_37 : vector<16xf32>
        %select_n3A_1436 = arith.select %lt3A_1435, %get3A_1424, %broadcast_in_dim3A_35 : vector<16xi1>, vector<16xf32>
        %sub3A_1437 = arith.subf %select_n3A_1436, %get3A_196 : vector<16xf32>
        %mul3A_1438 = arith.mulf %sub3A_1437, %get3A_1434 : vector<16xf32>
        %le3A_1439 = arith.cmpf ole, %mul3A_1438, %broadcast_in_dim3A_41 : vector<16xf32>
        %select_n3A_1440 = arith.select %le3A_1439, %broadcast_in_dim3A_39, %broadcast_in_dim3A_41 : vector<16xi1>, vector<16xf32>
        %add3A_1441 = arith.addf %add3A_1263, %select_n3A_1440 : vector<16xf32>
        %add3A_1442 = arith.constant 1792 : i32
        %add3A_1443 = arith.addi %add3A_1442, %add3A_117 : i32
        %get3A_1444 = arith.constant 0 : i32
        %get3A_1445 = arith.index_cast %get3A_1444 : i32 to index
        %get3A_1446 = arith.index_cast %add3A_1443 : i32 to index
        %get3A_1447 = tpu.vector_load %arg10[%get3A_1445, %get3A_1446] {strides = array<i32>} : memref<8x2048xf32, #tpu.memory_space<vmem>>, vector<1x16xf32>,
        %get3A_1448 = vector.shape_cast %get3A_1447 : vector<1x16xf32> to vector<16xf32>
        %get3A_1449 = arith.constant 0 : i32
        %get3A_1450 = arith.index_cast %get3A_1449 : i32 to index
        %get3A_1451 = arith.index_cast %add3A_1443 : i32 to index
        %get3A_1452 = tpu.vector_load %arg11[%get3A_1450, %get3A_1451] {strides = array<i32>} : memref<8x2048xf32, #tpu.memory_space<vmem>>, vector<1x16xf32>,
        %get3A_1453 = vector.shape_cast %get3A_1452 : vector<1x16xf32> to vector<16xf32>
        %get3A_1454 = arith.constant 0 : i32
        %get3A_1455 = arith.index_cast %get3A_1454 : i32 to index
        %get3A_1456 = arith.index_cast %add3A_1443 : i32 to index
        %get3A_1457 = tpu.vector_load %arg12[%get3A_1455, %get3A_1456] {strides = array<i32>} : memref<8x2048xf32, #tpu.memory_space<vmem>>, vector<1x16xf32>,
        %get3A_1458 = vector.shape_cast %get3A_1457 : vector<1x16xf32> to vector<16xf32>
        %lt3A_1459 = arith.cmpf olt, %get3A_1453, %broadcast_in_dim3A_37 : vector<16xf32>
        %select_n3A_1460 = arith.select %lt3A_1459, %get3A_1448, %broadcast_in_dim3A_35 : vector<16xi1>, vector<16xf32>
        %sub3A_1461 = arith.subf %select_n3A_1460, %get3A_161 : vector<16xf32>
        %mul3A_1462 = arith.mulf %sub3A_1461, %get3A_1458 : vector<16xf32>
        %le3A_1463 = arith.cmpf ole, %mul3A_1462, %broadcast_in_dim3A_41 : vector<16xf32>
        %select_n3A_1464 = arith.select %le3A_1463, %broadcast_in_dim3A_39, %broadcast_in_dim3A_41 : vector<16xi1>, vector<16xf32>
        %add3A_1465 = arith.addf %add3A_1287, %select_n3A_1464 : vector<16xf32>
        %get3A_1466 = arith.constant 1 : i32
        %get3A_1467 = arith.index_cast %get3A_1466 : i32 to index
        %get3A_1468 = arith.index_cast %add3A_1443 : i32 to index
        %get3A_1469 = tpu.vector_load %arg10[%get3A_1467, %get3A_1468] {strides = array<i32>} : memref<8x2048xf32, #tpu.memory_space<vmem>>, vector<1x16xf32>,
        %get3A_1470 = vector.shape_cast %get3A_1469 : vector<1x16xf32> to vector<16xf32>
        %get3A_1471 = arith.constant 1 : i32
        %get3A_1472 = arith.index_cast %get3A_1471 : i32 to index
        %get3A_1473 = arith.index_cast %add3A_1443 : i32 to index
        %get3A_1474 = tpu.vector_load %arg11[%get3A_1472, %get3A_1473] {strides = array<i32>} : memref<8x2048xf32, #tpu.memory_space<vmem>>, vector<1x16xf32>,
        %get3A_1475 = vector.shape_cast %get3A_1474 : vector<1x16xf32> to vector<16xf32>
        %get3A_1476 = arith.constant 1 : i32
        %get3A_1477 = arith.index_cast %get3A_1476 : i32 to index
        %get3A_1478 = arith.index_cast %add3A_1443 : i32 to index
        %get3A_1479 = tpu.vector_load %arg12[%get3A_1477, %get3A_1478] {strides = array<i32>} : memref<8x2048xf32, #tpu.memory_space<vmem>>, vector<1x16xf32>,
        %get3A_1480 = vector.shape_cast %get3A_1479 : vector<1x16xf32> to vector<16xf32>
        %lt3A_1481 = arith.cmpf olt, %get3A_1475, %broadcast_in_dim3A_37 : vector<16xf32>
        %select_n3A_1482 = arith.select %lt3A_1481, %get3A_1470, %broadcast_in_dim3A_35 : vector<16xi1>, vector<16xf32>
        %sub3A_1483 = arith.subf %select_n3A_1482, %get3A_166 : vector<16xf32>
        %mul3A_1484 = arith.mulf %sub3A_1483, %get3A_1480 : vector<16xf32>
        %le3A_1485 = arith.cmpf ole, %mul3A_1484, %broadcast_in_dim3A_41 : vector<16xf32>
        %select_n3A_1486 = arith.select %le3A_1485, %broadcast_in_dim3A_39, %broadcast_in_dim3A_41 : vector<16xi1>, vector<16xf32>
        %add3A_1487 = arith.addf %add3A_1309, %select_n3A_1486 : vector<16xf32>
        %get3A_1488 = arith.constant 2 : i32
        %get3A_1489 = arith.index_cast %get3A_1488 : i32 to index
        %get3A_1490 = arith.index_cast %add3A_1443 : i32 to index
        %get3A_1491 = tpu.vector_load %arg10[%get3A_1489, %get3A_1490] {strides = array<i32>} : memref<8x2048xf32, #tpu.memory_space<vmem>>, vector<1x16xf32>,
        %get3A_1492 = vector.shape_cast %get3A_1491 : vector<1x16xf32> to vector<16xf32>
        %get3A_1493 = arith.constant 2 : i32
        %get3A_1494 = arith.index_cast %get3A_1493 : i32 to index
        %get3A_1495 = arith.index_cast %add3A_1443 : i32 to index
        %get3A_1496 = tpu.vector_load %arg11[%get3A_1494, %get3A_1495] {strides = array<i32>} : memref<8x2048xf32, #tpu.memory_space<vmem>>, vector<1x16xf32>,
        %get3A_1497 = vector.shape_cast %get3A_1496 : vector<1x16xf32> to vector<16xf32>
        %get3A_1498 = arith.constant 2 : i32
        %get3A_1499 = arith.index_cast %get3A_1498 : i32 to index
        %get3A_1500 = arith.index_cast %add3A_1443 : i32 to index
        %get3A_1501 = tpu.vector_load %arg12[%get3A_1499, %get3A_1500] {strides = array<i32>} : memref<8x2048xf32, #tpu.memory_space<vmem>>, vector<1x16xf32>,
        %get3A_1502 = vector.shape_cast %get3A_1501 : vector<1x16xf32> to vector<16xf32>
        %lt3A_1503 = arith.cmpf olt, %get3A_1497, %broadcast_in_dim3A_37 : vector<16xf32>
        %select_n3A_1504 = arith.select %lt3A_1503, %get3A_1492, %broadcast_in_dim3A_35 : vector<16xi1>, vector<16xf32>
        %sub3A_1505 = arith.subf %select_n3A_1504, %get3A_171 : vector<16xf32>
        %mul3A_1506 = arith.mulf %sub3A_1505, %get3A_1502 : vector<16xf32>
        %le3A_1507 = arith.cmpf ole, %mul3A_1506, %broadcast_in_dim3A_41 : vector<16xf32>
        %select_n3A_1508 = arith.select %le3A_1507, %broadcast_in_dim3A_39, %broadcast_in_dim3A_41 : vector<16xi1>, vector<16xf32>
        %add3A_1509 = arith.addf %add3A_1331, %select_n3A_1508 : vector<16xf32>
        %get3A_1510 = arith.constant 3 : i32
        %get3A_1511 = arith.index_cast %get3A_1510 : i32 to index
        %get3A_1512 = arith.index_cast %add3A_1443 : i32 to index
        %get3A_1513 = tpu.vector_load %arg10[%get3A_1511, %get3A_1512] {strides = array<i32>} : memref<8x2048xf32, #tpu.memory_space<vmem>>, vector<1x16xf32>,
        %get3A_1514 = vector.shape_cast %get3A_1513 : vector<1x16xf32> to vector<16xf32>
        %get3A_1515 = arith.constant 3 : i32
        %get3A_1516 = arith.index_cast %get3A_1515 : i32 to index
        %get3A_1517 = arith.index_cast %add3A_1443 : i32 to index
        %get3A_1518 = tpu.vector_load %arg11[%get3A_1516, %get3A_1517] {strides = array<i32>} : memref<8x2048xf32, #tpu.memory_space<vmem>>, vector<1x16xf32>,
        %get3A_1519 = vector.shape_cast %get3A_1518 : vector<1x16xf32> to vector<16xf32>
        %get3A_1520 = arith.constant 3 : i32
        %get3A_1521 = arith.index_cast %get3A_1520 : i32 to index
        %get3A_1522 = arith.index_cast %add3A_1443 : i32 to index
        %get3A_1523 = tpu.vector_load %arg12[%get3A_1521, %get3A_1522] {strides = array<i32>} : memref<8x2048xf32, #tpu.memory_space<vmem>>, vector<1x16xf32>,
        %get3A_1524 = vector.shape_cast %get3A_1523 : vector<1x16xf32> to vector<16xf32>
        %lt3A_1525 = arith.cmpf olt, %get3A_1519, %broadcast_in_dim3A_37 : vector<16xf32>
        %select_n3A_1526 = arith.select %lt3A_1525, %get3A_1514, %broadcast_in_dim3A_35 : vector<16xi1>, vector<16xf32>
        %sub3A_1527 = arith.subf %select_n3A_1526, %get3A_176 : vector<16xf32>
        %mul3A_1528 = arith.mulf %sub3A_1527, %get3A_1524 : vector<16xf32>
        %le3A_1529 = arith.cmpf ole, %mul3A_1528, %broadcast_in_dim3A_41 : vector<16xf32>
        %select_n3A_1530 = arith.select %le3A_1529, %broadcast_in_dim3A_39, %broadcast_in_dim3A_41 : vector<16xi1>, vector<16xf32>
        %add3A_1531 = arith.addf %add3A_1353, %select_n3A_1530 : vector<16xf32>
        %get3A_1532 = arith.constant 4 : i32
        %get3A_1533 = arith.index_cast %get3A_1532 : i32 to index
        %get3A_1534 = arith.index_cast %add3A_1443 : i32 to index
        %get3A_1535 = tpu.vector_load %arg10[%get3A_1533, %get3A_1534] {strides = array<i32>} : memref<8x2048xf32, #tpu.memory_space<vmem>>, vector<1x16xf32>,
        %get3A_1536 = vector.shape_cast %get3A_1535 : vector<1x16xf32> to vector<16xf32>
        %get3A_1537 = arith.constant 4 : i32
        %get3A_1538 = arith.index_cast %get3A_1537 : i32 to index
        %get3A_1539 = arith.index_cast %add3A_1443 : i32 to index
        %get3A_1540 = tpu.vector_load %arg11[%get3A_1538, %get3A_1539] {strides = array<i32>} : memref<8x2048xf32, #tpu.memory_space<vmem>>, vector<1x16xf32>,
        %get3A_1541 = vector.shape_cast %get3A_1540 : vector<1x16xf32> to vector<16xf32>
        %get3A_1542 = arith.constant 4 : i32
        %get3A_1543 = arith.index_cast %get3A_1542 : i32 to index
        %get3A_1544 = arith.index_cast %add3A_1443 : i32 to index
        %get3A_1545 = tpu.vector_load %arg12[%get3A_1543, %get3A_1544] {strides = array<i32>} : memref<8x2048xf32, #tpu.memory_space<vmem>>, vector<1x16xf32>,
        %get3A_1546 = vector.shape_cast %get3A_1545 : vector<1x16xf32> to vector<16xf32>
        %lt3A_1547 = arith.cmpf olt, %get3A_1541, %broadcast_in_dim3A_37 : vector<16xf32>
        %select_n3A_1548 = arith.select %lt3A_1547, %get3A_1536, %broadcast_in_dim3A_35 : vector<16xi1>, vector<16xf32>
        %sub3A_1549 = arith.subf %select_n3A_1548, %get3A_181 : vector<16xf32>
        %mul3A_1550 = arith.mulf %sub3A_1549, %get3A_1546 : vector<16xf32>
        %le3A_1551 = arith.cmpf ole, %mul3A_1550, %broadcast_in_dim3A_41 : vector<16xf32>
        %select_n3A_1552 = arith.select %le3A_1551, %broadcast_in_dim3A_39, %broadcast_in_dim3A_41 : vector<16xi1>, vector<16xf32>
        %add3A_1553 = arith.addf %add3A_1375, %select_n3A_1552 : vector<16xf32>
        %get3A_1554 = arith.constant 5 : i32
        %get3A_1555 = arith.index_cast %get3A_1554 : i32 to index
        %get3A_1556 = arith.index_cast %add3A_1443 : i32 to index
        %get3A_1557 = tpu.vector_load %arg10[%get3A_1555, %get3A_1556] {strides = array<i32>} : memref<8x2048xf32, #tpu.memory_space<vmem>>, vector<1x16xf32>,
        %get3A_1558 = vector.shape_cast %get3A_1557 : vector<1x16xf32> to vector<16xf32>
        %get3A_1559 = arith.constant 5 : i32
        %get3A_1560 = arith.index_cast %get3A_1559 : i32 to index
        %get3A_1561 = arith.index_cast %add3A_1443 : i32 to index
        %get3A_1562 = tpu.vector_load %arg11[%get3A_1560, %get3A_1561] {strides = array<i32>} : memref<8x2048xf32, #tpu.memory_space<vmem>>, vector<1x16xf32>,
        %get3A_1563 = vector.shape_cast %get3A_1562 : vector<1x16xf32> to vector<16xf32>
        %get3A_1564 = arith.constant 5 : i32
        %get3A_1565 = arith.index_cast %get3A_1564 : i32 to index
        %get3A_1566 = arith.index_cast %add3A_1443 : i32 to index
        %get3A_1567 = tpu.vector_load %arg12[%get3A_1565, %get3A_1566] {strides = array<i32>} : memref<8x2048xf32, #tpu.memory_space<vmem>>, vector<1x16xf32>,
        %get3A_1568 = vector.shape_cast %get3A_1567 : vector<1x16xf32> to vector<16xf32>
        %lt3A_1569 = arith.cmpf olt, %get3A_1563, %broadcast_in_dim3A_37 : vector<16xf32>
        %select_n3A_1570 = arith.select %lt3A_1569, %get3A_1558, %broadcast_in_dim3A_35 : vector<16xi1>, vector<16xf32>
        %sub3A_1571 = arith.subf %select_n3A_1570, %get3A_186 : vector<16xf32>
        %mul3A_1572 = arith.mulf %sub3A_1571, %get3A_1568 : vector<16xf32>
        %le3A_1573 = arith.cmpf ole, %mul3A_1572, %broadcast_in_dim3A_41 : vector<16xf32>
        %select_n3A_1574 = arith.select %le3A_1573, %broadcast_in_dim3A_39, %broadcast_in_dim3A_41 : vector<16xi1>, vector<16xf32>
        %add3A_1575 = arith.addf %add3A_1397, %select_n3A_1574 : vector<16xf32>
        %get3A_1576 = arith.constant 6 : i32
        %get3A_1577 = arith.index_cast %get3A_1576 : i32 to index
        %get3A_1578 = arith.index_cast %add3A_1443 : i32 to index
        %get3A_1579 = tpu.vector_load %arg10[%get3A_1577, %get3A_1578] {strides = array<i32>} : memref<8x2048xf32, #tpu.memory_space<vmem>>, vector<1x16xf32>,
        %get3A_1580 = vector.shape_cast %get3A_1579 : vector<1x16xf32> to vector<16xf32>
        %get3A_1581 = arith.constant 6 : i32
        %get3A_1582 = arith.index_cast %get3A_1581 : i32 to index
        %get3A_1583 = arith.index_cast %add3A_1443 : i32 to index
        %get3A_1584 = tpu.vector_load %arg11[%get3A_1582, %get3A_1583] {strides = array<i32>} : memref<8x2048xf32, #tpu.memory_space<vmem>>, vector<1x16xf32>,
        %get3A_1585 = vector.shape_cast %get3A_1584 : vector<1x16xf32> to vector<16xf32>
        %get3A_1586 = arith.constant 6 : i32
        %get3A_1587 = arith.index_cast %get3A_1586 : i32 to index
        %get3A_1588 = arith.index_cast %add3A_1443 : i32 to index
        %get3A_1589 = tpu.vector_load %arg12[%get3A_1587, %get3A_1588] {strides = array<i32>} : memref<8x2048xf32, #tpu.memory_space<vmem>>, vector<1x16xf32>,
        %get3A_1590 = vector.shape_cast %get3A_1589 : vector<1x16xf32> to vector<16xf32>
        %lt3A_1591 = arith.cmpf olt, %get3A_1585, %broadcast_in_dim3A_37 : vector<16xf32>
        %select_n3A_1592 = arith.select %lt3A_1591, %get3A_1580, %broadcast_in_dim3A_35 : vector<16xi1>, vector<16xf32>
        %sub3A_1593 = arith.subf %select_n3A_1592, %get3A_191 : vector<16xf32>
        %mul3A_1594 = arith.mulf %sub3A_1593, %get3A_1590 : vector<16xf32>
        %le3A_1595 = arith.cmpf ole, %mul3A_1594, %broadcast_in_dim3A_41 : vector<16xf32>
        %select_n3A_1596 = arith.select %le3A_1595, %broadcast_in_dim3A_39, %broadcast_in_dim3A_41 : vector<16xi1>, vector<16xf32>
        %add3A_1597 = arith.addf %add3A_1419, %select_n3A_1596 : vector<16xf32>
        %get3A_1598 = arith.constant 7 : i32
        %get3A_1599 = arith.index_cast %get3A_1598 : i32 to index
        %get3A_1600 = arith.index_cast %add3A_1443 : i32 to index
        %get3A_1601 = tpu.vector_load %arg10[%get3A_1599, %get3A_1600] {strides = array<i32>} : memref<8x2048xf32, #tpu.memory_space<vmem>>, vector<1x16xf32>,
        %get3A_1602 = vector.shape_cast %get3A_1601 : vector<1x16xf32> to vector<16xf32>
        %get3A_1603 = arith.constant 7 : i32
        %get3A_1604 = arith.index_cast %get3A_1603 : i32 to index
        %get3A_1605 = arith.index_cast %add3A_1443 : i32 to index
        %get3A_1606 = tpu.vector_load %arg11[%get3A_1604, %get3A_1605] {strides = array<i32>} : memref<8x2048xf32, #tpu.memory_space<vmem>>, vector<1x16xf32>,
        %get3A_1607 = vector.shape_cast %get3A_1606 : vector<1x16xf32> to vector<16xf32>
        %get3A_1608 = arith.constant 7 : i32
        %get3A_1609 = arith.index_cast %get3A_1608 : i32 to index
        %get3A_1610 = arith.index_cast %add3A_1443 : i32 to index
        %get3A_1611 = tpu.vector_load %arg12[%get3A_1609, %get3A_1610] {strides = array<i32>} : memref<8x2048xf32, #tpu.memory_space<vmem>>, vector<1x16xf32>,
        %get3A_1612 = vector.shape_cast %get3A_1611 : vector<1x16xf32> to vector<16xf32>
        %lt3A_1613 = arith.cmpf olt, %get3A_1607, %broadcast_in_dim3A_37 : vector<16xf32>
        %select_n3A_1614 = arith.select %lt3A_1613, %get3A_1602, %broadcast_in_dim3A_35 : vector<16xi1>, vector<16xf32>
        %sub3A_1615 = arith.subf %select_n3A_1614, %get3A_196 : vector<16xf32>
        %mul3A_1616 = arith.mulf %sub3A_1615, %get3A_1612 : vector<16xf32>
        %le3A_1617 = arith.cmpf ole, %mul3A_1616, %broadcast_in_dim3A_41 : vector<16xf32>
        %select_n3A_1618 = arith.select %le3A_1617, %broadcast_in_dim3A_39, %broadcast_in_dim3A_41 : vector<16xi1>, vector<16xf32>
        %add3A_1619 = arith.addf %add3A_1441, %select_n3A_1618 : vector<16xf32>
        %swap3A = arith.constant 0 : i32
        %swap3A_1620 = arith.index_cast %swap3A : i32 to index
        %swap3A_1621 = arith.index_cast %add3A_117 : i32 to index
        %swap3A_1622 = tpu.vector_load %arg17[%swap3A_1620, %swap3A_1621] {strides = array<i32>} : memref<8x256xf32, #tpu.memory_space<vmem>>, vector<1x16xf32>,
        %swap3A_1623 = vector.shape_cast %swap3A_1622 : vector<1x16xf32> to vector<16xf32>
        %swap3A_1624 = vector.shape_cast %add3A_1465 : vector<16xf32> to vector<1x16xf32>
        tpu.vector_store %arg17[%swap3A_1620, %swap3A_1621], %swap3A_1624 {strides = array<i32>} : memref<8x256xf32, #tpu.memory_space<vmem>>, vector<1x16xf32>,
        %swap3A_1625 = arith.constant 1 : i32
        %swap3A_1626 = arith.index_cast %swap3A_1625 : i32 to index
        %swap3A_1627 = arith.index_cast %add3A_117 : i32 to index
        %swap3A_1628 = tpu.vector_load %arg17[%swap3A_1626, %swap3A_1627] {strides = array<i32>} : memref<8x256xf32, #tpu.memory_space<vmem>>, vector<1x16xf32>,
        %swap3A_1629 = vector.shape_cast %swap3A_1628 : vector<1x16xf32> to vector<16xf32>
        %swap3A_1630 = vector.shape_cast %add3A_1487 : vector<16xf32> to vector<1x16xf32>
        tpu.vector_store %arg17[%swap3A_1626, %swap3A_1627], %swap3A_1630 {strides = array<i32>} : memref<8x256xf32, #tpu.memory_space<vmem>>, vector<1x16xf32>,
        %swap3A_1631 = arith.constant 2 : i32
        %swap3A_1632 = arith.index_cast %swap3A_1631 : i32 to index
        %swap3A_1633 = arith.index_cast %add3A_117 : i32 to index
        %swap3A_1634 = tpu.vector_load %arg17[%swap3A_1632, %swap3A_1633] {strides = array<i32>} : memref<8x256xf32, #tpu.memory_space<vmem>>, vector<1x16xf32>,
        %swap3A_1635 = vector.shape_cast %swap3A_1634 : vector<1x16xf32> to vector<16xf32>
        %swap3A_1636 = vector.shape_cast %add3A_1509 : vector<16xf32> to vector<1x16xf32>
        tpu.vector_store %arg17[%swap3A_1632, %swap3A_1633], %swap3A_1636 {strides = array<i32>} : memref<8x256xf32, #tpu.memory_space<vmem>>, vector<1x16xf32>,
        %swap3A_1637 = arith.constant 3 : i32
        %swap3A_1638 = arith.index_cast %swap3A_1637 : i32 to index
        %swap3A_1639 = arith.index_cast %add3A_117 : i32 to index
        %swap3A_1640 = tpu.vector_load %arg17[%swap3A_1638, %swap3A_1639] {strides = array<i32>} : memref<8x256xf32, #tpu.memory_space<vmem>>, vector<1x16xf32>,
        %swap3A_1641 = vector.shape_cast %swap3A_1640 : vector<1x16xf32> to vector<16xf32>
        %swap3A_1642 = vector.shape_cast %add3A_1531 : vector<16xf32> to vector<1x16xf32>
        tpu.vector_store %arg17[%swap3A_1638, %swap3A_1639], %swap3A_1642 {strides = array<i32>} : memref<8x256xf32, #tpu.memory_space<vmem>>, vector<1x16xf32>,
        %swap3A_1643 = arith.constant 4 : i32
        %swap3A_1644 = arith.index_cast %swap3A_1643 : i32 to index
        %swap3A_1645 = arith.index_cast %add3A_117 : i32 to index
        %swap3A_1646 = tpu.vector_load %arg17[%swap3A_1644, %swap3A_1645] {strides = array<i32>} : memref<8x256xf32, #tpu.memory_space<vmem>>, vector<1x16xf32>,
        %swap3A_1647 = vector.shape_cast %swap3A_1646 : vector<1x16xf32> to vector<16xf32>
        %swap3A_1648 = vector.shape_cast %add3A_1553 : vector<16xf32> to vector<1x16xf32>
        tpu.vector_store %arg17[%swap3A_1644, %swap3A_1645], %swap3A_1648 {strides = array<i32>} : memref<8x256xf32, #tpu.memory_space<vmem>>, vector<1x16xf32>,
        %swap3A_1649 = arith.constant 5 : i32
        %swap3A_1650 = arith.index_cast %swap3A_1649 : i32 to index
        %swap3A_1651 = arith.index_cast %add3A_117 : i32 to index
        %swap3A_1652 = tpu.vector_load %arg17[%swap3A_1650, %swap3A_1651] {strides = array<i32>} : memref<8x256xf32, #tpu.memory_space<vmem>>, vector<1x16xf32>,
        %swap3A_1653 = vector.shape_cast %swap3A_1652 : vector<1x16xf32> to vector<16xf32>
        %swap3A_1654 = vector.shape_cast %add3A_1575 : vector<16xf32> to vector<1x16xf32>
        tpu.vector_store %arg17[%swap3A_1650, %swap3A_1651], %swap3A_1654 {strides = array<i32>} : memref<8x256xf32, #tpu.memory_space<vmem>>, vector<1x16xf32>,
        %swap3A_1655 = arith.constant 6 : i32
        %swap3A_1656 = arith.index_cast %swap3A_1655 : i32 to index
        %swap3A_1657 = arith.index_cast %add3A_117 : i32 to index
        %swap3A_1658 = tpu.vector_load %arg17[%swap3A_1656, %swap3A_1657] {strides = array<i32>} : memref<8x256xf32, #tpu.memory_space<vmem>>, vector<1x16xf32>,
        %swap3A_1659 = vector.shape_cast %swap3A_1658 : vector<1x16xf32> to vector<16xf32>
        %swap3A_1660 = vector.shape_cast %add3A_1597 : vector<16xf32> to vector<1x16xf32>
        tpu.vector_store %arg17[%swap3A_1656, %swap3A_1657], %swap3A_1660 {strides = array<i32>} : memref<8x256xf32, #tpu.memory_space<vmem>>, vector<1x16xf32>,
        %swap3A_1661 = arith.constant 7 : i32
        %swap3A_1662 = arith.index_cast %swap3A_1661 : i32 to index
        %swap3A_1663 = arith.index_cast %add3A_117 : i32 to index
        %swap3A_1664 = tpu.vector_load %arg17[%swap3A_1662, %swap3A_1663] {strides = array<i32>} : memref<8x256xf32, #tpu.memory_space<vmem>>, vector<1x16xf32>,
        %swap3A_1665 = vector.shape_cast %swap3A_1664 : vector<1x16xf32> to vector<16xf32>
        %swap3A_1666 = vector.shape_cast %add3A_1619 : vector<16xf32> to vector<1x16xf32>
        tpu.vector_store %arg17[%swap3A_1662, %swap3A_1663], %swap3A_1666 {strides = array<i32>} : memref<8x256xf32, #tpu.memory_space<vmem>>, vector<1x16xf32>,
      }
      %scan3A_112 = arith.constant 16 : i32
    }
    %scan3A_57 = arith.constant 8 : i32
    %eq3A_58 = arith.constant 3 : i32
    %eq3A_59 = arith.cmpi eq, %select_n3A_30, %eq3A_58 : i32
    %convert_element_type3A = arith.extui %eq3A_59 : i1 to i32
    %cond3A = arith.constant 0 : i32
    %cond3A_60 = arith.cmpi ne, %convert_element_type3A, %cond3A : i32
    scf.if %cond3A_60 {
      "tpu.region"() ({
        %run_scoped3A = tpu.sem_alloc : memref<!tpu.dma_semaphore, #tpu.memory_space<semaphore_mem>>
        %dma_start3A_66 = arith.constant 131072 : i32
        %dma_start3A_67 = tpu.memref_slice %arg2[%mul3A_32, %dma_start3A_66] : memref<64x131328xf32, #tpu.memory_space<hbm>> -> memref<8x256xf32, #tpu.memory_space<hbm>>
        %dma_start3A_68 = arith.constant 131072 : i32
        %dma_start3A_69 = tpu.memref_slice %arg2[%mul3A_32, %dma_start3A_68] : memref<64x131328xf32, #tpu.memory_space<hbm>> -> memref<8x256xf32, #tpu.memory_space<hbm>>
        tpu.enqueue_dma source(%dma_start3A_69 : memref<8x256xf32, #tpu.memory_space<hbm>>) target(%arg13 : memref<8x256xf32, #tpu.memory_space<vmem>>) target_semaphore(%run_scoped3A : memref<!tpu.dma_semaphore, #tpu.memory_space<semaphore_mem>>)
        %dma_wait3A = arith.constant 131072 : i32
        %dma_wait3A_70 = tpu.memref_slice %arg2[%mul3A_32, %dma_wait3A] : memref<64x131328xf32, #tpu.memory_space<hbm>> -> memref<8x256xf32, #tpu.memory_space<hbm>>
        %dma_wait3A_71 = arith.constant 131072 : i32
        %dma_wait3A_72 = tpu.memref_slice %arg2[%mul3A_32, %dma_wait3A_71] : memref<64x131328xf32, #tpu.memory_space<hbm>> -> memref<8x256xf32, #tpu.memory_space<hbm>>
        tpu.wait_dma2 semaphore(%run_scoped3A : memref<!tpu.dma_semaphore, #tpu.memory_space<semaphore_mem>>) src(%dma_wait3A_72 : memref<8x256xf32, #tpu.memory_space<hbm>>) dst(%arg13 : memref<8x256xf32, #tpu.memory_space<vmem>>)
        tpu.yield
      }) : () -> ()
      "tpu.region"() ({
        %run_scoped3A = tpu.sem_alloc : memref<!tpu.dma_semaphore, #tpu.memory_space<semaphore_mem>>
        %dma_start3A_66 = arith.constant 131072 : i32
        %dma_start3A_67 = tpu.memref_slice %arg3[%mul3A_32, %dma_start3A_66] : memref<64x131328xf32, #tpu.memory_space<hbm>> -> memref<8x256xf32, #tpu.memory_space<hbm>>
        %dma_start3A_68 = arith.constant 131072 : i32
        %dma_start3A_69 = tpu.memref_slice %arg3[%mul3A_32, %dma_start3A_68] : memref<64x131328xf32, #tpu.memory_space<hbm>> -> memref<8x256xf32, #tpu.memory_space<hbm>>
        tpu.enqueue_dma source(%dma_start3A_69 : memref<8x256xf32, #tpu.memory_space<hbm>>) target(%arg14 : memref<8x256xf32, #tpu.memory_space<vmem>>) target_semaphore(%run_scoped3A : memref<!tpu.dma_semaphore, #tpu.memory_space<semaphore_mem>>)
        %dma_wait3A = arith.constant 131072 : i32
        %dma_wait3A_70 = tpu.memref_slice %arg3[%mul3A_32, %dma_wait3A] : memref<64x131328xf32, #tpu.memory_space<hbm>> -> memref<8x256xf32, #tpu.memory_space<hbm>>
        %dma_wait3A_71 = arith.constant 131072 : i32
        %dma_wait3A_72 = tpu.memref_slice %arg3[%mul3A_32, %dma_wait3A_71] : memref<64x131328xf32, #tpu.memory_space<hbm>> -> memref<8x256xf32, #tpu.memory_space<hbm>>
        tpu.wait_dma2 semaphore(%run_scoped3A : memref<!tpu.dma_semaphore, #tpu.memory_space<semaphore_mem>>) src(%dma_wait3A_72 : memref<8x256xf32, #tpu.memory_space<hbm>>) dst(%arg14 : memref<8x256xf32, #tpu.memory_space<vmem>>)
        tpu.yield
      }) : () -> ()
      "tpu.region"() ({
        %run_scoped3A = tpu.sem_alloc : memref<!tpu.dma_semaphore, #tpu.memory_space<semaphore_mem>>
        %dma_start3A_66 = arith.constant 131072 : i32
        %dma_start3A_67 = tpu.memref_slice %arg4[%mul3A_32, %dma_start3A_66] : memref<64x131328xf32, #tpu.memory_space<hbm>> -> memref<8x256xf32, #tpu.memory_space<hbm>>
        %dma_start3A_68 = arith.constant 131072 : i32
        %dma_start3A_69 = tpu.memref_slice %arg4[%mul3A_32, %dma_start3A_68] : memref<64x131328xf32, #tpu.memory_space<hbm>> -> memref<8x256xf32, #tpu.memory_space<hbm>>
        tpu.enqueue_dma source(%dma_start3A_69 : memref<8x256xf32, #tpu.memory_space<hbm>>) target(%arg15 : memref<8x256xf32, #tpu.memory_space<vmem>>) target_semaphore(%run_scoped3A : memref<!tpu.dma_semaphore, #tpu.memory_space<semaphore_mem>>)
        %dma_wait3A = arith.constant 131072 : i32
        %dma_wait3A_70 = tpu.memref_slice %arg4[%mul3A_32, %dma_wait3A] : memref<64x131328xf32, #tpu.memory_space<hbm>> -> memref<8x256xf32, #tpu.memory_space<hbm>>
        %dma_wait3A_71 = arith.constant 131072 : i32
        %dma_wait3A_72 = tpu.memref_slice %arg4[%mul3A_32, %dma_wait3A_71] : memref<64x131328xf32, #tpu.memory_space<hbm>> -> memref<8x256xf32, #tpu.memory_space<hbm>>
        tpu.wait_dma2 semaphore(%run_scoped3A : memref<!tpu.dma_semaphore, #tpu.memory_space<semaphore_mem>>) src(%dma_wait3A_72 : memref<8x256xf32, #tpu.memory_space<hbm>>) dst(%arg15 : memref<8x256xf32, #tpu.memory_space<vmem>>)
        tpu.yield
      }) : () -> ()
      %scan3A_61 = arith.constant 0 : i32
      %scan3A_62 = arith.constant 8 : i32
      %scan3A_63 = arith.addi %scan3A_61, %scan3A_62 : i32
      %scan3A_64 = arith.constant 1 : i32
      scf.for %scan3A_66 = %scan3A_61 to %scan3A_63 step %scan3A_64  : i32 {
        %mul3A_67 = arith.constant 1 : i32
        %mul3A_68 = arith.muli %scan3A_66, %mul3A_67 : i32
        %add3A_69 = arith.constant 0 : i32
        %add3A_70 = arith.addi %add3A_69, %mul3A_68 : i32
        %scan3A_71 = arith.constant 0 : i32
        %scan3A_72 = arith.constant 16 : i32
        %scan3A_73 = arith.addi %scan3A_71, %scan3A_72 : i32
        %scan3A_74 = arith.constant 1 : i32
        scf.for %scan3A_76 = %scan3A_71 to %scan3A_73 step %scan3A_74  : i32 {
          %mul3A_77 = arith.constant 16 : i32
          %mul3A_78 = arith.muli %scan3A_76, %mul3A_77 : i32
          %add3A_79 = arith.constant 0 : i32
          %add3A_80 = arith.addi %add3A_79, %mul3A_78 : i32
          %get3A = arith.index_cast %add3A_70 : i32 to index
          %get3A_81 = arith.index_cast %add3A_80 : i32 to index
          %get3A_82 = tpu.vector_load %arg16[%get3A, %get3A_81] {strides = array<i32>} : memref<8x256xf32, #tpu.memory_space<vmem>>, vector<1x16xf32>,
          %get3A_83 = vector.shape_cast %get3A_82 : vector<1x16xf32> to vector<16xf32>
          %get3A_84 = arith.index_cast %add3A_70 : i32 to index
          %get3A_85 = arith.index_cast %add3A_80 : i32 to index
          %get3A_86 = tpu.vector_load %arg13[%get3A_84, %get3A_85] {strides = array<i32>} : memref<8x256xf32, #tpu.memory_space<vmem>>, vector<1x16xf32>,
          %get3A_87 = vector.shape_cast %get3A_86 : vector<1x16xf32> to vector<16xf32>
          %get3A_88 = arith.index_cast %add3A_70 : i32 to index
          %get3A_89 = arith.index_cast %add3A_80 : i32 to index
          %get3A_90 = tpu.vector_load %arg14[%get3A_88, %get3A_89] {strides = array<i32>} : memref<8x256xf32, #tpu.memory_space<vmem>>, vector<1x16xf32>,
          %get3A_91 = vector.shape_cast %get3A_90 : vector<1x16xf32> to vector<16xf32>
          %get3A_92 = arith.index_cast %add3A_70 : i32 to index
          %get3A_93 = arith.index_cast %add3A_80 : i32 to index
          %get3A_94 = tpu.vector_load %arg15[%get3A_92, %get3A_93] {strides = array<i32>} : memref<8x256xf32, #tpu.memory_space<vmem>>, vector<1x16xf32>,
          %get3A_95 = vector.shape_cast %get3A_94 : vector<1x16xf32> to vector<16xf32>
          %lt3A_96 = arith.cmpf olt, %get3A_91, %broadcast_in_dim3A_37 : vector<16xf32>
          %select_n3A_97 = arith.select %lt3A_96, %get3A_87, %broadcast_in_dim3A_35 : vector<16xi1>, vector<16xf32>
          %sub3A_98 = arith.subf %select_n3A_97, %get3A_83 : vector<16xf32>
          %mul3A_99 = arith.mulf %sub3A_98, %get3A_95 : vector<16xf32>
          %le3A = arith.cmpf ole, %mul3A_99, %broadcast_in_dim3A_41 : vector<16xf32>
          %select_n3A_100 = arith.select %le3A, %broadcast_in_dim3A_39, %broadcast_in_dim3A_41 : vector<16xi1>, vector<16xf32>
          %get3A_101 = arith.index_cast %add3A_70 : i32 to index
          %get3A_102 = arith.index_cast %add3A_80 : i32 to index
          %get3A_103 = tpu.vector_load %arg17[%get3A_101, %get3A_102] {strides = array<i32>} : memref<8x256xf32, #tpu.memory_space<vmem>>, vector<1x16xf32>,
          %get3A_104 = vector.shape_cast %get3A_103 : vector<1x16xf32> to vector<16xf32>
          %add3A_105 = arith.addf %get3A_104, %select_n3A_100 : vector<16xf32>
          %swap3A = arith.index_cast %add3A_70 : i32 to index
          %swap3A_106 = arith.index_cast %add3A_80 : i32 to index
          %swap3A_107 = tpu.vector_load %arg17[%swap3A, %swap3A_106] {strides = array<i32>} : memref<8x256xf32, #tpu.memory_space<vmem>>, vector<1x16xf32>,
          %swap3A_108 = vector.shape_cast %swap3A_107 : vector<1x16xf32> to vector<16xf32>
          %swap3A_109 = vector.shape_cast %add3A_105 : vector<16xf32> to vector<1x16xf32>
          tpu.vector_store %arg17[%swap3A, %swap3A_106], %swap3A_109 {strides = array<i32>} : memref<8x256xf32, #tpu.memory_space<vmem>>, vector<1x16xf32>,
        }
        %scan3A_75 = arith.constant 16 : i32
      }
      %scan3A_65 = arith.constant 8 : i32
    } else {
    }
    "tpu.region"() ({
      %run_scoped3A = tpu.sem_alloc : memref<!tpu.dma_semaphore, #tpu.memory_space<semaphore_mem>>
      %dma_start3A_61 = arith.constant 0 : i32
      %dma_start3A_62 = tpu.memref_slice %arg6[%select_n3A_30, %mul3A_32, %dma_start3A_61] : memref<4x64x256xf32, #tpu.memory_space<hbm>> -> memref<1x8x256xf32, #tpu.memory_space<hbm>>
      %dma_start3A_63 = tpu.memref_squeeze %dma_start3A_62 : memref<1x8x256xf32, #tpu.memory_space<hbm>> -> memref<8x256xf32, #tpu.memory_space<hbm>>
      %dma_start3A_64 = arith.constant 0 : i32
      %dma_start3A_65 = tpu.memref_slice %arg6[%select_n3A_30, %mul3A_32, %dma_start3A_64] : memref<4x64x256xf32, #tpu.memory_space<hbm>> -> memref<1x8x256xf32, #tpu.memory_space<hbm>>
      %dma_start3A_66 = tpu.memref_squeeze %dma_start3A_65 : memref<1x8x256xf32, #tpu.memory_space<hbm>> -> memref<8x256xf32, #tpu.memory_space<hbm>>
      tpu.enqueue_dma source(%arg17 : memref<8x256xf32, #tpu.memory_space<vmem>>) target(%dma_start3A_66 : memref<8x256xf32, #tpu.memory_space<hbm>>) target_semaphore(%run_scoped3A : memref<!tpu.dma_semaphore, #tpu.memory_space<semaphore_mem>>)
      %dma_wait3A = arith.constant 0 : i32
      %dma_wait3A_67 = tpu.memref_slice %arg6[%select_n3A_30, %mul3A_32, %dma_wait3A] : memref<4x64x256xf32, #tpu.memory_space<hbm>> -> memref<1x8x256xf32, #tpu.memory_space<hbm>>
      %dma_wait3A_68 = tpu.memref_squeeze %dma_wait3A_67 : memref<1x8x256xf32, #tpu.memory_space<hbm>> -> memref<8x256xf32, #tpu.memory_space<hbm>>
      %dma_wait3A_69 = arith.constant 0 : i32
      %dma_wait3A_70 = tpu.memref_slice %arg6[%select_n3A_30, %mul3A_32, %dma_wait3A_69] : memref<4x64x256xf32, #tpu.memory_space<hbm>> -> memref<1x8x256xf32, #tpu.memory_space<hbm>>
      %dma_wait3A_71 = tpu.memref_squeeze %dma_wait3A_70 : memref<1x8x256xf32, #tpu.memory_space<hbm>> -> memref<8x256xf32, #tpu.memory_space<hbm>>
      tpu.wait_dma2 semaphore(%run_scoped3A : memref<!tpu.dma_semaphore, #tpu.memory_space<semaphore_mem>>) src(%arg17 : memref<8x256xf32, #tpu.memory_space<vmem>>) dst(%dma_wait3A_71 : memref<8x256xf32, #tpu.memory_space<hbm>>)
      tpu.yield
    }) : () -> ()
    return
  }
}

module attributes {stable_mosaic.version = 14 : i64} {
  func.func @_tc_finish(%arg0: memref<4x64x256xf32, #tpu.memory_space<vmem>>, %arg1: memref<64x256xf32, #tpu.memory_space<vmem>>, %arg2: memref<3x64xf32, #tpu.memory_space<vmem>>) attributes {dimension_semantics = [], scalar_prefetch = 0 : i64, scratch_operands = 0 : i64, tpu.core_type = #tpu.core_type<tc>} {
    %get3A = arith.constant 0 : index
    %get3A_0 = arith.constant 0 : index
    %get3A_1 = arith.constant 0 : index
    %get3A_2 = vector.load %arg0[%get3A, %get3A_0, %get3A_1] : memref<4x64x256xf32, #tpu.memory_space<vmem>>, vector<4x64x256xf32>
    %reduce_sum3A = arith.constant dense<0.000000e+00> : vector<64x256xf32>
    %reduce_sum3A_3 = vector.multi_reduction <add>, %get3A_2, %reduce_sum3A [0] : vector<4x64x256xf32> to vector<64x256xf32>
    %lt3A = arith.constant 5.000000e-01 : f32
    %lt3A_4 = vector.broadcast %lt3A : f32 to vector<64x256xf32>
    %lt3A_5 = arith.cmpf olt, %reduce_sum3A_3, %lt3A_4 : vector<64x256xf32>
    %convert_element_type3A = arith.extui %lt3A_5 : vector<64x256xi1> to vector<64x256xi32>
    %convert_element_type3A_6 = arith.sitofp %convert_element_type3A : vector<64x256xi32> to vector<64x256xf32>
    %reduce_sum3A_7 = arith.constant dense<0.000000e+00> : vector<64xf32>
    %reduce_sum3A_8 = vector.multi_reduction <add>, %convert_element_type3A_6, %reduce_sum3A_7 [1] : vector<64x256xf32> to vector<64xf32>
    %lt3A_9 = arith.constant 4.500000e+00 : f32
    %lt3A_10 = vector.broadcast %lt3A_9 : f32 to vector<64x256xf32>
    %lt3A_11 = arith.cmpf olt, %reduce_sum3A_3, %lt3A_10 : vector<64x256xf32>
    %convert_element_type3A_12 = arith.extui %lt3A_11 : vector<64x256xi1> to vector<64x256xi32>
    %convert_element_type3A_13 = arith.sitofp %convert_element_type3A_12 : vector<64x256xi32> to vector<64x256xf32>
    %reduce_sum3A_14 = arith.constant dense<0.000000e+00> : vector<64xf32>
    %reduce_sum3A_15 = vector.multi_reduction <add>, %convert_element_type3A_13, %reduce_sum3A_14 [1] : vector<64x256xf32> to vector<64xf32>
    %get3A_16 = arith.constant 0 : index
    %get3A_17 = arith.constant 0 : index
    %get3A_18 = vector.load %arg1[%get3A_16, %get3A_17] : memref<64x256xf32, #tpu.memory_space<vmem>>, vector<64x256xf32>
    %reduce_sum3A_19 = arith.constant dense<0.000000e+00> : vector<64xf32>
    %reduce_sum3A_20 = vector.multi_reduction <add>, %get3A_18, %reduce_sum3A_19 [1] : vector<64x256xf32> to vector<64xf32>
    %swap3A = arith.constant 0 : index
    %swap3A_21 = arith.constant 0 : index
    %swap3A_22 = vector.load %arg2[%swap3A, %swap3A_21] : memref<3x64xf32, #tpu.memory_space<vmem>>, vector<1x64xf32>
    %swap3A_23 = vector.shape_cast %swap3A_22 : vector<1x64xf32> to vector<64xf32>
    %swap3A_24 = vector.shape_cast %reduce_sum3A_8 : vector<64xf32> to vector<1x64xf32>
    tpu.vector_store %arg2[%swap3A, %swap3A_21], %swap3A_24 {strides = array<i32>} : memref<3x64xf32, #tpu.memory_space<vmem>>, vector<1x64xf32>,
    %swap3A_25 = arith.constant 1 : index
    %swap3A_26 = arith.constant 0 : index
    %swap3A_27 = vector.load %arg2[%swap3A_25, %swap3A_26] : memref<3x64xf32, #tpu.memory_space<vmem>>, vector<1x64xf32>
    %swap3A_28 = vector.shape_cast %swap3A_27 : vector<1x64xf32> to vector<64xf32>
    %swap3A_29 = vector.shape_cast %reduce_sum3A_15 : vector<64xf32> to vector<1x64xf32>
    tpu.vector_store %arg2[%swap3A_25, %swap3A_26], %swap3A_29 {strides = array<i32>} : memref<3x64xf32, #tpu.memory_space<vmem>>, vector<1x64xf32>,
    %swap3A_30 = arith.constant 2 : index
    %swap3A_31 = arith.constant 0 : index
    %swap3A_32 = vector.load %arg2[%swap3A_30, %swap3A_31] : memref<3x64xf32, #tpu.memory_space<vmem>>, vector<1x64xf32>
    %swap3A_33 = vector.shape_cast %swap3A_32 : vector<1x64xf32> to vector<64xf32>
    %swap3A_34 = vector.shape_cast %reduce_sum3A_20 : vector<64xf32> to vector<1x64xf32>
    tpu.vector_store %arg2[%swap3A_30, %swap3A_31], %swap3A_34 {strides = array<i32>} : memref<3x64xf32, #tpu.memory_space<vmem>>, vector<1x64xf32>,
    return
  }
}

</mosaic_0001>

<sc_bundles>
// kernel: kernel.4.cloned.1.call-start
scs
__scs_entry_jumppad:
0x0: {  	(pc) =	sbr.rel $0x88, $3  }
0x1: {  	(tag) =	ssettag $0x0;
	lr =	simm.s32 $0x1  }
0x2: {  	[smem:$0x3F9D] =	sst lr;
	_ =	strace $0xD0000000  }
0x3: {  	_ = 	snop  }
0x4: {  	_ = 	snop  }
0x5: {  	_ = 	snop  }
0x6: {  	_ = 	snop  }
0x7: {  	_ = 	snop  }
__scs_overlays_trampoline_lowered:
0x8: {  	[smem:$0x3FAC] =	sst s0  }
0x9: {  	[smem:$0x3FAD] =	sst s1  }
0xa: {  	[smem:$0x3FAE] =	sst s2  }
0xb: {  	[smem:$0x3FAF] =	sst s3  }
0xc: {  	[smem:$0x3FB0] =	sst s4  }
0xd: {  	[smem:$0x3FB1] =	sst s5  }
0xe: {  	[smem:$0x3FB2] =	sst s6  }
0xf: {  	[smem:$0x3FB3] =	sst s7  }
0x10: {  	[smem:$0x3FB4] =	sst s8  }
0x11: {  	[smem:$0x3FB5] =	sst s9;
	s0 =	simm.s32 @!p0 $0x0  }
0x12: {  	s1 =	sld [smem:$0x3F9B];
	s0 =	simm.s32 @p0 $0x1  }
0x13: {  	[smem:$0x3FB6] =	sst s0;
	s0 =	simm.s32 @!p1 $0x0  }
0x14: {  	s2 =	sld [smem:$0x3F9A];
	s0 =	simm.s32 @p1 $0x1  }
0x15: {  	[smem:$0x3FB7] =	sst s0;
	s0 =	simm.s32 @!p2 $0x0  }
0x16: {  	s3 =	sld [smem:$0x3FDB];
	s0 =	simm.s32 @p2 $0x1  }
0x17: {  	s4 =	simm.s32 $0x1BF5;
	[smem:$0x3FB9] =	sst s0  }
0x18: {  	s0 =	sld [smem:$0x3F9C];
	_ =	swait.ge [sflag:s4], $0x0  }
0x19: {  	s7 =	sld [smem:$0x3F9D]  }
0x1a: {  	s8 =	sadd.s32 $0xFFFFE003, lr  }
0x1b: {  	s9 =	sadd.s32 $0xFFFFFEF7, lr;
	s5 =	simm.s32 $0xFFFFFFFF;
	p2 =	slt.u32 s8, $0xFFFFF086  }
0x1c: {  	p1 =	slt.u32 s9, $0xF7A;
	s5 =	simm.s32 @!p2 $0x0  }
0x1d: {  	s5 =	simm.s32 @p1 $0x1;
	p0 =	seq.s32 s7, s2  }
0x1e: {  	s7 =	smul.u32 @!p0 $0xF7A, s2;
	p2 =	seq.s32 @!p0 s5, $0x0  }
0x1f: {  	s9 =	smul.u32 $0xF7A, s1;
	s8 =	simm.s32 @!p0 $0x1BF5;
	p2 =	por !p2, p0  }
0x20: {  	[sflag:s8] =	ssyncset.s32 @!p0 $0xFFFFF086;
	s6 =	sadd.s32 @!p0 s3, s7;
	s7 =	simm.s32 @!p0 $0x108  }
0x21: {  	s3 =	sadd.s32 s3, s9;
	s6 =	sadd.s32 @!p0 $0x88, s6;
	s7 =	simm.s32 @p2 $0x1082  }
0x22: {  	[simem:s7], [sflag:s8] =	dma.local @!p0 [hbm:s6], $0xF7A  }
0x23: {  	s9 =	sor.u32 $0xD0000000, s2;
	s6 =	simm.s32 $0x108;
	_ =	swait.ge @!p0 [sflag:s8], $0x0  }
0x24: {  	s3 =	sadd.s32 $0x88, s3;
	s6 =	simm.s32 @!p1 $0x1082;
	[sflag:s4] =	ssyncset.s32 $0xFFFFF086  }
0x25: {  	[simem:s6], [sflag:s4] =	dma.local [hbm:s3], $0xF7A  }
0x26: {  	[smem:$0x3F9D] =	sst s1;
	(tag) =	ssettag s2;
	_ =	strace s9  }
0x27: {  	s1 =	sld [smem:$0x3FAD]  }
0x28: {  	s2 =	sld [smem:$0x3FAE]  }
0x29: {  	s4 =	sld [smem:$0x3FB0]  }
0x2a: {  	p0 =	seq.s32 s5, $0x0;
	s5 =	sld [smem:$0x3FB1]  }
0x2b: {  	s6 =	sld [smem:$0x3FB2]  }
0x2c: {  	s7 =	sld [smem:$0x3FB3]  }
0x2d: {  	s3 =	simm.s32 $0x108;
	s8 =	sld [smem:$0x3FB4]  }
0x2e: {  	s3 =	simm.s32 @!p0 $0x1082;
	s9 =	sld [smem:$0x3FB5]  }
0x2f: {  	lr =	sadd.s32 s0, s3;
	s0 =	sld [smem:$0x3FAC]  }
0x30: {  	s3 =	sld [smem:$0x3FAF]  }
0x31: {  	[smem:$0x3FB8] =	sst s10  }
0x32: {  	s10 =	sld [smem:$0x3FB6];
	_ =	sdelay $0x3  }
0x33: {  	p0 =	seq.s32 s10, $0x1;
	s10 =	sld [smem:$0x3FB8];
	_ =	sdelay $0x3  }
0x34: {  	[smem:$0x3FB8] =	sst s10  }
0x35: {  	s10 =	sld [smem:$0x3FB7];
	_ =	sdelay $0x3  }
0x36: {  	p1 =	seq.s32 s10, $0x1;
	s10 =	sld [smem:$0x3FB8];
	_ =	sdelay $0x3  }
0x37: {  	[smem:$0x3FB8] =	sst s10  }
0x38: {  	s10 =	sld [smem:$0x3FB9]  }
0x39: {  	_ = 	snop;
	(pc) =	sbr.ind lr, $3  }
0x3a: {  	_ = 	snop  }
0x3b: {  	_ = 	snop  }
0x3c: {  	p2 =	seq.s32 s10, $0x1;
	s10 =	sld [smem:$0x3FB8]  }
0x3d: {  	_ =	shalt  }
0x3e: {  	_ =	shalt  }
0x3f: {  	_ =	shalt  }
0x40: {  	_ =	shalt  }
0x41: {  	_ =	shalt  }
0x42: {  	_ =	shalt  }
0x43: {  	_ =	shalt  }
0x44: {  	_ =	shalt  }
0x45: {  	_ =	shalt  }
0x46: {  	_ =	shalt  }
0x47: {  	_ =	shalt  }
0x48: {  	_ =	shalt  }
0x49: {  	_ =	shalt  }
0x4a: {  	_ =	shalt  }
0x4b: {  	_ =	shalt  }
0x4c: {  	_ =	shalt  }
0x4d: {  	_ =	shalt  }
0x4e: {  	_ =	shalt  }
0x4f: {  	_ =	shalt  }
0x50: {  	_ =	shalt  }
0x51: {  	_ =	shalt  }
0x52: {  	_ =	shalt  }
0x53: {  	_ =	shalt  }
0x54: {  	_ =	shalt  }
0x55: {  	_ =	shalt  }
0x56: {  	_ =	shalt  }
0x57: {  	_ =	shalt  }
0x58: {  	_ =	shalt  }
0x59: {  	_ =	shalt  }
0x5a: {  	_ =	shalt  }
0x5b: {  	_ =	shalt  }
0x5c: {  	_ =	shalt  }
0x5d: {  	_ =	shalt  }
0x5e: {  	_ =	shalt  }
0x5f: {  	_ =	shalt  }
0x60: {  	_ =	shalt  }
0x61: {  	_ =	shalt  }
0x62: {  	_ =	shalt  }
0x63: {  	_ =	shalt  }
0x64: {  	_ =	shalt  }
0x65: {  	_ =	shalt  }
0x66: {  	_ =	shalt  }
0x67: {  	_ =	shalt  }
0x68: {  	_ =	shalt  }
0x69: {  	_ =	shalt  }
0x6a: {  	_ =	shalt  }
0x6b: {  	_ =	shalt  }
0x6c: {  	_ =	shalt  }
0x6d: {  	_ =	shalt  }
0x6e: {  	_ =	shalt  }
0x6f: {  	_ =	shalt  }
0x70: {  	_ =	shalt  }
0x71: {  	_ =	shalt  }
0x72: {  	_ =	shalt  }
0x73: {  	_ =	shalt  }
0x74: {  	_ =	shalt  }
0x75: {  	_ =	shalt  }
0x76: {  	_ =	shalt  }
0x77: {  	_ =	shalt  }
0x78: {  	_ =	shalt  }
0x79: {  	_ =	shalt  }
0x7a: {  	_ =	shalt  }
0x7b: {  	_ =	shalt  }
0x7c: {  	_ =	shalt  }
0x7d: {  	_ =	shalt  }
0x7e: {  	_ =	shalt  }
0x7f: {  	_ =	shalt  }
0x80: {  	_ =	shalt  }
0x81: {  	_ =	shalt  }
0x82: {  	_ =	shalt  }
0x83: {  	_ =	shalt  }
0x84: {  	_ =	shalt  }
0x85: {  	_ =	shalt  }
0x86: {  	_ =	shalt  }
0x87: {  	_ =	shalt  }
.Lfunc_end0:
.L_simem_size_0:
called_computation_lowered:
.L_overlay_start_0:
0x88: {  	s2 =	sld [smem:$0x3FD9]  }
0x89: {  	s3 =	sld [smem:$0x3FFE];
	_ =	sdelay $0x1  }
0x8a: {  	s1 =	srdreg.scid  }
0x8b: {  	s0 =	sand.u32 $0x1, s1  }
0x8c: {  	s17 =	sshll.u32 s0, $0xA;
	s2 =	sadd.s32 s3, s2  }
0x8d: {  	s2 =	sadd.s32 s2, s17  }
0x8e: {  	[smem:$0x3FC4] =	sst s2  }
0x8f: {  	_ = 	snop  }
0x90: {  	s2 =	sld [smem:$0x3FC9]  }
0x91: {  	s18 =	sld [smem:$0x3FC8]  }
0x92: {  	s4 =	sld [smem:$0x3FC7]  }
0x93: {  	s5 =	sld [smem:$0x3FC6];
	(tm) =	ssettm $0x1  }
0x94: {  	s6 =	sld [smem:$0x3FFB];
	_ =	sdelay $0x3  }
0x95: {  	_ =	strace s6  }
0x96: {  	s6 =	sld [smem:$0x3FFC];
	_ =	sdelay $0x3  }
0x97: {  	_ =	strace s6  }
0x98: {  	s6 =	sld [smem:$0x3FFD];
	_ =	sdelay $0x3  }
0x99: {  	_ =	strace s6  }
0x9a: {  	_ =	strace $0x8FFFFFFF  }
0x9b: {  	s19 =	sld [smem:$0x3FDB];
	_ =	sdelay $0x1  }
0x9c: {  	s7 =	simm.s32 $_scs_section_size  }
0x9d: {  	s8 =	simm.s32 $_size__tile_overlayer_lowered;
	s9 =	simm.s32 $_tile_overlayer_lowered  }
0x9e: {  	s22 =	simm.s32 $0x1BFF;
	s21 =	sshll.u32 s9, $0x1;
	s6 =	sadd.s32 s7, s19  }
0x9f: {  	s10 =	simm.s32 $0x0;
	s20 =	sshll.u32 s8, $0x1;
	s8 =	sadd.s32 s21, s6  }
0xa0: {  	[timem:s10], [sflag:s22] =	dma.local [hbm:s8], s20  }
0xa1: {  	_ =	swait.ge [sflag:s22], s20  }
0xa2: {  	s7 =	ssub.s32 $0x0, s20;
	[sflag:s22] =	ssyncset.done $0x0  }
0xa3: {  	[sflag:s22] =	ssyncadd.s32 s7;
	_ =	sdelay $0x1  }
0xa4: {  	s23 =	simm.s32 $0x1B8B  }
0xa5: {  	_ =	swait.ge [sflag:s23], $0x1  }
0xa6: {  	[sflag:s23] =	ssyncset.done $0x0  }
0xa7: {  	s25 =	simm.s32 $0x1B8E;
	s24 =	sld [smem:$0x3FFE];
	[sflag:s23] =	ssyncadd.s32 $0xFFFFFFFF  }
0xa8: {  	s26 =	simm.s32 $execute0_lowered;
	[smem:$0x3FD2] =	sst s25  }
0xa9: {  	s8 =	sshll.u32 s26, $0x1;
	_ =	strace $0x80000046;
	[dreg:$0x1] =	wrdreg $0xFFFFFFFF  }
0xaa: {  	s28 =	simm.s32 $_size_execute0_lowered;
	s6 =	sadd.s32 s6, s8;
	[dreg:$0x0] =	wrdreg $0x0  }
0xab: {  	s8 =	sshll.u32 s28, $0x1;
	[dreg:$0x2] =	wrdreg s6  }
0xac: {  	[dreg:$0x3] =	wrdreg s8  }
0xad: {  	[dreg:$0x4] =	wrdreg $0xC0  }
0xae: {  	_ =	task [dreg:s10], $0x5FFFF  }
0xaf: {  	[dreg:$0x1] =	wrdreg $0xFFFFFFFF  }
0xb0: {  	[dreg:$0x0] =	wrdreg $0x60  }
0xb1: {  	[dreg:$0x2] =	wrdreg s2  }
0xb2: {  	[dreg:$0x3] =	wrdreg s4  }
0xb3: {  	[dreg:$0x4] =	wrdreg s5  }
0xb4: {  	[dreg:$0x5] =	wrdreg s18  }
0xb5: {  	[dreg:$0x6] =	wrdreg s24  }
0xb6: {  	[dreg:$0x7] =	wrdreg $0x9  }
0xb7: {  	_ =	task.clear_ibuf [dreg:s10], $0x8FFFF;
	_ =	strace $0x90000046  }
0xb8: {  	s29 =	simm.s32 $0x9;
	_ =	strace $0x80000048  }
0xb9: {  	_ =	swait.ge [sflag:s29], $0x1  }
0xba: {  	[sflag:s29] =	ssyncadd.s32 $0xFFFFFFFF  }
0xbb: {  	_ =	strace $0x90000048  }
0xbc: {  	_ =	sfence  }
0xbd: {  	s30 =	sld [smem:$0x0];
	_ =	sdelay $0x2  }
0xbe: {  	s31 =	sshll.u32 s1, $0xD;
	s1 =	sshrl.u32 s1, $0x2  }
0xbf: {  	s3 =	sand.u32 $0x4000, s31;
	s1 =	sadd.s32 s1, s30  }
0xc0: {  	s0 =	sor.u32 s3, s0;
	s1 =	sshll.u32 s1, $0x11  }
0xc1: {  	s0 =	sor.u32 s1, s0  }
0xc2: {  	s0 =	sadd.s32 $0x8F2B, s0  }
0xc3: {  	[sflag:s0] =	ssyncadd.remote.s32 $0x1  }
0xc4: {  	_ =	sfence.sel $0xFFFF  }
0xc5: {  	[dreg:$0x0] =	wrdreg $0xFFFFFFFF;
	(pc) =	sbr.abs _section_cstart, $3  }
0xc6: {  	[dreg:$0x1] =	wrdreg $0xFFFFFFFF  }
0xc7: {  	_ =	task.clear_ibuf [dreg:s10], $0x2FFFF;
	_ =	strace $0x9FFFFFFF  }
0xc8: {  	(tm) =	ssettm $0x7FFFFFFF  }
0xc9: {  	_ =	shalt  }
tec
execute0_lowered:
.L_overlay_start_1:
0x0: {  	(tag) =	ssettag $0x1  }
0x1: {  	s1 =	rddreg [dreg:$0x0]  }
0x2: {  	s2 =	rddreg [dreg:$0x1]  }
0x3: {  	s3 =	rddreg [dreg:$0x2]  }
0x4: {  	s0 =	rddreg [dreg:$0x3]  }
0x5: {  	s4 =	rddreg [dreg:$0x4];
	s5 =	simm.s32 $0x0  }
0x6: {  	s8 =	stileid.u32;
	s6 =	srdreg.scid;
	s18 =	simm.s32 $0x3  }
0x7: {  	s21 =	simm.s32 $0x1;
	s22 =	simm.s32 $0xC000;
	s23 =	simm.s32 $0x10000  }
0x8: {  	s31 =	simm.s32 $0x0;
	[smem:$0x7FF] =	sst s5;
	s7 =	sshll.u32 s8, $0x1  }
0x9: {  	s6 =	sand.u32 $0x1, s6;
	s8 =	sshrl.u32 s8, $0x1;
	s7 =	sand.u32 $0x2, s7  }
0xa: {  	s9 =	ssub.s32 $0x2, s6;
	s10 =	smul.u32 $0x100800, s8;
	_ =	strace $0x80000047  }
0xb: {  	s14 =	sshll.u32 s8, $0x8;
	s12 =	sor.u32 s6, s7;
	s24 =	sshrl.u32 s9, $0x1  }
0xc: {  	s6 =	sadd.s32 s0, s14;
	s4 =	sadd.s32 s4, s14;
	s7 =	sshll.u32 s12, $0x12  }
0xd: {  	s16 =	ssub.s32 s9, s24;
	s13 =	sshll.u32 s12, $0xF;
	s30 =	sshll.u32 s12, $0xB  }
0xe: {  	s24 =	simm.s32 $0x14000;
	p0 =	sne.s32 s12, $0x3;
	s11 =	sadd.s32 s10, s7  }
0xf: {  	s10 =	sshrl.u32 s10, $0x3;
	s16 =	smax.u32 s16, $0x1;
	s25 =	sshrl.u32 s11, $0x3  }
.Ltmp0:
0x10: {  	s26 =	sadd.s32 s13, s10;
	s15 =	sadd.s32 $0x20000, s10;
	(pc) =	sbr.rel .LBB2_1-.Ltmp0, $4  }
0x11: {  	s11 =	sadd.s32 $0x8000, s11;
	s7 =	sadd.s32 s1, s25;
	s8 =	sadd.s32 s2, s25  }
0x12: {  	s9 =	sadd.s32 s3, s25;
	s10 =	sadd.s32 $0x800, s26;
	s28 =	sadd.s32 s1, s15  }
0x13: {  	s29 =	sadd.s32 s2, s15;
	s14 =	sadd.s32 s3, s15;
	[dreg:$0x6] =	wrdreg s28  }
0x14: {  	v0 =	vimm.f32 $0.0e+00;
	s15 =	sadd.s32 s30, s4;
	s25 =	simm.s32 $0x2;
	[dreg:$0x7] =	wrdreg s29  }
.LBB2_12:
0x15: {  	s31 =	sadd.s32 $0x1, s31  }
0x16: {  	p1 =	sne.s32 s31, s16  }
.Ltmp1:
0x17: {  	s0 =	simm.s32 $0x1A000;
	(pc) =	sbr.rel @!p1 .LBB2_13-.Ltmp1, $4  }
0x18: {  	[hbm4b:s15+s5] =	stream.linear.scatter [tilespmem:s0], [sflag:$0x3], $0x800, $0x38;
	[tilespmem:$0x1A800] =	vst v63  }
0x19: {  	_ =	swait.ge [sflag:s18], $0x800  }
0x1a: {  	[sflag:s18] =	ssyncset.done $0x0  }
0x1b: {  	[sflag:s18] =	ssyncadd.s32 $0xFFFFF800  }
.LBB2_1:
0x1c: {  	s0 =	simm.s32 $0x19800  }
0x1d: {  	[tilespmem:s0], [sflag:$0x3] =	stream.linear.gather [hbm4b:s6+s5], $0x800, $0x38;
	[tilespmem:$0x1A800] =	vst v63  }
0x1e: {  	_ =	swait.ge [sflag:s18], $0x800  }
0x1f: {  	[sflag:s18] =	ssyncset.done $0x0  }
0x20: {  	[sflag:s18] =	ssyncadd.s32 $0xFFFFF800  }
0x21: {  	[tilespmem:$0x1A000] =	vst v0  }
0x22: {  	[tilespmem:$0x1A010] =	vst v0  }
0x23: {  	[tilespmem:$0x1A020] =	vst v0  }
0x24: {  	[tilespmem:$0x1A030] =	vst v0  }
0x25: {  	[tilespmem:$0x1A040] =	vst v0  }
0x26: {  	[tilespmem:$0x1A050] =	vst v0  }
0x27: {  	[tilespmem:$0x1A060] =	vst v0  }
0x28: {  	[tilespmem:$0x1A070] =	vst v0  }
0x29: {  	[tilespmem:$0x1A400] =	vst v0  }
0x2a: {  	[tilespmem:$0x1A410] =	vst v0  }
0x2b: {  	[tilespmem:$0x1A420] =	vst v0  }
0x2c: {  	[tilespmem:$0x1A430] =	vst v0  }
0x2d: {  	[tilespmem:$0x1A440] =	vst v0  }
0x2e: {  	[tilespmem:$0x1A450] =	vst v0  }
0x2f: {  	[tilespmem:$0x1A460] =	vst v0  }
0x30: {  	[tilespmem:$0x1A470] =	vst v0  }
0x31: {  	[tilespmem:$0x1A080] =	vst v0  }
0x32: {  	[tilespmem:$0x1A090] =	vst v0  }
0x33: {  	[tilespmem:$0x1A0A0] =	vst v0  }
0x34: {  	[tilespmem:$0x1A0B0] =	vst v0  }
0x35: {  	[tilespmem:$0x1A0C0] =	vst v0  }
0x36: {  	[tilespmem:$0x1A0D0] =	vst v0  }
0x37: {  	[tilespmem:$0x1A0E0] =	vst v0  }
0x38: {  	[tilespmem:$0x1A0F0] =	vst v0  }
0x39: {  	[tilespmem:$0x1A480] =	vst v0  }
0x3a: {  	[tilespmem:$0x1A490] =	vst v0  }
0x3b: {  	[tilespmem:$0x1A4A0] =	vst v0  }
0x3c: {  	[tilespmem:$0x1A4B0] =	vst v0  }
0x3d: {  	[tilespmem:$0x1A4C0] =	vst v0  }
0x3e: {  	[tilespmem:$0x1A4D0] =	vst v0  }
0x3f: {  	[tilespmem:$0x1A4E0] =	vst v0  }
0x40: {  	[tilespmem:$0x1A4F0] =	vst v0  }
0x41: {  	[tilespmem:$0x1A100] =	vst v0  }
0x42: {  	[tilespmem:$0x1A110] =	vst v0  }
0x43: {  	[tilespmem:$0x1A120] =	vst v0  }
0x44: {  	[tilespmem:$0x1A130] =	vst v0  }
0x45: {  	[tilespmem:$0x1A140] =	vst v0  }
0x46: {  	[tilespmem:$0x1A150] =	vst v0  }
0x47: {  	[tilespmem:$0x1A160] =	vst v0  }
0x48: {  	[tilespmem:$0x1A170] =	vst v0  }
0x49: {  	[tilespmem:$0x1A500] =	vst v0  }
0x4a: {  	[tilespmem:$0x1A510] =	vst v0  }
0x4b: {  	[tilespmem:$0x1A520] =	vst v0  }
0x4c: {  	[tilespmem:$0x1A530] =	vst v0  }
0x4d: {  	[tilespmem:$0x1A540] =	vst v0  }
0x4e: {  	[tilespmem:$0x1A550] =	vst v0  }
0x4f: {  	[tilespmem:$0x1A560] =	vst v0  }
0x50: {  	[tilespmem:$0x1A570] =	vst v0  }
0x51: {  	[tilespmem:$0x1A180] =	vst v0  }
0x52: {  	[tilespmem:$0x1A190] =	vst v0  }
0x53: {  	[tilespmem:$0x1A1A0] =	vst v0  }
0x54: {  	[tilespmem:$0x1A1B0] =	vst v0  }
0x55: {  	[tilespmem:$0x1A1C0] =	vst v0  }
0x56: {  	[tilespmem:$0x1A1D0] =	vst v0  }
0x57: {  	[tilespmem:$0x1A1E0] =	vst v0  }
0x58: {  	[tilespmem:$0x1A1F0] =	vst v0  }
0x59: {  	[tilespmem:$0x1A580] =	vst v0  }
0x5a: {  	[tilespmem:$0x1A590] =	vst v0  }
0x5b: {  	[tilespmem:$0x1A5A0] =	vst v0  }
0x5c: {  	[tilespmem:$0x1A5B0] =	vst v0  }
0x5d: {  	[tilespmem:$0x1A5C0] =	vst v0  }
0x5e: {  	[tilespmem:$0x1A5D0] =	vst v0  }
0x5f: {  	[tilespmem:$0x1A5E0] =	vst v0  }
0x60: {  	[tilespmem:$0x1A5F0] =	vst v0  }
0x61: {  	[tilespmem:$0x1A200] =	vst v0  }
0x62: {  	[tilespmem:$0x1A210] =	vst v0  }
0x63: {  	[tilespmem:$0x1A220] =	vst v0  }
0x64: {  	[tilespmem:$0x1A230] =	vst v0  }
0x65: {  	[tilespmem:$0x1A240] =	vst v0  }
0x66: {  	[tilespmem:$0x1A250] =	vst v0  }
0x67: {  	[tilespmem:$0x1A260] =	vst v0  }
0x68: {  	[tilespmem:$0x1A270] =	vst v0  }
0x69: {  	[tilespmem:$0x1A600] =	vst v0  }
0x6a: {  	[tilespmem:$0x1A610] =	vst v0  }
0x6b: {  	[tilespmem:$0x1A620] =	vst v0  }
0x6c: {  	[tilespmem:$0x1A630] =	vst v0  }
0x6d: {  	[tilespmem:$0x1A640] =	vst v0  }
0x6e: {  	[tilespmem:$0x1A650] =	vst v0  }
0x6f: {  	[tilespmem:$0x1A660] =	vst v0  }
0x70: {  	[tilespmem:$0x1A670] =	vst v0  }
0x71: {  	[tilespmem:$0x1A280] =	vst v0  }
0x72: {  	[tilespmem:$0x1A290] =	vst v0  }
0x73: {  	[tilespmem:$0x1A2A0] =	vst v0  }
0x74: {  	[tilespmem:$0x1A2B0] =	vst v0  }
0x75: {  	[tilespmem:$0x1A2C0] =	vst v0  }
0x76: {  	[tilespmem:$0x1A2D0] =	vst v0  }
0x77: {  	[tilespmem:$0x1A2E0] =	vst v0  }
0x78: {  	[tilespmem:$0x1A2F0] =	vst v0  }
0x79: {  	[tilespmem:$0x1A680] =	vst v0  }
0x7a: {  	[tilespmem:$0x1A690] =	vst v0  }
0x7b: {  	[tilespmem:$0x1A6A0] =	vst v0  }
0x7c: {  	[tilespmem:$0x1A6B0] =	vst v0  }
0x7d: {  	[tilespmem:$0x1A6C0] =	vst v0  }
0x7e: {  	[tilespmem:$0x1A6D0] =	vst v0  }
0x7f: {  	[tilespmem:$0x1A6E0] =	vst v0  }
0x80: {  	[tilespmem:$0x1A6F0] =	vst v0  }
0x81: {  	[tilespmem:$0x1A300] =	vst v0  }
0x82: {  	[tilespmem:$0x1A310] =	vst v0  }
0x83: {  	[tilespmem:$0x1A320] =	vst v0  }
0x84: {  	[tilespmem:$0x1A330] =	vst v0  }
0x85: {  	[tilespmem:$0x1A340] =	vst v0  }
0x86: {  	[tilespmem:$0x1A350] =	vst v0  }
0x87: {  	[tilespmem:$0x1A360] =	vst v0  }
0x88: {  	[tilespmem:$0x1A370] =	vst v0  }
0x89: {  	[tilespmem:$0x1A700] =	vst v0  }
0x8a: {  	[tilespmem:$0x1A710] =	vst v0  }
0x8b: {  	[tilespmem:$0x1A720] =	vst v0  }
0x8c: {  	[tilespmem:$0x1A730] =	vst v0  }
0x8d: {  	[tilespmem:$0x1A740] =	vst v0  }
0x8e: {  	[tilespmem:$0x1A750] =	vst v0  }
0x8f: {  	[tilespmem:$0x1A760] =	vst v0  }
0x90: {  	[tilespmem:$0x1A770] =	vst v0  }
0x91: {  	[tilespmem:$0x1A380] =	vst v0  }
0x92: {  	[tilespmem:$0x1A390] =	vst v0  }
0x93: {  	[tilespmem:$0x1A3A0] =	vst v0  }
0x94: {  	[tilespmem:$0x1A3B0] =	vst v0  }
0x95: {  	[tilespmem:$0x1A3C0] =	vst v0  }
0x96: {  	[tilespmem:$0x1A3D0] =	vst v0  }
0x97: {  	[tilespmem:$0x1A3E0] =	vst v0  }
0x98: {  	[tilespmem:$0x1A3F0] =	vst v0  }
0x99: {  	[tilespmem:$0x1A780] =	vst v0  }
0x9a: {  	[tilespmem:$0x1A790] =	vst v0  }
0x9b: {  	[tilespmem:$0x1A7A0] =	vst v0  }
0x9c: {  	[tilespmem:$0x1A7B0] =	vst v0  }
0x9d: {  	[tilespmem:$0x1A7C0] =	vst v0  }
0x9e: {  	[tilespmem:$0x1A7D0] =	vst v0  }
0x9f: {  	[tilespmem:$0x1A7E0] =	vst v0  }
0xa0: {  	[tilespmem:$0x1A7F0] =	vst v0  }
0xa1: {  	[tilespmem:s5], [sflag:$0x1] =	stream.linear.gather [hbm4b:s7+s5], $0x4000, $0x38;
	[tilespmem:$0x1A800] =	vst v63  }
0xa2: {  	s29 =	simm.s32 $0x4000  }
0xa3: {  	[tilespmem:s29], [sflag:$0x1] =	stream.linear.gather [hbm4b:s8+s5], $0x4000, $0x38;
	[tilespmem:$0x1A800] =	vst v63  }
0xa4: {  	s30 =	simm.s32 $0x8000;
	s0 =	simm.s32 $0x0  }
0xa5: {  	[tilespmem:s30], [sflag:$0x1] =	stream.linear.gather [hbm4b:s9+s5], $0x4000, $0x38;
	[tilespmem:$0x1A800] =	vst v63  }
.LBB2_2:
0xa6: {  	_ =	swait.ge [sflag:s21], $0x4000  }
0xa7: {  	[sflag:s21] =	ssyncset.done $0x0  }
0xa8: {  	[sflag:s21] =	ssyncadd.s32 $0xFFFFC000  }
0xa9: {  	_ =	swait.ge [sflag:s21], $0x4000  }
0xaa: {  	[sflag:s21] =	ssyncset.done $0x0  }
0xab: {  	[sflag:s21] =	ssyncadd.s32 $0xFFFFC000  }
0xac: {  	s4 =	sshll.u32 s0, $0xC;
	_ =	swait.ge [sflag:s21], $0x4000  }
0xad: {  	s12 =	sadd.s32 s4, s10;
	[sflag:s21] =	ssyncset.done $0x0  }
0xae: {  	s4 =	simm.s32 $0x0;
	s17 =	sadd.s32 s1, s12;
	[sflag:s21] =	ssyncadd.s32 $0xFFFFC000  }
0xaf: {  	[tilespmem:s22], [sflag:$0x2] =	stream.linear.gather [hbm4b:s17+s4], $0x4000, $0x38;
	[tilespmem:$0x1A800] =	vst v63  }
0xb0: {  	s30 =	sadd.s32 s2, s12  }
0xb1: {  	[tilespmem:s23], [sflag:$0x2] =	stream.linear.gather [hbm4b:s30+s4], $0x4000, $0x38;
	[tilespmem:$0x1A800] =	vst v63  }
0xb2: {  	s26 =	simm.s32 $0x0;
	s12 =	sadd.s32 s3, s12  }
0xb3: {  	[tilespmem:s24], [sflag:$0x2] =	stream.linear.gather [hbm4b:s12+s4], $0x4000, $0x38;
	[tilespmem:$0x1A800] =	vst v63  }
.LBB2_3:
0xb4: {  	s17 =	sand.u32 $0x70, s26;
	s19 =	sand.u32 $0x400, s4  }
0xb5: {  	s28 =	sor.u32 s17, s19  }
0xb6: {  	v14 =	vld [tilespmem:s28+$0x1A000]  }
0xb7: {  	v17 =	vld [tilespmem:s28+$0x1A100]  }
0xb8: {  	v19 =	vld [tilespmem:s28+$0x1A200]  }
0xb9: {  	v8 =	vld [tilespmem:s28+$0x19800]  }
0xba: {  	v6 =	vld [tilespmem:s28+$0x19900]  }
0xbb: {  	s30 =	sor.u32 s26, s4;
	v4 =	vld [tilespmem:s28+$0x19A00]  }
0xbc: {  	s17 =	sor.u32 $0x380, s30;
	v10 =	vld [tilespmem:s28+$0x19B00]  }
0xbd: {  	v12 =	vld [tilespmem:s17+$0x19800]  }
0xbe: {  	v11 =	vld [tilespmem:s28+$0x0]  }
0xbf: {  	v16 =	vld [tilespmem:s28+$0x4000]  }
0xc0: {  	v18 =	vld [tilespmem:s28+$0x8000]  }
0xc1: {  	v28 =	vld [tilespmem:s28+$0x100]  }
0xc2: {  	v29 =	vld [tilespmem:s28+$0x4100]  }
0xc3: {  	v30 =	vld [tilespmem:s28+$0x8100]  }
0xc4: {  	v39 =	vld [tilespmem:s28+$0x200]  }
0xc5: {  	v40 =	vld [tilespmem:s28+$0x4200]  }
0xc6: {  	v42 =	vld [tilespmem:s28+$0x8200]  }
0xc7: {  	v48 =	vld [tilespmem:s28+$0x300]  }
0xc8: {  	v49 =	vld [tilespmem:s28+$0x4300]  }
0xc9: {  	v50 =	vld [tilespmem:s28+$0x8300]  }
0xca: {  	v51 =	vld [tilespmem:s17+$0x0]  }
0xcb: {  	v52 =	vld [tilespmem:s17+$0x4000]  }
0xcc: {  	v53 =	vld [tilespmem:s17+$0x8000]  }
0xcd: {  	v54 =	vld [tilespmem:s28+$0x800]  }
0xce: {  	v55 =	vld [tilespmem:s28+$0x4800]  }
0xcf: {  	v56 =	vld [tilespmem:s28+$0x8800]  }
0xd0: {  	v60 =	vld [tilespmem:s28+$0x900]  }
0xd1: {  	v61 =	vld [tilespmem:s28+$0x4900]  }
0xd2: {  	v62 =	vld [tilespmem:s28+$0x8900]  }
0xd3: {  	v3 =	vld [tilespmem:s28+$0xA00]  }
0xd4: {  	v2 =	vld [tilespmem:s28+$0x4A00]  }
0xd5: {  	v44 =	vld [tilespmem:s28+$0x8A00]  }
0xd6: {  	v24 =	vld [tilespmem:s28+$0xB00]  }
0xd7: {  	v32 =	vld [tilespmem:s28+$0x4B00]  }
0xd8: {  	s12 =	sand.u32 $0xFFFFFC00, s4;
	v25 =	vld [tilespmem:s28+$0x8B00]  }
0xd9: {  	s12 =	sadd.s32 s12, s26;
	v26 =	vld [tilespmem:s28+$0x1000]  }
0xda: {  	s20 =	sor.u32 $0x80, s12;
	v35 =	vld [tilespmem:s28+$0x5000]  }
0xdb: {  	s19 =	sor.u32 $0x180, s12;
	v15 =	vld [tilespmem:s20+$0x1A000]  }
0xdc: {  	s29 =	sor.u32 $0x280, s12;
	v22 =	vld [tilespmem:s19+$0x1A000]  }
0xdd: {  	v1 =	vld [tilespmem:s29+$0x1A000]  }
0xde: {  	v7 =	vld [tilespmem:s20+$0x19800]  }
0xdf: {  	v5 =	vld [tilespmem:s19+$0x19800]  }
0xe0: {  	v9 =	vld [tilespmem:s29+$0x19800]  }
0xe1: {  	v20 =	vld [tilespmem:s20+$0x0]  }
0xe2: {  	v21 =	vld [tilespmem:s20+$0x4000]  }
0xe3: {  	v27 =	vld [tilespmem:s20+$0x8000]  }
0xe4: {  	v31 =	vld [tilespmem:s19+$0x0]  }
0xe5: {  	v36 =	vld [tilespmem:s19+$0x4000]  }
0xe6: {  	v37 =	vld [tilespmem:s19+$0x8000]  }
0xe7: {  	v45 =	vld [tilespmem:s29+$0x0]  }
0xe8: {  	v46 =	vld [tilespmem:s29+$0x4000]  }
0xe9: {  	s13 =	sor.u32 $0x880, s12;
	v47 =	vld [tilespmem:s29+$0x8000]  }
0xea: {  	v57 =	vld [tilespmem:s13+$0x0]  }
0xeb: {  	v58 =	vld [tilespmem:s13+$0x4000]  }
0xec: {  	v59 =	vld [tilespmem:s13+$0x8000];
	s13 =	sor.u32 $0x980, s12  }
0xed: {  	v63 =	vld [tilespmem:s13+$0x0]  }
0xee: {  	[tilespmem:$0x1FFC0] =	vst v1;
	v1 =	vld [tilespmem:s28+$0x1A300]  }
0xef: {  	v43 =	vld [tilespmem:s13+$0x8000];
	vm0 =	vlt.f32 v16, $5.000000000e-01;
	vm6 =	vlt.f32 v49, $5.000000000e-01  }
0xf0: {  	v49 =	vld [tilespmem:s28+$0x5200];
	v11 =	vnsel vm0, $0x40A00000, v11;
	vm10 =	vlt.f32 v21, $5.000000000e-01;
	vm12 =	vlt.f32 v36, $5.000000000e-01  }
0xf1: {  	vm5 =	vlt.f32 v46, $5.000000000e-01;
	v46 =	vnsel vm6, $0x40A00000, v48;
	v48 =	vld [tilespmem:s28+$0x9200];
	v34 =	vsub.f32 v11, v8  }
0xf2: {  	v11 =	vld [tilespmem:s28+$0x9000];
	v20 =	vnsel vm10, $0x40A00000, v20;
	v36 =	vnsel vm12, $0x40A00000, v31;
	vm12 =	vlt.f32 v58, $5.000000000e-01  }
0xf3: {  	v20 =	vsub.f32 v20, v7;
	v58 =	vnsel vm12, $0x40A00000, v57;
	v18 =	vmul.f32 v34, v18;
	[tilespmem:$0x1FFD0] =	vst v1;
	v1 =	vld [tilespmem:s17+$0x1A000]  }
0xf4: {  	v57 =	vsub.f32 v58, v7;
	v58 =	vld [tilespmem:$0x1FFC0]  }
0xf5: {  	vm11 =	vlt.f32 v29, $5.000000000e-01;
	v29 =	vmul.f32 v20, v27;
	v20 =	vld [tilespmem:s28+$0x1100];
	vm1 =	vle.f32 v18, $0.0e+00  }
0xf6: {  	v27 =	vld [tilespmem:s28+$0x5100];
	v18 =	vnsel vm11, $0x40A00000, v28;
	v28 =	vsub.f32 v36, v5;
	v36 =	vsel vm1, $0x3F800000, v0  }
0xf7: {  	v31 =	vadd.f32 v36, v14;
	v14 =	vld [tilespmem:s28+$0x9100]  }
0xf8: {  	[tilespmem:$0x1FFE0] =	vst v1;
	v1 =	vld [tilespmem:s13+$0x4000];
	s13 =	sor.u32 $0xA80, s12  }
0xf9: {  	vm14 =	vlt.f32 v40, $5.000000000e-01;
	v18 =	vsub.f32 v18, v6;
	v38 =	vld [tilespmem:s13+$0x0]  }
0xfa: {  	vm7 =	vlt.f32 v52, $5.000000000e-01;
	vm8 =	vlt.f32 v55, $5.000000000e-01;
	v39 =	vnsel vm14, $0x40A00000, v39;
	v13 =	vld [tilespmem:s13+$0x4000]  }
0xfb: {  	v55 =	vnsel vm8, $0x40A00000, v54;
	vm13 =	vle.f32 v29, $0.0e+00;
	v29 =	vmul.f32 v18, v30;
	v23 =	vld [tilespmem:s13+$0x8000];
	s13 =	sor.u32 $0xB80, s30  }
0xfc: {  	[tilespmem:$0x1FFF0] =	vst v25;
	v40 =	vsub.f32 v39, v4;
	v30 =	vmul.f32 v28, v37;
	v37 =	vsel vm13, $0x3F800000, v0;
	v25 =	vld [tilespmem:s13+$0x0]  }
0xfd: {  	v55 =	vsub.f32 v55, v8;
	v36 =	vadd.f32 v37, v15;
	vm15 =	vle.f32 v29, $0.0e+00;
	v33 =	vld [tilespmem:s13+$0x4000]  }
0xfe: {  	vm4 =	vle.f32 v30, $0.0e+00;
	v30 =	vmul.f32 v40, v42;
	v29 =	vsel vm15, $0x3F800000, v0;
	v16 =	vld [tilespmem:s13+$0x8000]  }
0xff: {  	v45 =	vnsel vm5, $0x40A00000, v45;
	v42 =	vsub.f32 v46, v10;
	v17 =	vadd.f32 v29, v17;
	v29 =	vld [tilespmem:s28+$0x1200]  }
0x100: {  	v40 =	vsub.f32 v45, v9;
	v37 =	vsel vm4, $0x3F800000, v0;
	vm9 =	vle.f32 v30, $0.0e+00;
	v30 =	vld [tilespmem:s28+$0x1300]  }
0x101: {  	v45 =	vnsel vm7, $0x40A00000, v51;
	v51 =	vadd.f32 v37, v22;
	v52 =	vmul.f32 v42, v50;
	v37 =	vld [tilespmem:s28+$0x5300]  }
0x102: {  	s13 =	sor.u32 $0x1080, s12;
	v42 =	vmul.f32 v55, v56;
	v56 =	vmul.f32 v57, v59;
	v59 =	vld [tilespmem:s28+$0x5800]  }
0x103: {  	v34 =	vld [tilespmem:s13+$0x0]  }
0x104: {  	v41 =	vld [tilespmem:s13+$0x4000]  }
0x105: {  	v21 =	vld [tilespmem:s13+$0x8000];
	s13 =	sor.u32 $0x1180, s12  }
0x106: {  	v18 =	vld [tilespmem:s13+$0x0]  }
0x107: {  	v22 =	vmul.f32 v40, v47;
	v28 =	vld [tilespmem:s13+$0x4000]  }
0x108: {  	v15 =	vld [tilespmem:s13+$0x8000]  }
0x109: {  	vm10 =	vle.f32 v22, $0.0e+00;
	v22 =	vld [tilespmem:s28+$0x9300]  }
0x10a: {  	s13 =	sor.u32 $0x1280, s12;
	vm14 =	vle.f32 v42, $0.0e+00;
	v42 =	vld [tilespmem:s28+$0x1800]  }
0x10b: {  	v39 =	vld [tilespmem:s13+$0x0]  }
0x10c: {  	v54 =	vsub.f32 v45, v12;
	v47 =	vld [tilespmem:s13+$0x4000]  }
0x10d: {  	v46 =	vld [tilespmem:s13+$0x8000]  }
0x10e: {  	v45 =	vsel vm9, $0x3F800000, v0;
	v40 =	vmul.f32 v54, v53;
	s13 =	sor.u32 $0x1380, s30;
	vm4 =	vlt.f32 v1, $5.000000000e-01;
	v1 =	vld [tilespmem:$0x1FFD0]  }
0x10f: {  	vm15 =	vlt.f32 v61, $5.000000000e-01;
	v53 =	vadd.f32 v45, v19;
	v19 =	vld [tilespmem:s13+$0x0]  }
0x110: {  	v61 =	vnsel vm15, $0x40A00000, v60;
	vm13 =	vle.f32 v40, $0.0e+00;
	v40 =	vld [tilespmem:s13+$0x4000]  }
0x111: {  	vm5 =	vlt.f32 v2, $5.000000000e-01;
	v57 =	vsub.f32 v61, v6;
	v45 =	vld [tilespmem:s13+$0x8000]  }
0x112: {  	v2 =	vnsel vm5, $0x40A00000, v3;
	vm11 =	vle.f32 v52, $0.0e+00;
	s13 =	sor.u32 $0x1880, s12;
	vm8 =	vlt.f32 v13, $5.000000000e-01;
	v13 =	vld [tilespmem:s28+$0x1900]  }
0x113: {  	vm6 =	vle.f32 v56, $0.0e+00;
	v50 =	vsel vm10, $0x3F800000, v0;
	v3 =	vmul.f32 v57, v62;
	v57 =	vld [tilespmem:s13+$0x0]  }
0x114: {  	v52 =	vsel vm11, $0x3F800000, v0;
	v55 =	vsel vm14, $0x3F800000, v0;
	v50 =	vadd.f32 v50, v58;
	v60 =	vld [tilespmem:s13+$0x4000]  }
0x115: {  	v31 =	vadd.f32 v55, v31;
	v55 =	vsel vm6, $0x3F800000, v0;
	v58 =	vsub.f32 v2, v4;
	v2 =	vld [tilespmem:s13+$0x8000]  }
0x116: {  	vm11 =	vlt.f32 v32, $5.000000000e-01;
	v54 =	vsel vm13, $0x3F800000, v0;
	v36 =	vadd.f32 v55, v36;
	s13 =	sor.u32 $0x1980, s12;
	v55 =	vld [tilespmem:$0x1FFF0]  }
0x117: {  	v63 =	vnsel vm4, $0x40A00000, v63;
	v24 =	vnsel vm11, $0x40A00000, v24;
	vm13 =	vlt.f32 v35, $5.000000000e-01;
	v32 =	vld [tilespmem:s13+$0x0]  }
0x118: {  	vm6 =	vlt.f32 v27, $5.000000000e-01;
	v56 =	vsub.f32 v63, v5;
	vm12 =	vlt.f32 v33, $5.000000000e-01;
	v33 =	vld [tilespmem:s13+$0x4000]  }
0x119: {  	vm7 =	vle.f32 v3, $0.0e+00;
	v38 =	vnsel vm8, $0x40A00000, v38;
	v24 =	vsub.f32 v24, v10;
	v35 =	vld [tilespmem:s13+$0x8000]  }
0x11a: {  	v61 =	vsel vm7, $0x3F800000, v0;
	v38 =	vsub.f32 v38, v9;
	v3 =	vmul.f32 v56, v43;
	v43 =	vld [tilespmem:s28+$0x9900]  }
0x11b: {  	v25 =	vnsel vm12, $0x40A00000, v25;
	vm14 =	vlt.f32 v41, $5.000000000e-01;
	v52 =	vadd.f32 v52, v1;
	v1 =	vld [tilespmem:$0x1FFE0]  }
0x11c: {  	s13 =	sor.u32 $0x1A80, s12;
	v17 =	vadd.f32 v61, v17;
	v34 =	vnsel vm14, $0x40A00000, v34;
	v23 =	vmul.f32 v38, v23;
	v38 =	vld [tilespmem:s28+$0x1A00]  }
0x11d: {  	v58 =	vmul.f32 v58, v44;
	v25 =	vsub.f32 v25, v12;
	v61 =	vsub.f32 v34, v7;
	v34 =	vld [tilespmem:s13+$0x0]  }
0x11e: {  	v26 =	vnsel vm13, $0x40A00000, v26;
	v20 =	vnsel vm6, $0x40A00000, v20;
	vm9 =	vle.f32 v3, $0.0e+00;
	v3 =	vld [tilespmem:s28+$0x5900]  }
0x11f: {  	v20 =	vsub.f32 v20, v6;
	vm10 =	vle.f32 v58, $0.0e+00;
	v16 =	vmul.f32 v25, v16;
	v25 =	vld [tilespmem:s28+$0x9A00]  }
0x120: {  	v56 =	vsub.f32 v26, v8;
	v63 =	vsel vm10, $0x3F800000, v0;
	vm10 =	vlt.f32 v49, $5.000000000e-01;
	v49 =	vld [tilespmem:s28+$0x6000]  }
0x121: {  	vm14 =	vlt.f32 v37, $5.000000000e-01;
	v62 =	vsel vm9, $0x3F800000, v0;
	vm9 =	vlt.f32 v28, $5.000000000e-01;
	v28 =	vld [tilespmem:s28+$0x9B00]  }
0x122: {  	v30 =	vnsel vm14, $0x40A00000, v30;
	v11 =	vmul.f32 v56, v11;
	v44 =	vadd.f32 v62, v51;
	v51 =	vld [tilespmem:s28+$0x5A00]  }
0x123: {  	v14 =	vmul.f32 v20, v14;
	v30 =	vsub.f32 v30, v10;
	vm5 =	vle.f32 v16, $0.0e+00;
	v16 =	vld [tilespmem:s13+$0x4000]  }
0x124: {  	v41 =	vadd.f32 v63, v53;
	vm7 =	vle.f32 v11, $0.0e+00;
	v11 =	vld [tilespmem:s28+$0x1B00]  }
0x125: {  	v24 =	vmul.f32 v24, v55;
	vm12 =	vle.f32 v14, $0.0e+00;
	v22 =	vmul.f32 v30, v22;
	v30 =	vld [tilespmem:s28+$0x6100]  }
0x126: {  	v21 =	vmul.f32 v61, v21;
	v53 =	vsel vm12, $0x3F800000, v0;
	vm12 =	vlt.f32 v33, $5.000000000e-01;
	v33 =	vld [tilespmem:s28+$0xA200]  }
0x127: {  	vm6 =	vlt.f32 v59, $5.000000000e-01;
	vm4 =	vle.f32 v24, $0.0e+00;
	v24 =	vld [tilespmem:s13+$0x8000]  }
0x128: {  	v42 =	vnsel vm6, $0x40A00000, v42;
	vm11 =	vlt.f32 v47, $5.000000000e-01;
	vm8 =	vle.f32 v21, $0.0e+00;
	v21 =	vld [tilespmem:s28+$0x5B00]  }
0x129: {  	v42 =	vsub.f32 v42, v8;
	v63 =	vsel vm5, $0x3F800000, v0;
	vm5 =	vlt.f32 v40, $5.000000000e-01;
	v40 =	vld [tilespmem:s28+$0x2100]  }
0x12a: {  	vm15 =	vle.f32 v23, $0.0e+00;
	v29 =	vnsel vm10, $0x40A00000, v29;
	s13 =	sor.u32 $0x1B80, s30;
	v54 =	vadd.f32 v54, v1;
	v1 =	vld [tilespmem:s28+$0x9800]  }
0x12b: {  	v61 =	vnsel vm11, $0x40A00000, v39;
	v58 =	vsel vm15, $0x3F800000, v0;
	v18 =	vnsel vm9, $0x40A00000, v18;
	v20 =	vld [tilespmem:s13+$0x0]  }
0x12c: {  	v26 =	vadd.f32 v58, v50;
	v56 =	vsel vm7, $0x3F800000, v0;
	v18 =	vsub.f32 v18, v5;
	v47 =	vld [tilespmem:s13+$0x4000]  }
0x12d: {  	v17 =	vadd.f32 v53, v17;
	vm7 =	vlt.f32 v60, $5.000000000e-01;
	v62 =	vsel vm4, $0x3F800000, v0;
	v39 =	vld [tilespmem:s13+$0x8000]  }
0x12e: {  	v32 =	vnsel vm12, $0x40A00000, v32;
	v50 =	vadd.f32 v62, v52;
	v62 =	vmul.f32 v18, v15;
	v18 =	vld [tilespmem:s28+$0x2000]  }
0x12f: {  	v58 =	vsel vm8, $0x3F800000, v0;
	v27 =	vadd.f32 v56, v31;
	v31 =	vsub.f32 v61, v9;
	s13 =	sor.u32 $0x2080, s12;
	v15 =	vld [tilespmem:s28+$0xA000]  }
0x130: {  	v19 =	vnsel vm5, $0x40A00000, v19;
	v59 =	vnsel vm7, $0x40A00000, v57;
	vm9 =	vle.f32 v22, $0.0e+00;
	v37 =	vld [tilespmem:s13+$0x0]  }
0x131: {  	v53 =	vsub.f32 v32, v5;
	v14 =	vld [tilespmem:s13+$0x4000];
	v19 =	vsub.f32 v19, v12;
	v31 =	vmul.f32 v31, v46  }
0x132: {  	vm8 =	vlt.f32 v3, $5.000000000e-01;
	v60 =	vsub.f32 v59, v7;
	v61 =	vsel vm9, $0x3F800000, v0;
	v46 =	vld [tilespmem:s28+$0xA100]  }
0x133: {  	v23 =	vadd.f32 v63, v54;
	v63 =	vsub.f32 v29, v4;
	vm4 =	vle.f32 v31, $0.0e+00;
	v31 =	vld [tilespmem:s13+$0x8000]  }
0x134: {  	v29 =	vadd.f32 v58, v36;
	vm13 =	vle.f32 v62, $0.0e+00;
	s13 =	sor.u32 $0x2180, s12;
	vm5 =	vlt.f32 v21, $5.000000000e-01;
	v21 =	vld [tilespmem:s28+$0x6300]  }
0x135: {  	v13 =	vnsel vm8, $0x40A00000, v13;
	v19 =	vmul.f32 v19, v45;
	v55 =	vsel vm13, $0x3F800000, v0;
	v3 =	vld [tilespmem:s13+$0x0]  }
0x136: {  	v13 =	vsub.f32 v13, v6;
	v54 =	vmul.f32 v63, v48;
	v36 =	vadd.f32 v55, v44;
	v44 =	vld [tilespmem:s13+$0x4000]  }
0x137: {  	v58 =	vsel vm4, $0x3F800000, v0;
	v1 =	vmul.f32 v42, v1;
	v42 =	vld [tilespmem:s13+$0x8000];
	vm10 =	vle.f32 v19, $0.0e+00  }
0x138: {  	v19 =	vld [tilespmem:s28+$0x2200];
	v13 =	vmul.f32 v13, v43;
	v43 =	vadd.f32 v61, v50;
	vm4 =	vlt.f32 v16, $5.000000000e-01  }
0x139: {  	s13 =	sor.u32 $0x2280, s12;
	v16 =	vld [tilespmem:s28+$0x2300];
	v11 =	vnsel vm5, $0x40A00000, v11;
	vm8 =	vlt.f32 v47, $5.000000000e-01;
	vm15 =	vle.f32 v54, $0.0e+00  }
0x13a: {  	v26 =	vadd.f32 v58, v26;
	v62 =	vsel vm10, $0x3F800000, v0;
	v32 =	vld [tilespmem:s13+$0x4000];
	v34 =	vnsel vm4, $0x40A00000, v34  }
0x13b: {  	v50 =	vld [tilespmem:s13+$0x8000];
	v11 =	vsub.f32 v11, v10;
	v20 =	vnsel vm8, $0x40A00000, v20;
	vm12 =	vlt.f32 v14, $5.000000000e-01  }
0x13c: {  	v56 =	vsel vm15, $0x3F800000, v0;
	vm11 =	vle.f32 v1, $0.0e+00;
	v1 =	vmul.f32 v60, v2;
	v2 =	vld [tilespmem:s28+$0x6200]  }
0x13d: {  	vm14 =	vle.f32 v13, $0.0e+00;
	v23 =	vadd.f32 v62, v23;
	v62 =	vsub.f32 v20, v12;
	v20 =	vld [tilespmem:s28+$0xA800]  }
0x13e: {  	vm15 =	vlt.f32 v51, $5.000000000e-01;
	v13 =	vmul.f32 v53, v35;
	v11 =	vmul.f32 v11, v28;
	v28 =	vld [tilespmem:s28+$0x2800]  }
0x13f: {  	v57 =	vsub.f32 v34, v9;
	v37 =	vnsel vm12, $0x40A00000, v37;
	vm13 =	vle.f32 v1, $0.0e+00;
	v1 =	vld [tilespmem:s13+$0x0]  }
0x140: {  	v41 =	vadd.f32 v56, v41;
	v55 =	vnsel vm15, $0x40A00000, v38;
	vm6 =	vle.f32 v13, $0.0e+00;
	v13 =	vld [tilespmem:s28+$0x6800]  }
0x141: {  	v63 =	vsel vm11, $0x3F800000, v0;
	v54 =	vsel vm14, $0x3F800000, v0;
	v35 =	vsub.f32 v55, v4;
	v55 =	vld [tilespmem:s28+$0x2A00]  }
0x142: {  	vm11 =	vlt.f32 v49, $5.000000000e-01;
	v37 =	vsub.f32 v37, v7;
	s13 =	sor.u32 $0x2380, s30;
	v59 =	vmul.f32 v57, v24;
	v57 =	vld [tilespmem:s28+$0x6A00]  }
0x143: {  	v22 =	vadd.f32 v63, v27;
	v17 =	vadd.f32 v54, v17;
	v18 =	vnsel vm11, $0x40A00000, v18;
	v34 =	vld [tilespmem:s13+$0x0]  }
0x144: {  	v52 =	vsel vm13, $0x3F800000, v0;
	v58 =	vsel vm6, $0x3F800000, v0;
	v38 =	vld [tilespmem:s13+$0x4000];
	vm10 =	vle.f32 v11, $0.0e+00  }
0x145: {  	v24 =	vld [tilespmem:s13+$0x8000];
	v11 =	vmul.f32 v62, v39;
	v18 =	vsub.f32 v18, v8;
	vm13 =	vlt.f32 v30, $5.000000000e-01  }
0x146: {  	vm14 =	vlt.f32 v44, $5.000000000e-01;
	v47 =	vmul.f32 v37, v31;
	v37 =	vld [tilespmem:s28+$0xA900];
	v27 =	vadd.f32 v52, v29  }
0x147: {  	s13 =	sor.u32 $0x2880, s12;
	v29 =	vld [tilespmem:s28+$0xA300];
	v56 =	vmul.f32 v35, v25;
	v35 =	vadd.f32 v58, v36;
	vm9 =	vle.f32 v59, $0.0e+00  }
0x148: {  	v63 =	vsel vm10, $0x3F800000, v0;
	v14 =	vld [tilespmem:s13+$0x4000];
	v45 =	vnsel vm13, $0x40A00000, v40;
	v3 =	vnsel vm14, $0x40A00000, v3  }
0x149: {  	v30 =	vld [tilespmem:s13+$0x8000];
	vm10 =	vlt.f32 v21, $5.000000000e-01;
	v61 =	vsel vm9, $0x3F800000, v0;
	v36 =	vadd.f32 v63, v43  }
0x14a: {  	v40 =	vld [tilespmem:s28+$0x2900];
	v15 =	vmul.f32 v18, v15;
	vm15 =	vle.f32 v11, $0.0e+00;
	v48 =	vsub.f32 v45, v6  }
0x14b: {  	v59 =	vld [tilespmem:s28+$0xAA00];
	v3 =	vsub.f32 v3, v5;
	vm5 =	vle.f32 v47, $0.0e+00;
	vm6 =	vlt.f32 v2, $5.000000000e-01  }
0x14c: {  	v18 =	vld [tilespmem:s28+$0x6900];
	vm9 =	vlt.f32 v32, $5.000000000e-01;
	v16 =	vnsel vm10, $0x40A00000, v16;
	vm7 =	vle.f32 v56, $0.0e+00  }
0x14d: {  	v63 =	vld [tilespmem:s28+$0x6B00];
	v26 =	vadd.f32 v61, v26;
	v49 =	vsel vm15, $0x3F800000, v0;
	v54 =	vsel vm5, $0x3F800000, v0  }
0x14e: {  	v47 =	vld [tilespmem:s28+$0x3000];
	v19 =	vnsel vm6, $0x40A00000, v19;
	v60 =	vsel vm7, $0x3F800000, v0;
	vm4 =	vle.f32 v15, $0.0e+00  }
0x14f: {  	v32 =	vld [tilespmem:s28+$0xB100];
	v52 =	vmul.f32 v48, v46;
	v3 =	vmul.f32 v3, v42;
	v23 =	vadd.f32 v49, v23  }
0x150: {  	v1 =	vnsel vm9, $0x40A00000, v1;
	v27 =	vadd.f32 v54, v27;
	vm14 =	vlt.f32 v13, $5.000000000e-01;
	v49 =	vld [tilespmem:s28+$0x7000]  }
0x151: {  	v42 =	vld [tilespmem:s28+$0xB200];
	v25 =	vadd.f32 v60, v41;
	v51 =	vsel vm4, $0x3F800000, v0;
	v1 =	vsub.f32 v1, v9  }
0x152: {  	v41 =	vld [tilespmem:s13+$0x0];
	s13 =	sor.u32 $0x2980, s12;
	vm11 =	vlt.f32 v38, $5.000000000e-01;
	v28 =	vnsel vm14, $0x40A00000, v28;
	vm7 =	vle.f32 v52, $0.0e+00  }
0x153: {  	v15 =	vld [tilespmem:s13+$0x0];
	vm8 =	vle.f32 v3, $0.0e+00;
	v3 =	vsub.f32 v19, v4;
	v22 =	vadd.f32 v51, v22  }
0x154: {  	v53 =	vld [tilespmem:s13+$0x4000];
	v34 =	vnsel vm11, $0x40A00000, v34;
	v45 =	vsub.f32 v28, v8;
	vm5 =	vlt.f32 v14, $5.000000000e-01  }
0x155: {  	v2 =	vld [tilespmem:s13+$0x8000];
	v56 =	vsel vm7, $0x3F800000, v0;
	v58 =	vsel vm8, $0x3F800000, v0;
	v1 =	vmul.f32 v1, v50  }
0x156: {  	s13 =	sor.u32 $0x2A80, s12;
	v51 =	vld [tilespmem:s28+$0xB000];
	v34 =	vsub.f32 v34, v12;
	vm6 =	vlt.f32 v18, $5.000000000e-01;
	vm8 =	vlt.f32 v57, $5.000000000e-01  }
0x157: {  	v60 =	vld [tilespmem:s13+$0x0];
	v3 =	vmul.f32 v3, v33;
	v17 =	vadd.f32 v56, v17;
	v35 =	vadd.f32 v58, v35  }
0x158: {  	v61 =	vld [tilespmem:s13+$0x4000];
	v20 =	vmul.f32 v45, v20;
	v50 =	vnsel vm6, $0x40A00000, v40;
	v11 =	vnsel vm8, $0x40A00000, v55  }
0x159: {  	v38 =	vld [tilespmem:s13+$0x8000];
	s13 =	sor.u32 $0x2B80, s30;
	vm13 =	vle.f32 v1, $0.0e+00;
	v24 =	vmul.f32 v34, v24;
	v11 =	vsub.f32 v11, v4  }
0x15a: {  	v43 =	vld [tilespmem:s13+$0x0];
	vm12 =	vle.f32 v3, $0.0e+00;
	v3 =	vsub.f32 v16, v10;
	v39 =	vsel vm13, $0x3F800000, v0  }
0x15b: {  	v28 =	vld [tilespmem:s13+$0x8000];
	v48 =	vnsel vm5, $0x40A00000, v41;
	vm9 =	vle.f32 v20, $0.0e+00;
	vm5 =	vlt.f32 v49, $5.000000000e-01  }
0x15c: {  	v56 =	vld [tilespmem:s28+$0x3100];
	v62 =	vsel vm12, $0x3F800000, v0;
	v26 =	vadd.f32 v39, v26;
	vm4 =	vle.f32 v24, $0.0e+00  }
0x15d: {  	v58 =	vld [tilespmem:s28+$0x7100];
	v24 =	vsub.f32 v48, v7;
	vm7 =	vlt.f32 v53, $5.000000000e-01;
	v55 =	vsel vm9, $0x3F800000, v0  }
0x15e: {  	v40 =	vld [tilespmem:s28+$0x7200];
	v11 =	vmul.f32 v11, v59;
	v14 =	vnsel vm5, $0x40A00000, v47;
	v25 =	vadd.f32 v62, v25  }
0x15f: {  	v16 =	vld [tilespmem:s28+$0x2B00];
	v1 =	vmul.f32 v3, v29;
	v46 =	vsel vm4, $0x3F800000, v0;
	v15 =	vnsel vm7, $0x40A00000, v15  }
0x160: {  	v3 =	vld [tilespmem:s28+$0xAB00];
	vm12 =	vlt.f32 v61, $5.000000000e-01;
	v22 =	vadd.f32 v55, v22;
	v14 =	vsub.f32 v14, v8  }
0x161: {  	v23 =	vadd.f32 v46, v23;
	v24 =	vmul.f32 v24, v30;
	vm15 =	vle.f32 v1, $0.0e+00;
	v1 =	vld [tilespmem:s13+$0x4000];
	s13 =	sor.u32 $0x3080, s12  }
0x162: {  	v15 =	vsub.f32 v15, v5;
	v21 =	vnsel vm12, $0x40A00000, v60;
	vm14 =	vle.f32 v11, $0.0e+00;
	v52 =	vld [tilespmem:s13+$0x0]  }
0x163: {  	v60 =	vsub.f32 v21, v9;
	v62 =	vsel vm14, $0x3F800000, v0;
	v14 =	vmul.f32 v14, v51;
	v53 =	vld [tilespmem:s13+$0x4000]  }
0x164: {  	v44 =	vsel vm15, $0x3F800000, v0;
	v34 =	vld [tilespmem:s13+$0x8000];
	vm10 =	vle.f32 v24, $0.0e+00;
	v2 =	vmul.f32 v15, v2;
	s13 =	sor.u32 $0x3180, s12  }
0x165: {  	vm15 =	vlt.f32 v63, $5.000000000e-01;
	v45 =	vadd.f32 v62, v25;
	v29 =	vadd.f32 v44, v36;
	v61 =	vld [tilespmem:s13+$0x4000]  }
0x166: {  	v36 =	vsub.f32 v50, v6;
	v57 =	vsel vm10, $0x3F800000, v0;
	v63 =	vld [tilespmem:s13+$0x8000];
	v11 =	vmul.f32 v60, v38  }
0x167: {  	v16 =	vnsel vm15, $0x40A00000, v16;
	v50 =	vld [tilespmem:s28+$0x3300];
	vm10 =	vle.f32 v14, $0.0e+00;
	vm13 =	vle.f32 v2, $0.0e+00  }
0x168: {  	v60 =	vld [tilespmem:s28+$0xB800];
	v27 =	vadd.f32 v57, v27;
	v16 =	vsub.f32 v16, v10;
	v54 =	vmul.f32 v36, v37  }
0x169: {  	v2 =	vld [tilespmem:s13+$0x0];
	s13 =	sor.u32 $0x3280, s12;
	v59 =	vsel vm13, $0x3F800000, v0;
	vm6 =	vle.f32 v11, $0.0e+00;
	vm13 =	vlt.f32 v40, $5.000000000e-01  }
0x16a: {  	v44 =	vld [tilespmem:s13+$0x0];
	vm4 =	vlt.f32 v1, $5.000000000e-01;
	v41 =	vadd.f32 v59, v35;
	v3 =	vmul.f32 v16, v3  }
0x16b: {  	v47 =	vld [tilespmem:s13+$0x4000];
	v46 =	vsel vm6, $0x3F800000, v0;
	vm11 =	vle.f32 v54, $0.0e+00;
	v13 =	vnsel vm4, $0x40A00000, v43  }
0x16c: {  	v48 =	vld [tilespmem:s13+$0x8000];
	v25 =	vadd.f32 v46, v26;
	vm8 =	vlt.f32 v53, $5.000000000e-01;
	v54 =	vsel vm10, $0x3F800000, v0  }
0x16d: {  	v1 =	vld [tilespmem:s28+$0x3200];
	v20 =	vsel vm11, $0x3F800000, v0;
	v43 =	vsub.f32 v13, v12;
	vm7 =	vle.f32 v3, $0.0e+00  }
0x16e: {  	s13 =	sor.u32 $0x3380, s30;
	v59 =	vld [tilespmem:s28+$0x7800];
	v19 =	vnsel vm8, $0x40A00000, v52;
	vm11 =	vlt.f32 v58, $5.000000000e-01;
	vm12 =	vlt.f32 v61, $5.000000000e-01  }
0x16f: {  	v55 =	vld [tilespmem:s13+$0x0];
	v37 =	vadd.f32 v54, v22;
	v17 =	vadd.f32 v20, v17;
	v49 =	vsel vm7, $0x3F800000, v0  }
0x170: {  	s30 =	sor.u32 $0x3B80, s30;
	v58 =	vld [tilespmem:s28+$0x3800];
	v52 =	vsub.f32 v19, v7;
	v24 =	vnsel vm11, $0x40A00000, v56;
	v2 =	vnsel vm12, $0x40A00000, v2  }
0x171: {  	v54 =	vld [tilespmem:s30+$0x4000];
	v3 =	vmul.f32 v43, v28;
	v26 =	vadd.f32 v49, v29;
	v24 =	vsub.f32 v24, v6  }
0x172: {  	v57 =	vld [tilespmem:s13+$0x8000];
	v2 =	vsub.f32 v2, v5;
	vm14 =	vlt.f32 v47, $5.000000000e-01;
	v14 =	vmul.f32 v52, v34  }
0x173: {  	v53 =	vld [tilespmem:s28+$0xB300];
	v1 =	vnsel vm13, $0x40A00000, v1;
	v13 =	vnsel vm14, $0x40A00000, v44;
	vm10 =	vlt.f32 v59, $5.000000000e-01  }
0x174: {  	v56 =	vld [tilespmem:s13+$0x4000];
	s13 =	sor.u32 $0x3880, s12;
	vm9 =	vle.f32 v3, $0.0e+00;
	v24 =	vmul.f32 v24, v32;
	v1 =	vsub.f32 v1, v4  }
0x175: {  	v36 =	vld [tilespmem:s13+$0x4000];
	v2 =	vmul.f32 v2, v63;
	v13 =	vsub.f32 v13, v9;
	v51 =	vsel vm9, $0x3F800000, v0  }
0x176: {  	v3 =	vld [tilespmem:s28+$0x7300];
	vm15 =	vle.f32 v14, $0.0e+00;
	v44 =	vnsel vm10, $0x40A00000, v58;
	vm10 =	vlt.f32 v54, $5.000000000e-01  }
0x177: {  	v62 =	vld [tilespmem:s13+$0x0];
	v23 =	vadd.f32 v51, v23;
	v61 =	vsel vm15, $0x3F800000, v0;
	vm4 =	vle.f32 v24, $0.0e+00  }
0x178: {  	v47 =	vld [tilespmem:s28+$0x3A00];
	v1 =	vmul.f32 v1, v42;
	vm5 =	vle.f32 v2, $0.0e+00;
	v2 =	vmul.f32 v13, v48  }
0x179: {  	vm9 =	vlt.f32 v56, $5.000000000e-01;
	v42 =	vld [tilespmem:s28+$0xB900];
	v8 =	vsub.f32 v44, v8;
	v63 =	vsel vm4, $0x3F800000, v0  }
0x17a: {  	v51 =	vld [tilespmem:s28+$0x3B00];
	v38 =	vsel vm5, $0x3F800000, v0;
	v27 =	vadd.f32 v61, v27;
	v15 =	vnsel vm9, $0x40A00000, v55  }
0x17b: {  	vm11 =	vlt.f32 v36, $5.000000000e-01;
	vm6 =	vle.f32 v1, $0.0e+00;
	vm8 =	vlt.f32 v3, $5.000000000e-01;
	v3 =	vld [tilespmem:s28+$0x7900]  }
0x17c: {  	vm7 =	vle.f32 v2, $0.0e+00;
	v2 =	vld [tilespmem:s28+$0x3900];
	v17 =	vadd.f32 v63, v17;
	v20 =	vadd.f32 v38, v41  }
0x17d: {  	v1 =	vld [tilespmem:s13+$0x8000];
	s13 =	sor.u32 $0x3980, s12;
	v15 =	vsub.f32 v15, v12;
	v24 =	vnsel vm11, $0x40A00000, v62;
	v8 =	vmul.f32 v8, v60  }
0x17e: {  	v39 =	vsel vm6, $0x3F800000, v0;
	v40 =	vsel vm7, $0x3F800000, v0;
	v43 =	vld [tilespmem:s13+$0x0];
	v7 =	vsub.f32 v24, v7  }
0x17f: {  	s12 =	sor.u32 $0x3A80, s12;
	v41 =	vnsel vm8, $0x40A00000, v50;
	v16 =	vadd.f32 v39, v45;
	v45 =	vld [tilespmem:s13+$0x4000];
	v25 =	vadd.f32 v40, v25  }
0x180: {  	v15 =	vmul.f32 v15, v57;
	v50 =	vld [tilespmem:s12+$0x4000];
	vm15 =	vle.f32 v8, $0.0e+00;
	vm12 =	vlt.f32 v3, $5.000000000e-01  }
0x181: {  	v22 =	vsub.f32 v41, v10;
	v52 =	vsel vm15, $0x3F800000, v0;
	v3 =	vld [tilespmem:s28+$0x7A00];
	v2 =	vnsel vm12, $0x40A00000, v2  }
0x182: {  	v48 =	vld [tilespmem:s12+$0x0];
	vm14 =	vle.f32 v15, $0.0e+00;
	v1 =	vmul.f32 v7, v1;
	v2 =	vsub.f32 v2, v6  }
0x183: {  	v46 =	vld [tilespmem:s13+$0x8000];
	v13 =	vadd.f32 v52, v37;
	v19 =	vmul.f32 v22, v53;
	v15 =	vsel vm14, $0x3F800000, v0  }
0x184: {  	v15 =	vadd.f32 v15, v23;
	vm4 =	vle.f32 v1, $0.0e+00;
	v1 =	vmul.f32 v2, v42;
	v2 =	vld [tilespmem:s28+$0x7B00]  }
0x185: {  	v58 =	vld [tilespmem:s12+$0x8000];
	vm13 =	vle.f32 v19, $0.0e+00;
	vm5 =	vlt.f32 v45, $5.000000000e-01;
	vm8 =	vlt.f32 v50, $5.000000000e-01  }
0x186: {  	v49 =	vsel vm13, $0x3F800000, v0;
	v55 =	vnsel vm5, $0x40A00000, v43;
	vm7 =	vlt.f32 v3, $5.000000000e-01;
	v3 =	vld [tilespmem:s28+$0xBA00]  }
0x187: {  	v7 =	vnsel vm8, $0x40A00000, v48;
	v5 =	vsub.f32 v55, v5;
	vm6 =	vle.f32 v1, $0.0e+00;
	v1 =	vld [tilespmem:s30+$0x0]  }
0x188: {  	v53 =	vsel vm4, $0x3F800000, v0;
	v14 =	vadd.f32 v49, v26;
	v7 =	vsub.f32 v7, v9  }
0x189: {  	v5 =	vmul.f32 v5, v46;
	v57 =	vnsel vm7, $0x40A00000, v47;
	vm9 =	vlt.f32 v2, $5.000000000e-01;
	v2 =	vld [tilespmem:s28+$0xBB00]  }
0x18a: {  	v59 =	vld [tilespmem:s30+$0x8000];
	v19 =	vadd.f32 v53, v27;
	v6 =	vmul.f32 v7, v58;
	v4 =	vsub.f32 v57, v4  }
0x18b: {  	v56 =	vsel vm6, $0x3F800000, v0;
	vm11 =	vle.f32 v5, $0.0e+00;
	v8 =	vnsel vm9, $0x40A00000, v51  }
0x18c: {  	v3 =	vmul.f32 v4, v3;
	v1 =	vnsel vm10, $0x40A00000, v1;
	v60 =	vsub.f32 v8, v10  }
0x18d: {  	vm13 =	vle.f32 v6, $0.0e+00;
	v17 =	vadd.f32 v56, v17;
	v1 =	vsub.f32 v1, v12  }
0x18e: {  	[tilespmem:s28+$0x1A000] =	vst v13;
	v5 =	vsel vm11, $0x3F800000, v0;
	vm12 =	vle.f32 v3, $0.0e+00;
	v2 =	vmul.f32 v60, v2  }
0x18f: {  	v5 =	vadd.f32 v5, v20;
	[tilespmem:s20+$0x1A000] =	vst v19;
	v3 =	vsel vm12, $0x3F800000, v0;
	v1 =	vmul.f32 v1, v59  }
0x190: {  	p1 =	sne.s32 s26, $0xF0;
	v61 =	vsel vm13, $0x3F800000, v0;
	[tilespmem:s28+$0x1A100] =	vst v17;
	v3 =	vadd.f32 v3, v16;
	vm14 =	vle.f32 v2, $0.0e+00  }
.Ltmp2:
0x191: {  	[tilespmem:s19+$0x1A000] =	vst v5;
	v2 =	vadd.f32 v61, v25;
	vm15 =	vle.f32 v1, $0.0e+00;
	v62 =	vsel vm14, $0x3F800000, v0;
	(pc) =	sbr.rel @p1 .LBB2_3-.Ltmp2, $4  }
0x192: {  	[tilespmem:s28+$0x1A200] =	vst v3;
	v63 =	vsel vm15, $0x3F800000, v0;
	v1 =	vadd.f32 v62, v14  }
0x193: {  	v3 =	vadd.f32 v63, v15;
	[tilespmem:s29+$0x1A000] =	vst v2  }
0x194: {  	[tilespmem:s28+$0x1A300] =	vst v1  }
0x195: {  	s4 =	sadd.s32 $0x80, s4;
	s26 =	sadd.s32 $0x10, s26;
	[tilespmem:s17+$0x1A000] =	vst v3  }
0x196: {  	_ =	swait.ge [sflag:s25], $0x4000  }
0x197: {  	[sflag:s25] =	ssyncset.done $0x0  }
0x198: {  	[sflag:s25] =	ssyncadd.s32 $0xFFFFC000  }
0x199: {  	_ =	swait.ge [sflag:s25], $0x4000  }
0x19a: {  	p1 =	seq.s32 s0, $0x7;
	[sflag:s25] =	ssyncset.done $0x0  }
0x19b: {  	s4 =	sshll.u32 @!p1 s0, $0xF;
	[sflag:s25] =	ssyncadd.s32 $0xFFFFC000  }
0x19c: {  	s4 =	sadd.s32 @!p1 s4, s11;
	_ =	swait.ge [sflag:s25], $0x4000  }
0x19d: {  	s4 =	sshrl.u32 @!p1 s4, $0x3;
	[sflag:s25] =	ssyncset.done $0x0  }
0x19e: {  	s13 =	simm.s32 @!p1 $0x0;
	s12 =	sadd.s32 @!p1 s1, s4;
	[sflag:s25] =	ssyncadd.s32 $0xFFFFC000  }
0x19f: {  	[tilespmem:s13], [sflag:$0x1] =	stream.linear.gather @!p1 [hbm4b:s12+s13], $0x4000, $0x38;
	[tilespmem:$0x1A800] =	vst v63  }
0x1a0: {  	s17 =	simm.s32 @!p1 $0x4000;
	s12 =	sadd.s32 @!p1 s2, s4  }
0x1a1: {  	[tilespmem:s17], [sflag:$0x1] =	stream.linear.gather @!p1 [hbm4b:s12+s13], $0x4000, $0x38;
	[tilespmem:$0x1A800] =	vst v63  }
0x1a2: {  	s4 =	sadd.s32 @!p1 s3, s4;
	s12 =	simm.s32 @!p1 $0x8000  }
0x1a3: {  	[tilespmem:s12], [sflag:$0x1] =	stream.linear.gather @!p1 [hbm4b:s4+s13], $0x4000, $0x38;
	[tilespmem:$0x1A800] =	vst v63  }
0x1a4: {  	s26 =	simm.s32 $0x0;
	s4 =	simm.s32 $0x0  }
.LBB2_5:
0x1a5: {  	s13 =	sand.u32 $0x70, s26;
	s17 =	sand.u32 $0x400, s4  }
0x1a6: {  	s28 =	sor.u32 s13, s17  }
0x1a7: {  	v14 =	vld [tilespmem:s28+$0x1A000]  }
0x1a8: {  	v17 =	vld [tilespmem:s28+$0x1A100]  }
0x1a9: {  	v19 =	vld [tilespmem:s28+$0x1A200]  }
0x1aa: {  	v8 =	vld [tilespmem:s28+$0x19800]  }
0x1ab: {  	v6 =	vld [tilespmem:s28+$0x19900]  }
0x1ac: {  	s30 =	sor.u32 s26, s4;
	v4 =	vld [tilespmem:s28+$0x19A00]  }
0x1ad: {  	s17 =	sor.u32 $0x380, s30;
	v10 =	vld [tilespmem:s28+$0x19B00]  }
0x1ae: {  	v12 =	vld [tilespmem:s17+$0x19800]  }
0x1af: {  	v11 =	vld [tilespmem:s28+$0xC000]  }
0x1b0: {  	v16 =	vld [tilespmem:s28+$0x10000]  }
0x1b1: {  	v18 =	vld [tilespmem:s28+$0x14000]  }
0x1b2: {  	v28 =	vld [tilespmem:s28+$0xC100]  }
0x1b3: {  	v29 =	vld [tilespmem:s28+$0x10100]  }
0x1b4: {  	v30 =	vld [tilespmem:s28+$0x14100]  }
0x1b5: {  	v39 =	vld [tilespmem:s28+$0xC200]  }
0x1b6: {  	v40 =	vld [tilespmem:s28+$0x10200]  }
0x1b7: {  	v42 =	vld [tilespmem:s28+$0x14200]  }
0x1b8: {  	v48 =	vld [tilespmem:s28+$0xC300]  }
0x1b9: {  	v49 =	vld [tilespmem:s28+$0x10300]  }
0x1ba: {  	v50 =	vld [tilespmem:s28+$0x14300]  }
0x1bb: {  	v51 =	vld [tilespmem:s17+$0xC000]  }
0x1bc: {  	v52 =	vld [tilespmem:s17+$0x10000]  }
0x1bd: {  	v53 =	vld [tilespmem:s17+$0x14000]  }
0x1be: {  	v54 =	vld [tilespmem:s28+$0xC800]  }
0x1bf: {  	v55 =	vld [tilespmem:s28+$0x10800]  }
0x1c0: {  	v56 =	vld [tilespmem:s28+$0x14800]  }
0x1c1: {  	v60 =	vld [tilespmem:s28+$0xC900]  }
0x1c2: {  	v61 =	vld [tilespmem:s28+$0x10900]  }
0x1c3: {  	v62 =	vld [tilespmem:s28+$0x14900]  }
0x1c4: {  	v3 =	vld [tilespmem:s28+$0xCA00]  }
0x1c5: {  	v2 =	vld [tilespmem:s28+$0x10A00]  }
0x1c6: {  	v44 =	vld [tilespmem:s28+$0x14A00]  }
0x1c7: {  	v24 =	vld [tilespmem:s28+$0xCB00]  }
0x1c8: {  	v32 =	vld [tilespmem:s28+$0x10B00]  }
0x1c9: {  	s12 =	sand.u32 $0xFFFFFC00, s4;
	v25 =	vld [tilespmem:s28+$0x14B00]  }
0x1ca: {  	s12 =	sadd.s32 s12, s26;
	v26 =	vld [tilespmem:s28+$0xD000]  }
0x1cb: {  	s20 =	sor.u32 $0x80, s12;
	v35 =	vld [tilespmem:s28+$0x11000]  }
0x1cc: {  	s19 =	sor.u32 $0x180, s12;
	v15 =	vld [tilespmem:s20+$0x1A000]  }
0x1cd: {  	s29 =	sor.u32 $0x280, s12;
	v22 =	vld [tilespmem:s19+$0x1A000]  }
0x1ce: {  	v1 =	vld [tilespmem:s29+$0x1A000]  }
0x1cf: {  	v7 =	vld [tilespmem:s20+$0x19800]  }
0x1d0: {  	v5 =	vld [tilespmem:s19+$0x19800]  }
0x1d1: {  	v9 =	vld [tilespmem:s29+$0x19800]  }
0x1d2: {  	v20 =	vld [tilespmem:s20+$0xC000]  }
0x1d3: {  	v21 =	vld [tilespmem:s20+$0x10000]  }
0x1d4: {  	v27 =	vld [tilespmem:s20+$0x14000]  }
0x1d5: {  	v31 =	vld [tilespmem:s19+$0xC000]  }
0x1d6: {  	v36 =	vld [tilespmem:s19+$0x10000]  }
0x1d7: {  	v37 =	vld [tilespmem:s19+$0x14000]  }
0x1d8: {  	v45 =	vld [tilespmem:s29+$0xC000]  }
0x1d9: {  	v46 =	vld [tilespmem:s29+$0x10000]  }
0x1da: {  	s13 =	sor.u32 $0x880, s12;
	v47 =	vld [tilespmem:s29+$0x14000]  }
0x1db: {  	v57 =	vld [tilespmem:s13+$0xC000]  }
0x1dc: {  	v58 =	vld [tilespmem:s13+$0x10000]  }
0x1dd: {  	v59 =	vld [tilespmem:s13+$0x14000];
	s13 =	sor.u32 $0x980, s12  }
0x1de: {  	v63 =	vld [tilespmem:s13+$0xC000]  }
0x1df: {  	[tilespmem:$0x1FF80] =	vst v1;
	v1 =	vld [tilespmem:s28+$0x1A300]  }
0x1e0: {  	v43 =	vld [tilespmem:s13+$0x14000];
	vm0 =	vlt.f32 v16, $5.000000000e-01;
	vm6 =	vlt.f32 v49, $5.000000000e-01  }
0x1e1: {  	v49 =	vld [tilespmem:s28+$0x11200];
	v11 =	vnsel vm0, $0x40A00000, v11;
	vm10 =	vlt.f32 v21, $5.000000000e-01;
	vm12 =	vlt.f32 v36, $5.000000000e-01  }
0x1e2: {  	vm5 =	vlt.f32 v46, $5.000000000e-01;
	v46 =	vnsel vm6, $0x40A00000, v48;
	v48 =	vld [tilespmem:s28+$0x15200];
	v34 =	vsub.f32 v11, v8  }
0x1e3: {  	v11 =	vld [tilespmem:s28+$0x15000];
	v20 =	vnsel vm10, $0x40A00000, v20;
	v36 =	vnsel vm12, $0x40A00000, v31;
	vm12 =	vlt.f32 v58, $5.000000000e-01  }
0x1e4: {  	v20 =	vsub.f32 v20, v7;
	v58 =	vnsel vm12, $0x40A00000, v57;
	v18 =	vmul.f32 v34, v18;
	[tilespmem:$0x1FF90] =	vst v1;
	v1 =	vld [tilespmem:s17+$0x1A000]  }
0x1e5: {  	v57 =	vsub.f32 v58, v7;
	v58 =	vld [tilespmem:$0x1FF80]  }
0x1e6: {  	vm11 =	vlt.f32 v29, $5.000000000e-01;
	v29 =	vmul.f32 v20, v27;
	v20 =	vld [tilespmem:s28+$0xD100];
	vm1 =	vle.f32 v18, $0.0e+00  }
0x1e7: {  	v27 =	vld [tilespmem:s28+$0x11100];
	v18 =	vnsel vm11, $0x40A00000, v28;
	v28 =	vsub.f32 v36, v5;
	v36 =	vsel vm1, $0x3F800000, v0  }
0x1e8: {  	v31 =	vadd.f32 v36, v14;
	v14 =	vld [tilespmem:s28+$0x15100]  }
0x1e9: {  	[tilespmem:$0x1FFA0] =	vst v1;
	v1 =	vld [tilespmem:s13+$0x10000];
	s13 =	sor.u32 $0xA80, s12  }
0x1ea: {  	vm14 =	vlt.f32 v40, $5.000000000e-01;
	v18 =	vsub.f32 v18, v6;
	v38 =	vld [tilespmem:s13+$0xC000]  }
0x1eb: {  	vm7 =	vlt.f32 v52, $5.000000000e-01;
	vm8 =	vlt.f32 v55, $5.000000000e-01;
	v39 =	vnsel vm14, $0x40A00000, v39;
	v13 =	vld [tilespmem:s13+$0x10000]  }
0x1ec: {  	v55 =	vnsel vm8, $0x40A00000, v54;
	vm13 =	vle.f32 v29, $0.0e+00;
	v29 =	vmul.f32 v18, v30;
	v23 =	vld [tilespmem:s13+$0x14000];
	s13 =	sor.u32 $0xB80, s30  }
0x1ed: {  	[tilespmem:$0x1FFB0] =	vst v25;
	v40 =	vsub.f32 v39, v4;
	v30 =	vmul.f32 v28, v37;
	v37 =	vsel vm13, $0x3F800000, v0;
	v25 =	vld [tilespmem:s13+$0xC000]  }
0x1ee: {  	v55 =	vsub.f32 v55, v8;
	v36 =	vadd.f32 v37, v15;
	vm15 =	vle.f32 v29, $0.0e+00;
	v33 =	vld [tilespmem:s13+$0x10000]  }
0x1ef: {  	vm4 =	vle.f32 v30, $0.0e+00;
	v30 =	vmul.f32 v40, v42;
	v29 =	vsel vm15, $0x3F800000, v0;
	v16 =	vld [tilespmem:s13+$0x14000]  }
0x1f0: {  	v45 =	vnsel vm5, $0x40A00000, v45;
	v42 =	vsub.f32 v46, v10;
	v17 =	vadd.f32 v29, v17;
	v29 =	vld [tilespmem:s28+$0xD200]  }
0x1f1: {  	v40 =	vsub.f32 v45, v9;
	v37 =	vsel vm4, $0x3F800000, v0;
	vm9 =	vle.f32 v30, $0.0e+00;
	v30 =	vld [tilespmem:s28+$0xD300]  }
0x1f2: {  	v45 =	vnsel vm7, $0x40A00000, v51;
	v51 =	vadd.f32 v37, v22;
	v52 =	vmul.f32 v42, v50;
	v37 =	vld [tilespmem:s28+$0x11300]  }
0x1f3: {  	s13 =	sor.u32 $0x1080, s12;
	v42 =	vmul.f32 v55, v56;
	v56 =	vmul.f32 v57, v59;
	v59 =	vld [tilespmem:s28+$0x11800]  }
0x1f4: {  	v34 =	vld [tilespmem:s13+$0xC000]  }
0x1f5: {  	v41 =	vld [tilespmem:s13+$0x10000]  }
0x1f6: {  	v21 =	vld [tilespmem:s13+$0x14000];
	s13 =	sor.u32 $0x1180, s12  }
0x1f7: {  	v18 =	vld [tilespmem:s13+$0xC000]  }
0x1f8: {  	v22 =	vmul.f32 v40, v47;
	v28 =	vld [tilespmem:s13+$0x10000]  }
0x1f9: {  	v15 =	vld [tilespmem:s13+$0x14000]  }
0x1fa: {  	vm10 =	vle.f32 v22, $0.0e+00;
	v22 =	vld [tilespmem:s28+$0x15300]  }
0x1fb: {  	s13 =	sor.u32 $0x1280, s12;
	vm14 =	vle.f32 v42, $0.0e+00;
	v42 =	vld [tilespmem:s28+$0xD800]  }
0x1fc: {  	v39 =	vld [tilespmem:s13+$0xC000]  }
0x1fd: {  	v54 =	vsub.f32 v45, v12;
	v47 =	vld [tilespmem:s13+$0x10000]  }
0x1fe: {  	v46 =	vld [tilespmem:s13+$0x14000]  }
0x1ff: {  	v45 =	vsel vm9, $0x3F800000, v0;
	v40 =	vmul.f32 v54, v53;
	s13 =	sor.u32 $0x1380, s30;
	vm4 =	vlt.f32 v1, $5.000000000e-01;
	v1 =	vld [tilespmem:$0x1FF90]  }
0x200: {  	vm15 =	vlt.f32 v61, $5.000000000e-01;
	v53 =	vadd.f32 v45, v19;
	v19 =	vld [tilespmem:s13+$0xC000]  }
0x201: {  	v61 =	vnsel vm15, $0x40A00000, v60;
	vm13 =	vle.f32 v40, $0.0e+00;
	v40 =	vld [tilespmem:s13+$0x10000]  }
0x202: {  	vm5 =	vlt.f32 v2, $5.000000000e-01;
	v57 =	vsub.f32 v61, v6;
	v45 =	vld [tilespmem:s13+$0x14000]  }
0x203: {  	v2 =	vnsel vm5, $0x40A00000, v3;
	vm11 =	vle.f32 v52, $0.0e+00;
	s13 =	sor.u32 $0x1880, s12;
	vm8 =	vlt.f32 v13, $5.000000000e-01;
	v13 =	vld [tilespmem:s28+$0xD900]  }
0x204: {  	vm6 =	vle.f32 v56, $0.0e+00;
	v50 =	vsel vm10, $0x3F800000, v0;
	v3 =	vmul.f32 v57, v62;
	v57 =	vld [tilespmem:s13+$0xC000]  }
0x205: {  	v52 =	vsel vm11, $0x3F800000, v0;
	v55 =	vsel vm14, $0x3F800000, v0;
	v50 =	vadd.f32 v50, v58;
	v60 =	vld [tilespmem:s13+$0x10000]  }
0x206: {  	v31 =	vadd.f32 v55, v31;
	v55 =	vsel vm6, $0x3F800000, v0;
	v58 =	vsub.f32 v2, v4;
	v2 =	vld [tilespmem:s13+$0x14000]  }
0x207: {  	vm11 =	vlt.f32 v32, $5.000000000e-01;
	v54 =	vsel vm13, $0x3F800000, v0;
	v36 =	vadd.f32 v55, v36;
	s13 =	sor.u32 $0x1980, s12;
	v55 =	vld [tilespmem:$0x1FFB0]  }
0x208: {  	v63 =	vnsel vm4, $0x40A00000, v63;
	v24 =	vnsel vm11, $0x40A00000, v24;
	vm13 =	vlt.f32 v35, $5.000000000e-01;
	v32 =	vld [tilespmem:s13+$0xC000]  }
0x209: {  	vm6 =	vlt.f32 v27, $5.000000000e-01;
	v56 =	vsub.f32 v63, v5;
	vm12 =	vlt.f32 v33, $5.000000000e-01;
	v33 =	vld [tilespmem:s13+$0x10000]  }
0x20a: {  	vm7 =	vle.f32 v3, $0.0e+00;
	v38 =	vnsel vm8, $0x40A00000, v38;
	v24 =	vsub.f32 v24, v10;
	v35 =	vld [tilespmem:s13+$0x14000]  }
0x20b: {  	v61 =	vsel vm7, $0x3F800000, v0;
	v38 =	vsub.f32 v38, v9;
	v3 =	vmul.f32 v56, v43;
	v43 =	vld [tilespmem:s28+$0x15900]  }
0x20c: {  	v25 =	vnsel vm12, $0x40A00000, v25;
	vm14 =	vlt.f32 v41, $5.000000000e-01;
	v52 =	vadd.f32 v52, v1;
	v1 =	vld [tilespmem:$0x1FFA0]  }
0x20d: {  	s13 =	sor.u32 $0x1A80, s12;
	v17 =	vadd.f32 v61, v17;
	v34 =	vnsel vm14, $0x40A00000, v34;
	v23 =	vmul.f32 v38, v23;
	v38 =	vld [tilespmem:s28+$0xDA00]  }
0x20e: {  	v58 =	vmul.f32 v58, v44;
	v25 =	vsub.f32 v25, v12;
	v61 =	vsub.f32 v34, v7;
	v34 =	vld [tilespmem:s13+$0xC000]  }
0x20f: {  	v26 =	vnsel vm13, $0x40A00000, v26;
	v20 =	vnsel vm6, $0x40A00000, v20;
	vm9 =	vle.f32 v3, $0.0e+00;
	v3 =	vld [tilespmem:s28+$0x11900]  }
0x210: {  	v20 =	vsub.f32 v20, v6;
	vm10 =	vle.f32 v58, $0.0e+00;
	v16 =	vmul.f32 v25, v16;
	v25 =	vld [tilespmem:s28+$0x15A00]  }
0x211: {  	v56 =	vsub.f32 v26, v8;
	v63 =	vsel vm10, $0x3F800000, v0;
	vm10 =	vlt.f32 v49, $5.000000000e-01;
	v49 =	vld [tilespmem:s28+$0x12000]  }
0x212: {  	vm14 =	vlt.f32 v37, $5.000000000e-01;
	v62 =	vsel vm9, $0x3F800000, v0;
	vm9 =	vlt.f32 v28, $5.000000000e-01;
	v28 =	vld [tilespmem:s28+$0x15B00]  }
0x213: {  	v30 =	vnsel vm14, $0x40A00000, v30;
	v11 =	vmul.f32 v56, v11;
	v44 =	vadd.f32 v62, v51;
	v51 =	vld [tilespmem:s28+$0x11A00]  }
0x214: {  	v14 =	vmul.f32 v20, v14;
	v30 =	vsub.f32 v30, v10;
	vm5 =	vle.f32 v16, $0.0e+00;
	v16 =	vld [tilespmem:s13+$0x10000]  }
0x215: {  	v41 =	vadd.f32 v63, v53;
	vm7 =	vle.f32 v11, $0.0e+00;
	v11 =	vld [tilespmem:s28+$0xDB00]  }
0x216: {  	v24 =	vmul.f32 v24, v55;
	vm12 =	vle.f32 v14, $0.0e+00;
	v22 =	vmul.f32 v30, v22;
	v30 =	vld [tilespmem:s28+$0x12100]  }
0x217: {  	v21 =	vmul.f32 v61, v21;
	v53 =	vsel vm12, $0x3F800000, v0;
	vm12 =	vlt.f32 v33, $5.000000000e-01;
	v33 =	vld [tilespmem:s28+$0x16200]  }
0x218: {  	vm6 =	vlt.f32 v59, $5.000000000e-01;
	vm4 =	vle.f32 v24, $0.0e+00;
	v24 =	vld [tilespmem:s13+$0x14000]  }
0x219: {  	v42 =	vnsel vm6, $0x40A00000, v42;
	vm11 =	vlt.f32 v47, $5.000000000e-01;
	vm8 =	vle.f32 v21, $0.0e+00;
	v21 =	vld [tilespmem:s28+$0x11B00]  }
0x21a: {  	v42 =	vsub.f32 v42, v8;
	v63 =	vsel vm5, $0x3F800000, v0;
	vm5 =	vlt.f32 v40, $5.000000000e-01;
	v40 =	vld [tilespmem:s28+$0xE100]  }
0x21b: {  	vm15 =	vle.f32 v23, $0.0e+00;
	v29 =	vnsel vm10, $0x40A00000, v29;
	s13 =	sor.u32 $0x1B80, s30;
	v54 =	vadd.f32 v54, v1;
	v1 =	vld [tilespmem:s28+$0x15800]  }
0x21c: {  	v61 =	vnsel vm11, $0x40A00000, v39;
	v58 =	vsel vm15, $0x3F800000, v0;
	v18 =	vnsel vm9, $0x40A00000, v18;
	v20 =	vld [tilespmem:s13+$0xC000]  }
0x21d: {  	v26 =	vadd.f32 v58, v50;
	v56 =	vsel vm7, $0x3F800000, v0;
	v18 =	vsub.f32 v18, v5;
	v47 =	vld [tilespmem:s13+$0x10000]  }
0x21e: {  	v17 =	vadd.f32 v53, v17;
	vm7 =	vlt.f32 v60, $5.000000000e-01;
	v62 =	vsel vm4, $0x3F800000, v0;
	v39 =	vld [tilespmem:s13+$0x14000]  }
0x21f: {  	v32 =	vnsel vm12, $0x40A00000, v32;
	v50 =	vadd.f32 v62, v52;
	v62 =	vmul.f32 v18, v15;
	v18 =	vld [tilespmem:s28+$0xE000]  }
0x220: {  	v58 =	vsel vm8, $0x3F800000, v0;
	v27 =	vadd.f32 v56, v31;
	v31 =	vsub.f32 v61, v9;
	s13 =	sor.u32 $0x2080, s12;
	v15 =	vld [tilespmem:s28+$0x16000]  }
0x221: {  	v19 =	vnsel vm5, $0x40A00000, v19;
	v59 =	vnsel vm7, $0x40A00000, v57;
	vm9 =	vle.f32 v22, $0.0e+00;
	v37 =	vld [tilespmem:s13+$0xC000]  }
0x222: {  	v53 =	vsub.f32 v32, v5;
	v14 =	vld [tilespmem:s13+$0x10000];
	v19 =	vsub.f32 v19, v12;
	v31 =	vmul.f32 v31, v46  }
0x223: {  	vm8 =	vlt.f32 v3, $5.000000000e-01;
	v60 =	vsub.f32 v59, v7;
	v61 =	vsel vm9, $0x3F800000, v0;
	v46 =	vld [tilespmem:s28+$0x16100]  }
0x224: {  	v23 =	vadd.f32 v63, v54;
	v63 =	vsub.f32 v29, v4;
	vm4 =	vle.f32 v31, $0.0e+00;
	v31 =	vld [tilespmem:s13+$0x14000]  }
0x225: {  	v29 =	vadd.f32 v58, v36;
	vm13 =	vle.f32 v62, $0.0e+00;
	s13 =	sor.u32 $0x2180, s12;
	vm5 =	vlt.f32 v21, $5.000000000e-01;
	v21 =	vld [tilespmem:s28+$0x12300]  }
0x226: {  	v13 =	vnsel vm8, $0x40A00000, v13;
	v19 =	vmul.f32 v19, v45;
	v55 =	vsel vm13, $0x3F800000, v0;
	v3 =	vld [tilespmem:s13+$0xC000]  }
0x227: {  	v13 =	vsub.f32 v13, v6;
	v54 =	vmul.f32 v63, v48;
	v36 =	vadd.f32 v55, v44;
	v44 =	vld [tilespmem:s13+$0x10000]  }
0x228: {  	v58 =	vsel vm4, $0x3F800000, v0;
	v1 =	vmul.f32 v42, v1;
	v42 =	vld [tilespmem:s13+$0x14000];
	vm10 =	vle.f32 v19, $0.0e+00  }
0x229: {  	v19 =	vld [tilespmem:s28+$0xE200];
	v13 =	vmul.f32 v13, v43;
	v43 =	vadd.f32 v61, v50;
	vm4 =	vlt.f32 v16, $5.000000000e-01  }
0x22a: {  	s13 =	sor.u32 $0x2280, s12;
	v16 =	vld [tilespmem:s28+$0xE300];
	v11 =	vnsel vm5, $0x40A00000, v11;
	vm8 =	vlt.f32 v47, $5.000000000e-01;
	vm15 =	vle.f32 v54, $0.0e+00  }
0x22b: {  	v26 =	vadd.f32 v58, v26;
	v62 =	vsel vm10, $0x3F800000, v0;
	v32 =	vld [tilespmem:s13+$0x10000];
	v34 =	vnsel vm4, $0x40A00000, v34  }
0x22c: {  	v50 =	vld [tilespmem:s13+$0x14000];
	v11 =	vsub.f32 v11, v10;
	v20 =	vnsel vm8, $0x40A00000, v20;
	vm12 =	vlt.f32 v14, $5.000000000e-01  }
0x22d: {  	v56 =	vsel vm15, $0x3F800000, v0;
	vm11 =	vle.f32 v1, $0.0e+00;
	v1 =	vmul.f32 v60, v2;
	v2 =	vld [tilespmem:s28+$0x12200]  }
0x22e: {  	vm14 =	vle.f32 v13, $0.0e+00;
	v23 =	vadd.f32 v62, v23;
	v62 =	vsub.f32 v20, v12;
	v20 =	vld [tilespmem:s28+$0x16800]  }
0x22f: {  	vm15 =	vlt.f32 v51, $5.000000000e-01;
	v13 =	vmul.f32 v53, v35;
	v11 =	vmul.f32 v11, v28;
	v28 =	vld [tilespmem:s28+$0xE800]  }
0x230: {  	v57 =	vsub.f32 v34, v9;
	v37 =	vnsel vm12, $0x40A00000, v37;
	vm13 =	vle.f32 v1, $0.0e+00;
	v1 =	vld [tilespmem:s13+$0xC000]  }
0x231: {  	v41 =	vadd.f32 v56, v41;
	v55 =	vnsel vm15, $0x40A00000, v38;
	vm6 =	vle.f32 v13, $0.0e+00;
	v13 =	vld [tilespmem:s28+$0x12800]  }
0x232: {  	v63 =	vsel vm11, $0x3F800000, v0;
	v54 =	vsel vm14, $0x3F800000, v0;
	v35 =	vsub.f32 v55, v4;
	v55 =	vld [tilespmem:s28+$0xEA00]  }
0x233: {  	vm11 =	vlt.f32 v49, $5.000000000e-01;
	v37 =	vsub.f32 v37, v7;
	s13 =	sor.u32 $0x2380, s30;
	v59 =	vmul.f32 v57, v24;
	v57 =	vld [tilespmem:s28+$0x12A00]  }
0x234: {  	v22 =	vadd.f32 v63, v27;
	v17 =	vadd.f32 v54, v17;
	v18 =	vnsel vm11, $0x40A00000, v18;
	v34 =	vld [tilespmem:s13+$0xC000]  }
0x235: {  	v52 =	vsel vm13, $0x3F800000, v0;
	v58 =	vsel vm6, $0x3F800000, v0;
	v38 =	vld [tilespmem:s13+$0x10000];
	vm10 =	vle.f32 v11, $0.0e+00  }
0x236: {  	v24 =	vld [tilespmem:s13+$0x14000];
	v11 =	vmul.f32 v62, v39;
	v18 =	vsub.f32 v18, v8;
	vm13 =	vlt.f32 v30, $5.000000000e-01  }
0x237: {  	vm14 =	vlt.f32 v44, $5.000000000e-01;
	v47 =	vmul.f32 v37, v31;
	v37 =	vld [tilespmem:s28+$0x16900];
	v27 =	vadd.f32 v52, v29  }
0x238: {  	s13 =	sor.u32 $0x2880, s12;
	v29 =	vld [tilespmem:s28+$0x16300];
	v56 =	vmul.f32 v35, v25;
	v35 =	vadd.f32 v58, v36;
	vm9 =	vle.f32 v59, $0.0e+00  }
0x239: {  	v63 =	vsel vm10, $0x3F800000, v0;
	v14 =	vld [tilespmem:s13+$0x10000];
	v45 =	vnsel vm13, $0x40A00000, v40;
	v3 =	vnsel vm14, $0x40A00000, v3  }
0x23a: {  	v30 =	vld [tilespmem:s13+$0x14000];
	vm10 =	vlt.f32 v21, $5.000000000e-01;
	v61 =	vsel vm9, $0x3F800000, v0;
	v36 =	vadd.f32 v63, v43  }
0x23b: {  	v40 =	vld [tilespmem:s28+$0xE900];
	v15 =	vmul.f32 v18, v15;
	vm15 =	vle.f32 v11, $0.0e+00;
	v48 =	vsub.f32 v45, v6  }
0x23c: {  	v59 =	vld [tilespmem:s28+$0x16A00];
	v3 =	vsub.f32 v3, v5;
	vm5 =	vle.f32 v47, $0.0e+00;
	vm6 =	vlt.f32 v2, $5.000000000e-01  }
0x23d: {  	v18 =	vld [tilespmem:s28+$0x12900];
	vm9 =	vlt.f32 v32, $5.000000000e-01;
	v16 =	vnsel vm10, $0x40A00000, v16;
	vm7 =	vle.f32 v56, $0.0e+00  }
0x23e: {  	v63 =	vld [tilespmem:s28+$0x12B00];
	v26 =	vadd.f32 v61, v26;
	v49 =	vsel vm15, $0x3F800000, v0;
	v54 =	vsel vm5, $0x3F800000, v0  }
0x23f: {  	v47 =	vld [tilespmem:s28+$0xF000];
	v19 =	vnsel vm6, $0x40A00000, v19;
	v60 =	vsel vm7, $0x3F800000, v0;
	vm4 =	vle.f32 v15, $0.0e+00  }
0x240: {  	v32 =	vld [tilespmem:s28+$0x17100];
	v52 =	vmul.f32 v48, v46;
	v3 =	vmul.f32 v3, v42;
	v23 =	vadd.f32 v49, v23  }
0x241: {  	v1 =	vnsel vm9, $0x40A00000, v1;
	v27 =	vadd.f32 v54, v27;
	vm14 =	vlt.f32 v13, $5.000000000e-01;
	v49 =	vld [tilespmem:s28+$0x13000]  }
0x242: {  	v42 =	vld [tilespmem:s28+$0x17200];
	v25 =	vadd.f32 v60, v41;
	v51 =	vsel vm4, $0x3F800000, v0;
	v1 =	vsub.f32 v1, v9  }
0x243: {  	v41 =	vld [tilespmem:s13+$0xC000];
	s13 =	sor.u32 $0x2980, s12;
	vm11 =	vlt.f32 v38, $5.000000000e-01;
	v28 =	vnsel vm14, $0x40A00000, v28;
	vm7 =	vle.f32 v52, $0.0e+00  }
0x244: {  	v15 =	vld [tilespmem:s13+$0xC000];
	vm8 =	vle.f32 v3, $0.0e+00;
	v3 =	vsub.f32 v19, v4;
	v22 =	vadd.f32 v51, v22  }
0x245: {  	v53 =	vld [tilespmem:s13+$0x10000];
	v34 =	vnsel vm11, $0x40A00000, v34;
	v45 =	vsub.f32 v28, v8;
	vm5 =	vlt.f32 v14, $5.000000000e-01  }
0x246: {  	v2 =	vld [tilespmem:s13+$0x14000];
	v56 =	vsel vm7, $0x3F800000, v0;
	v58 =	vsel vm8, $0x3F800000, v0;
	v1 =	vmul.f32 v1, v50  }
0x247: {  	s13 =	sor.u32 $0x2A80, s12;
	v51 =	vld [tilespmem:s28+$0x17000];
	v34 =	vsub.f32 v34, v12;
	vm6 =	vlt.f32 v18, $5.000000000e-01;
	vm8 =	vlt.f32 v57, $5.000000000e-01  }
0x248: {  	v60 =	vld [tilespmem:s13+$0xC000];
	v3 =	vmul.f32 v3, v33;
	v17 =	vadd.f32 v56, v17;
	v35 =	vadd.f32 v58, v35  }
0x249: {  	v61 =	vld [tilespmem:s13+$0x10000];
	v20 =	vmul.f32 v45, v20;
	v50 =	vnsel vm6, $0x40A00000, v40;
	v11 =	vnsel vm8, $0x40A00000, v55  }
0x24a: {  	v38 =	vld [tilespmem:s13+$0x14000];
	s13 =	sor.u32 $0x2B80, s30;
	vm13 =	vle.f32 v1, $0.0e+00;
	v24 =	vmul.f32 v34, v24;
	v11 =	vsub.f32 v11, v4  }
0x24b: {  	v43 =	vld [tilespmem:s13+$0xC000];
	vm12 =	vle.f32 v3, $0.0e+00;
	v3 =	vsub.f32 v16, v10;
	v39 =	vsel vm13, $0x3F800000, v0  }
0x24c: {  	v28 =	vld [tilespmem:s13+$0x14000];
	v48 =	vnsel vm5, $0x40A00000, v41;
	vm9 =	vle.f32 v20, $0.0e+00;
	vm5 =	vlt.f32 v49, $5.000000000e-01  }
0x24d: {  	v56 =	vld [tilespmem:s28+$0xF100];
	v62 =	vsel vm12, $0x3F800000, v0;
	v26 =	vadd.f32 v39, v26;
	vm4 =	vle.f32 v24, $0.0e+00  }
0x24e: {  	v58 =	vld [tilespmem:s28+$0x13100];
	v24 =	vsub.f32 v48, v7;
	vm7 =	vlt.f32 v53, $5.000000000e-01;
	v55 =	vsel vm9, $0x3F800000, v0  }
0x24f: {  	v40 =	vld [tilespmem:s28+$0x13200];
	v11 =	vmul.f32 v11, v59;
	v14 =	vnsel vm5, $0x40A00000, v47;
	v25 =	vadd.f32 v62, v25  }
0x250: {  	v16 =	vld [tilespmem:s28+$0xEB00];
	v1 =	vmul.f32 v3, v29;
	v46 =	vsel vm4, $0x3F800000, v0;
	v15 =	vnsel vm7, $0x40A00000, v15  }
0x251: {  	v3 =	vld [tilespmem:s28+$0x16B00];
	vm12 =	vlt.f32 v61, $5.000000000e-01;
	v22 =	vadd.f32 v55, v22;
	v14 =	vsub.f32 v14, v8  }
0x252: {  	v23 =	vadd.f32 v46, v23;
	v24 =	vmul.f32 v24, v30;
	vm15 =	vle.f32 v1, $0.0e+00;
	v1 =	vld [tilespmem:s13+$0x10000];
	s13 =	sor.u32 $0x3080, s12  }
0x253: {  	v15 =	vsub.f32 v15, v5;
	v21 =	vnsel vm12, $0x40A00000, v60;
	vm14 =	vle.f32 v11, $0.0e+00;
	v52 =	vld [tilespmem:s13+$0xC000]  }
0x254: {  	v60 =	vsub.f32 v21, v9;
	v62 =	vsel vm14, $0x3F800000, v0;
	v14 =	vmul.f32 v14, v51;
	v53 =	vld [tilespmem:s13+$0x10000]  }
0x255: {  	v44 =	vsel vm15, $0x3F800000, v0;
	v34 =	vld [tilespmem:s13+$0x14000];
	vm10 =	vle.f32 v24, $0.0e+00;
	v2 =	vmul.f32 v15, v2;
	s13 =	sor.u32 $0x3180, s12  }
0x256: {  	vm15 =	vlt.f32 v63, $5.000000000e-01;
	v45 =	vadd.f32 v62, v25;
	v29 =	vadd.f32 v44, v36;
	v61 =	vld [tilespmem:s13+$0x10000]  }
0x257: {  	v36 =	vsub.f32 v50, v6;
	v57 =	vsel vm10, $0x3F800000, v0;
	v63 =	vld [tilespmem:s13+$0x14000];
	v11 =	vmul.f32 v60, v38  }
0x258: {  	v16 =	vnsel vm15, $0x40A00000, v16;
	v50 =	vld [tilespmem:s28+$0xF300];
	vm10 =	vle.f32 v14, $0.0e+00;
	vm13 =	vle.f32 v2, $0.0e+00  }
0x259: {  	v60 =	vld [tilespmem:s28+$0x17800];
	v27 =	vadd.f32 v57, v27;
	v16 =	vsub.f32 v16, v10;
	v54 =	vmul.f32 v36, v37  }
0x25a: {  	v2 =	vld [tilespmem:s13+$0xC000];
	s13 =	sor.u32 $0x3280, s12;
	v59 =	vsel vm13, $0x3F800000, v0;
	vm6 =	vle.f32 v11, $0.0e+00;
	vm13 =	vlt.f32 v40, $5.000000000e-01  }
0x25b: {  	v44 =	vld [tilespmem:s13+$0xC000];
	vm4 =	vlt.f32 v1, $5.000000000e-01;
	v41 =	vadd.f32 v59, v35;
	v3 =	vmul.f32 v16, v3  }
0x25c: {  	v47 =	vld [tilespmem:s13+$0x10000];
	v46 =	vsel vm6, $0x3F800000, v0;
	vm11 =	vle.f32 v54, $0.0e+00;
	v13 =	vnsel vm4, $0x40A00000, v43  }
0x25d: {  	v48 =	vld [tilespmem:s13+$0x14000];
	v25 =	vadd.f32 v46, v26;
	vm8 =	vlt.f32 v53, $5.000000000e-01;
	v54 =	vsel vm10, $0x3F800000, v0  }
0x25e: {  	v1 =	vld [tilespmem:s28+$0xF200];
	v20 =	vsel vm11, $0x3F800000, v0;
	v43 =	vsub.f32 v13, v12;
	vm7 =	vle.f32 v3, $0.0e+00  }
0x25f: {  	s13 =	sor.u32 $0x3380, s30;
	v59 =	vld [tilespmem:s28+$0x13800];
	v19 =	vnsel vm8, $0x40A00000, v52;
	vm11 =	vlt.f32 v58, $5.000000000e-01;
	vm12 =	vlt.f32 v61, $5.000000000e-01  }
0x260: {  	v55 =	vld [tilespmem:s13+$0xC000];
	v37 =	vadd.f32 v54, v22;
	v17 =	vadd.f32 v20, v17;
	v49 =	vsel vm7, $0x3F800000, v0  }
0x261: {  	s30 =	sor.u32 $0x3B80, s30;
	v58 =	vld [tilespmem:s28+$0xF800];
	v52 =	vsub.f32 v19, v7;
	v24 =	vnsel vm11, $0x40A00000, v56;
	v2 =	vnsel vm12, $0x40A00000, v2  }
0x262: {  	v54 =	vld [tilespmem:s30+$0x10000];
	v3 =	vmul.f32 v43, v28;
	v26 =	vadd.f32 v49, v29;
	v24 =	vsub.f32 v24, v6  }
0x263: {  	v57 =	vld [tilespmem:s13+$0x14000];
	v2 =	vsub.f32 v2, v5;
	vm14 =	vlt.f32 v47, $5.000000000e-01;
	v14 =	vmul.f32 v52, v34  }
0x264: {  	v53 =	vld [tilespmem:s28+$0x17300];
	v1 =	vnsel vm13, $0x40A00000, v1;
	v13 =	vnsel vm14, $0x40A00000, v44;
	vm10 =	vlt.f32 v59, $5.000000000e-01  }
0x265: {  	v56 =	vld [tilespmem:s13+$0x10000];
	s13 =	sor.u32 $0x3880, s12;
	vm9 =	vle.f32 v3, $0.0e+00;
	v24 =	vmul.f32 v24, v32;
	v1 =	vsub.f32 v1, v4  }
0x266: {  	v36 =	vld [tilespmem:s13+$0x10000];
	v2 =	vmul.f32 v2, v63;
	v13 =	vsub.f32 v13, v9;
	v51 =	vsel vm9, $0x3F800000, v0  }
0x267: {  	v3 =	vld [tilespmem:s28+$0x13300];
	vm15 =	vle.f32 v14, $0.0e+00;
	v44 =	vnsel vm10, $0x40A00000, v58;
	vm10 =	vlt.f32 v54, $5.000000000e-01  }
0x268: {  	v62 =	vld [tilespmem:s13+$0xC000];
	v23 =	vadd.f32 v51, v23;
	v61 =	vsel vm15, $0x3F800000, v0;
	vm4 =	vle.f32 v24, $0.0e+00  }
0x269: {  	v47 =	vld [tilespmem:s28+$0xFA00];
	v1 =	vmul.f32 v1, v42;
	vm5 =	vle.f32 v2, $0.0e+00;
	v2 =	vmul.f32 v13, v48  }
0x26a: {  	vm9 =	vlt.f32 v56, $5.000000000e-01;
	v42 =	vld [tilespmem:s28+$0x17900];
	v8 =	vsub.f32 v44, v8;
	v63 =	vsel vm4, $0x3F800000, v0  }
0x26b: {  	v51 =	vld [tilespmem:s28+$0xFB00];
	v38 =	vsel vm5, $0x3F800000, v0;
	v27 =	vadd.f32 v61, v27;
	v15 =	vnsel vm9, $0x40A00000, v55  }
0x26c: {  	vm11 =	vlt.f32 v36, $5.000000000e-01;
	vm6 =	vle.f32 v1, $0.0e+00;
	vm8 =	vlt.f32 v3, $5.000000000e-01;
	v3 =	vld [tilespmem:s28+$0x13900]  }
0x26d: {  	vm7 =	vle.f32 v2, $0.0e+00;
	v2 =	vld [tilespmem:s28+$0xF900];
	v17 =	vadd.f32 v63, v17;
	v20 =	vadd.f32 v38, v41  }
0x26e: {  	v1 =	vld [tilespmem:s13+$0x14000];
	s13 =	sor.u32 $0x3980, s12;
	v15 =	vsub.f32 v15, v12;
	v24 =	vnsel vm11, $0x40A00000, v62;
	v8 =	vmul.f32 v8, v60  }
0x26f: {  	v39 =	vsel vm6, $0x3F800000, v0;
	v40 =	vsel vm7, $0x3F800000, v0;
	v43 =	vld [tilespmem:s13+$0xC000];
	v7 =	vsub.f32 v24, v7  }
0x270: {  	s12 =	sor.u32 $0x3A80, s12;
	v41 =	vnsel vm8, $0x40A00000, v50;
	v16 =	vadd.f32 v39, v45;
	v45 =	vld [tilespmem:s13+$0x10000];
	v25 =	vadd.f32 v40, v25  }
0x271: {  	v15 =	vmul.f32 v15, v57;
	v50 =	vld [tilespmem:s12+$0x10000];
	vm15 =	vle.f32 v8, $0.0e+00;
	vm12 =	vlt.f32 v3, $5.000000000e-01  }
0x272: {  	v22 =	vsub.f32 v41, v10;
	v52 =	vsel vm15, $0x3F800000, v0;
	v3 =	vld [tilespmem:s28+$0x13A00];
	v2 =	vnsel vm12, $0x40A00000, v2  }
0x273: {  	v48 =	vld [tilespmem:s12+$0xC000];
	vm14 =	vle.f32 v15, $0.0e+00;
	v1 =	vmul.f32 v7, v1;
	v2 =	vsub.f32 v2, v6  }
0x274: {  	v46 =	vld [tilespmem:s13+$0x14000];
	v13 =	vadd.f32 v52, v37;
	v19 =	vmul.f32 v22, v53;
	v15 =	vsel vm14, $0x3F800000, v0  }
0x275: {  	v15 =	vadd.f32 v15, v23;
	vm4 =	vle.f32 v1, $0.0e+00;
	v1 =	vmul.f32 v2, v42;
	v2 =	vld [tilespmem:s28+$0x13B00]  }
0x276: {  	v58 =	vld [tilespmem:s12+$0x14000];
	vm13 =	vle.f32 v19, $0.0e+00;
	vm5 =	vlt.f32 v45, $5.000000000e-01;
	vm8 =	vlt.f32 v50, $5.000000000e-01  }
0x277: {  	v49 =	vsel vm13, $0x3F800000, v0;
	v55 =	vnsel vm5, $0x40A00000, v43;
	vm7 =	vlt.f32 v3, $5.000000000e-01;
	v3 =	vld [tilespmem:s28+$0x17A00]  }
0x278: {  	v7 =	vnsel vm8, $0x40A00000, v48;
	v5 =	vsub.f32 v55, v5;
	vm6 =	vle.f32 v1, $0.0e+00;
	v1 =	vld [tilespmem:s30+$0xC000]  }
0x279: {  	v53 =	vsel vm4, $0x3F800000, v0;
	v14 =	vadd.f32 v49, v26;
	v7 =	vsub.f32 v7, v9  }
0x27a: {  	v5 =	vmul.f32 v5, v46;
	v57 =	vnsel vm7, $0x40A00000, v47;
	vm9 =	vlt.f32 v2, $5.000000000e-01;
	v2 =	vld [tilespmem:s28+$0x17B00]  }
0x27b: {  	v59 =	vld [tilespmem:s30+$0x14000];
	v19 =	vadd.f32 v53, v27;
	v6 =	vmul.f32 v7, v58;
	v4 =	vsub.f32 v57, v4  }
0x27c: {  	v56 =	vsel vm6, $0x3F800000, v0;
	vm11 =	vle.f32 v5, $0.0e+00;
	v8 =	vnsel vm9, $0x40A00000, v51  }
0x27d: {  	v3 =	vmul.f32 v4, v3;
	v1 =	vnsel vm10, $0x40A00000, v1;
	v60 =	vsub.f32 v8, v10  }
0x27e: {  	vm13 =	vle.f32 v6, $0.0e+00;
	v17 =	vadd.f32 v56, v17;
	v1 =	vsub.f32 v1, v12  }
0x27f: {  	[tilespmem:s28+$0x1A000] =	vst v13;
	v5 =	vsel vm11, $0x3F800000, v0;
	vm12 =	vle.f32 v3, $0.0e+00;
	v2 =	vmul.f32 v60, v2  }
0x280: {  	v5 =	vadd.f32 v5, v20;
	[tilespmem:s20+$0x1A000] =	vst v19;
	v3 =	vsel vm12, $0x3F800000, v0;
	v1 =	vmul.f32 v1, v59  }
0x281: {  	p1 =	sne.s32 s26, $0xF0;
	v61 =	vsel vm13, $0x3F800000, v0;
	[tilespmem:s28+$0x1A100] =	vst v17;
	v3 =	vadd.f32 v3, v16;
	vm14 =	vle.f32 v2, $0.0e+00  }
.Ltmp3:
0x282: {  	[tilespmem:s19+$0x1A000] =	vst v5;
	v2 =	vadd.f32 v61, v25;
	vm15 =	vle.f32 v1, $0.0e+00;
	v62 =	vsel vm14, $0x3F800000, v0;
	(pc) =	sbr.rel @p1 .LBB2_5-.Ltmp3, $4  }
0x283: {  	[tilespmem:s28+$0x1A200] =	vst v3;
	v63 =	vsel vm15, $0x3F800000, v0;
	v1 =	vadd.f32 v62, v14  }
0x284: {  	v3 =	vadd.f32 v63, v15;
	[tilespmem:s29+$0x1A000] =	vst v2  }
0x285: {  	[tilespmem:s28+$0x1A300] =	vst v1  }
0x286: {  	s4 =	sadd.s32 $0x80, s4;
	s26 =	sadd.s32 $0x10, s26;
	[tilespmem:s17+$0x1A000] =	vst v3  }
0x287: {  	s0 =	sadd.s32 $0x1, s0  }
0x288: {  	p1 =	sne.s32 s0, $0x8  }
.Ltmp4:
0x289: {  	_ = 	snop;
	(pc) =	sbr.rel @p1 .LBB2_2-.Ltmp4, $1  }
0x28a: {  	_ =	sdelay $0x3  }
.Ltmp5:
0x28b: {  	(pc) =	sbr.rel @p0 .LBB2_12-.Ltmp5, $1  }
0x28c: {  	_ =	sdelay $0x3  }
0x28d: {  	s0 =	simm.s32 $0x0;
	s4 =	rddreg [dreg:$0x6];
	s12 =	simm.s32 $0x18000  }
0x28e: {  	[tilespmem:s12], [sflag:$0x3] =	stream.linear.gather [hbm4b:s4+s0], $0x800, $0x38;
	[tilespmem:$0x1A800] =	vst v63  }
0x28f: {  	_ =	swait.ge [sflag:s18], $0x800  }
0x290: {  	[sflag:s18] =	ssyncset.done $0x0  }
0x291: {  	s29 =	simm.s32 $0x18800;
	s28 =	rddreg [dreg:$0x7];
	[sflag:s18] =	ssyncadd.s32 $0xFFFFF800  }
0x292: {  	[tilespmem:s29], [sflag:$0x3] =	stream.linear.gather [hbm4b:s28+s0], $0x800, $0x38;
	[tilespmem:$0x1A800] =	vst v63  }
0x293: {  	_ =	swait.ge [sflag:s18], $0x800  }
0x294: {  	[sflag:s18] =	ssyncset.done $0x0  }
0x295: {  	s30 =	simm.s32 $0x19000;
	[sflag:s18] =	ssyncadd.s32 $0xFFFFF800  }
0x296: {  	[tilespmem:s30], [sflag:$0x3] =	stream.linear.gather [hbm4b:s14+s0], $0x800, $0x38;
	[tilespmem:$0x1A800] =	vst v63  }
0x297: {  	_ =	swait.ge [sflag:s18], $0x800  }
0x298: {  	[sflag:s18] =	ssyncset.done $0x0  }
0x299: {  	s4 =	simm.s32 $0x0;
	[sflag:s18] =	ssyncadd.s32 $0xFFFFF800  }
.LBB2_9:
0x29a: {  	s12 =	sand.u32 $0x8, s0  }
0x29b: {  	s12 =	sadd.s32 s4, s12  }
0x29c: {  	s13 =	sand.u32 $0x70, s0;
	s12 =	sshll.u32 s12, $0x7  }
0x29d: {  	s12 =	sor.u32 s13, s12  }
0x29e: {  	v1 =	vld [tilespmem:s12+$0x18800]  }
0x29f: {  	v2 =	vld [tilespmem:s12+$0x18000]  }
0x2a0: {  	v3 =	vld [tilespmem:s12+$0x19800]  }
0x2a1: {  	s29 =	simm.s32 $0x1  }
0x2a2: {  	s13 =	sand.u32 $0x8, s29;
	v5 =	vld [tilespmem:s12+$0x19000]  }
0x2a3: {  	s17 =	simm.s32 $0x10;
	s13 =	sadd.s32 s4, s13;
	vm0 =	vlt.f32 v1, $5.000000000e-01  }
0x2a4: {  	s17 =	sand.u32 $0x70, s17;
	s13 =	sshll.u32 s13, $0x7;
	v1 =	vnsel vm0, $0x40A00000, v2  }
0x2a5: {  	v4 =	vld [tilespmem:s12+$0x1A000];
	s17 =	sor.u32 s17, s13;
	v2 =	vsub.f32 v1, v3  }
0x2a6: {  	v1 =	vld [tilespmem:s17+$0x18800]  }
0x2a7: {  	v3 =	vmul.f32 v2, v5;
	v5 =	vld [tilespmem:s17+$0x18000]  }
0x2a8: {  	s30 =	simm.s32 $0x2;
	v2 =	vld [tilespmem:s17+$0x19800]  }
0x2a9: {  	s13 =	sand.u32 $0x8, s30;
	vm15 =	vle.f32 v3, $0.0e+00  }
0x2aa: {  	s19 =	simm.s32 $0x3;
	s20 =	simm.s32 $0x20;
	s26 =	sadd.s32 s4, s13;
	v3 =	vld [tilespmem:s17+$0x19000];
	v6 =	vsel vm15, $0x3F800000, v0  }
.LBB2_10:
0x2ab: {  	p1 =	sne.s32 s19, $0xF;
	s13 =	sand.u32 $0x70, s20;
	s26 =	sshll.u32 s26, $0x7;
	vm0 =	vlt.f32 v1, $5.000000000e-01;
	v4 =	vadd.f32 v6, v4  }
0x2ac: {  	s13 =	sor.u32 s13, s26;
	v5 =	vnsel vm0, $0x40A00000, v5  }
0x2ad: {  	v1 =	vld [tilespmem:s13+$0x18800];
	v2 =	vsub.f32 v5, v2;
	[tilespmem:s12+$0x1A000] =	vst v4;
	s12 =	smov.u32 s17;
	s17 =	smov.u32 s13  }
.Ltmp6:
0x2ae: {  	v4 =	vld [tilespmem:s12+$0x1A000];
	(pc) =	sbr.rel @p1 .LBB2_10-.Ltmp6, $4  }
0x2af: {  	v5 =	vld [tilespmem:s17+$0x18000];
	v3 =	vmul.f32 v2, v3  }
0x2b0: {  	v2 =	vld [tilespmem:s17+$0x19800]  }
0x2b1: {  	s13 =	sand.u32 $0x8, s19;
	vm0 =	vle.f32 v3, $0.0e+00  }
0x2b2: {  	s20 =	sadd.s32 $0x10, s20;
	s19 =	sadd.s32 $0x1, s19;
	s26 =	sadd.s32 s4, s13;
	v3 =	vld [tilespmem:s17+$0x19000];
	v6 =	vsel vm0, $0x3F800000, v0  }
0x2b3: {  	s13 =	sand.u32 $0x70, s20;
	s19 =	sshll.u32 s26, $0x7;
	vm0 =	vlt.f32 v1, $5.000000000e-01;
	v1 =	vadd.f32 v6, v4  }
0x2b4: {  	s13 =	sor.u32 s13, s19;
	v60 =	vnsel vm0, $0x40A00000, v5  }
0x2b5: {  	v61 =	vld [tilespmem:s13+$0x18800];
	v2 =	vsub.f32 v60, v2;
	[tilespmem:s12+$0x1A000] =	vst v1  }
0x2b6: {  	v1 =	vld [tilespmem:s17+$0x1A000]  }
0x2b7: {  	v62 =	vld [tilespmem:s13+$0x18000];
	v2 =	vmul.f32 v2, v3  }
0x2b8: {  	v3 =	vld [tilespmem:s13+$0x19800]  }
0x2b9: {  	vm13 =	vle.f32 v2, $0.0e+00  }
0x2ba: {  	v2 =	vld [tilespmem:s13+$0x19000];
	v63 =	vsel vm13, $0x3F800000, v0  }
0x2bb: {  	vm14 =	vlt.f32 v61, $5.000000000e-01;
	v1 =	vadd.f32 v63, v1  }
0x2bc: {  	v4 =	vnsel vm14, $0x40A00000, v62  }
0x2bd: {  	v3 =	vsub.f32 v4, v3;
	[tilespmem:s17+$0x1A000] =	vst v1  }
0x2be: {  	v1 =	vld [tilespmem:s13+$0x1A000]  }
0x2bf: {  	s4 =	sadd.s32 $0x1, s4;
	v2 =	vmul.f32 v3, v2  }
0x2c0: {  	p1 =	sne.s32 s4, $0x8  }
.Ltmp7:
0x2c1: {  	vm15 =	vle.f32 v2, $0.0e+00;
	(pc) =	sbr.rel @p1 .LBB2_9-.Ltmp7, $4  }
.Ltmp8:
0x2c2: {  	v2 =	vsel vm15, $0x3F800000, v0;
	(pc) =	sbr.rel @!p1 .LBB2_12-.Ltmp8, $4  }
0x2c3: {  	v1 =	vadd.f32 v2, v1  }
0x2c4: {  	_ = 	snop  }
0x2c5: {  	[tilespmem:s13+$0x1A000] =	vst v1  }
0x2c6: {  	_ = 	snop  }
.LBB2_13:
0x2c7: {  	_ =	sfence.sel $0x180000  }
0x2c8: {  	[bflag:$0x0] =	sbarrier.arrive $0xFFFF  }
0x2c9: {  	_ =	strace $0x90000047  }
0x2ca: {  	s0 =	stileid.u32;
	[bflag:$0x2] =	sbarrier.arrive $0xFFFF  }
0x2cb: {  	p0 =	sne.s32 s0, $0x0;
	s0 =	rddreg [dreg:$0x5]  }
0x2cc: {  	s0 =	sadd.s32 @!p0 $0x100000, s0  }
0x2cd: {  	[sflag:s0] =	ssyncadd.tile.s32 @!p0 $0x1;
	_ =	shalt  }
.Lfunc_end2:
_tile_overlayer_lowered:
.L_overlay_start_2:
0x2ce: {  	(tag) =	ssettag $0x2  }
0x2cf: {  	s0 =	rddreg [dreg:$0x0];
	s2 =	stileid.u32  }
0x2d0: {  	s1 =	rddreg [dreg:$0x1];
	p0 =	sne.s32 s2, $0x0  }
0x2d1: {  	s3 =	rddreg [dreg:$0x2];
	[bflag:$0x3] =	sbarrier.arrive $0xFFFF;
	s2 =	simm.s32 @!p0 $0x1C03  }
0x2d2: {  	[timem:s3], [sflag:s2] =	dma.local @!p0 [hbm:s0], s1  }
0x2d3: {  	s0 =	simm.s32 @!p0 $0x3  }
0x2d4: {  	_ =	swait.ge @!p0 [sflag:s0], s1  }
0x2d5: {  	s1 =	ssub.s32 @!p0 $0x0, s1;
	[sflag:s0] =	ssyncset.done @!p0 $0x0  }
0x2d6: {  	[sflag:s0] =	ssyncadd.s32 @!p0 s1  }
0x2d7: {  	[bflag:$0x3] =	sbarrier.arrive $0xFFFF  }
0x2d8: {  	_ =	shalt  }

</sc_bundles>
